<compile_context>
chip_gen: v7x
topology: tpu7x:2x2x1
jax: 0.10.2.dev20260603
libtpu: 0.0.44.dev20260713+nightly
codegen_flags: <defaults>
</compile_context>

<pallas_src>
import dataclasses
import functools

import jax
import jax.numpy as jnp
from jax import lax
from jax.experimental import pallas as pl
from jax.experimental.pallas import tpu as pltpu
from jax.experimental.pallas import tpu_sc as plsc

_N = 8 * 512 * 512
_K = int(0.7 * _N)
_R, _C = 4096, 512
_LBLK = 1024

_NBH = 16384
_NW = 32
_G = 256
_SCR = _R // _G


def _loss_body(x_ref, y_ref, bits_ref):
    x = x_ref[...]
    y = y_ref[...]
    l = jnp.maximum(x, 0.0) - x * y + jnp.log1p(jnp.exp(-jnp.abs(x)))
    bits_ref[...] = lax.bitcast_convert_type(l, jnp.int32)


def _tc_loss(x, y):
    return pl.pallas_call(
        _loss_body,
        grid=(_R // _LBLK,),
        in_specs=[
            pl.BlockSpec((_LBLK, _C), lambda i: (i, 0)),
            pl.BlockSpec((_LBLK, _C), lambda i: (i, 0)),
        ],
        out_specs=pl.BlockSpec((_LBLK, _C), lambda i: (i, 0)),
        out_shape=jax.ShapeDtypeStruct((_R, _C), jnp.int32),
    )(x, y)


def _sc_mesh():
    return plsc.VectorSubcoreMesh(core_axis_name="c", subcore_axis_name="s",
                                  num_cores=2, num_subcores=16)


def _sc_params():
    cp = pltpu.CompilerParams()
    if "needs_layout_passes" in pltpu.CompilerParams.__dataclass_fields__:
        cp = dataclasses.replace(cp, needs_layout_passes=False)
    return cp


def _sc_hist(bits2d):

    @functools.partial(
        pl.kernel,
        out_type=jax.ShapeDtypeStruct((2 * _NW, _NBH), jnp.int32),
        mesh=_sc_mesh(),
        scratch_types=[
            pltpu.VMEM((_NBH,), jnp.int32),
            pltpu.VMEM((_NBH,), jnp.int32),
        ],
        compiler_params=_sc_params(),
    )
    def k(bits_hbm, cnt_hbm, hcnt, hcnt_b):
        zi = jnp.zeros((16,), jnp.int32)

        @pl.loop(0, _NBH, step=128)
        def _(i):
            for j in range(8):
                hcnt[pl.ds(i + j * 16, 16)] = zi
                hcnt_b[pl.ds(i + j * 16, 16)] = zi

        ones = jnp.ones((16,), jnp.int32)

        def blk(in_vmem):
            for r in range(_SCR):
                @pl.loop(0, _C, step=128)
                def _(i):
                    vs = [in_vmem[r, pl.ds(i + j * 16, 16)]
                          for j in range(8)]
                    bs = [v >> 17 for v in vs]
                    for j in range(8):
                        hc = hcnt if j % 2 == 0 else hcnt_b
                        plsc.addupdate_scatter(hc, [bs[j]], ones)

        pltpu.emit_pipeline(
            blk,
            grid=(_G, 1),
            in_specs=[pl.BlockSpec(block_shape=(_SCR, _C),
                                   index_map=lambda i, j: (i, j))],
            core_axis_name=("c", "s"),
            dimension_semantics=(pltpu.PARALLEL, pltpu.PARALLEL),
        )(bits_hbm)

        wid = lax.axis_index("s") * 2 + lax.axis_index("c")
        pltpu.sync_copy(hcnt, cnt_hbm.at[2 * wid])
        pltpu.sync_copy(hcnt_b, cnt_hbm.at[2 * wid + 1])

    return k(bits2d)


def _suffix_scan(cnt2d):
    rows, cols = cnt2d.shape
    s = cnt2d
    d = 1
    while d < cols:
        sh = jnp.concatenate(
            [s[:, d:], jnp.zeros((rows, d), s.dtype)], axis=1)
        s = s + sh
        d *= 2
    tot = s[:, 0:1]
    t = jnp.concatenate([tot[1:], jnp.zeros((1, 1), s.dtype)], axis=0)
    d = 1
    while d < rows:
        sh = jnp.concatenate(
            [t[d:], jnp.zeros((d, 1), s.dtype)], axis=0)
        t = t + sh
        d *= 2
    return s + t


_MERGE_COLS = 2048
_HR = _NBH // 128


def _final_body(cnt_ref, bits_ref, out_ref, hist_ref):
    def mrg(j, carry):
        blkc = jnp.sum(cnt_ref[:, pl.ds(j * _MERGE_COLS, _MERGE_COLS)],
                       axis=0)
        hist_ref[pl.ds(j * (_MERGE_COLS // 128), _MERGE_COLS // 128), :] = (
            blkc.reshape(_MERGE_COLS // 128, 128))
        return carry

    lax.fori_loop(0, _NBH // _MERGE_COLS, mrg, 0)

    d = _suffix_scan(hist_ref[...])
    b = jnp.sum((d >= _K).astype(jnp.int32)) - 1
    t = b << 17

    def fin(j, carry):
        s, c = carry
        blk = bits_ref[pl.ds(j * _LBLK, _LBLK), :]
        m = blk > t
        v = lax.bitcast_convert_type(blk, jnp.float32)
        return (s + jnp.sum(jnp.where(m, v, 0.0)),
                c + jnp.sum(m.astype(jnp.int32)))

    s, c = lax.fori_loop(0, _R // _LBLK, fin,
                         (jnp.float32(0.0), jnp.int32(0)))
    tau = jnp.sum(lax.bitcast_convert_type(
        jnp.full((1, 1), t, jnp.int32), jnp.float32))
    kf = jnp.float32(_K)
    out_ref[0, 0] = (s + (kf - c.astype(jnp.float32)) * tau) / kf


def _tc_finalize(cnt, bits):
    return pl.pallas_call(
        _final_body,
        in_specs=[
            pl.BlockSpec(memory_space=pltpu.VMEM),
            pl.BlockSpec(memory_space=pltpu.VMEM),
        ],
        out_shape=jax.ShapeDtypeStruct((1, 1), jnp.float32),
        out_specs=pl.BlockSpec(memory_space=pltpu.SMEM),
        scratch_shapes=[pltpu.VMEM((_HR, 128), jnp.int32)],
    )(cnt, bits)


def kernel(inputs, targets):
    x = inputs.reshape(_R, _C)
    y = targets.reshape(_R, _C)
    bits = _tc_loss(x, y)
    cnt = _sc_hist(bits)
    return _tc_finalize(cnt, bits)[0, 0]

# --- scband reference (transcript-rebuilt; emitter-appended) ---
"""Pipeline reference for scband-ohembcewith-logits-40939628266018 (READ-ONLY COPY).

The authoritative reference and input builder live on the scoring server;
editing this copy changes nothing except your own understanding.
"""

import jax, jax.numpy as jnp
import numpy as np

KEEP_RATIO = 0.7

def setup_inputs(seed: int = 0) -> dict:
    key = jax.random.key(seed)
    k1, k2 = jax.random.split(key)
    inputs = jax.random.normal(k1, (8, 1, 512, 512), dtype=jnp.float32)
    targets = jax.random.uniform(k2, (8, 1, 512, 512), dtype=jnp.float32)
    return {"inputs": inputs, "targets": targets}

def reference(inputs, targets):
    # BCEWithLogitsLoss (reduction='none'), numerically stable form:
    # loss = log(1 + exp(x)) - x * y = logaddexp(0, x) - x * y
    loss = jnp.logaddexp(0.0, inputs) - inputs * targets
    loss_flat = loss.reshape(-1)
    num_keep = int(KEEP_RATIO * loss_flat.size)
    val, _ = jax.lax.top_k(loss_flat, num_keep)
    return val.mean()

if __name__ == "__main__":
    import jax
    _d = setup_inputs()
    print(jax.jit(kernel)(*tuple(_d.values())))

</pallas_src>

<mosaic_0001>
#map = affine_map<(d0, d1) -> (0, 0)>
module attributes {stable_mosaic.version = 14 : i64} {
  func.func @k(%arg0: i32, %arg1: i32, %arg2: memref<4096x512xi32, #tpu.memory_space<hbm>>, %arg3: memref<64x16384xi32, #tpu.memory_space<hbm>>, %arg4: memref<16384xi32, #tpu.memory_space<vmem>>, %arg5: memref<16384xi32, #tpu.memory_space<vmem>>) attributes {dimension_semantics = [#tpu.dimension_semantics<core_parallel>, #tpu.dimension_semantics<subcore_parallel>], iteration_bounds = array<i64: 2, 16>, scalar_prefetch = 0 : i64, scratch_operands = 2 : i64, tpu.core_type = #tpu.core_type<sc_vector_subcore>, window_params = [{transform_indices = #map}, {transform_indices = #map}]} {
    %broadcast_in_dim3A = arith.constant 0 : i32
    %broadcast_in_dim3A_0 = vector.broadcast %broadcast_in_dim3A : i32 to vector<16xi32>
    %scan3A = arith.constant 0 : i32
    %scan3A_1 = arith.constant 128 : i32
    %scan3A_2 = arith.addi %scan3A, %scan3A_1 : i32
    %scan3A_3 = arith.constant 1 : i32
    scf.for %scan3A_23 = %scan3A to %scan3A_2 step %scan3A_3  : i32 {
      %mul3A_24 = arith.constant 128 : i32
      %mul3A_25 = arith.muli %scan3A_23, %mul3A_24 : i32
      %add3A_26 = arith.constant 0 : i32
      %add3A_27 = arith.addi %add3A_26, %mul3A_25 : i32
      %add3A_28 = arith.constant 0 : i32
      %add3A_29 = arith.addi %add3A_27, %add3A_28 : i32
      %swap3A = arith.index_cast %add3A_29 : i32 to index
      %swap3A_30 = tpu.vector_load %arg4[%swap3A] {strides = array<i32>} : memref<16384xi32, #tpu.memory_space<vmem>>, vector<16xi32>,
      tpu.vector_store %arg4[%swap3A], %broadcast_in_dim3A_0 {strides = array<i32>} : memref<16384xi32, #tpu.memory_space<vmem>>, vector<16xi32>,
      %add3A_31 = arith.constant 0 : i32
      %add3A_32 = arith.addi %add3A_27, %add3A_31 : i32
      %swap3A_33 = arith.index_cast %add3A_32 : i32 to index
      %swap3A_34 = tpu.vector_load %arg5[%swap3A_33] {strides = array<i32>} : memref<16384xi32, #tpu.memory_space<vmem>>, vector<16xi32>,
      tpu.vector_store %arg5[%swap3A_33], %broadcast_in_dim3A_0 {strides = array<i32>} : memref<16384xi32, #tpu.memory_space<vmem>>, vector<16xi32>,
      %add3A_35 = arith.constant 16 : i32
      %add3A_36 = arith.addi %add3A_27, %add3A_35 : i32
      %swap3A_37 = arith.index_cast %add3A_36 : i32 to index
      %swap3A_38 = tpu.vector_load %arg4[%swap3A_37] {strides = array<i32>} : memref<16384xi32, #tpu.memory_space<vmem>>, vector<16xi32>,
      tpu.vector_store %arg4[%swap3A_37], %broadcast_in_dim3A_0 {strides = array<i32>} : memref<16384xi32, #tpu.memory_space<vmem>>, vector<16xi32>,
      %add3A_39 = arith.constant 16 : i32
      %add3A_40 = arith.addi %add3A_27, %add3A_39 : i32
      %swap3A_41 = arith.index_cast %add3A_40 : i32 to index
      %swap3A_42 = tpu.vector_load %arg5[%swap3A_41] {strides = array<i32>} : memref<16384xi32, #tpu.memory_space<vmem>>, vector<16xi32>,
      tpu.vector_store %arg5[%swap3A_41], %broadcast_in_dim3A_0 {strides = array<i32>} : memref<16384xi32, #tpu.memory_space<vmem>>, vector<16xi32>,
      %add3A_43 = arith.constant 32 : i32
      %add3A_44 = arith.addi %add3A_27, %add3A_43 : i32
      %swap3A_45 = arith.index_cast %add3A_44 : i32 to index
      %swap3A_46 = tpu.vector_load %arg4[%swap3A_45] {strides = array<i32>} : memref<16384xi32, #tpu.memory_space<vmem>>, vector<16xi32>,
      tpu.vector_store %arg4[%swap3A_45], %broadcast_in_dim3A_0 {strides = array<i32>} : memref<16384xi32, #tpu.memory_space<vmem>>, vector<16xi32>,
      %add3A_47 = arith.constant 32 : i32
      %add3A_48 = arith.addi %add3A_27, %add3A_47 : i32
      %swap3A_49 = arith.index_cast %add3A_48 : i32 to index
      %swap3A_50 = tpu.vector_load %arg5[%swap3A_49] {strides = array<i32>} : memref<16384xi32, #tpu.memory_space<vmem>>, vector<16xi32>,
      tpu.vector_store %arg5[%swap3A_49], %broadcast_in_dim3A_0 {strides = array<i32>} : memref<16384xi32, #tpu.memory_space<vmem>>, vector<16xi32>,
      %add3A_51 = arith.constant 48 : i32
      %add3A_52 = arith.addi %add3A_27, %add3A_51 : i32
      %swap3A_53 = arith.index_cast %add3A_52 : i32 to index
      %swap3A_54 = tpu.vector_load %arg4[%swap3A_53] {strides = array<i32>} : memref<16384xi32, #tpu.memory_space<vmem>>, vector<16xi32>,
      tpu.vector_store %arg4[%swap3A_53], %broadcast_in_dim3A_0 {strides = array<i32>} : memref<16384xi32, #tpu.memory_space<vmem>>, vector<16xi32>,
      %add3A_55 = arith.constant 48 : i32
      %add3A_56 = arith.addi %add3A_27, %add3A_55 : i32
      %swap3A_57 = arith.index_cast %add3A_56 : i32 to index
      %swap3A_58 = tpu.vector_load %arg5[%swap3A_57] {strides = array<i32>} : memref<16384xi32, #tpu.memory_space<vmem>>, vector<16xi32>,
      tpu.vector_store %arg5[%swap3A_57], %broadcast_in_dim3A_0 {strides = array<i32>} : memref<16384xi32, #tpu.memory_space<vmem>>, vector<16xi32>,
      %add3A_59 = arith.constant 64 : i32
      %add3A_60 = arith.addi %add3A_27, %add3A_59 : i32
      %swap3A_61 = arith.index_cast %add3A_60 : i32 to index
      %swap3A_62 = tpu.vector_load %arg4[%swap3A_61] {strides = array<i32>} : memref<16384xi32, #tpu.memory_space<vmem>>, vector<16xi32>,
      tpu.vector_store %arg4[%swap3A_61], %broadcast_in_dim3A_0 {strides = array<i32>} : memref<16384xi32, #tpu.memory_space<vmem>>, vector<16xi32>,
      %add3A_63 = arith.constant 64 : i32
      %add3A_64 = arith.addi %add3A_27, %add3A_63 : i32
      %swap3A_65 = arith.index_cast %add3A_64 : i32 to index
      %swap3A_66 = tpu.vector_load %arg5[%swap3A_65] {strides = array<i32>} : memref<16384xi32, #tpu.memory_space<vmem>>, vector<16xi32>,
      tpu.vector_store %arg5[%swap3A_65], %broadcast_in_dim3A_0 {strides = array<i32>} : memref<16384xi32, #tpu.memory_space<vmem>>, vector<16xi32>,
      %add3A_67 = arith.constant 80 : i32
      %add3A_68 = arith.addi %add3A_27, %add3A_67 : i32
      %swap3A_69 = arith.index_cast %add3A_68 : i32 to index
      %swap3A_70 = tpu.vector_load %arg4[%swap3A_69] {strides = array<i32>} : memref<16384xi32, #tpu.memory_space<vmem>>, vector<16xi32>,
      tpu.vector_store %arg4[%swap3A_69], %broadcast_in_dim3A_0 {strides = array<i32>} : memref<16384xi32, #tpu.memory_space<vmem>>, vector<16xi32>,
      %add3A_71 = arith.constant 80 : i32
      %add3A_72 = arith.addi %add3A_27, %add3A_71 : i32
      %swap3A_73 = arith.index_cast %add3A_72 : i32 to index
      %swap3A_74 = tpu.vector_load %arg5[%swap3A_73] {strides = array<i32>} : memref<16384xi32, #tpu.memory_space<vmem>>, vector<16xi32>,
      tpu.vector_store %arg5[%swap3A_73], %broadcast_in_dim3A_0 {strides = array<i32>} : memref<16384xi32, #tpu.memory_space<vmem>>, vector<16xi32>,
      %add3A_75 = arith.constant 96 : i32
      %add3A_76 = arith.addi %add3A_27, %add3A_75 : i32
      %swap3A_77 = arith.index_cast %add3A_76 : i32 to index
      %swap3A_78 = tpu.vector_load %arg4[%swap3A_77] {strides = array<i32>} : memref<16384xi32, #tpu.memory_space<vmem>>, vector<16xi32>,
      tpu.vector_store %arg4[%swap3A_77], %broadcast_in_dim3A_0 {strides = array<i32>} : memref<16384xi32, #tpu.memory_space<vmem>>, vector<16xi32>,
      %add3A_79 = arith.constant 96 : i32
      %add3A_80 = arith.addi %add3A_27, %add3A_79 : i32
      %swap3A_81 = arith.index_cast %add3A_80 : i32 to index
      %swap3A_82 = tpu.vector_load %arg5[%swap3A_81] {strides = array<i32>} : memref<16384xi32, #tpu.memory_space<vmem>>, vector<16xi32>,
      tpu.vector_store %arg5[%swap3A_81], %broadcast_in_dim3A_0 {strides = array<i32>} : memref<16384xi32, #tpu.memory_space<vmem>>, vector<16xi32>,
      %add3A_83 = arith.constant 112 : i32
      %add3A_84 = arith.addi %add3A_27, %add3A_83 : i32
      %swap3A_85 = arith.index_cast %add3A_84 : i32 to index
      %swap3A_86 = tpu.vector_load %arg4[%swap3A_85] {strides = array<i32>} : memref<16384xi32, #tpu.memory_space<vmem>>, vector<16xi32>,
      tpu.vector_store %arg4[%swap3A_85], %broadcast_in_dim3A_0 {strides = array<i32>} : memref<16384xi32, #tpu.memory_space<vmem>>, vector<16xi32>,
      %add3A_87 = arith.constant 112 : i32
      %add3A_88 = arith.addi %add3A_27, %add3A_87 : i32
      %swap3A_89 = arith.index_cast %add3A_88 : i32 to index
      %swap3A_90 = tpu.vector_load %arg5[%swap3A_89] {strides = array<i32>} : memref<16384xi32, #tpu.memory_space<vmem>>, vector<16xi32>,
      tpu.vector_store %arg5[%swap3A_89], %broadcast_in_dim3A_0 {strides = array<i32>} : memref<16384xi32, #tpu.memory_space<vmem>>, vector<16xi32>,
    }
    %scan3A_4 = arith.constant 128 : i32
    %broadcast_in_dim3A_5 = arith.constant 1 : i32
    %broadcast_in_dim3A_6 = vector.broadcast %broadcast_in_dim3A_5 : i32 to vector<16xi32>
    %mul3A = arith.constant 1 : i32
    %mul3A_7 = arith.muli %arg1, %mul3A : i32
    %add3A = arith.constant 0 : i32
    %add3A_8 = arith.addi %add3A, %mul3A_7 : i32
    %mul3A_9 = arith.constant 16 : i32
    %mul3A_10 = arith.muli %arg0, %mul3A_9 : i32
    %add3A_11 = arith.addi %add3A_8, %mul3A_10 : i32
    %mul3A_12 = arith.constant 8 : i32
    %mul3A_13 = arith.muli %add3A_11, %mul3A_12 : i32
    "tpu.region"() ({
      %run_scoped3A = memref.alloca() : memref<2x16x512xi32, #tpu.memory_space<vmem>>
      %run_scoped3A_23 = tpu.sem_alloc : memref<2x!tpu.dma_semaphore, #tpu.memory_space<semaphore_mem>>
      %add3A_24 = arith.constant 0 : i32
      %add3A_25 = arith.addi %add3A_24, %mul3A_13 : i32
      %select_n3A = arith.constant true
      %select_n3A_26 = arith.constant 0 : i32
      %select_n3A_27 = arith.constant -1 : i32
      %select_n3A_28 = arith.select %select_n3A, %select_n3A_27, %select_n3A_26 : i32
      %eq3A = arith.constant -1 : i32
      %eq3A_29 = arith.cmpi eq, %select_n3A_28, %eq3A : i32
      %select_n3A_30 = arith.constant 0 : i32
      %select_n3A_31 = arith.select %eq3A_29, %select_n3A_30, %select_n3A_28 : i32
      %select_n3A_32 = arith.constant 0 : i32
      %select_n3A_33 = arith.constant -1 : i32
      %select_n3A_34 = arith.select %eq3A_29, %select_n3A_33, %select_n3A_32 : i32
      %eq3A_35 = arith.constant -1 : i32
      %eq3A_36 = arith.cmpi eq, %select_n3A_34, %eq3A_35 : i32
      %select_n3A_37 = arith.constant 7 : i32
      %select_n3A_38 = arith.select %eq3A_36, %select_n3A_37, %select_n3A_34 : i32
      %add3A_39 = arith.addi %select_n3A_38, %mul3A_13 : i32
      %select_n3A_40 = arith.constant true
      %select_n3A_41 = arith.constant 0 : i32
      %select_n3A_42 = arith.constant 1 : i32
      %select_n3A_43 = arith.select %select_n3A_40, %select_n3A_42, %select_n3A_41 : i32
      %eq3A_44 = arith.constant 1 : i32
      %eq3A_45 = arith.cmpi eq, %select_n3A_43, %eq3A_44 : i32
      %select_n3A_46 = arith.constant 0 : i32
      %select_n3A_47 = arith.select %eq3A_45, %select_n3A_46, %select_n3A_43 : i32
      %select_n3A_48 = arith.constant 0 : i32
      %select_n3A_49 = arith.constant 1 : i32
      %select_n3A_50 = arith.select %eq3A_45, %select_n3A_49, %select_n3A_48 : i32
      %eq3A_51 = arith.constant 8 : i32
      %eq3A_52 = arith.cmpi eq, %select_n3A_50, %eq3A_51 : i32
      %select_n3A_53 = arith.constant 0 : i32
      %select_n3A_54 = arith.select %eq3A_52, %select_n3A_53, %select_n3A_50 : i32
      %add3A_55 = arith.addi %select_n3A_54, %mul3A_13 : i32
      %select_n3A_56 = arith.constant true
      %select_n3A_57 = arith.constant 0 : i32
      %select_n3A_58 = arith.constant 1 : i32
      %select_n3A_59 = arith.select %select_n3A_56, %select_n3A_58, %select_n3A_57 : i32
      %eq3A_60 = arith.constant 1 : i32
      %eq3A_61 = arith.cmpi eq, %select_n3A_59, %eq3A_60 : i32
      %select_n3A_62 = arith.constant 0 : i32
      %select_n3A_63 = arith.select %eq3A_61, %select_n3A_62, %select_n3A_59 : i32
      %add3A_64 = arith.constant 1 : i32
      %add3A_65 = arith.addi %select_n3A_54, %add3A_64 : i32
      %select_n3A_66 = arith.select %eq3A_61, %add3A_65, %select_n3A_54 : i32
      %eq3A_67 = arith.constant 8 : i32
      %eq3A_68 = arith.cmpi eq, %select_n3A_66, %eq3A_67 : i32
      %select_n3A_69 = arith.constant 0 : i32
      %select_n3A_70 = arith.select %eq3A_68, %select_n3A_69, %select_n3A_66 : i32
      %add3A_71 = arith.addi %select_n3A_70, %mul3A_13 : i32
      "tpu.trace_start"() <{level = 10 : i32, message = "ep_initialize_0"}> : () -> ()
      %rem3A = arith.constant 0 : i32
      %rem3A_72 = arith.constant 2 : i32
      %rem3A_73 = arith.remui %rem3A, %rem3A_72 : i32
      %mul3A_74 = arith.constant 16 : i32
      %mul3A_75 = arith.muli %mul3A_74, %add3A_25 : i32
      %dma_start3A = arith.constant 0 : i32
      %dma_start3A_76 = arith.constant 0 : i32
      %dma_start3A_77 = tpu.memref_slice %run_scoped3A[%rem3A_73, %dma_start3A, %dma_start3A_76] : memref<2x16x512xi32, #tpu.memory_space<vmem>> -> memref<1x16x512xi32, #tpu.memory_space<vmem>>
      %dma_start3A_78 = tpu.memref_squeeze %dma_start3A_77 : memref<1x16x512xi32, #tpu.memory_space<vmem>> -> memref<16x512xi32, #tpu.memory_space<vmem>>
      %dma_start3A_79 = arith.constant 0 : i32
      %dma_start3A_80 = tpu.memref_slice %arg2[%mul3A_75, %dma_start3A_79] : memref<4096x512xi32, #tpu.memory_space<hbm>> -> memref<16x512xi32, #tpu.memory_space<hbm>>
      %dma_start3A_81 = tpu.memref_slice %run_scoped3A_23[%rem3A_73] : memref<2x!tpu.dma_semaphore, #tpu.memory_space<semaphore_mem>> -> memref<1x!tpu.dma_semaphore, #tpu.memory_space<semaphore_mem>>
      %dma_start3A_82 = tpu.memref_squeeze %dma_start3A_81 : memref<1x!tpu.dma_semaphore, #tpu.memory_space<semaphore_mem>> -> memref<!tpu.dma_semaphore, #tpu.memory_space<semaphore_mem>>
      %dma_start3A_83 = arith.constant 0 : i32
      %dma_start3A_84 = arith.constant 0 : i32
      %dma_start3A_85 = tpu.memref_slice %run_scoped3A[%rem3A_73, %dma_start3A_83, %dma_start3A_84] : memref<2x16x512xi32, #tpu.memory_space<vmem>> -> memref<1x16x512xi32, #tpu.memory_space<vmem>>
      %dma_start3A_86 = tpu.memref_squeeze %dma_start3A_85 : memref<1x16x512xi32, #tpu.memory_space<vmem>> -> memref<16x512xi32, #tpu.memory_space<vmem>>
      %dma_start3A_87 = arith.constant 0 : i32
      %dma_start3A_88 = tpu.memref_slice %arg2[%mul3A_75, %dma_start3A_87] : memref<4096x512xi32, #tpu.memory_space<hbm>> -> memref<16x512xi32, #tpu.memory_space<hbm>>
      tpu.enqueue_dma source(%dma_start3A_88 : memref<16x512xi32, #tpu.memory_space<hbm>>) target(%dma_start3A_86 : memref<16x512xi32, #tpu.memory_space<vmem>>) target_semaphore(%dma_start3A_82 : memref<!tpu.dma_semaphore, #tpu.memory_space<semaphore_mem>>)
      %add3A_89 = arith.constant 0 : i32
      %add3A_90 = arith.constant 1 : i32
      %add3A_91 = arith.addi %add3A_89, %add3A_90 : i32
      %select_n3A_92 = arith.constant true
      %select_n3A_93 = arith.constant 0 : i32
      %select_n3A_94 = arith.select %select_n3A_92, %add3A_91, %select_n3A_93 : i32
      "tpu.trace_stop"() : () -> ()
      %scan3A_95 = arith.constant 0 : i32
      %scan3A_96 = arith.constant 0 : i32
      %scan3A_97 = arith.constant 0 : i32
      %scan3A_98 = arith.constant 0 : i32
      %scan3A_99 = arith.constant 8 : i32
      %scan3A_100 = arith.addi %scan3A_98, %scan3A_99 : i32
      %scan3A_101 = arith.constant 1 : i32
      %scan3A_102:4 = scf.for %scan3A_167 = %scan3A_98 to %scan3A_100 step %scan3A_101 iter_args(%scan3A_168 = %select_n3A_94, %scan3A_169 = %scan3A_95, %scan3A_170 = %scan3A_96, %scan3A_171 = %scan3A_97) -> (i32, i32, i32, i32)  : i32 {
        %eq3A_172 = arith.constant 0 : i32
        %eq3A_173 = arith.cmpi eq, %scan3A_167, %eq3A_172 : i32
        %eq3A_174 = arith.constant 7 : i32
        %eq3A_175 = arith.cmpi eq, %scan3A_167, %eq3A_174 : i32
        %add3A_176 = arith.addi %scan3A_170, %mul3A_13 : i32
        %select_n3A_177 = arith.constant true
        %select_n3A_178 = arith.constant 0 : i32
        %select_n3A_179 = arith.constant -1 : i32
        %select_n3A_180 = arith.select %select_n3A_177, %select_n3A_179, %select_n3A_178 : i32
        %eq3A_181 = arith.constant -1 : i32
        %eq3A_182 = arith.cmpi eq, %select_n3A_180, %eq3A_181 : i32
        %select_n3A_183 = arith.constant 0 : i32
        %select_n3A_184 = arith.select %eq3A_182, %select_n3A_183, %select_n3A_180 : i32
        %sub3A_185 = arith.constant 1 : i32
        %sub3A_186 = arith.subi %scan3A_170, %sub3A_185 : i32
        %select_n3A_187 = arith.select %eq3A_182, %sub3A_186, %scan3A_170 : i32
        %eq3A_188 = arith.constant -1 : i32
        %eq3A_189 = arith.cmpi eq, %select_n3A_187, %eq3A_188 : i32
        %select_n3A_190 = arith.constant 7 : i32
        %select_n3A_191 = arith.select %eq3A_189, %select_n3A_190, %select_n3A_187 : i32
        %add3A_192 = arith.addi %select_n3A_191, %mul3A_13 : i32
        %select_n3A_193 = arith.constant true
        %select_n3A_194 = arith.constant 0 : i32
        %select_n3A_195 = arith.constant 1 : i32
        %select_n3A_196 = arith.select %select_n3A_193, %select_n3A_195, %select_n3A_194 : i32
        %eq3A_197 = arith.constant 1 : i32
        %eq3A_198 = arith.cmpi eq, %select_n3A_196, %eq3A_197 : i32
        %select_n3A_199 = arith.constant 0 : i32
        %select_n3A_200 = arith.select %eq3A_198, %select_n3A_199, %select_n3A_196 : i32
        %add3A_201 = arith.constant 1 : i32
        %add3A_202 = arith.addi %scan3A_170, %add3A_201 : i32
        %select_n3A_203 = arith.select %eq3A_198, %add3A_202, %scan3A_170 : i32
        %eq3A_204 = arith.constant 8 : i32
        %eq3A_205 = arith.cmpi eq, %select_n3A_203, %eq3A_204 : i32
        %select_n3A_206 = arith.constant 0 : i32
        %select_n3A_207 = arith.select %eq3A_205, %select_n3A_206, %select_n3A_203 : i32
        %add3A_208 = arith.addi %select_n3A_207, %mul3A_13 : i32
        %select_n3A_209 = arith.constant true
        %select_n3A_210 = arith.constant 0 : i32
        %select_n3A_211 = arith.constant 1 : i32
        %select_n3A_212 = arith.select %select_n3A_209, %select_n3A_211, %select_n3A_210 : i32
        %eq3A_213 = arith.constant 1 : i32
        %eq3A_214 = arith.cmpi eq, %select_n3A_212, %eq3A_213 : i32
        %select_n3A_215 = arith.constant 0 : i32
        %select_n3A_216 = arith.select %eq3A_214, %select_n3A_215, %select_n3A_212 : i32
        %add3A_217 = arith.constant 1 : i32
        %add3A_218 = arith.addi %select_n3A_207, %add3A_217 : i32
        %select_n3A_219 = arith.select %eq3A_214, %add3A_218, %select_n3A_207 : i32
        %eq3A_220 = arith.constant 8 : i32
        %eq3A_221 = arith.cmpi eq, %select_n3A_219, %eq3A_220 : i32
        %select_n3A_222 = arith.constant 0 : i32
        %select_n3A_223 = arith.select %eq3A_221, %select_n3A_222, %select_n3A_219 : i32
        %add3A_224 = arith.addi %select_n3A_223, %mul3A_13 : i32
        %ne3A = arith.cmpi ne, %add3A_176, %add3A_208 : i32
        %or3A = arith.constant false
        %or3A_225 = arith.ori %or3A, %ne3A : i1
        %or3A_226 = arith.constant false
        %or3A_227 = arith.ori %or3A_225, %or3A_226 : i1
        %ge3A = arith.constant 7 : i32
        %ge3A_228 = arith.cmpi sge, %scan3A_167, %ge3A : i32
        %not3A = arith.constant true
        %not3A_229 = arith.xori %ge3A_228, %not3A : i1
        %and3A = arith.andi %or3A_227, %not3A_229 : i1
        %convert_element_type3A = arith.extui %and3A : i1 to i32
        %cond3A = arith.constant 0 : i32
        %cond3A_230 = arith.cmpi ne, %convert_element_type3A, %cond3A : i32
        scf.if %cond3A_230 {
          "tpu.trace_start"() <{level = 10 : i32, message = "ep_copy_in"}> : () -> ()
          %rem3A_376 = arith.constant 2 : i32
          %rem3A_377 = arith.remui %scan3A_168, %rem3A_376 : i32
          %mul3A_378 = arith.constant 16 : i32
          %mul3A_379 = arith.muli %mul3A_378, %add3A_208 : i32
          %dma_start3A_380 = arith.constant 0 : i32
          %dma_start3A_381 = arith.constant 0 : i32
          %dma_start3A_382 = tpu.memref_slice %run_scoped3A[%rem3A_377, %dma_start3A_380, %dma_start3A_381] : memref<2x16x512xi32, #tpu.memory_space<vmem>> -> memref<1x16x512xi32, #tpu.memory_space<vmem>>
          %dma_start3A_383 = tpu.memref_squeeze %dma_start3A_382 : memref<1x16x512xi32, #tpu.memory_space<vmem>> -> memref<16x512xi32, #tpu.memory_space<vmem>>
          %dma_start3A_384 = arith.constant 0 : i32
          %dma_start3A_385 = tpu.memref_slice %arg2[%mul3A_379, %dma_start3A_384] : memref<4096x512xi32, #tpu.memory_space<hbm>> -> memref<16x512xi32, #tpu.memory_space<hbm>>
          %dma_start3A_386 = tpu.memref_slice %run_scoped3A_23[%rem3A_377] : memref<2x!tpu.dma_semaphore, #tpu.memory_space<semaphore_mem>> -> memref<1x!tpu.dma_semaphore, #tpu.memory_space<semaphore_mem>>
          %dma_start3A_387 = tpu.memref_squeeze %dma_start3A_386 : memref<1x!tpu.dma_semaphore, #tpu.memory_space<semaphore_mem>> -> memref<!tpu.dma_semaphore, #tpu.memory_space<semaphore_mem>>
          %dma_start3A_388 = arith.constant 0 : i32
          %dma_start3A_389 = arith.constant 0 : i32
          %dma_start3A_390 = tpu.memref_slice %run_scoped3A[%rem3A_377, %dma_start3A_388, %dma_start3A_389] : memref<2x16x512xi32, #tpu.memory_space<vmem>> -> memref<1x16x512xi32, #tpu.memory_space<vmem>>
          %dma_start3A_391 = tpu.memref_squeeze %dma_start3A_390 : memref<1x16x512xi32, #tpu.memory_space<vmem>> -> memref<16x512xi32, #tpu.memory_space<vmem>>
          %dma_start3A_392 = arith.constant 0 : i32
          %dma_start3A_393 = tpu.memref_slice %arg2[%mul3A_379, %dma_start3A_392] : memref<4096x512xi32, #tpu.memory_space<hbm>> -> memref<16x512xi32, #tpu.memory_space<hbm>>
          tpu.enqueue_dma source(%dma_start3A_393 : memref<16x512xi32, #tpu.memory_space<hbm>>) target(%dma_start3A_391 : memref<16x512xi32, #tpu.memory_space<vmem>>) target_semaphore(%dma_start3A_387 : memref<!tpu.dma_semaphore, #tpu.memory_space<semaphore_mem>>)
          "tpu.trace_stop"() : () -> ()
        } else {
        }
        %and3A_231 = arith.constant true
        %and3A_232 = arith.andi %and3A, %and3A_231 : i1
        %add3A_233 = arith.constant 1 : i32
        %add3A_234 = arith.addi %scan3A_168, %add3A_233 : i32
        %select_n3A_235 = arith.select %and3A_232, %add3A_234, %scan3A_168 : i32
        %ne3A_236 = arith.cmpi ne, %add3A_176, %add3A_192 : i32
        %or3A_237 = arith.constant false
        %or3A_238 = arith.ori %or3A_237, %ne3A_236 : i1
        %or3A_239 = arith.constant false
        %or3A_240 = arith.ori %or3A_238, %or3A_239 : i1
        %or3A_241 = arith.ori %or3A_240, %eq3A_173 : i1
        %convert_element_type3A_242 = arith.extui %or3A_241 : i1 to i32
        %cond3A_243 = arith.constant 0 : i32
        %cond3A_244 = arith.cmpi ne, %convert_element_type3A_242, %cond3A_243 : i32
        scf.if %cond3A_244 {
          "tpu.trace_start"() <{level = 10 : i32, message = "ep_wait_in"}> : () -> ()
          %mul3A_376 = arith.constant 16 : i32
          %mul3A_377 = arith.muli %mul3A_376, %add3A_176 : i32
          %rem3A_378 = arith.constant 2 : i32
          %rem3A_379 = arith.remui %scan3A_169, %rem3A_378 : i32
          %dma_wait3A = arith.constant 0 : i32
          %dma_wait3A_380 = arith.constant 0 : i32
          %dma_wait3A_381 = tpu.memref_slice %run_scoped3A[%rem3A_379, %dma_wait3A, %dma_wait3A_380] : memref<2x16x512xi32, #tpu.memory_space<vmem>> -> memref<1x16x512xi32, #tpu.memory_space<vmem>>
          %dma_wait3A_382 = tpu.memref_squeeze %dma_wait3A_381 : memref<1x16x512xi32, #tpu.memory_space<vmem>> -> memref<16x512xi32, #tpu.memory_space<vmem>>
          %dma_wait3A_383 = arith.constant 0 : i32
          %dma_wait3A_384 = tpu.memref_slice %arg2[%mul3A_377, %dma_wait3A_383] : memref<4096x512xi32, #tpu.memory_space<hbm>> -> memref<16x512xi32, #tpu.memory_space<hbm>>
          %dma_wait3A_385 = tpu.memref_slice %run_scoped3A_23[%rem3A_379] : memref<2x!tpu.dma_semaphore, #tpu.memory_space<semaphore_mem>> -> memref<1x!tpu.dma_semaphore, #tpu.memory_space<semaphore_mem>>
          %dma_wait3A_386 = tpu.memref_squeeze %dma_wait3A_385 : memref<1x!tpu.dma_semaphore, #tpu.memory_space<semaphore_mem>> -> memref<!tpu.dma_semaphore, #tpu.memory_space<semaphore_mem>>
          %dma_wait3A_387 = arith.constant 0 : i32
          %dma_wait3A_388 = arith.constant 0 : i32
          %dma_wait3A_389 = tpu.memref_slice %run_scoped3A[%rem3A_379, %dma_wait3A_387, %dma_wait3A_388] : memref<2x16x512xi32, #tpu.memory_space<vmem>> -> memref<1x16x512xi32, #tpu.memory_space<vmem>>
          %dma_wait3A_390 = tpu.memref_squeeze %dma_wait3A_389 : memref<1x16x512xi32, #tpu.memory_space<vmem>> -> memref<16x512xi32, #tpu.memory_space<vmem>>
          %dma_wait3A_391 = arith.constant 0 : i32
          %dma_wait3A_392 = tpu.memref_slice %arg2[%mul3A_377, %dma_wait3A_391] : memref<4096x512xi32, #tpu.memory_space<hbm>> -> memref<16x512xi32, #tpu.memory_space<hbm>>
          tpu.wait_dma2 semaphore(%dma_wait3A_386 : memref<!tpu.dma_semaphore, #tpu.memory_space<semaphore_mem>>) src(%dma_wait3A_392 : memref<16x512xi32, #tpu.memory_space<hbm>>) dst(%dma_wait3A_390 : memref<16x512xi32, #tpu.memory_space<vmem>>)
          "tpu.trace_stop"() : () -> ()
        } else {
        }
        %rem3A_245 = arith.constant 2 : i32
        %rem3A_246 = arith.remui %scan3A_169, %rem3A_245 : i32
        "tpu.trace_start"() <{level = 10 : i32, message = "ep_run_kernel"}> : () -> ()
        %scan3A_247 = arith.constant 0 : i32
        %scan3A_248 = arith.constant 4 : i32
        %scan3A_249 = arith.addi %scan3A_247, %scan3A_248 : i32
        %scan3A_250 = arith.constant 1 : i32
        scf.for %scan3A_376 = %scan3A_247 to %scan3A_249 step %scan3A_250  : i32 {
          %mul3A_377 = arith.constant 128 : i32
          %mul3A_378 = arith.muli %scan3A_376, %mul3A_377 : i32
          %add3A_379 = arith.constant 0 : i32
          %add3A_380 = arith.addi %add3A_379, %mul3A_378 : i32
          %add3A_381 = arith.constant 0 : i32
          %add3A_382 = arith.addi %add3A_380, %add3A_381 : i32
          %get3A = arith.constant 0 : i32
          %get3A_383 = arith.constant 0 : i32
          %get3A_384 = arith.constant 0 : i32
          %get3A_385 = tpu.memref_slice %run_scoped3A[%rem3A_246, %get3A_383, %get3A_384] : memref<2x16x512xi32, #tpu.memory_space<vmem>> -> memref<1x16x512xi32, #tpu.memory_space<vmem>>
          %get3A_386 = tpu.memref_squeeze %get3A_385 : memref<1x16x512xi32, #tpu.memory_space<vmem>> -> memref<16x512xi32, #tpu.memory_space<vmem>>
          %get3A_387 = arith.index_cast %get3A : i32 to index
          %get3A_388 = arith.index_cast %add3A_382 : i32 to index
          %get3A_389 = tpu.vector_load %get3A_386[%get3A_387, %get3A_388] {strides = array<i32>} : memref<16x512xi32, #tpu.memory_space<vmem>>, vector<16xi32>,
          %add3A_390 = arith.constant 16 : i32
          %add3A_391 = arith.addi %add3A_380, %add3A_390 : i32
          %get3A_392 = arith.constant 0 : i32
          %get3A_393 = arith.constant 0 : i32
          %get3A_394 = arith.constant 0 : i32
          %get3A_395 = tpu.memref_slice %run_scoped3A[%rem3A_246, %get3A_393, %get3A_394] : memref<2x16x512xi32, #tpu.memory_space<vmem>> -> memref<1x16x512xi32, #tpu.memory_space<vmem>>
          %get3A_396 = tpu.memref_squeeze %get3A_395 : memref<1x16x512xi32, #tpu.memory_space<vmem>> -> memref<16x512xi32, #tpu.memory_space<vmem>>
          %get3A_397 = arith.index_cast %get3A_392 : i32 to index
          %get3A_398 = arith.index_cast %add3A_391 : i32 to index
          %get3A_399 = tpu.vector_load %get3A_396[%get3A_397, %get3A_398] {strides = array<i32>} : memref<16x512xi32, #tpu.memory_space<vmem>>, vector<16xi32>,
          %add3A_400 = arith.constant 32 : i32
          %add3A_401 = arith.addi %add3A_380, %add3A_400 : i32
          %get3A_402 = arith.constant 0 : i32
          %get3A_403 = arith.constant 0 : i32
          %get3A_404 = arith.constant 0 : i32
          %get3A_405 = tpu.memref_slice %run_scoped3A[%rem3A_246, %get3A_403, %get3A_404] : memref<2x16x512xi32, #tpu.memory_space<vmem>> -> memref<1x16x512xi32, #tpu.memory_space<vmem>>
          %get3A_406 = tpu.memref_squeeze %get3A_405 : memref<1x16x512xi32, #tpu.memory_space<vmem>> -> memref<16x512xi32, #tpu.memory_space<vmem>>
          %get3A_407 = arith.index_cast %get3A_402 : i32 to index
          %get3A_408 = arith.index_cast %add3A_401 : i32 to index
          %get3A_409 = tpu.vector_load %get3A_406[%get3A_407, %get3A_408] {strides = array<i32>} : memref<16x512xi32, #tpu.memory_space<vmem>>, vector<16xi32>,
          %add3A_410 = arith.constant 48 : i32
          %add3A_411 = arith.addi %add3A_380, %add3A_410 : i32
          %get3A_412 = arith.constant 0 : i32
          %get3A_413 = arith.constant 0 : i32
          %get3A_414 = arith.constant 0 : i32
          %get3A_415 = tpu.memref_slice %run_scoped3A[%rem3A_246, %get3A_413, %get3A_414] : memref<2x16x512xi32, #tpu.memory_space<vmem>> -> memref<1x16x512xi32, #tpu.memory_space<vmem>>
          %get3A_416 = tpu.memref_squeeze %get3A_415 : memref<1x16x512xi32, #tpu.memory_space<vmem>> -> memref<16x512xi32, #tpu.memory_space<vmem>>
          %get3A_417 = arith.index_cast %get3A_412 : i32 to index
          %get3A_418 = arith.index_cast %add3A_411 : i32 to index
          %get3A_419 = tpu.vector_load %get3A_416[%get3A_417, %get3A_418] {strides = array<i32>} : memref<16x512xi32, #tpu.memory_space<vmem>>, vector<16xi32>,
          %add3A_420 = arith.constant 64 : i32
          %add3A_421 = arith.addi %add3A_380, %add3A_420 : i32
          %get3A_422 = arith.constant 0 : i32
          %get3A_423 = arith.constant 0 : i32
          %get3A_424 = arith.constant 0 : i32
          %get3A_425 = tpu.memref_slice %run_scoped3A[%rem3A_246, %get3A_423, %get3A_424] : memref<2x16x512xi32, #tpu.memory_space<vmem>> -> memref<1x16x512xi32, #tpu.memory_space<vmem>>
          %get3A_426 = tpu.memref_squeeze %get3A_425 : memref<1x16x512xi32, #tpu.memory_space<vmem>> -> memref<16x512xi32, #tpu.memory_space<vmem>>
          %get3A_427 = arith.index_cast %get3A_422 : i32 to index
          %get3A_428 = arith.index_cast %add3A_421 : i32 to index
          %get3A_429 = tpu.vector_load %get3A_426[%get3A_427, %get3A_428] {strides = array<i32>} : memref<16x512xi32, #tpu.memory_space<vmem>>, vector<16xi32>,
          %add3A_430 = arith.constant 80 : i32
          %add3A_431 = arith.addi %add3A_380, %add3A_430 : i32
          %get3A_432 = arith.constant 0 : i32
          %get3A_433 = arith.constant 0 : i32
          %get3A_434 = arith.constant 0 : i32
          %get3A_435 = tpu.memref_slice %run_scoped3A[%rem3A_246, %get3A_433, %get3A_434] : memref<2x16x512xi32, #tpu.memory_space<vmem>> -> memref<1x16x512xi32, #tpu.memory_space<vmem>>
          %get3A_436 = tpu.memref_squeeze %get3A_435 : memref<1x16x512xi32, #tpu.memory_space<vmem>> -> memref<16x512xi32, #tpu.memory_space<vmem>>
          %get3A_437 = arith.index_cast %get3A_432 : i32 to index
          %get3A_438 = arith.index_cast %add3A_431 : i32 to index
          %get3A_439 = tpu.vector_load %get3A_436[%get3A_437, %get3A_438] {strides = array<i32>} : memref<16x512xi32, #tpu.memory_space<vmem>>, vector<16xi32>,
          %add3A_440 = arith.constant 96 : i32
          %add3A_441 = arith.addi %add3A_380, %add3A_440 : i32
          %get3A_442 = arith.constant 0 : i32
          %get3A_443 = arith.constant 0 : i32
          %get3A_444 = arith.constant 0 : i32
          %get3A_445 = tpu.memref_slice %run_scoped3A[%rem3A_246, %get3A_443, %get3A_444] : memref<2x16x512xi32, #tpu.memory_space<vmem>> -> memref<1x16x512xi32, #tpu.memory_space<vmem>>
          %get3A_446 = tpu.memref_squeeze %get3A_445 : memref<1x16x512xi32, #tpu.memory_space<vmem>> -> memref<16x512xi32, #tpu.memory_space<vmem>>
          %get3A_447 = arith.index_cast %get3A_442 : i32 to index
          %get3A_448 = arith.index_cast %add3A_441 : i32 to index
          %get3A_449 = tpu.vector_load %get3A_446[%get3A_447, %get3A_448] {strides = array<i32>} : memref<16x512xi32, #tpu.memory_space<vmem>>, vector<16xi32>,
          %add3A_450 = arith.constant 112 : i32
          %add3A_451 = arith.addi %add3A_380, %add3A_450 : i32
          %get3A_452 = arith.constant 0 : i32
          %get3A_453 = arith.constant 0 : i32
          %get3A_454 = arith.constant 0 : i32
          %get3A_455 = tpu.memref_slice %run_scoped3A[%rem3A_246, %get3A_453, %get3A_454] : memref<2x16x512xi32, #tpu.memory_space<vmem>> -> memref<1x16x512xi32, #tpu.memory_space<vmem>>
          %get3A_456 = tpu.memref_squeeze %get3A_455 : memref<1x16x512xi32, #tpu.memory_space<vmem>> -> memref<16x512xi32, #tpu.memory_space<vmem>>
          %get3A_457 = arith.index_cast %get3A_452 : i32 to index
          %get3A_458 = arith.index_cast %add3A_451 : i32 to index
          %get3A_459 = tpu.vector_load %get3A_456[%get3A_457, %get3A_458] {strides = array<i32>} : memref<16x512xi32, #tpu.memory_space<vmem>>, vector<16xi32>,
          %shift_right_arithmetic3A = arith.constant 17 : i32
          %shift_right_arithmetic3A_460 = vector.broadcast %shift_right_arithmetic3A : i32 to vector<16xi32>
          %shift_right_arithmetic3A_461 = arith.shrsi %get3A_389, %shift_right_arithmetic3A_460 : vector<16xi32>
          %shift_right_arithmetic3A_462 = arith.constant 17 : i32
          %shift_right_arithmetic3A_463 = vector.broadcast %shift_right_arithmetic3A_462 : i32 to vector<16xi32>
          %shift_right_arithmetic3A_464 = arith.shrsi %get3A_399, %shift_right_arithmetic3A_463 : vector<16xi32>
          %shift_right_arithmetic3A_465 = arith.constant 17 : i32
          %shift_right_arithmetic3A_466 = vector.broadcast %shift_right_arithmetic3A_465 : i32 to vector<16xi32>
          %shift_right_arithmetic3A_467 = arith.shrsi %get3A_409, %shift_right_arithmetic3A_466 : vector<16xi32>
          %shift_right_arithmetic3A_468 = arith.constant 17 : i32
          %shift_right_arithmetic3A_469 = vector.broadcast %shift_right_arithmetic3A_468 : i32 to vector<16xi32>
          %shift_right_arithmetic3A_470 = arith.shrsi %get3A_419, %shift_right_arithmetic3A_469 : vector<16xi32>
          %shift_right_arithmetic3A_471 = arith.constant 17 : i32
          %shift_right_arithmetic3A_472 = vector.broadcast %shift_right_arithmetic3A_471 : i32 to vector<16xi32>
          %shift_right_arithmetic3A_473 = arith.shrsi %get3A_429, %shift_right_arithmetic3A_472 : vector<16xi32>
          %shift_right_arithmetic3A_474 = arith.constant 17 : i32
          %shift_right_arithmetic3A_475 = vector.broadcast %shift_right_arithmetic3A_474 : i32 to vector<16xi32>
          %shift_right_arithmetic3A_476 = arith.shrsi %get3A_439, %shift_right_arithmetic3A_475 : vector<16xi32>
          %shift_right_arithmetic3A_477 = arith.constant 17 : i32
          %shift_right_arithmetic3A_478 = vector.broadcast %shift_right_arithmetic3A_477 : i32 to vector<16xi32>
          %shift_right_arithmetic3A_479 = arith.shrsi %get3A_449, %shift_right_arithmetic3A_478 : vector<16xi32>
          %shift_right_arithmetic3A_480 = arith.constant 17 : i32
          %shift_right_arithmetic3A_481 = vector.broadcast %shift_right_arithmetic3A_480 : i32 to vector<16xi32>
          %shift_right_arithmetic3A_482 = arith.shrsi %get3A_459, %shift_right_arithmetic3A_481 : vector<16xi32>
          tpu.vector_store_idx %arg4[%shift_right_arithmetic3A_461], %broadcast_in_dim3A_6 {add = true} : memref<16384xi32, #tpu.memory_space<vmem>>[vector<16xi32>], vector<16xi32>,
          tpu.vector_store_idx %arg5[%shift_right_arithmetic3A_464], %broadcast_in_dim3A_6 {add = true} : memref<16384xi32, #tpu.memory_space<vmem>>[vector<16xi32>], vector<16xi32>,
          tpu.vector_store_idx %arg4[%shift_right_arithmetic3A_467], %broadcast_in_dim3A_6 {add = true} : memref<16384xi32, #tpu.memory_space<vmem>>[vector<16xi32>], vector<16xi32>,
          tpu.vector_store_idx %arg5[%shift_right_arithmetic3A_470], %broadcast_in_dim3A_6 {add = true} : memref<16384xi32, #tpu.memory_space<vmem>>[vector<16xi32>], vector<16xi32>,
          tpu.vector_store_idx %arg4[%shift_right_arithmetic3A_473], %broadcast_in_dim3A_6 {add = true} : memref<16384xi32, #tpu.memory_space<vmem>>[vector<16xi32>], vector<16xi32>,
          tpu.vector_store_idx %arg5[%shift_right_arithmetic3A_476], %broadcast_in_dim3A_6 {add = true} : memref<16384xi32, #tpu.memory_space<vmem>>[vector<16xi32>], vector<16xi32>,
          tpu.vector_store_idx %arg4[%shift_right_arithmetic3A_479], %broadcast_in_dim3A_6 {add = true} : memref<16384xi32, #tpu.memory_space<vmem>>[vector<16xi32>], vector<16xi32>,
          tpu.vector_store_idx %arg5[%shift_right_arithmetic3A_482], %broadcast_in_dim3A_6 {add = true} : memref<16384xi32, #tpu.memory_space<vmem>>[vector<16xi32>], vector<16xi32>,
        }
        %scan3A_251 = arith.constant 4 : i32
        %scan3A_252 = arith.constant 0 : i32
        %scan3A_253 = arith.constant 4 : i32
        %scan3A_254 = arith.addi %scan3A_252, %scan3A_253 : i32
        %scan3A_255 = arith.constant 1 : i32
        scf.for %scan3A_376 = %scan3A_252 to %scan3A_254 step %scan3A_255  : i32 {
          %mul3A_377 = arith.constant 128 : i32
          %mul3A_378 = arith.muli %scan3A_376, %mul3A_377 : i32
          %add3A_379 = arith.constant 0 : i32
          %add3A_380 = arith.addi %add3A_379, %mul3A_378 : i32
          %add3A_381 = arith.constant 0 : i32
          %add3A_382 = arith.addi %add3A_380, %add3A_381 : i32
          %get3A = arith.constant 1 : i32
          %get3A_383 = arith.constant 0 : i32
          %get3A_384 = arith.constant 0 : i32
          %get3A_385 = tpu.memref_slice %run_scoped3A[%rem3A_246, %get3A_383, %get3A_384] : memref<2x16x512xi32, #tpu.memory_space<vmem>> -> memref<1x16x512xi32, #tpu.memory_space<vmem>>
          %get3A_386 = tpu.memref_squeeze %get3A_385 : memref<1x16x512xi32, #tpu.memory_space<vmem>> -> memref<16x512xi32, #tpu.memory_space<vmem>>
          %get3A_387 = arith.index_cast %get3A : i32 to index
          %get3A_388 = arith.index_cast %add3A_382 : i32 to index
          %get3A_389 = tpu.vector_load %get3A_386[%get3A_387, %get3A_388] {strides = array<i32>} : memref<16x512xi32, #tpu.memory_space<vmem>>, vector<16xi32>,
          %add3A_390 = arith.constant 16 : i32
          %add3A_391 = arith.addi %add3A_380, %add3A_390 : i32
          %get3A_392 = arith.constant 1 : i32
          %get3A_393 = arith.constant 0 : i32
          %get3A_394 = arith.constant 0 : i32
          %get3A_395 = tpu.memref_slice %run_scoped3A[%rem3A_246, %get3A_393, %get3A_394] : memref<2x16x512xi32, #tpu.memory_space<vmem>> -> memref<1x16x512xi32, #tpu.memory_space<vmem>>
          %get3A_396 = tpu.memref_squeeze %get3A_395 : memref<1x16x512xi32, #tpu.memory_space<vmem>> -> memref<16x512xi32, #tpu.memory_space<vmem>>
          %get3A_397 = arith.index_cast %get3A_392 : i32 to index
          %get3A_398 = arith.index_cast %add3A_391 : i32 to index
          %get3A_399 = tpu.vector_load %get3A_396[%get3A_397, %get3A_398] {strides = array<i32>} : memref<16x512xi32, #tpu.memory_space<vmem>>, vector<16xi32>,
          %add3A_400 = arith.constant 32 : i32
          %add3A_401 = arith.addi %add3A_380, %add3A_400 : i32
          %get3A_402 = arith.constant 1 : i32
          %get3A_403 = arith.constant 0 : i32
          %get3A_404 = arith.constant 0 : i32
          %get3A_405 = tpu.memref_slice %run_scoped3A[%rem3A_246, %get3A_403, %get3A_404] : memref<2x16x512xi32, #tpu.memory_space<vmem>> -> memref<1x16x512xi32, #tpu.memory_space<vmem>>
          %get3A_406 = tpu.memref_squeeze %get3A_405 : memref<1x16x512xi32, #tpu.memory_space<vmem>> -> memref<16x512xi32, #tpu.memory_space<vmem>>
          %get3A_407 = arith.index_cast %get3A_402 : i32 to index
          %get3A_408 = arith.index_cast %add3A_401 : i32 to index
          %get3A_409 = tpu.vector_load %get3A_406[%get3A_407, %get3A_408] {strides = array<i32>} : memref<16x512xi32, #tpu.memory_space<vmem>>, vector<16xi32>,
          %add3A_410 = arith.constant 48 : i32
          %add3A_411 = arith.addi %add3A_380, %add3A_410 : i32
          %get3A_412 = arith.constant 1 : i32
          %get3A_413 = arith.constant 0 : i32
          %get3A_414 = arith.constant 0 : i32
          %get3A_415 = tpu.memref_slice %run_scoped3A[%rem3A_246, %get3A_413, %get3A_414] : memref<2x16x512xi32, #tpu.memory_space<vmem>> -> memref<1x16x512xi32, #tpu.memory_space<vmem>>
          %get3A_416 = tpu.memref_squeeze %get3A_415 : memref<1x16x512xi32, #tpu.memory_space<vmem>> -> memref<16x512xi32, #tpu.memory_space<vmem>>
          %get3A_417 = arith.index_cast %get3A_412 : i32 to index
          %get3A_418 = arith.index_cast %add3A_411 : i32 to index
          %get3A_419 = tpu.vector_load %get3A_416[%get3A_417, %get3A_418] {strides = array<i32>} : memref<16x512xi32, #tpu.memory_space<vmem>>, vector<16xi32>,
          %add3A_420 = arith.constant 64 : i32
          %add3A_421 = arith.addi %add3A_380, %add3A_420 : i32
          %get3A_422 = arith.constant 1 : i32
          %get3A_423 = arith.constant 0 : i32
          %get3A_424 = arith.constant 0 : i32
          %get3A_425 = tpu.memref_slice %run_scoped3A[%rem3A_246, %get3A_423, %get3A_424] : memref<2x16x512xi32, #tpu.memory_space<vmem>> -> memref<1x16x512xi32, #tpu.memory_space<vmem>>
          %get3A_426 = tpu.memref_squeeze %get3A_425 : memref<1x16x512xi32, #tpu.memory_space<vmem>> -> memref<16x512xi32, #tpu.memory_space<vmem>>
          %get3A_427 = arith.index_cast %get3A_422 : i32 to index
          %get3A_428 = arith.index_cast %add3A_421 : i32 to index
          %get3A_429 = tpu.vector_load %get3A_426[%get3A_427, %get3A_428] {strides = array<i32>} : memref<16x512xi32, #tpu.memory_space<vmem>>, vector<16xi32>,
          %add3A_430 = arith.constant 80 : i32
          %add3A_431 = arith.addi %add3A_380, %add3A_430 : i32
          %get3A_432 = arith.constant 1 : i32
          %get3A_433 = arith.constant 0 : i32
          %get3A_434 = arith.constant 0 : i32
          %get3A_435 = tpu.memref_slice %run_scoped3A[%rem3A_246, %get3A_433, %get3A_434] : memref<2x16x512xi32, #tpu.memory_space<vmem>> -> memref<1x16x512xi32, #tpu.memory_space<vmem>>
          %get3A_436 = tpu.memref_squeeze %get3A_435 : memref<1x16x512xi32, #tpu.memory_space<vmem>> -> memref<16x512xi32, #tpu.memory_space<vmem>>
          %get3A_437 = arith.index_cast %get3A_432 : i32 to index
          %get3A_438 = arith.index_cast %add3A_431 : i32 to index
          %get3A_439 = tpu.vector_load %get3A_436[%get3A_437, %get3A_438] {strides = array<i32>} : memref<16x512xi32, #tpu.memory_space<vmem>>, vector<16xi32>,
          %add3A_440 = arith.constant 96 : i32
          %add3A_441 = arith.addi %add3A_380, %add3A_440 : i32
          %get3A_442 = arith.constant 1 : i32
          %get3A_443 = arith.constant 0 : i32
          %get3A_444 = arith.constant 0 : i32
          %get3A_445 = tpu.memref_slice %run_scoped3A[%rem3A_246, %get3A_443, %get3A_444] : memref<2x16x512xi32, #tpu.memory_space<vmem>> -> memref<1x16x512xi32, #tpu.memory_space<vmem>>
          %get3A_446 = tpu.memref_squeeze %get3A_445 : memref<1x16x512xi32, #tpu.memory_space<vmem>> -> memref<16x512xi32, #tpu.memory_space<vmem>>
          %get3A_447 = arith.index_cast %get3A_442 : i32 to index
          %get3A_448 = arith.index_cast %add3A_441 : i32 to index
          %get3A_449 = tpu.vector_load %get3A_446[%get3A_447, %get3A_448] {strides = array<i32>} : memref<16x512xi32, #tpu.memory_space<vmem>>, vector<16xi32>,
          %add3A_450 = arith.constant 112 : i32
          %add3A_451 = arith.addi %add3A_380, %add3A_450 : i32
          %get3A_452 = arith.constant 1 : i32
          %get3A_453 = arith.constant 0 : i32
          %get3A_454 = arith.constant 0 : i32
          %get3A_455 = tpu.memref_slice %run_scoped3A[%rem3A_246, %get3A_453, %get3A_454] : memref<2x16x512xi32, #tpu.memory_space<vmem>> -> memref<1x16x512xi32, #tpu.memory_space<vmem>>
          %get3A_456 = tpu.memref_squeeze %get3A_455 : memref<1x16x512xi32, #tpu.memory_space<vmem>> -> memref<16x512xi32, #tpu.memory_space<vmem>>
          %get3A_457 = arith.index_cast %get3A_452 : i32 to index
          %get3A_458 = arith.index_cast %add3A_451 : i32 to index
          %get3A_459 = tpu.vector_load %get3A_456[%get3A_457, %get3A_458] {strides = array<i32>} : memref<16x512xi32, #tpu.memory_space<vmem>>, vector<16xi32>,
          %shift_right_arithmetic3A = arith.constant 17 : i32
          %shift_right_arithmetic3A_460 = vector.broadcast %shift_right_arithmetic3A : i32 to vector<16xi32>
          %shift_right_arithmetic3A_461 = arith.shrsi %get3A_389, %shift_right_arithmetic3A_460 : vector<16xi32>
          %shift_right_arithmetic3A_462 = arith.constant 17 : i32
          %shift_right_arithmetic3A_463 = vector.broadcast %shift_right_arithmetic3A_462 : i32 to vector<16xi32>
          %shift_right_arithmetic3A_464 = arith.shrsi %get3A_399, %shift_right_arithmetic3A_463 : vector<16xi32>
          %shift_right_arithmetic3A_465 = arith.constant 17 : i32
          %shift_right_arithmetic3A_466 = vector.broadcast %shift_right_arithmetic3A_465 : i32 to vector<16xi32>
          %shift_right_arithmetic3A_467 = arith.shrsi %get3A_409, %shift_right_arithmetic3A_466 : vector<16xi32>
          %shift_right_arithmetic3A_468 = arith.constant 17 : i32
          %shift_right_arithmetic3A_469 = vector.broadcast %shift_right_arithmetic3A_468 : i32 to vector<16xi32>
          %shift_right_arithmetic3A_470 = arith.shrsi %get3A_419, %shift_right_arithmetic3A_469 : vector<16xi32>
          %shift_right_arithmetic3A_471 = arith.constant 17 : i32
          %shift_right_arithmetic3A_472 = vector.broadcast %shift_right_arithmetic3A_471 : i32 to vector<16xi32>
          %shift_right_arithmetic3A_473 = arith.shrsi %get3A_429, %shift_right_arithmetic3A_472 : vector<16xi32>
          %shift_right_arithmetic3A_474 = arith.constant 17 : i32
          %shift_right_arithmetic3A_475 = vector.broadcast %shift_right_arithmetic3A_474 : i32 to vector<16xi32>
          %shift_right_arithmetic3A_476 = arith.shrsi %get3A_439, %shift_right_arithmetic3A_475 : vector<16xi32>
          %shift_right_arithmetic3A_477 = arith.constant 17 : i32
          %shift_right_arithmetic3A_478 = vector.broadcast %shift_right_arithmetic3A_477 : i32 to vector<16xi32>
          %shift_right_arithmetic3A_479 = arith.shrsi %get3A_449, %shift_right_arithmetic3A_478 : vector<16xi32>
          %shift_right_arithmetic3A_480 = arith.constant 17 : i32
          %shift_right_arithmetic3A_481 = vector.broadcast %shift_right_arithmetic3A_480 : i32 to vector<16xi32>
          %shift_right_arithmetic3A_482 = arith.shrsi %get3A_459, %shift_right_arithmetic3A_481 : vector<16xi32>
          tpu.vector_store_idx %arg4[%shift_right_arithmetic3A_461], %broadcast_in_dim3A_6 {add = true} : memref<16384xi32, #tpu.memory_space<vmem>>[vector<16xi32>], vector<16xi32>,
          tpu.vector_store_idx %arg5[%shift_right_arithmetic3A_464], %broadcast_in_dim3A_6 {add = true} : memref<16384xi32, #tpu.memory_space<vmem>>[vector<16xi32>], vector<16xi32>,
          tpu.vector_store_idx %arg4[%shift_right_arithmetic3A_467], %broadcast_in_dim3A_6 {add = true} : memref<16384xi32, #tpu.memory_space<vmem>>[vector<16xi32>], vector<16xi32>,
          tpu.vector_store_idx %arg5[%shift_right_arithmetic3A_470], %broadcast_in_dim3A_6 {add = true} : memref<16384xi32, #tpu.memory_space<vmem>>[vector<16xi32>], vector<16xi32>,
          tpu.vector_store_idx %arg4[%shift_right_arithmetic3A_473], %broadcast_in_dim3A_6 {add = true} : memref<16384xi32, #tpu.memory_space<vmem>>[vector<16xi32>], vector<16xi32>,
          tpu.vector_store_idx %arg5[%shift_right_arithmetic3A_476], %broadcast_in_dim3A_6 {add = true} : memref<16384xi32, #tpu.memory_space<vmem>>[vector<16xi32>], vector<16xi32>,
          tpu.vector_store_idx %arg4[%shift_right_arithmetic3A_479], %broadcast_in_dim3A_6 {add = true} : memref<16384xi32, #tpu.memory_space<vmem>>[vector<16xi32>], vector<16xi32>,
          tpu.vector_store_idx %arg5[%shift_right_arithmetic3A_482], %broadcast_in_dim3A_6 {add = true} : memref<16384xi32, #tpu.memory_space<vmem>>[vector<16xi32>], vector<16xi32>,
        }
        %scan3A_256 = arith.constant 4 : i32
        %scan3A_257 = arith.constant 0 : i32
        %scan3A_258 = arith.constant 4 : i32
        %scan3A_259 = arith.addi %scan3A_257, %scan3A_258 : i32
        %scan3A_260 = arith.constant 1 : i32
        scf.for %scan3A_376 = %scan3A_257 to %scan3A_259 step %scan3A_260  : i32 {
          %mul3A_377 = arith.constant 128 : i32
          %mul3A_378 = arith.muli %scan3A_376, %mul3A_377 : i32
          %add3A_379 = arith.constant 0 : i32
          %add3A_380 = arith.addi %add3A_379, %mul3A_378 : i32
          %add3A_381 = arith.constant 0 : i32
          %add3A_382 = arith.addi %add3A_380, %add3A_381 : i32
          %get3A = arith.constant 2 : i32
          %get3A_383 = arith.constant 0 : i32
          %get3A_384 = arith.constant 0 : i32
          %get3A_385 = tpu.memref_slice %run_scoped3A[%rem3A_246, %get3A_383, %get3A_384] : memref<2x16x512xi32, #tpu.memory_space<vmem>> -> memref<1x16x512xi32, #tpu.memory_space<vmem>>
          %get3A_386 = tpu.memref_squeeze %get3A_385 : memref<1x16x512xi32, #tpu.memory_space<vmem>> -> memref<16x512xi32, #tpu.memory_space<vmem>>
          %get3A_387 = arith.index_cast %get3A : i32 to index
          %get3A_388 = arith.index_cast %add3A_382 : i32 to index
          %get3A_389 = tpu.vector_load %get3A_386[%get3A_387, %get3A_388] {strides = array<i32>} : memref<16x512xi32, #tpu.memory_space<vmem>>, vector<16xi32>,
          %add3A_390 = arith.constant 16 : i32
          %add3A_391 = arith.addi %add3A_380, %add3A_390 : i32
          %get3A_392 = arith.constant 2 : i32
          %get3A_393 = arith.constant 0 : i32
          %get3A_394 = arith.constant 0 : i32
          %get3A_395 = tpu.memref_slice %run_scoped3A[%rem3A_246, %get3A_393, %get3A_394] : memref<2x16x512xi32, #tpu.memory_space<vmem>> -> memref<1x16x512xi32, #tpu.memory_space<vmem>>
          %get3A_396 = tpu.memref_squeeze %get3A_395 : memref<1x16x512xi32, #tpu.memory_space<vmem>> -> memref<16x512xi32, #tpu.memory_space<vmem>>
          %get3A_397 = arith.index_cast %get3A_392 : i32 to index
          %get3A_398 = arith.index_cast %add3A_391 : i32 to index
          %get3A_399 = tpu.vector_load %get3A_396[%get3A_397, %get3A_398] {strides = array<i32>} : memref<16x512xi32, #tpu.memory_space<vmem>>, vector<16xi32>,
          %add3A_400 = arith.constant 32 : i32
          %add3A_401 = arith.addi %add3A_380, %add3A_400 : i32
          %get3A_402 = arith.constant 2 : i32
          %get3A_403 = arith.constant 0 : i32
          %get3A_404 = arith.constant 0 : i32
          %get3A_405 = tpu.memref_slice %run_scoped3A[%rem3A_246, %get3A_403, %get3A_404] : memref<2x16x512xi32, #tpu.memory_space<vmem>> -> memref<1x16x512xi32, #tpu.memory_space<vmem>>
          %get3A_406 = tpu.memref_squeeze %get3A_405 : memref<1x16x512xi32, #tpu.memory_space<vmem>> -> memref<16x512xi32, #tpu.memory_space<vmem>>
          %get3A_407 = arith.index_cast %get3A_402 : i32 to index
          %get3A_408 = arith.index_cast %add3A_401 : i32 to index
          %get3A_409 = tpu.vector_load %get3A_406[%get3A_407, %get3A_408] {strides = array<i32>} : memref<16x512xi32, #tpu.memory_space<vmem>>, vector<16xi32>,
          %add3A_410 = arith.constant 48 : i32
          %add3A_411 = arith.addi %add3A_380, %add3A_410 : i32
          %get3A_412 = arith.constant 2 : i32
          %get3A_413 = arith.constant 0 : i32
          %get3A_414 = arith.constant 0 : i32
          %get3A_415 = tpu.memref_slice %run_scoped3A[%rem3A_246, %get3A_413, %get3A_414] : memref<2x16x512xi32, #tpu.memory_space<vmem>> -> memref<1x16x512xi32, #tpu.memory_space<vmem>>
          %get3A_416 = tpu.memref_squeeze %get3A_415 : memref<1x16x512xi32, #tpu.memory_space<vmem>> -> memref<16x512xi32, #tpu.memory_space<vmem>>
          %get3A_417 = arith.index_cast %get3A_412 : i32 to index
          %get3A_418 = arith.index_cast %add3A_411 : i32 to index
          %get3A_419 = tpu.vector_load %get3A_416[%get3A_417, %get3A_418] {strides = array<i32>} : memref<16x512xi32, #tpu.memory_space<vmem>>, vector<16xi32>,
          %add3A_420 = arith.constant 64 : i32
          %add3A_421 = arith.addi %add3A_380, %add3A_420 : i32
          %get3A_422 = arith.constant 2 : i32
          %get3A_423 = arith.constant 0 : i32
          %get3A_424 = arith.constant 0 : i32
          %get3A_425 = tpu.memref_slice %run_scoped3A[%rem3A_246, %get3A_423, %get3A_424] : memref<2x16x512xi32, #tpu.memory_space<vmem>> -> memref<1x16x512xi32, #tpu.memory_space<vmem>>
          %get3A_426 = tpu.memref_squeeze %get3A_425 : memref<1x16x512xi32, #tpu.memory_space<vmem>> -> memref<16x512xi32, #tpu.memory_space<vmem>>
          %get3A_427 = arith.index_cast %get3A_422 : i32 to index
          %get3A_428 = arith.index_cast %add3A_421 : i32 to index
          %get3A_429 = tpu.vector_load %get3A_426[%get3A_427, %get3A_428] {strides = array<i32>} : memref<16x512xi32, #tpu.memory_space<vmem>>, vector<16xi32>,
          %add3A_430 = arith.constant 80 : i32
          %add3A_431 = arith.addi %add3A_380, %add3A_430 : i32
          %get3A_432 = arith.constant 2 : i32
          %get3A_433 = arith.constant 0 : i32
          %get3A_434 = arith.constant 0 : i32
          %get3A_435 = tpu.memref_slice %run_scoped3A[%rem3A_246, %get3A_433, %get3A_434] : memref<2x16x512xi32, #tpu.memory_space<vmem>> -> memref<1x16x512xi32, #tpu.memory_space<vmem>>
          %get3A_436 = tpu.memref_squeeze %get3A_435 : memref<1x16x512xi32, #tpu.memory_space<vmem>> -> memref<16x512xi32, #tpu.memory_space<vmem>>
          %get3A_437 = arith.index_cast %get3A_432 : i32 to index
          %get3A_438 = arith.index_cast %add3A_431 : i32 to index
          %get3A_439 = tpu.vector_load %get3A_436[%get3A_437, %get3A_438] {strides = array<i32>} : memref<16x512xi32, #tpu.memory_space<vmem>>, vector<16xi32>,
          %add3A_440 = arith.constant 96 : i32
          %add3A_441 = arith.addi %add3A_380, %add3A_440 : i32
          %get3A_442 = arith.constant 2 : i32
          %get3A_443 = arith.constant 0 : i32
          %get3A_444 = arith.constant 0 : i32
          %get3A_445 = tpu.memref_slice %run_scoped3A[%rem3A_246, %get3A_443, %get3A_444] : memref<2x16x512xi32, #tpu.memory_space<vmem>> -> memref<1x16x512xi32, #tpu.memory_space<vmem>>
          %get3A_446 = tpu.memref_squeeze %get3A_445 : memref<1x16x512xi32, #tpu.memory_space<vmem>> -> memref<16x512xi32, #tpu.memory_space<vmem>>
          %get3A_447 = arith.index_cast %get3A_442 : i32 to index
          %get3A_448 = arith.index_cast %add3A_441 : i32 to index
          %get3A_449 = tpu.vector_load %get3A_446[%get3A_447, %get3A_448] {strides = array<i32>} : memref<16x512xi32, #tpu.memory_space<vmem>>, vector<16xi32>,
          %add3A_450 = arith.constant 112 : i32
          %add3A_451 = arith.addi %add3A_380, %add3A_450 : i32
          %get3A_452 = arith.constant 2 : i32
          %get3A_453 = arith.constant 0 : i32
          %get3A_454 = arith.constant 0 : i32
          %get3A_455 = tpu.memref_slice %run_scoped3A[%rem3A_246, %get3A_453, %get3A_454] : memref<2x16x512xi32, #tpu.memory_space<vmem>> -> memref<1x16x512xi32, #tpu.memory_space<vmem>>
          %get3A_456 = tpu.memref_squeeze %get3A_455 : memref<1x16x512xi32, #tpu.memory_space<vmem>> -> memref<16x512xi32, #tpu.memory_space<vmem>>
          %get3A_457 = arith.index_cast %get3A_452 : i32 to index
          %get3A_458 = arith.index_cast %add3A_451 : i32 to index
          %get3A_459 = tpu.vector_load %get3A_456[%get3A_457, %get3A_458] {strides = array<i32>} : memref<16x512xi32, #tpu.memory_space<vmem>>, vector<16xi32>,
          %shift_right_arithmetic3A = arith.constant 17 : i32
          %shift_right_arithmetic3A_460 = vector.broadcast %shift_right_arithmetic3A : i32 to vector<16xi32>
          %shift_right_arithmetic3A_461 = arith.shrsi %get3A_389, %shift_right_arithmetic3A_460 : vector<16xi32>
          %shift_right_arithmetic3A_462 = arith.constant 17 : i32
          %shift_right_arithmetic3A_463 = vector.broadcast %shift_right_arithmetic3A_462 : i32 to vector<16xi32>
          %shift_right_arithmetic3A_464 = arith.shrsi %get3A_399, %shift_right_arithmetic3A_463 : vector<16xi32>
          %shift_right_arithmetic3A_465 = arith.constant 17 : i32
          %shift_right_arithmetic3A_466 = vector.broadcast %shift_right_arithmetic3A_465 : i32 to vector<16xi32>
          %shift_right_arithmetic3A_467 = arith.shrsi %get3A_409, %shift_right_arithmetic3A_466 : vector<16xi32>
          %shift_right_arithmetic3A_468 = arith.constant 17 : i32
          %shift_right_arithmetic3A_469 = vector.broadcast %shift_right_arithmetic3A_468 : i32 to vector<16xi32>
          %shift_right_arithmetic3A_470 = arith.shrsi %get3A_419, %shift_right_arithmetic3A_469 : vector<16xi32>
          %shift_right_arithmetic3A_471 = arith.constant 17 : i32
          %shift_right_arithmetic3A_472 = vector.broadcast %shift_right_arithmetic3A_471 : i32 to vector<16xi32>
          %shift_right_arithmetic3A_473 = arith.shrsi %get3A_429, %shift_right_arithmetic3A_472 : vector<16xi32>
          %shift_right_arithmetic3A_474 = arith.constant 17 : i32
          %shift_right_arithmetic3A_475 = vector.broadcast %shift_right_arithmetic3A_474 : i32 to vector<16xi32>
          %shift_right_arithmetic3A_476 = arith.shrsi %get3A_439, %shift_right_arithmetic3A_475 : vector<16xi32>
          %shift_right_arithmetic3A_477 = arith.constant 17 : i32
          %shift_right_arithmetic3A_478 = vector.broadcast %shift_right_arithmetic3A_477 : i32 to vector<16xi32>
          %shift_right_arithmetic3A_479 = arith.shrsi %get3A_449, %shift_right_arithmetic3A_478 : vector<16xi32>
          %shift_right_arithmetic3A_480 = arith.constant 17 : i32
          %shift_right_arithmetic3A_481 = vector.broadcast %shift_right_arithmetic3A_480 : i32 to vector<16xi32>
          %shift_right_arithmetic3A_482 = arith.shrsi %get3A_459, %shift_right_arithmetic3A_481 : vector<16xi32>
          tpu.vector_store_idx %arg4[%shift_right_arithmetic3A_461], %broadcast_in_dim3A_6 {add = true} : memref<16384xi32, #tpu.memory_space<vmem>>[vector<16xi32>], vector<16xi32>,
          tpu.vector_store_idx %arg5[%shift_right_arithmetic3A_464], %broadcast_in_dim3A_6 {add = true} : memref<16384xi32, #tpu.memory_space<vmem>>[vector<16xi32>], vector<16xi32>,
          tpu.vector_store_idx %arg4[%shift_right_arithmetic3A_467], %broadcast_in_dim3A_6 {add = true} : memref<16384xi32, #tpu.memory_space<vmem>>[vector<16xi32>], vector<16xi32>,
          tpu.vector_store_idx %arg5[%shift_right_arithmetic3A_470], %broadcast_in_dim3A_6 {add = true} : memref<16384xi32, #tpu.memory_space<vmem>>[vector<16xi32>], vector<16xi32>,
          tpu.vector_store_idx %arg4[%shift_right_arithmetic3A_473], %broadcast_in_dim3A_6 {add = true} : memref<16384xi32, #tpu.memory_space<vmem>>[vector<16xi32>], vector<16xi32>,
          tpu.vector_store_idx %arg5[%shift_right_arithmetic3A_476], %broadcast_in_dim3A_6 {add = true} : memref<16384xi32, #tpu.memory_space<vmem>>[vector<16xi32>], vector<16xi32>,
          tpu.vector_store_idx %arg4[%shift_right_arithmetic3A_479], %broadcast_in_dim3A_6 {add = true} : memref<16384xi32, #tpu.memory_space<vmem>>[vector<16xi32>], vector<16xi32>,
          tpu.vector_store_idx %arg5[%shift_right_arithmetic3A_482], %broadcast_in_dim3A_6 {add = true} : memref<16384xi32, #tpu.memory_space<vmem>>[vector<16xi32>], vector<16xi32>,
        }
        %scan3A_261 = arith.constant 4 : i32
        %scan3A_262 = arith.constant 0 : i32
        %scan3A_263 = arith.constant 4 : i32
        %scan3A_264 = arith.addi %scan3A_262, %scan3A_263 : i32
        %scan3A_265 = arith.constant 1 : i32
        scf.for %scan3A_376 = %scan3A_262 to %scan3A_264 step %scan3A_265  : i32 {
          %mul3A_377 = arith.constant 128 : i32
          %mul3A_378 = arith.muli %scan3A_376, %mul3A_377 : i32
          %add3A_379 = arith.constant 0 : i32
          %add3A_380 = arith.addi %add3A_379, %mul3A_378 : i32
          %add3A_381 = arith.constant 0 : i32
          %add3A_382 = arith.addi %add3A_380, %add3A_381 : i32
          %get3A = arith.constant 3 : i32
          %get3A_383 = arith.constant 0 : i32
          %get3A_384 = arith.constant 0 : i32
          %get3A_385 = tpu.memref_slice %run_scoped3A[%rem3A_246, %get3A_383, %get3A_384] : memref<2x16x512xi32, #tpu.memory_space<vmem>> -> memref<1x16x512xi32, #tpu.memory_space<vmem>>
          %get3A_386 = tpu.memref_squeeze %get3A_385 : memref<1x16x512xi32, #tpu.memory_space<vmem>> -> memref<16x512xi32, #tpu.memory_space<vmem>>
          %get3A_387 = arith.index_cast %get3A : i32 to index
          %get3A_388 = arith.index_cast %add3A_382 : i32 to index
          %get3A_389 = tpu.vector_load %get3A_386[%get3A_387, %get3A_388] {strides = array<i32>} : memref<16x512xi32, #tpu.memory_space<vmem>>, vector<16xi32>,
          %add3A_390 = arith.constant 16 : i32
          %add3A_391 = arith.addi %add3A_380, %add3A_390 : i32
          %get3A_392 = arith.constant 3 : i32
          %get3A_393 = arith.constant 0 : i32
          %get3A_394 = arith.constant 0 : i32
          %get3A_395 = tpu.memref_slice %run_scoped3A[%rem3A_246, %get3A_393, %get3A_394] : memref<2x16x512xi32, #tpu.memory_space<vmem>> -> memref<1x16x512xi32, #tpu.memory_space<vmem>>
          %get3A_396 = tpu.memref_squeeze %get3A_395 : memref<1x16x512xi32, #tpu.memory_space<vmem>> -> memref<16x512xi32, #tpu.memory_space<vmem>>
          %get3A_397 = arith.index_cast %get3A_392 : i32 to index
          %get3A_398 = arith.index_cast %add3A_391 : i32 to index
          %get3A_399 = tpu.vector_load %get3A_396[%get3A_397, %get3A_398] {strides = array<i32>} : memref<16x512xi32, #tpu.memory_space<vmem>>, vector<16xi32>,
          %add3A_400 = arith.constant 32 : i32
          %add3A_401 = arith.addi %add3A_380, %add3A_400 : i32
          %get3A_402 = arith.constant 3 : i32
          %get3A_403 = arith.constant 0 : i32
          %get3A_404 = arith.constant 0 : i32
          %get3A_405 = tpu.memref_slice %run_scoped3A[%rem3A_246, %get3A_403, %get3A_404] : memref<2x16x512xi32, #tpu.memory_space<vmem>> -> memref<1x16x512xi32, #tpu.memory_space<vmem>>
          %get3A_406 = tpu.memref_squeeze %get3A_405 : memref<1x16x512xi32, #tpu.memory_space<vmem>> -> memref<16x512xi32, #tpu.memory_space<vmem>>
          %get3A_407 = arith.index_cast %get3A_402 : i32 to index
          %get3A_408 = arith.index_cast %add3A_401 : i32 to index
          %get3A_409 = tpu.vector_load %get3A_406[%get3A_407, %get3A_408] {strides = array<i32>} : memref<16x512xi32, #tpu.memory_space<vmem>>, vector<16xi32>,
          %add3A_410 = arith.constant 48 : i32
          %add3A_411 = arith.addi %add3A_380, %add3A_410 : i32
          %get3A_412 = arith.constant 3 : i32
          %get3A_413 = arith.constant 0 : i32
          %get3A_414 = arith.constant 0 : i32
          %get3A_415 = tpu.memref_slice %run_scoped3A[%rem3A_246, %get3A_413, %get3A_414] : memref<2x16x512xi32, #tpu.memory_space<vmem>> -> memref<1x16x512xi32, #tpu.memory_space<vmem>>
          %get3A_416 = tpu.memref_squeeze %get3A_415 : memref<1x16x512xi32, #tpu.memory_space<vmem>> -> memref<16x512xi32, #tpu.memory_space<vmem>>
          %get3A_417 = arith.index_cast %get3A_412 : i32 to index
          %get3A_418 = arith.index_cast %add3A_411 : i32 to index
          %get3A_419 = tpu.vector_load %get3A_416[%get3A_417, %get3A_418] {strides = array<i32>} : memref<16x512xi32, #tpu.memory_space<vmem>>, vector<16xi32>,
          %add3A_420 = arith.constant 64 : i32
          %add3A_421 = arith.addi %add3A_380, %add3A_420 : i32
          %get3A_422 = arith.constant 3 : i32
          %get3A_423 = arith.constant 0 : i32
          %get3A_424 = arith.constant 0 : i32
          %get3A_425 = tpu.memref_slice %run_scoped3A[%rem3A_246, %get3A_423, %get3A_424] : memref<2x16x512xi32, #tpu.memory_space<vmem>> -> memref<1x16x512xi32, #tpu.memory_space<vmem>>
          %get3A_426 = tpu.memref_squeeze %get3A_425 : memref<1x16x512xi32, #tpu.memory_space<vmem>> -> memref<16x512xi32, #tpu.memory_space<vmem>>
          %get3A_427 = arith.index_cast %get3A_422 : i32 to index
          %get3A_428 = arith.index_cast %add3A_421 : i32 to index
          %get3A_429 = tpu.vector_load %get3A_426[%get3A_427, %get3A_428] {strides = array<i32>} : memref<16x512xi32, #tpu.memory_space<vmem>>, vector<16xi32>,
          %add3A_430 = arith.constant 80 : i32
          %add3A_431 = arith.addi %add3A_380, %add3A_430 : i32
          %get3A_432 = arith.constant 3 : i32
          %get3A_433 = arith.constant 0 : i32
          %get3A_434 = arith.constant 0 : i32
          %get3A_435 = tpu.memref_slice %run_scoped3A[%rem3A_246, %get3A_433, %get3A_434] : memref<2x16x512xi32, #tpu.memory_space<vmem>> -> memref<1x16x512xi32, #tpu.memory_space<vmem>>
          %get3A_436 = tpu.memref_squeeze %get3A_435 : memref<1x16x512xi32, #tpu.memory_space<vmem>> -> memref<16x512xi32, #tpu.memory_space<vmem>>
          %get3A_437 = arith.index_cast %get3A_432 : i32 to index
          %get3A_438 = arith.index_cast %add3A_431 : i32 to index
          %get3A_439 = tpu.vector_load %get3A_436[%get3A_437, %get3A_438] {strides = array<i32>} : memref<16x512xi32, #tpu.memory_space<vmem>>, vector<16xi32>,
          %add3A_440 = arith.constant 96 : i32
          %add3A_441 = arith.addi %add3A_380, %add3A_440 : i32
          %get3A_442 = arith.constant 3 : i32
          %get3A_443 = arith.constant 0 : i32
          %get3A_444 = arith.constant 0 : i32
          %get3A_445 = tpu.memref_slice %run_scoped3A[%rem3A_246, %get3A_443, %get3A_444] : memref<2x16x512xi32, #tpu.memory_space<vmem>> -> memref<1x16x512xi32, #tpu.memory_space<vmem>>
          %get3A_446 = tpu.memref_squeeze %get3A_445 : memref<1x16x512xi32, #tpu.memory_space<vmem>> -> memref<16x512xi32, #tpu.memory_space<vmem>>
          %get3A_447 = arith.index_cast %get3A_442 : i32 to index
          %get3A_448 = arith.index_cast %add3A_441 : i32 to index
          %get3A_449 = tpu.vector_load %get3A_446[%get3A_447, %get3A_448] {strides = array<i32>} : memref<16x512xi32, #tpu.memory_space<vmem>>, vector<16xi32>,
          %add3A_450 = arith.constant 112 : i32
          %add3A_451 = arith.addi %add3A_380, %add3A_450 : i32
          %get3A_452 = arith.constant 3 : i32
          %get3A_453 = arith.constant 0 : i32
          %get3A_454 = arith.constant 0 : i32
          %get3A_455 = tpu.memref_slice %run_scoped3A[%rem3A_246, %get3A_453, %get3A_454] : memref<2x16x512xi32, #tpu.memory_space<vmem>> -> memref<1x16x512xi32, #tpu.memory_space<vmem>>
          %get3A_456 = tpu.memref_squeeze %get3A_455 : memref<1x16x512xi32, #tpu.memory_space<vmem>> -> memref<16x512xi32, #tpu.memory_space<vmem>>
          %get3A_457 = arith.index_cast %get3A_452 : i32 to index
          %get3A_458 = arith.index_cast %add3A_451 : i32 to index
          %get3A_459 = tpu.vector_load %get3A_456[%get3A_457, %get3A_458] {strides = array<i32>} : memref<16x512xi32, #tpu.memory_space<vmem>>, vector<16xi32>,
          %shift_right_arithmetic3A = arith.constant 17 : i32
          %shift_right_arithmetic3A_460 = vector.broadcast %shift_right_arithmetic3A : i32 to vector<16xi32>
          %shift_right_arithmetic3A_461 = arith.shrsi %get3A_389, %shift_right_arithmetic3A_460 : vector<16xi32>
          %shift_right_arithmetic3A_462 = arith.constant 17 : i32
          %shift_right_arithmetic3A_463 = vector.broadcast %shift_right_arithmetic3A_462 : i32 to vector<16xi32>
          %shift_right_arithmetic3A_464 = arith.shrsi %get3A_399, %shift_right_arithmetic3A_463 : vector<16xi32>
          %shift_right_arithmetic3A_465 = arith.constant 17 : i32
          %shift_right_arithmetic3A_466 = vector.broadcast %shift_right_arithmetic3A_465 : i32 to vector<16xi32>
          %shift_right_arithmetic3A_467 = arith.shrsi %get3A_409, %shift_right_arithmetic3A_466 : vector<16xi32>
          %shift_right_arithmetic3A_468 = arith.constant 17 : i32
          %shift_right_arithmetic3A_469 = vector.broadcast %shift_right_arithmetic3A_468 : i32 to vector<16xi32>
          %shift_right_arithmetic3A_470 = arith.shrsi %get3A_419, %shift_right_arithmetic3A_469 : vector<16xi32>
          %shift_right_arithmetic3A_471 = arith.constant 17 : i32
          %shift_right_arithmetic3A_472 = vector.broadcast %shift_right_arithmetic3A_471 : i32 to vector<16xi32>
          %shift_right_arithmetic3A_473 = arith.shrsi %get3A_429, %shift_right_arithmetic3A_472 : vector<16xi32>
          %shift_right_arithmetic3A_474 = arith.constant 17 : i32
          %shift_right_arithmetic3A_475 = vector.broadcast %shift_right_arithmetic3A_474 : i32 to vector<16xi32>
          %shift_right_arithmetic3A_476 = arith.shrsi %get3A_439, %shift_right_arithmetic3A_475 : vector<16xi32>
          %shift_right_arithmetic3A_477 = arith.constant 17 : i32
          %shift_right_arithmetic3A_478 = vector.broadcast %shift_right_arithmetic3A_477 : i32 to vector<16xi32>
          %shift_right_arithmetic3A_479 = arith.shrsi %get3A_449, %shift_right_arithmetic3A_478 : vector<16xi32>
          %shift_right_arithmetic3A_480 = arith.constant 17 : i32
          %shift_right_arithmetic3A_481 = vector.broadcast %shift_right_arithmetic3A_480 : i32 to vector<16xi32>
          %shift_right_arithmetic3A_482 = arith.shrsi %get3A_459, %shift_right_arithmetic3A_481 : vector<16xi32>
          tpu.vector_store_idx %arg4[%shift_right_arithmetic3A_461], %broadcast_in_dim3A_6 {add = true} : memref<16384xi32, #tpu.memory_space<vmem>>[vector<16xi32>], vector<16xi32>,
          tpu.vector_store_idx %arg5[%shift_right_arithmetic3A_464], %broadcast_in_dim3A_6 {add = true} : memref<16384xi32, #tpu.memory_space<vmem>>[vector<16xi32>], vector<16xi32>,
          tpu.vector_store_idx %arg4[%shift_right_arithmetic3A_467], %broadcast_in_dim3A_6 {add = true} : memref<16384xi32, #tpu.memory_space<vmem>>[vector<16xi32>], vector<16xi32>,
          tpu.vector_store_idx %arg5[%shift_right_arithmetic3A_470], %broadcast_in_dim3A_6 {add = true} : memref<16384xi32, #tpu.memory_space<vmem>>[vector<16xi32>], vector<16xi32>,
          tpu.vector_store_idx %arg4[%shift_right_arithmetic3A_473], %broadcast_in_dim3A_6 {add = true} : memref<16384xi32, #tpu.memory_space<vmem>>[vector<16xi32>], vector<16xi32>,
          tpu.vector_store_idx %arg5[%shift_right_arithmetic3A_476], %broadcast_in_dim3A_6 {add = true} : memref<16384xi32, #tpu.memory_space<vmem>>[vector<16xi32>], vector<16xi32>,
          tpu.vector_store_idx %arg4[%shift_right_arithmetic3A_479], %broadcast_in_dim3A_6 {add = true} : memref<16384xi32, #tpu.memory_space<vmem>>[vector<16xi32>], vector<16xi32>,
          tpu.vector_store_idx %arg5[%shift_right_arithmetic3A_482], %broadcast_in_dim3A_6 {add = true} : memref<16384xi32, #tpu.memory_space<vmem>>[vector<16xi32>], vector<16xi32>,
        }
        %scan3A_266 = arith.constant 4 : i32
        %scan3A_267 = arith.constant 0 : i32
        %scan3A_268 = arith.constant 4 : i32
        %scan3A_269 = arith.addi %scan3A_267, %scan3A_268 : i32
        %scan3A_270 = arith.constant 1 : i32
        scf.for %scan3A_376 = %scan3A_267 to %scan3A_269 step %scan3A_270  : i32 {
          %mul3A_377 = arith.constant 128 : i32
          %mul3A_378 = arith.muli %scan3A_376, %mul3A_377 : i32
          %add3A_379 = arith.constant 0 : i32
          %add3A_380 = arith.addi %add3A_379, %mul3A_378 : i32
          %add3A_381 = arith.constant 0 : i32
          %add3A_382 = arith.addi %add3A_380, %add3A_381 : i32
          %get3A = arith.constant 4 : i32
          %get3A_383 = arith.constant 0 : i32
          %get3A_384 = arith.constant 0 : i32
          %get3A_385 = tpu.memref_slice %run_scoped3A[%rem3A_246, %get3A_383, %get3A_384] : memref<2x16x512xi32, #tpu.memory_space<vmem>> -> memref<1x16x512xi32, #tpu.memory_space<vmem>>
          %get3A_386 = tpu.memref_squeeze %get3A_385 : memref<1x16x512xi32, #tpu.memory_space<vmem>> -> memref<16x512xi32, #tpu.memory_space<vmem>>
          %get3A_387 = arith.index_cast %get3A : i32 to index
          %get3A_388 = arith.index_cast %add3A_382 : i32 to index
          %get3A_389 = tpu.vector_load %get3A_386[%get3A_387, %get3A_388] {strides = array<i32>} : memref<16x512xi32, #tpu.memory_space<vmem>>, vector<16xi32>,
          %add3A_390 = arith.constant 16 : i32
          %add3A_391 = arith.addi %add3A_380, %add3A_390 : i32
          %get3A_392 = arith.constant 4 : i32
          %get3A_393 = arith.constant 0 : i32
          %get3A_394 = arith.constant 0 : i32
          %get3A_395 = tpu.memref_slice %run_scoped3A[%rem3A_246, %get3A_393, %get3A_394] : memref<2x16x512xi32, #tpu.memory_space<vmem>> -> memref<1x16x512xi32, #tpu.memory_space<vmem>>
          %get3A_396 = tpu.memref_squeeze %get3A_395 : memref<1x16x512xi32, #tpu.memory_space<vmem>> -> memref<16x512xi32, #tpu.memory_space<vmem>>
          %get3A_397 = arith.index_cast %get3A_392 : i32 to index
          %get3A_398 = arith.index_cast %add3A_391 : i32 to index
          %get3A_399 = tpu.vector_load %get3A_396[%get3A_397, %get3A_398] {strides = array<i32>} : memref<16x512xi32, #tpu.memory_space<vmem>>, vector<16xi32>,
          %add3A_400 = arith.constant 32 : i32
          %add3A_401 = arith.addi %add3A_380, %add3A_400 : i32
          %get3A_402 = arith.constant 4 : i32
          %get3A_403 = arith.constant 0 : i32
          %get3A_404 = arith.constant 0 : i32
          %get3A_405 = tpu.memref_slice %run_scoped3A[%rem3A_246, %get3A_403, %get3A_404] : memref<2x16x512xi32, #tpu.memory_space<vmem>> -> memref<1x16x512xi32, #tpu.memory_space<vmem>>
          %get3A_406 = tpu.memref_squeeze %get3A_405 : memref<1x16x512xi32, #tpu.memory_space<vmem>> -> memref<16x512xi32, #tpu.memory_space<vmem>>
          %get3A_407 = arith.index_cast %get3A_402 : i32 to index
          %get3A_408 = arith.index_cast %add3A_401 : i32 to index
          %get3A_409 = tpu.vector_load %get3A_406[%get3A_407, %get3A_408] {strides = array<i32>} : memref<16x512xi32, #tpu.memory_space<vmem>>, vector<16xi32>,
          %add3A_410 = arith.constant 48 : i32
          %add3A_411 = arith.addi %add3A_380, %add3A_410 : i32
          %get3A_412 = arith.constant 4 : i32
          %get3A_413 = arith.constant 0 : i32
          %get3A_414 = arith.constant 0 : i32
          %get3A_415 = tpu.memref_slice %run_scoped3A[%rem3A_246, %get3A_413, %get3A_414] : memref<2x16x512xi32, #tpu.memory_space<vmem>> -> memref<1x16x512xi32, #tpu.memory_space<vmem>>
          %get3A_416 = tpu.memref_squeeze %get3A_415 : memref<1x16x512xi32, #tpu.memory_space<vmem>> -> memref<16x512xi32, #tpu.memory_space<vmem>>
          %get3A_417 = arith.index_cast %get3A_412 : i32 to index
          %get3A_418 = arith.index_cast %add3A_411 : i32 to index
          %get3A_419 = tpu.vector_load %get3A_416[%get3A_417, %get3A_418] {strides = array<i32>} : memref<16x512xi32, #tpu.memory_space<vmem>>, vector<16xi32>,
          %add3A_420 = arith.constant 64 : i32
          %add3A_421 = arith.addi %add3A_380, %add3A_420 : i32
          %get3A_422 = arith.constant 4 : i32
          %get3A_423 = arith.constant 0 : i32
          %get3A_424 = arith.constant 0 : i32
          %get3A_425 = tpu.memref_slice %run_scoped3A[%rem3A_246, %get3A_423, %get3A_424] : memref<2x16x512xi32, #tpu.memory_space<vmem>> -> memref<1x16x512xi32, #tpu.memory_space<vmem>>
          %get3A_426 = tpu.memref_squeeze %get3A_425 : memref<1x16x512xi32, #tpu.memory_space<vmem>> -> memref<16x512xi32, #tpu.memory_space<vmem>>
          %get3A_427 = arith.index_cast %get3A_422 : i32 to index
          %get3A_428 = arith.index_cast %add3A_421 : i32 to index
          %get3A_429 = tpu.vector_load %get3A_426[%get3A_427, %get3A_428] {strides = array<i32>} : memref<16x512xi32, #tpu.memory_space<vmem>>, vector<16xi32>,
          %add3A_430 = arith.constant 80 : i32
          %add3A_431 = arith.addi %add3A_380, %add3A_430 : i32
          %get3A_432 = arith.constant 4 : i32
          %get3A_433 = arith.constant 0 : i32
          %get3A_434 = arith.constant 0 : i32
          %get3A_435 = tpu.memref_slice %run_scoped3A[%rem3A_246, %get3A_433, %get3A_434] : memref<2x16x512xi32, #tpu.memory_space<vmem>> -> memref<1x16x512xi32, #tpu.memory_space<vmem>>
          %get3A_436 = tpu.memref_squeeze %get3A_435 : memref<1x16x512xi32, #tpu.memory_space<vmem>> -> memref<16x512xi32, #tpu.memory_space<vmem>>
          %get3A_437 = arith.index_cast %get3A_432 : i32 to index
          %get3A_438 = arith.index_cast %add3A_431 : i32 to index
          %get3A_439 = tpu.vector_load %get3A_436[%get3A_437, %get3A_438] {strides = array<i32>} : memref<16x512xi32, #tpu.memory_space<vmem>>, vector<16xi32>,
          %add3A_440 = arith.constant 96 : i32
          %add3A_441 = arith.addi %add3A_380, %add3A_440 : i32
          %get3A_442 = arith.constant 4 : i32
          %get3A_443 = arith.constant 0 : i32
          %get3A_444 = arith.constant 0 : i32
          %get3A_445 = tpu.memref_slice %run_scoped3A[%rem3A_246, %get3A_443, %get3A_444] : memref<2x16x512xi32, #tpu.memory_space<vmem>> -> memref<1x16x512xi32, #tpu.memory_space<vmem>>
          %get3A_446 = tpu.memref_squeeze %get3A_445 : memref<1x16x512xi32, #tpu.memory_space<vmem>> -> memref<16x512xi32, #tpu.memory_space<vmem>>
          %get3A_447 = arith.index_cast %get3A_442 : i32 to index
          %get3A_448 = arith.index_cast %add3A_441 : i32 to index
          %get3A_449 = tpu.vector_load %get3A_446[%get3A_447, %get3A_448] {strides = array<i32>} : memref<16x512xi32, #tpu.memory_space<vmem>>, vector<16xi32>,
          %add3A_450 = arith.constant 112 : i32
          %add3A_451 = arith.addi %add3A_380, %add3A_450 : i32
          %get3A_452 = arith.constant 4 : i32
          %get3A_453 = arith.constant 0 : i32
          %get3A_454 = arith.constant 0 : i32
          %get3A_455 = tpu.memref_slice %run_scoped3A[%rem3A_246, %get3A_453, %get3A_454] : memref<2x16x512xi32, #tpu.memory_space<vmem>> -> memref<1x16x512xi32, #tpu.memory_space<vmem>>
          %get3A_456 = tpu.memref_squeeze %get3A_455 : memref<1x16x512xi32, #tpu.memory_space<vmem>> -> memref<16x512xi32, #tpu.memory_space<vmem>>
          %get3A_457 = arith.index_cast %get3A_452 : i32 to index
          %get3A_458 = arith.index_cast %add3A_451 : i32 to index
          %get3A_459 = tpu.vector_load %get3A_456[%get3A_457, %get3A_458] {strides = array<i32>} : memref<16x512xi32, #tpu.memory_space<vmem>>, vector<16xi32>,
          %shift_right_arithmetic3A = arith.constant 17 : i32
          %shift_right_arithmetic3A_460 = vector.broadcast %shift_right_arithmetic3A : i32 to vector<16xi32>
          %shift_right_arithmetic3A_461 = arith.shrsi %get3A_389, %shift_right_arithmetic3A_460 : vector<16xi32>
          %shift_right_arithmetic3A_462 = arith.constant 17 : i32
          %shift_right_arithmetic3A_463 = vector.broadcast %shift_right_arithmetic3A_462 : i32 to vector<16xi32>
          %shift_right_arithmetic3A_464 = arith.shrsi %get3A_399, %shift_right_arithmetic3A_463 : vector<16xi32>
          %shift_right_arithmetic3A_465 = arith.constant 17 : i32
          %shift_right_arithmetic3A_466 = vector.broadcast %shift_right_arithmetic3A_465 : i32 to vector<16xi32>
          %shift_right_arithmetic3A_467 = arith.shrsi %get3A_409, %shift_right_arithmetic3A_466 : vector<16xi32>
          %shift_right_arithmetic3A_468 = arith.constant 17 : i32
          %shift_right_arithmetic3A_469 = vector.broadcast %shift_right_arithmetic3A_468 : i32 to vector<16xi32>
          %shift_right_arithmetic3A_470 = arith.shrsi %get3A_419, %shift_right_arithmetic3A_469 : vector<16xi32>
          %shift_right_arithmetic3A_471 = arith.constant 17 : i32
          %shift_right_arithmetic3A_472 = vector.broadcast %shift_right_arithmetic3A_471 : i32 to vector<16xi32>
          %shift_right_arithmetic3A_473 = arith.shrsi %get3A_429, %shift_right_arithmetic3A_472 : vector<16xi32>
          %shift_right_arithmetic3A_474 = arith.constant 17 : i32
          %shift_right_arithmetic3A_475 = vector.broadcast %shift_right_arithmetic3A_474 : i32 to vector<16xi32>
          %shift_right_arithmetic3A_476 = arith.shrsi %get3A_439, %shift_right_arithmetic3A_475 : vector<16xi32>
          %shift_right_arithmetic3A_477 = arith.constant 17 : i32
          %shift_right_arithmetic3A_478 = vector.broadcast %shift_right_arithmetic3A_477 : i32 to vector<16xi32>
          %shift_right_arithmetic3A_479 = arith.shrsi %get3A_449, %shift_right_arithmetic3A_478 : vector<16xi32>
          %shift_right_arithmetic3A_480 = arith.constant 17 : i32
          %shift_right_arithmetic3A_481 = vector.broadcast %shift_right_arithmetic3A_480 : i32 to vector<16xi32>
          %shift_right_arithmetic3A_482 = arith.shrsi %get3A_459, %shift_right_arithmetic3A_481 : vector<16xi32>
          tpu.vector_store_idx %arg4[%shift_right_arithmetic3A_461], %broadcast_in_dim3A_6 {add = true} : memref<16384xi32, #tpu.memory_space<vmem>>[vector<16xi32>], vector<16xi32>,
          tpu.vector_store_idx %arg5[%shift_right_arithmetic3A_464], %broadcast_in_dim3A_6 {add = true} : memref<16384xi32, #tpu.memory_space<vmem>>[vector<16xi32>], vector<16xi32>,
          tpu.vector_store_idx %arg4[%shift_right_arithmetic3A_467], %broadcast_in_dim3A_6 {add = true} : memref<16384xi32, #tpu.memory_space<vmem>>[vector<16xi32>], vector<16xi32>,
          tpu.vector_store_idx %arg5[%shift_right_arithmetic3A_470], %broadcast_in_dim3A_6 {add = true} : memref<16384xi32, #tpu.memory_space<vmem>>[vector<16xi32>], vector<16xi32>,
          tpu.vector_store_idx %arg4[%shift_right_arithmetic3A_473], %broadcast_in_dim3A_6 {add = true} : memref<16384xi32, #tpu.memory_space<vmem>>[vector<16xi32>], vector<16xi32>,
          tpu.vector_store_idx %arg5[%shift_right_arithmetic3A_476], %broadcast_in_dim3A_6 {add = true} : memref<16384xi32, #tpu.memory_space<vmem>>[vector<16xi32>], vector<16xi32>,
          tpu.vector_store_idx %arg4[%shift_right_arithmetic3A_479], %broadcast_in_dim3A_6 {add = true} : memref<16384xi32, #tpu.memory_space<vmem>>[vector<16xi32>], vector<16xi32>,
          tpu.vector_store_idx %arg5[%shift_right_arithmetic3A_482], %broadcast_in_dim3A_6 {add = true} : memref<16384xi32, #tpu.memory_space<vmem>>[vector<16xi32>], vector<16xi32>,
        }
        %scan3A_271 = arith.constant 4 : i32
        %scan3A_272 = arith.constant 0 : i32
        %scan3A_273 = arith.constant 4 : i32
        %scan3A_274 = arith.addi %scan3A_272, %scan3A_273 : i32
        %scan3A_275 = arith.constant 1 : i32
        scf.for %scan3A_376 = %scan3A_272 to %scan3A_274 step %scan3A_275  : i32 {
          %mul3A_377 = arith.constant 128 : i32
          %mul3A_378 = arith.muli %scan3A_376, %mul3A_377 : i32
          %add3A_379 = arith.constant 0 : i32
          %add3A_380 = arith.addi %add3A_379, %mul3A_378 : i32
          %add3A_381 = arith.constant 0 : i32
          %add3A_382 = arith.addi %add3A_380, %add3A_381 : i32
          %get3A = arith.constant 5 : i32
          %get3A_383 = arith.constant 0 : i32
          %get3A_384 = arith.constant 0 : i32
          %get3A_385 = tpu.memref_slice %run_scoped3A[%rem3A_246, %get3A_383, %get3A_384] : memref<2x16x512xi32, #tpu.memory_space<vmem>> -> memref<1x16x512xi32, #tpu.memory_space<vmem>>
          %get3A_386 = tpu.memref_squeeze %get3A_385 : memref<1x16x512xi32, #tpu.memory_space<vmem>> -> memref<16x512xi32, #tpu.memory_space<vmem>>
          %get3A_387 = arith.index_cast %get3A : i32 to index
          %get3A_388 = arith.index_cast %add3A_382 : i32 to index
          %get3A_389 = tpu.vector_load %get3A_386[%get3A_387, %get3A_388] {strides = array<i32>} : memref<16x512xi32, #tpu.memory_space<vmem>>, vector<16xi32>,
          %add3A_390 = arith.constant 16 : i32
          %add3A_391 = arith.addi %add3A_380, %add3A_390 : i32
          %get3A_392 = arith.constant 5 : i32
          %get3A_393 = arith.constant 0 : i32
          %get3A_394 = arith.constant 0 : i32
          %get3A_395 = tpu.memref_slice %run_scoped3A[%rem3A_246, %get3A_393, %get3A_394] : memref<2x16x512xi32, #tpu.memory_space<vmem>> -> memref<1x16x512xi32, #tpu.memory_space<vmem>>
          %get3A_396 = tpu.memref_squeeze %get3A_395 : memref<1x16x512xi32, #tpu.memory_space<vmem>> -> memref<16x512xi32, #tpu.memory_space<vmem>>
          %get3A_397 = arith.index_cast %get3A_392 : i32 to index
          %get3A_398 = arith.index_cast %add3A_391 : i32 to index
          %get3A_399 = tpu.vector_load %get3A_396[%get3A_397, %get3A_398] {strides = array<i32>} : memref<16x512xi32, #tpu.memory_space<vmem>>, vector<16xi32>,
          %add3A_400 = arith.constant 32 : i32
          %add3A_401 = arith.addi %add3A_380, %add3A_400 : i32
          %get3A_402 = arith.constant 5 : i32
          %get3A_403 = arith.constant 0 : i32
          %get3A_404 = arith.constant 0 : i32
          %get3A_405 = tpu.memref_slice %run_scoped3A[%rem3A_246, %get3A_403, %get3A_404] : memref<2x16x512xi32, #tpu.memory_space<vmem>> -> memref<1x16x512xi32, #tpu.memory_space<vmem>>
          %get3A_406 = tpu.memref_squeeze %get3A_405 : memref<1x16x512xi32, #tpu.memory_space<vmem>> -> memref<16x512xi32, #tpu.memory_space<vmem>>
          %get3A_407 = arith.index_cast %get3A_402 : i32 to index
          %get3A_408 = arith.index_cast %add3A_401 : i32 to index
          %get3A_409 = tpu.vector_load %get3A_406[%get3A_407, %get3A_408] {strides = array<i32>} : memref<16x512xi32, #tpu.memory_space<vmem>>, vector<16xi32>,
          %add3A_410 = arith.constant 48 : i32
          %add3A_411 = arith.addi %add3A_380, %add3A_410 : i32
          %get3A_412 = arith.constant 5 : i32
          %get3A_413 = arith.constant 0 : i32
          %get3A_414 = arith.constant 0 : i32
          %get3A_415 = tpu.memref_slice %run_scoped3A[%rem3A_246, %get3A_413, %get3A_414] : memref<2x16x512xi32, #tpu.memory_space<vmem>> -> memref<1x16x512xi32, #tpu.memory_space<vmem>>
          %get3A_416 = tpu.memref_squeeze %get3A_415 : memref<1x16x512xi32, #tpu.memory_space<vmem>> -> memref<16x512xi32, #tpu.memory_space<vmem>>
          %get3A_417 = arith.index_cast %get3A_412 : i32 to index
          %get3A_418 = arith.index_cast %add3A_411 : i32 to index
          %get3A_419 = tpu.vector_load %get3A_416[%get3A_417, %get3A_418] {strides = array<i32>} : memref<16x512xi32, #tpu.memory_space<vmem>>, vector<16xi32>,
          %add3A_420 = arith.constant 64 : i32
          %add3A_421 = arith.addi %add3A_380, %add3A_420 : i32
          %get3A_422 = arith.constant 5 : i32
          %get3A_423 = arith.constant 0 : i32
          %get3A_424 = arith.constant 0 : i32
          %get3A_425 = tpu.memref_slice %run_scoped3A[%rem3A_246, %get3A_423, %get3A_424] : memref<2x16x512xi32, #tpu.memory_space<vmem>> -> memref<1x16x512xi32, #tpu.memory_space<vmem>>
          %get3A_426 = tpu.memref_squeeze %get3A_425 : memref<1x16x512xi32, #tpu.memory_space<vmem>> -> memref<16x512xi32, #tpu.memory_space<vmem>>
          %get3A_427 = arith.index_cast %get3A_422 : i32 to index
          %get3A_428 = arith.index_cast %add3A_421 : i32 to index
          %get3A_429 = tpu.vector_load %get3A_426[%get3A_427, %get3A_428] {strides = array<i32>} : memref<16x512xi32, #tpu.memory_space<vmem>>, vector<16xi32>,
          %add3A_430 = arith.constant 80 : i32
          %add3A_431 = arith.addi %add3A_380, %add3A_430 : i32
          %get3A_432 = arith.constant 5 : i32
          %get3A_433 = arith.constant 0 : i32
          %get3A_434 = arith.constant 0 : i32
          %get3A_435 = tpu.memref_slice %run_scoped3A[%rem3A_246, %get3A_433, %get3A_434] : memref<2x16x512xi32, #tpu.memory_space<vmem>> -> memref<1x16x512xi32, #tpu.memory_space<vmem>>
          %get3A_436 = tpu.memref_squeeze %get3A_435 : memref<1x16x512xi32, #tpu.memory_space<vmem>> -> memref<16x512xi32, #tpu.memory_space<vmem>>
          %get3A_437 = arith.index_cast %get3A_432 : i32 to index
          %get3A_438 = arith.index_cast %add3A_431 : i32 to index
          %get3A_439 = tpu.vector_load %get3A_436[%get3A_437, %get3A_438] {strides = array<i32>} : memref<16x512xi32, #tpu.memory_space<vmem>>, vector<16xi32>,
          %add3A_440 = arith.constant 96 : i32
          %add3A_441 = arith.addi %add3A_380, %add3A_440 : i32
          %get3A_442 = arith.constant 5 : i32
          %get3A_443 = arith.constant 0 : i32
          %get3A_444 = arith.constant 0 : i32
          %get3A_445 = tpu.memref_slice %run_scoped3A[%rem3A_246, %get3A_443, %get3A_444] : memref<2x16x512xi32, #tpu.memory_space<vmem>> -> memref<1x16x512xi32, #tpu.memory_space<vmem>>
          %get3A_446 = tpu.memref_squeeze %get3A_445 : memref<1x16x512xi32, #tpu.memory_space<vmem>> -> memref<16x512xi32, #tpu.memory_space<vmem>>
          %get3A_447 = arith.index_cast %get3A_442 : i32 to index
          %get3A_448 = arith.index_cast %add3A_441 : i32 to index
          %get3A_449 = tpu.vector_load %get3A_446[%get3A_447, %get3A_448] {strides = array<i32>} : memref<16x512xi32, #tpu.memory_space<vmem>>, vector<16xi32>,
          %add3A_450 = arith.constant 112 : i32
          %add3A_451 = arith.addi %add3A_380, %add3A_450 : i32
          %get3A_452 = arith.constant 5 : i32
          %get3A_453 = arith.constant 0 : i32
          %get3A_454 = arith.constant 0 : i32
          %get3A_455 = tpu.memref_slice %run_scoped3A[%rem3A_246, %get3A_453, %get3A_454] : memref<2x16x512xi32, #tpu.memory_space<vmem>> -> memref<1x16x512xi32, #tpu.memory_space<vmem>>
          %get3A_456 = tpu.memref_squeeze %get3A_455 : memref<1x16x512xi32, #tpu.memory_space<vmem>> -> memref<16x512xi32, #tpu.memory_space<vmem>>
          %get3A_457 = arith.index_cast %get3A_452 : i32 to index
          %get3A_458 = arith.index_cast %add3A_451 : i32 to index
          %get3A_459 = tpu.vector_load %get3A_456[%get3A_457, %get3A_458] {strides = array<i32>} : memref<16x512xi32, #tpu.memory_space<vmem>>, vector<16xi32>,
          %shift_right_arithmetic3A = arith.constant 17 : i32
          %shift_right_arithmetic3A_460 = vector.broadcast %shift_right_arithmetic3A : i32 to vector<16xi32>
          %shift_right_arithmetic3A_461 = arith.shrsi %get3A_389, %shift_right_arithmetic3A_460 : vector<16xi32>
          %shift_right_arithmetic3A_462 = arith.constant 17 : i32
          %shift_right_arithmetic3A_463 = vector.broadcast %shift_right_arithmetic3A_462 : i32 to vector<16xi32>
          %shift_right_arithmetic3A_464 = arith.shrsi %get3A_399, %shift_right_arithmetic3A_463 : vector<16xi32>
          %shift_right_arithmetic3A_465 = arith.constant 17 : i32
          %shift_right_arithmetic3A_466 = vector.broadcast %shift_right_arithmetic3A_465 : i32 to vector<16xi32>
          %shift_right_arithmetic3A_467 = arith.shrsi %get3A_409, %shift_right_arithmetic3A_466 : vector<16xi32>
          %shift_right_arithmetic3A_468 = arith.constant 17 : i32
          %shift_right_arithmetic3A_469 = vector.broadcast %shift_right_arithmetic3A_468 : i32 to vector<16xi32>
          %shift_right_arithmetic3A_470 = arith.shrsi %get3A_419, %shift_right_arithmetic3A_469 : vector<16xi32>
          %shift_right_arithmetic3A_471 = arith.constant 17 : i32
          %shift_right_arithmetic3A_472 = vector.broadcast %shift_right_arithmetic3A_471 : i32 to vector<16xi32>
          %shift_right_arithmetic3A_473 = arith.shrsi %get3A_429, %shift_right_arithmetic3A_472 : vector<16xi32>
          %shift_right_arithmetic3A_474 = arith.constant 17 : i32
          %shift_right_arithmetic3A_475 = vector.broadcast %shift_right_arithmetic3A_474 : i32 to vector<16xi32>
          %shift_right_arithmetic3A_476 = arith.shrsi %get3A_439, %shift_right_arithmetic3A_475 : vector<16xi32>
          %shift_right_arithmetic3A_477 = arith.constant 17 : i32
          %shift_right_arithmetic3A_478 = vector.broadcast %shift_right_arithmetic3A_477 : i32 to vector<16xi32>
          %shift_right_arithmetic3A_479 = arith.shrsi %get3A_449, %shift_right_arithmetic3A_478 : vector<16xi32>
          %shift_right_arithmetic3A_480 = arith.constant 17 : i32
          %shift_right_arithmetic3A_481 = vector.broadcast %shift_right_arithmetic3A_480 : i32 to vector<16xi32>
          %shift_right_arithmetic3A_482 = arith.shrsi %get3A_459, %shift_right_arithmetic3A_481 : vector<16xi32>
          tpu.vector_store_idx %arg4[%shift_right_arithmetic3A_461], %broadcast_in_dim3A_6 {add = true} : memref<16384xi32, #tpu.memory_space<vmem>>[vector<16xi32>], vector<16xi32>,
          tpu.vector_store_idx %arg5[%shift_right_arithmetic3A_464], %broadcast_in_dim3A_6 {add = true} : memref<16384xi32, #tpu.memory_space<vmem>>[vector<16xi32>], vector<16xi32>,
          tpu.vector_store_idx %arg4[%shift_right_arithmetic3A_467], %broadcast_in_dim3A_6 {add = true} : memref<16384xi32, #tpu.memory_space<vmem>>[vector<16xi32>], vector<16xi32>,
          tpu.vector_store_idx %arg5[%shift_right_arithmetic3A_470], %broadcast_in_dim3A_6 {add = true} : memref<16384xi32, #tpu.memory_space<vmem>>[vector<16xi32>], vector<16xi32>,
          tpu.vector_store_idx %arg4[%shift_right_arithmetic3A_473], %broadcast_in_dim3A_6 {add = true} : memref<16384xi32, #tpu.memory_space<vmem>>[vector<16xi32>], vector<16xi32>,
          tpu.vector_store_idx %arg5[%shift_right_arithmetic3A_476], %broadcast_in_dim3A_6 {add = true} : memref<16384xi32, #tpu.memory_space<vmem>>[vector<16xi32>], vector<16xi32>,
          tpu.vector_store_idx %arg4[%shift_right_arithmetic3A_479], %broadcast_in_dim3A_6 {add = true} : memref<16384xi32, #tpu.memory_space<vmem>>[vector<16xi32>], vector<16xi32>,
          tpu.vector_store_idx %arg5[%shift_right_arithmetic3A_482], %broadcast_in_dim3A_6 {add = true} : memref<16384xi32, #tpu.memory_space<vmem>>[vector<16xi32>], vector<16xi32>,
        }
        %scan3A_276 = arith.constant 4 : i32
        %scan3A_277 = arith.constant 0 : i32
        %scan3A_278 = arith.constant 4 : i32
        %scan3A_279 = arith.addi %scan3A_277, %scan3A_278 : i32
        %scan3A_280 = arith.constant 1 : i32
        scf.for %scan3A_376 = %scan3A_277 to %scan3A_279 step %scan3A_280  : i32 {
          %mul3A_377 = arith.constant 128 : i32
          %mul3A_378 = arith.muli %scan3A_376, %mul3A_377 : i32
          %add3A_379 = arith.constant 0 : i32
          %add3A_380 = arith.addi %add3A_379, %mul3A_378 : i32
          %add3A_381 = arith.constant 0 : i32
          %add3A_382 = arith.addi %add3A_380, %add3A_381 : i32
          %get3A = arith.constant 6 : i32
          %get3A_383 = arith.constant 0 : i32
          %get3A_384 = arith.constant 0 : i32
          %get3A_385 = tpu.memref_slice %run_scoped3A[%rem3A_246, %get3A_383, %get3A_384] : memref<2x16x512xi32, #tpu.memory_space<vmem>> -> memref<1x16x512xi32, #tpu.memory_space<vmem>>
          %get3A_386 = tpu.memref_squeeze %get3A_385 : memref<1x16x512xi32, #tpu.memory_space<vmem>> -> memref<16x512xi32, #tpu.memory_space<vmem>>
          %get3A_387 = arith.index_cast %get3A : i32 to index
          %get3A_388 = arith.index_cast %add3A_382 : i32 to index
          %get3A_389 = tpu.vector_load %get3A_386[%get3A_387, %get3A_388] {strides = array<i32>} : memref<16x512xi32, #tpu.memory_space<vmem>>, vector<16xi32>,
          %add3A_390 = arith.constant 16 : i32
          %add3A_391 = arith.addi %add3A_380, %add3A_390 : i32
          %get3A_392 = arith.constant 6 : i32
          %get3A_393 = arith.constant 0 : i32
          %get3A_394 = arith.constant 0 : i32
          %get3A_395 = tpu.memref_slice %run_scoped3A[%rem3A_246, %get3A_393, %get3A_394] : memref<2x16x512xi32, #tpu.memory_space<vmem>> -> memref<1x16x512xi32, #tpu.memory_space<vmem>>
          %get3A_396 = tpu.memref_squeeze %get3A_395 : memref<1x16x512xi32, #tpu.memory_space<vmem>> -> memref<16x512xi32, #tpu.memory_space<vmem>>
          %get3A_397 = arith.index_cast %get3A_392 : i32 to index
          %get3A_398 = arith.index_cast %add3A_391 : i32 to index
          %get3A_399 = tpu.vector_load %get3A_396[%get3A_397, %get3A_398] {strides = array<i32>} : memref<16x512xi32, #tpu.memory_space<vmem>>, vector<16xi32>,
          %add3A_400 = arith.constant 32 : i32
          %add3A_401 = arith.addi %add3A_380, %add3A_400 : i32
          %get3A_402 = arith.constant 6 : i32
          %get3A_403 = arith.constant 0 : i32
          %get3A_404 = arith.constant 0 : i32
          %get3A_405 = tpu.memref_slice %run_scoped3A[%rem3A_246, %get3A_403, %get3A_404] : memref<2x16x512xi32, #tpu.memory_space<vmem>> -> memref<1x16x512xi32, #tpu.memory_space<vmem>>
          %get3A_406 = tpu.memref_squeeze %get3A_405 : memref<1x16x512xi32, #tpu.memory_space<vmem>> -> memref<16x512xi32, #tpu.memory_space<vmem>>
          %get3A_407 = arith.index_cast %get3A_402 : i32 to index
          %get3A_408 = arith.index_cast %add3A_401 : i32 to index
          %get3A_409 = tpu.vector_load %get3A_406[%get3A_407, %get3A_408] {strides = array<i32>} : memref<16x512xi32, #tpu.memory_space<vmem>>, vector<16xi32>,
          %add3A_410 = arith.constant 48 : i32
          %add3A_411 = arith.addi %add3A_380, %add3A_410 : i32
          %get3A_412 = arith.constant 6 : i32
          %get3A_413 = arith.constant 0 : i32
          %get3A_414 = arith.constant 0 : i32
          %get3A_415 = tpu.memref_slice %run_scoped3A[%rem3A_246, %get3A_413, %get3A_414] : memref<2x16x512xi32, #tpu.memory_space<vmem>> -> memref<1x16x512xi32, #tpu.memory_space<vmem>>
          %get3A_416 = tpu.memref_squeeze %get3A_415 : memref<1x16x512xi32, #tpu.memory_space<vmem>> -> memref<16x512xi32, #tpu.memory_space<vmem>>
          %get3A_417 = arith.index_cast %get3A_412 : i32 to index
          %get3A_418 = arith.index_cast %add3A_411 : i32 to index
          %get3A_419 = tpu.vector_load %get3A_416[%get3A_417, %get3A_418] {strides = array<i32>} : memref<16x512xi32, #tpu.memory_space<vmem>>, vector<16xi32>,
          %add3A_420 = arith.constant 64 : i32
          %add3A_421 = arith.addi %add3A_380, %add3A_420 : i32
          %get3A_422 = arith.constant 6 : i32
          %get3A_423 = arith.constant 0 : i32
          %get3A_424 = arith.constant 0 : i32
          %get3A_425 = tpu.memref_slice %run_scoped3A[%rem3A_246, %get3A_423, %get3A_424] : memref<2x16x512xi32, #tpu.memory_space<vmem>> -> memref<1x16x512xi32, #tpu.memory_space<vmem>>
          %get3A_426 = tpu.memref_squeeze %get3A_425 : memref<1x16x512xi32, #tpu.memory_space<vmem>> -> memref<16x512xi32, #tpu.memory_space<vmem>>
          %get3A_427 = arith.index_cast %get3A_422 : i32 to index
          %get3A_428 = arith.index_cast %add3A_421 : i32 to index
          %get3A_429 = tpu.vector_load %get3A_426[%get3A_427, %get3A_428] {strides = array<i32>} : memref<16x512xi32, #tpu.memory_space<vmem>>, vector<16xi32>,
          %add3A_430 = arith.constant 80 : i32
          %add3A_431 = arith.addi %add3A_380, %add3A_430 : i32
          %get3A_432 = arith.constant 6 : i32
          %get3A_433 = arith.constant 0 : i32
          %get3A_434 = arith.constant 0 : i32
          %get3A_435 = tpu.memref_slice %run_scoped3A[%rem3A_246, %get3A_433, %get3A_434] : memref<2x16x512xi32, #tpu.memory_space<vmem>> -> memref<1x16x512xi32, #tpu.memory_space<vmem>>
          %get3A_436 = tpu.memref_squeeze %get3A_435 : memref<1x16x512xi32, #tpu.memory_space<vmem>> -> memref<16x512xi32, #tpu.memory_space<vmem>>
          %get3A_437 = arith.index_cast %get3A_432 : i32 to index
          %get3A_438 = arith.index_cast %add3A_431 : i32 to index
          %get3A_439 = tpu.vector_load %get3A_436[%get3A_437, %get3A_438] {strides = array<i32>} : memref<16x512xi32, #tpu.memory_space<vmem>>, vector<16xi32>,
          %add3A_440 = arith.constant 96 : i32
          %add3A_441 = arith.addi %add3A_380, %add3A_440 : i32
          %get3A_442 = arith.constant 6 : i32
          %get3A_443 = arith.constant 0 : i32
          %get3A_444 = arith.constant 0 : i32
          %get3A_445 = tpu.memref_slice %run_scoped3A[%rem3A_246, %get3A_443, %get3A_444] : memref<2x16x512xi32, #tpu.memory_space<vmem>> -> memref<1x16x512xi32, #tpu.memory_space<vmem>>
          %get3A_446 = tpu.memref_squeeze %get3A_445 : memref<1x16x512xi32, #tpu.memory_space<vmem>> -> memref<16x512xi32, #tpu.memory_space<vmem>>
          %get3A_447 = arith.index_cast %get3A_442 : i32 to index
          %get3A_448 = arith.index_cast %add3A_441 : i32 to index
          %get3A_449 = tpu.vector_load %get3A_446[%get3A_447, %get3A_448] {strides = array<i32>} : memref<16x512xi32, #tpu.memory_space<vmem>>, vector<16xi32>,
          %add3A_450 = arith.constant 112 : i32
          %add3A_451 = arith.addi %add3A_380, %add3A_450 : i32
          %get3A_452 = arith.constant 6 : i32
          %get3A_453 = arith.constant 0 : i32
          %get3A_454 = arith.constant 0 : i32
          %get3A_455 = tpu.memref_slice %run_scoped3A[%rem3A_246, %get3A_453, %get3A_454] : memref<2x16x512xi32, #tpu.memory_space<vmem>> -> memref<1x16x512xi32, #tpu.memory_space<vmem>>
          %get3A_456 = tpu.memref_squeeze %get3A_455 : memref<1x16x512xi32, #tpu.memory_space<vmem>> -> memref<16x512xi32, #tpu.memory_space<vmem>>
          %get3A_457 = arith.index_cast %get3A_452 : i32 to index
          %get3A_458 = arith.index_cast %add3A_451 : i32 to index
          %get3A_459 = tpu.vector_load %get3A_456[%get3A_457, %get3A_458] {strides = array<i32>} : memref<16x512xi32, #tpu.memory_space<vmem>>, vector<16xi32>,
          %shift_right_arithmetic3A = arith.constant 17 : i32
          %shift_right_arithmetic3A_460 = vector.broadcast %shift_right_arithmetic3A : i32 to vector<16xi32>
          %shift_right_arithmetic3A_461 = arith.shrsi %get3A_389, %shift_right_arithmetic3A_460 : vector<16xi32>
          %shift_right_arithmetic3A_462 = arith.constant 17 : i32
          %shift_right_arithmetic3A_463 = vector.broadcast %shift_right_arithmetic3A_462 : i32 to vector<16xi32>
          %shift_right_arithmetic3A_464 = arith.shrsi %get3A_399, %shift_right_arithmetic3A_463 : vector<16xi32>
          %shift_right_arithmetic3A_465 = arith.constant 17 : i32
          %shift_right_arithmetic3A_466 = vector.broadcast %shift_right_arithmetic3A_465 : i32 to vector<16xi32>
          %shift_right_arithmetic3A_467 = arith.shrsi %get3A_409, %shift_right_arithmetic3A_466 : vector<16xi32>
          %shift_right_arithmetic3A_468 = arith.constant 17 : i32
          %shift_right_arithmetic3A_469 = vector.broadcast %shift_right_arithmetic3A_468 : i32 to vector<16xi32>
          %shift_right_arithmetic3A_470 = arith.shrsi %get3A_419, %shift_right_arithmetic3A_469 : vector<16xi32>
          %shift_right_arithmetic3A_471 = arith.constant 17 : i32
          %shift_right_arithmetic3A_472 = vector.broadcast %shift_right_arithmetic3A_471 : i32 to vector<16xi32>
          %shift_right_arithmetic3A_473 = arith.shrsi %get3A_429, %shift_right_arithmetic3A_472 : vector<16xi32>
          %shift_right_arithmetic3A_474 = arith.constant 17 : i32
          %shift_right_arithmetic3A_475 = vector.broadcast %shift_right_arithmetic3A_474 : i32 to vector<16xi32>
          %shift_right_arithmetic3A_476 = arith.shrsi %get3A_439, %shift_right_arithmetic3A_475 : vector<16xi32>
          %shift_right_arithmetic3A_477 = arith.constant 17 : i32
          %shift_right_arithmetic3A_478 = vector.broadcast %shift_right_arithmetic3A_477 : i32 to vector<16xi32>
          %shift_right_arithmetic3A_479 = arith.shrsi %get3A_449, %shift_right_arithmetic3A_478 : vector<16xi32>
          %shift_right_arithmetic3A_480 = arith.constant 17 : i32
          %shift_right_arithmetic3A_481 = vector.broadcast %shift_right_arithmetic3A_480 : i32 to vector<16xi32>
          %shift_right_arithmetic3A_482 = arith.shrsi %get3A_459, %shift_right_arithmetic3A_481 : vector<16xi32>
          tpu.vector_store_idx %arg4[%shift_right_arithmetic3A_461], %broadcast_in_dim3A_6 {add = true} : memref<16384xi32, #tpu.memory_space<vmem>>[vector<16xi32>], vector<16xi32>,
          tpu.vector_store_idx %arg5[%shift_right_arithmetic3A_464], %broadcast_in_dim3A_6 {add = true} : memref<16384xi32, #tpu.memory_space<vmem>>[vector<16xi32>], vector<16xi32>,
          tpu.vector_store_idx %arg4[%shift_right_arithmetic3A_467], %broadcast_in_dim3A_6 {add = true} : memref<16384xi32, #tpu.memory_space<vmem>>[vector<16xi32>], vector<16xi32>,
          tpu.vector_store_idx %arg5[%shift_right_arithmetic3A_470], %broadcast_in_dim3A_6 {add = true} : memref<16384xi32, #tpu.memory_space<vmem>>[vector<16xi32>], vector<16xi32>,
          tpu.vector_store_idx %arg4[%shift_right_arithmetic3A_473], %broadcast_in_dim3A_6 {add = true} : memref<16384xi32, #tpu.memory_space<vmem>>[vector<16xi32>], vector<16xi32>,
          tpu.vector_store_idx %arg5[%shift_right_arithmetic3A_476], %broadcast_in_dim3A_6 {add = true} : memref<16384xi32, #tpu.memory_space<vmem>>[vector<16xi32>], vector<16xi32>,
          tpu.vector_store_idx %arg4[%shift_right_arithmetic3A_479], %broadcast_in_dim3A_6 {add = true} : memref<16384xi32, #tpu.memory_space<vmem>>[vector<16xi32>], vector<16xi32>,
          tpu.vector_store_idx %arg5[%shift_right_arithmetic3A_482], %broadcast_in_dim3A_6 {add = true} : memref<16384xi32, #tpu.memory_space<vmem>>[vector<16xi32>], vector<16xi32>,
        }
        %scan3A_281 = arith.constant 4 : i32
        %scan3A_282 = arith.constant 0 : i32
        %scan3A_283 = arith.constant 4 : i32
        %scan3A_284 = arith.addi %scan3A_282, %scan3A_283 : i32
        %scan3A_285 = arith.constant 1 : i32
        scf.for %scan3A_376 = %scan3A_282 to %scan3A_284 step %scan3A_285  : i32 {
          %mul3A_377 = arith.constant 128 : i32
          %mul3A_378 = arith.muli %scan3A_376, %mul3A_377 : i32
          %add3A_379 = arith.constant 0 : i32
          %add3A_380 = arith.addi %add3A_379, %mul3A_378 : i32
          %add3A_381 = arith.constant 0 : i32
          %add3A_382 = arith.addi %add3A_380, %add3A_381 : i32
          %get3A = arith.constant 7 : i32
          %get3A_383 = arith.constant 0 : i32
          %get3A_384 = arith.constant 0 : i32
          %get3A_385 = tpu.memref_slice %run_scoped3A[%rem3A_246, %get3A_383, %get3A_384] : memref<2x16x512xi32, #tpu.memory_space<vmem>> -> memref<1x16x512xi32, #tpu.memory_space<vmem>>
          %get3A_386 = tpu.memref_squeeze %get3A_385 : memref<1x16x512xi32, #tpu.memory_space<vmem>> -> memref<16x512xi32, #tpu.memory_space<vmem>>
          %get3A_387 = arith.index_cast %get3A : i32 to index
          %get3A_388 = arith.index_cast %add3A_382 : i32 to index
          %get3A_389 = tpu.vector_load %get3A_386[%get3A_387, %get3A_388] {strides = array<i32>} : memref<16x512xi32, #tpu.memory_space<vmem>>, vector<16xi32>,
          %add3A_390 = arith.constant 16 : i32
          %add3A_391 = arith.addi %add3A_380, %add3A_390 : i32
          %get3A_392 = arith.constant 7 : i32
          %get3A_393 = arith.constant 0 : i32
          %get3A_394 = arith.constant 0 : i32
          %get3A_395 = tpu.memref_slice %run_scoped3A[%rem3A_246, %get3A_393, %get3A_394] : memref<2x16x512xi32, #tpu.memory_space<vmem>> -> memref<1x16x512xi32, #tpu.memory_space<vmem>>
          %get3A_396 = tpu.memref_squeeze %get3A_395 : memref<1x16x512xi32, #tpu.memory_space<vmem>> -> memref<16x512xi32, #tpu.memory_space<vmem>>
          %get3A_397 = arith.index_cast %get3A_392 : i32 to index
          %get3A_398 = arith.index_cast %add3A_391 : i32 to index
          %get3A_399 = tpu.vector_load %get3A_396[%get3A_397, %get3A_398] {strides = array<i32>} : memref<16x512xi32, #tpu.memory_space<vmem>>, vector<16xi32>,
          %add3A_400 = arith.constant 32 : i32
          %add3A_401 = arith.addi %add3A_380, %add3A_400 : i32
          %get3A_402 = arith.constant 7 : i32
          %get3A_403 = arith.constant 0 : i32
          %get3A_404 = arith.constant 0 : i32
          %get3A_405 = tpu.memref_slice %run_scoped3A[%rem3A_246, %get3A_403, %get3A_404] : memref<2x16x512xi32, #tpu.memory_space<vmem>> -> memref<1x16x512xi32, #tpu.memory_space<vmem>>
          %get3A_406 = tpu.memref_squeeze %get3A_405 : memref<1x16x512xi32, #tpu.memory_space<vmem>> -> memref<16x512xi32, #tpu.memory_space<vmem>>
          %get3A_407 = arith.index_cast %get3A_402 : i32 to index
          %get3A_408 = arith.index_cast %add3A_401 : i32 to index
          %get3A_409 = tpu.vector_load %get3A_406[%get3A_407, %get3A_408] {strides = array<i32>} : memref<16x512xi32, #tpu.memory_space<vmem>>, vector<16xi32>,
          %add3A_410 = arith.constant 48 : i32
          %add3A_411 = arith.addi %add3A_380, %add3A_410 : i32
          %get3A_412 = arith.constant 7 : i32
          %get3A_413 = arith.constant 0 : i32
          %get3A_414 = arith.constant 0 : i32
          %get3A_415 = tpu.memref_slice %run_scoped3A[%rem3A_246, %get3A_413, %get3A_414] : memref<2x16x512xi32, #tpu.memory_space<vmem>> -> memref<1x16x512xi32, #tpu.memory_space<vmem>>
          %get3A_416 = tpu.memref_squeeze %get3A_415 : memref<1x16x512xi32, #tpu.memory_space<vmem>> -> memref<16x512xi32, #tpu.memory_space<vmem>>
          %get3A_417 = arith.index_cast %get3A_412 : i32 to index
          %get3A_418 = arith.index_cast %add3A_411 : i32 to index
          %get3A_419 = tpu.vector_load %get3A_416[%get3A_417, %get3A_418] {strides = array<i32>} : memref<16x512xi32, #tpu.memory_space<vmem>>, vector<16xi32>,
          %add3A_420 = arith.constant 64 : i32
          %add3A_421 = arith.addi %add3A_380, %add3A_420 : i32
          %get3A_422 = arith.constant 7 : i32
          %get3A_423 = arith.constant 0 : i32
          %get3A_424 = arith.constant 0 : i32
          %get3A_425 = tpu.memref_slice %run_scoped3A[%rem3A_246, %get3A_423, %get3A_424] : memref<2x16x512xi32, #tpu.memory_space<vmem>> -> memref<1x16x512xi32, #tpu.memory_space<vmem>>
          %get3A_426 = tpu.memref_squeeze %get3A_425 : memref<1x16x512xi32, #tpu.memory_space<vmem>> -> memref<16x512xi32, #tpu.memory_space<vmem>>
          %get3A_427 = arith.index_cast %get3A_422 : i32 to index
          %get3A_428 = arith.index_cast %add3A_421 : i32 to index
          %get3A_429 = tpu.vector_load %get3A_426[%get3A_427, %get3A_428] {strides = array<i32>} : memref<16x512xi32, #tpu.memory_space<vmem>>, vector<16xi32>,
          %add3A_430 = arith.constant 80 : i32
          %add3A_431 = arith.addi %add3A_380, %add3A_430 : i32
          %get3A_432 = arith.constant 7 : i32
          %get3A_433 = arith.constant 0 : i32
          %get3A_434 = arith.constant 0 : i32
          %get3A_435 = tpu.memref_slice %run_scoped3A[%rem3A_246, %get3A_433, %get3A_434] : memref<2x16x512xi32, #tpu.memory_space<vmem>> -> memref<1x16x512xi32, #tpu.memory_space<vmem>>
          %get3A_436 = tpu.memref_squeeze %get3A_435 : memref<1x16x512xi32, #tpu.memory_space<vmem>> -> memref<16x512xi32, #tpu.memory_space<vmem>>
          %get3A_437 = arith.index_cast %get3A_432 : i32 to index
          %get3A_438 = arith.index_cast %add3A_431 : i32 to index
          %get3A_439 = tpu.vector_load %get3A_436[%get3A_437, %get3A_438] {strides = array<i32>} : memref<16x512xi32, #tpu.memory_space<vmem>>, vector<16xi32>,
          %add3A_440 = arith.constant 96 : i32
          %add3A_441 = arith.addi %add3A_380, %add3A_440 : i32
          %get3A_442 = arith.constant 7 : i32
          %get3A_443 = arith.constant 0 : i32
          %get3A_444 = arith.constant 0 : i32
          %get3A_445 = tpu.memref_slice %run_scoped3A[%rem3A_246, %get3A_443, %get3A_444] : memref<2x16x512xi32, #tpu.memory_space<vmem>> -> memref<1x16x512xi32, #tpu.memory_space<vmem>>
          %get3A_446 = tpu.memref_squeeze %get3A_445 : memref<1x16x512xi32, #tpu.memory_space<vmem>> -> memref<16x512xi32, #tpu.memory_space<vmem>>
          %get3A_447 = arith.index_cast %get3A_442 : i32 to index
          %get3A_448 = arith.index_cast %add3A_441 : i32 to index
          %get3A_449 = tpu.vector_load %get3A_446[%get3A_447, %get3A_448] {strides = array<i32>} : memref<16x512xi32, #tpu.memory_space<vmem>>, vector<16xi32>,
          %add3A_450 = arith.constant 112 : i32
          %add3A_451 = arith.addi %add3A_380, %add3A_450 : i32
          %get3A_452 = arith.constant 7 : i32
          %get3A_453 = arith.constant 0 : i32
          %get3A_454 = arith.constant 0 : i32
          %get3A_455 = tpu.memref_slice %run_scoped3A[%rem3A_246, %get3A_453, %get3A_454] : memref<2x16x512xi32, #tpu.memory_space<vmem>> -> memref<1x16x512xi32, #tpu.memory_space<vmem>>
          %get3A_456 = tpu.memref_squeeze %get3A_455 : memref<1x16x512xi32, #tpu.memory_space<vmem>> -> memref<16x512xi32, #tpu.memory_space<vmem>>
          %get3A_457 = arith.index_cast %get3A_452 : i32 to index
          %get3A_458 = arith.index_cast %add3A_451 : i32 to index
          %get3A_459 = tpu.vector_load %get3A_456[%get3A_457, %get3A_458] {strides = array<i32>} : memref<16x512xi32, #tpu.memory_space<vmem>>, vector<16xi32>,
          %shift_right_arithmetic3A = arith.constant 17 : i32
          %shift_right_arithmetic3A_460 = vector.broadcast %shift_right_arithmetic3A : i32 to vector<16xi32>
          %shift_right_arithmetic3A_461 = arith.shrsi %get3A_389, %shift_right_arithmetic3A_460 : vector<16xi32>
          %shift_right_arithmetic3A_462 = arith.constant 17 : i32
          %shift_right_arithmetic3A_463 = vector.broadcast %shift_right_arithmetic3A_462 : i32 to vector<16xi32>
          %shift_right_arithmetic3A_464 = arith.shrsi %get3A_399, %shift_right_arithmetic3A_463 : vector<16xi32>
          %shift_right_arithmetic3A_465 = arith.constant 17 : i32
          %shift_right_arithmetic3A_466 = vector.broadcast %shift_right_arithmetic3A_465 : i32 to vector<16xi32>
          %shift_right_arithmetic3A_467 = arith.shrsi %get3A_409, %shift_right_arithmetic3A_466 : vector<16xi32>
          %shift_right_arithmetic3A_468 = arith.constant 17 : i32
          %shift_right_arithmetic3A_469 = vector.broadcast %shift_right_arithmetic3A_468 : i32 to vector<16xi32>
          %shift_right_arithmetic3A_470 = arith.shrsi %get3A_419, %shift_right_arithmetic3A_469 : vector<16xi32>
          %shift_right_arithmetic3A_471 = arith.constant 17 : i32
          %shift_right_arithmetic3A_472 = vector.broadcast %shift_right_arithmetic3A_471 : i32 to vector<16xi32>
          %shift_right_arithmetic3A_473 = arith.shrsi %get3A_429, %shift_right_arithmetic3A_472 : vector<16xi32>
          %shift_right_arithmetic3A_474 = arith.constant 17 : i32
          %shift_right_arithmetic3A_475 = vector.broadcast %shift_right_arithmetic3A_474 : i32 to vector<16xi32>
          %shift_right_arithmetic3A_476 = arith.shrsi %get3A_439, %shift_right_arithmetic3A_475 : vector<16xi32>
          %shift_right_arithmetic3A_477 = arith.constant 17 : i32
          %shift_right_arithmetic3A_478 = vector.broadcast %shift_right_arithmetic3A_477 : i32 to vector<16xi32>
          %shift_right_arithmetic3A_479 = arith.shrsi %get3A_449, %shift_right_arithmetic3A_478 : vector<16xi32>
          %shift_right_arithmetic3A_480 = arith.constant 17 : i32
          %shift_right_arithmetic3A_481 = vector.broadcast %shift_right_arithmetic3A_480 : i32 to vector<16xi32>
          %shift_right_arithmetic3A_482 = arith.shrsi %get3A_459, %shift_right_arithmetic3A_481 : vector<16xi32>
          tpu.vector_store_idx %arg4[%shift_right_arithmetic3A_461], %broadcast_in_dim3A_6 {add = true} : memref<16384xi32, #tpu.memory_space<vmem>>[vector<16xi32>], vector<16xi32>,
          tpu.vector_store_idx %arg5[%shift_right_arithmetic3A_464], %broadcast_in_dim3A_6 {add = true} : memref<16384xi32, #tpu.memory_space<vmem>>[vector<16xi32>], vector<16xi32>,
          tpu.vector_store_idx %arg4[%shift_right_arithmetic3A_467], %broadcast_in_dim3A_6 {add = true} : memref<16384xi32, #tpu.memory_space<vmem>>[vector<16xi32>], vector<16xi32>,
          tpu.vector_store_idx %arg5[%shift_right_arithmetic3A_470], %broadcast_in_dim3A_6 {add = true} : memref<16384xi32, #tpu.memory_space<vmem>>[vector<16xi32>], vector<16xi32>,
          tpu.vector_store_idx %arg4[%shift_right_arithmetic3A_473], %broadcast_in_dim3A_6 {add = true} : memref<16384xi32, #tpu.memory_space<vmem>>[vector<16xi32>], vector<16xi32>,
          tpu.vector_store_idx %arg5[%shift_right_arithmetic3A_476], %broadcast_in_dim3A_6 {add = true} : memref<16384xi32, #tpu.memory_space<vmem>>[vector<16xi32>], vector<16xi32>,
          tpu.vector_store_idx %arg4[%shift_right_arithmetic3A_479], %broadcast_in_dim3A_6 {add = true} : memref<16384xi32, #tpu.memory_space<vmem>>[vector<16xi32>], vector<16xi32>,
          tpu.vector_store_idx %arg5[%shift_right_arithmetic3A_482], %broadcast_in_dim3A_6 {add = true} : memref<16384xi32, #tpu.memory_space<vmem>>[vector<16xi32>], vector<16xi32>,
        }
        %scan3A_286 = arith.constant 4 : i32
        %scan3A_287 = arith.constant 0 : i32
        %scan3A_288 = arith.constant 4 : i32
        %scan3A_289 = arith.addi %scan3A_287, %scan3A_288 : i32
        %scan3A_290 = arith.constant 1 : i32
        scf.for %scan3A_376 = %scan3A_287 to %scan3A_289 step %scan3A_290  : i32 {
          %mul3A_377 = arith.constant 128 : i32
          %mul3A_378 = arith.muli %scan3A_376, %mul3A_377 : i32
          %add3A_379 = arith.constant 0 : i32
          %add3A_380 = arith.addi %add3A_379, %mul3A_378 : i32
          %add3A_381 = arith.constant 0 : i32
          %add3A_382 = arith.addi %add3A_380, %add3A_381 : i32
          %get3A = arith.constant 8 : i32
          %get3A_383 = arith.constant 0 : i32
          %get3A_384 = arith.constant 0 : i32
          %get3A_385 = tpu.memref_slice %run_scoped3A[%rem3A_246, %get3A_383, %get3A_384] : memref<2x16x512xi32, #tpu.memory_space<vmem>> -> memref<1x16x512xi32, #tpu.memory_space<vmem>>
          %get3A_386 = tpu.memref_squeeze %get3A_385 : memref<1x16x512xi32, #tpu.memory_space<vmem>> -> memref<16x512xi32, #tpu.memory_space<vmem>>
          %get3A_387 = arith.index_cast %get3A : i32 to index
          %get3A_388 = arith.index_cast %add3A_382 : i32 to index
          %get3A_389 = tpu.vector_load %get3A_386[%get3A_387, %get3A_388] {strides = array<i32>} : memref<16x512xi32, #tpu.memory_space<vmem>>, vector<16xi32>,
          %add3A_390 = arith.constant 16 : i32
          %add3A_391 = arith.addi %add3A_380, %add3A_390 : i32
          %get3A_392 = arith.constant 8 : i32
          %get3A_393 = arith.constant 0 : i32
          %get3A_394 = arith.constant 0 : i32
          %get3A_395 = tpu.memref_slice %run_scoped3A[%rem3A_246, %get3A_393, %get3A_394] : memref<2x16x512xi32, #tpu.memory_space<vmem>> -> memref<1x16x512xi32, #tpu.memory_space<vmem>>
          %get3A_396 = tpu.memref_squeeze %get3A_395 : memref<1x16x512xi32, #tpu.memory_space<vmem>> -> memref<16x512xi32, #tpu.memory_space<vmem>>
          %get3A_397 = arith.index_cast %get3A_392 : i32 to index
          %get3A_398 = arith.index_cast %add3A_391 : i32 to index
          %get3A_399 = tpu.vector_load %get3A_396[%get3A_397, %get3A_398] {strides = array<i32>} : memref<16x512xi32, #tpu.memory_space<vmem>>, vector<16xi32>,
          %add3A_400 = arith.constant 32 : i32
          %add3A_401 = arith.addi %add3A_380, %add3A_400 : i32
          %get3A_402 = arith.constant 8 : i32
          %get3A_403 = arith.constant 0 : i32
          %get3A_404 = arith.constant 0 : i32
          %get3A_405 = tpu.memref_slice %run_scoped3A[%rem3A_246, %get3A_403, %get3A_404] : memref<2x16x512xi32, #tpu.memory_space<vmem>> -> memref<1x16x512xi32, #tpu.memory_space<vmem>>
          %get3A_406 = tpu.memref_squeeze %get3A_405 : memref<1x16x512xi32, #tpu.memory_space<vmem>> -> memref<16x512xi32, #tpu.memory_space<vmem>>
          %get3A_407 = arith.index_cast %get3A_402 : i32 to index
          %get3A_408 = arith.index_cast %add3A_401 : i32 to index
          %get3A_409 = tpu.vector_load %get3A_406[%get3A_407, %get3A_408] {strides = array<i32>} : memref<16x512xi32, #tpu.memory_space<vmem>>, vector<16xi32>,
          %add3A_410 = arith.constant 48 : i32
          %add3A_411 = arith.addi %add3A_380, %add3A_410 : i32
          %get3A_412 = arith.constant 8 : i32
          %get3A_413 = arith.constant 0 : i32
          %get3A_414 = arith.constant 0 : i32
          %get3A_415 = tpu.memref_slice %run_scoped3A[%rem3A_246, %get3A_413, %get3A_414] : memref<2x16x512xi32, #tpu.memory_space<vmem>> -> memref<1x16x512xi32, #tpu.memory_space<vmem>>
          %get3A_416 = tpu.memref_squeeze %get3A_415 : memref<1x16x512xi32, #tpu.memory_space<vmem>> -> memref<16x512xi32, #tpu.memory_space<vmem>>
          %get3A_417 = arith.index_cast %get3A_412 : i32 to index
          %get3A_418 = arith.index_cast %add3A_411 : i32 to index
          %get3A_419 = tpu.vector_load %get3A_416[%get3A_417, %get3A_418] {strides = array<i32>} : memref<16x512xi32, #tpu.memory_space<vmem>>, vector<16xi32>,
          %add3A_420 = arith.constant 64 : i32
          %add3A_421 = arith.addi %add3A_380, %add3A_420 : i32
          %get3A_422 = arith.constant 8 : i32
          %get3A_423 = arith.constant 0 : i32
          %get3A_424 = arith.constant 0 : i32
          %get3A_425 = tpu.memref_slice %run_scoped3A[%rem3A_246, %get3A_423, %get3A_424] : memref<2x16x512xi32, #tpu.memory_space<vmem>> -> memref<1x16x512xi32, #tpu.memory_space<vmem>>
          %get3A_426 = tpu.memref_squeeze %get3A_425 : memref<1x16x512xi32, #tpu.memory_space<vmem>> -> memref<16x512xi32, #tpu.memory_space<vmem>>
          %get3A_427 = arith.index_cast %get3A_422 : i32 to index
          %get3A_428 = arith.index_cast %add3A_421 : i32 to index
          %get3A_429 = tpu.vector_load %get3A_426[%get3A_427, %get3A_428] {strides = array<i32>} : memref<16x512xi32, #tpu.memory_space<vmem>>, vector<16xi32>,
          %add3A_430 = arith.constant 80 : i32
          %add3A_431 = arith.addi %add3A_380, %add3A_430 : i32
          %get3A_432 = arith.constant 8 : i32
          %get3A_433 = arith.constant 0 : i32
          %get3A_434 = arith.constant 0 : i32
          %get3A_435 = tpu.memref_slice %run_scoped3A[%rem3A_246, %get3A_433, %get3A_434] : memref<2x16x512xi32, #tpu.memory_space<vmem>> -> memref<1x16x512xi32, #tpu.memory_space<vmem>>
          %get3A_436 = tpu.memref_squeeze %get3A_435 : memref<1x16x512xi32, #tpu.memory_space<vmem>> -> memref<16x512xi32, #tpu.memory_space<vmem>>
          %get3A_437 = arith.index_cast %get3A_432 : i32 to index
          %get3A_438 = arith.index_cast %add3A_431 : i32 to index
          %get3A_439 = tpu.vector_load %get3A_436[%get3A_437, %get3A_438] {strides = array<i32>} : memref<16x512xi32, #tpu.memory_space<vmem>>, vector<16xi32>,
          %add3A_440 = arith.constant 96 : i32
          %add3A_441 = arith.addi %add3A_380, %add3A_440 : i32
          %get3A_442 = arith.constant 8 : i32
          %get3A_443 = arith.constant 0 : i32
          %get3A_444 = arith.constant 0 : i32
          %get3A_445 = tpu.memref_slice %run_scoped3A[%rem3A_246, %get3A_443, %get3A_444] : memref<2x16x512xi32, #tpu.memory_space<vmem>> -> memref<1x16x512xi32, #tpu.memory_space<vmem>>
          %get3A_446 = tpu.memref_squeeze %get3A_445 : memref<1x16x512xi32, #tpu.memory_space<vmem>> -> memref<16x512xi32, #tpu.memory_space<vmem>>
          %get3A_447 = arith.index_cast %get3A_442 : i32 to index
          %get3A_448 = arith.index_cast %add3A_441 : i32 to index
          %get3A_449 = tpu.vector_load %get3A_446[%get3A_447, %get3A_448] {strides = array<i32>} : memref<16x512xi32, #tpu.memory_space<vmem>>, vector<16xi32>,
          %add3A_450 = arith.constant 112 : i32
          %add3A_451 = arith.addi %add3A_380, %add3A_450 : i32
          %get3A_452 = arith.constant 8 : i32
          %get3A_453 = arith.constant 0 : i32
          %get3A_454 = arith.constant 0 : i32
          %get3A_455 = tpu.memref_slice %run_scoped3A[%rem3A_246, %get3A_453, %get3A_454] : memref<2x16x512xi32, #tpu.memory_space<vmem>> -> memref<1x16x512xi32, #tpu.memory_space<vmem>>
          %get3A_456 = tpu.memref_squeeze %get3A_455 : memref<1x16x512xi32, #tpu.memory_space<vmem>> -> memref<16x512xi32, #tpu.memory_space<vmem>>
          %get3A_457 = arith.index_cast %get3A_452 : i32 to index
          %get3A_458 = arith.index_cast %add3A_451 : i32 to index
          %get3A_459 = tpu.vector_load %get3A_456[%get3A_457, %get3A_458] {strides = array<i32>} : memref<16x512xi32, #tpu.memory_space<vmem>>, vector<16xi32>,
          %shift_right_arithmetic3A = arith.constant 17 : i32
          %shift_right_arithmetic3A_460 = vector.broadcast %shift_right_arithmetic3A : i32 to vector<16xi32>
          %shift_right_arithmetic3A_461 = arith.shrsi %get3A_389, %shift_right_arithmetic3A_460 : vector<16xi32>
          %shift_right_arithmetic3A_462 = arith.constant 17 : i32
          %shift_right_arithmetic3A_463 = vector.broadcast %shift_right_arithmetic3A_462 : i32 to vector<16xi32>
          %shift_right_arithmetic3A_464 = arith.shrsi %get3A_399, %shift_right_arithmetic3A_463 : vector<16xi32>
          %shift_right_arithmetic3A_465 = arith.constant 17 : i32
          %shift_right_arithmetic3A_466 = vector.broadcast %shift_right_arithmetic3A_465 : i32 to vector<16xi32>
          %shift_right_arithmetic3A_467 = arith.shrsi %get3A_409, %shift_right_arithmetic3A_466 : vector<16xi32>
          %shift_right_arithmetic3A_468 = arith.constant 17 : i32
          %shift_right_arithmetic3A_469 = vector.broadcast %shift_right_arithmetic3A_468 : i32 to vector<16xi32>
          %shift_right_arithmetic3A_470 = arith.shrsi %get3A_419, %shift_right_arithmetic3A_469 : vector<16xi32>
          %shift_right_arithmetic3A_471 = arith.constant 17 : i32
          %shift_right_arithmetic3A_472 = vector.broadcast %shift_right_arithmetic3A_471 : i32 to vector<16xi32>
          %shift_right_arithmetic3A_473 = arith.shrsi %get3A_429, %shift_right_arithmetic3A_472 : vector<16xi32>
          %shift_right_arithmetic3A_474 = arith.constant 17 : i32
          %shift_right_arithmetic3A_475 = vector.broadcast %shift_right_arithmetic3A_474 : i32 to vector<16xi32>
          %shift_right_arithmetic3A_476 = arith.shrsi %get3A_439, %shift_right_arithmetic3A_475 : vector<16xi32>
          %shift_right_arithmetic3A_477 = arith.constant 17 : i32
          %shift_right_arithmetic3A_478 = vector.broadcast %shift_right_arithmetic3A_477 : i32 to vector<16xi32>
          %shift_right_arithmetic3A_479 = arith.shrsi %get3A_449, %shift_right_arithmetic3A_478 : vector<16xi32>
          %shift_right_arithmetic3A_480 = arith.constant 17 : i32
          %shift_right_arithmetic3A_481 = vector.broadcast %shift_right_arithmetic3A_480 : i32 to vector<16xi32>
          %shift_right_arithmetic3A_482 = arith.shrsi %get3A_459, %shift_right_arithmetic3A_481 : vector<16xi32>
          tpu.vector_store_idx %arg4[%shift_right_arithmetic3A_461], %broadcast_in_dim3A_6 {add = true} : memref<16384xi32, #tpu.memory_space<vmem>>[vector<16xi32>], vector<16xi32>,
          tpu.vector_store_idx %arg5[%shift_right_arithmetic3A_464], %broadcast_in_dim3A_6 {add = true} : memref<16384xi32, #tpu.memory_space<vmem>>[vector<16xi32>], vector<16xi32>,
          tpu.vector_store_idx %arg4[%shift_right_arithmetic3A_467], %broadcast_in_dim3A_6 {add = true} : memref<16384xi32, #tpu.memory_space<vmem>>[vector<16xi32>], vector<16xi32>,
          tpu.vector_store_idx %arg5[%shift_right_arithmetic3A_470], %broadcast_in_dim3A_6 {add = true} : memref<16384xi32, #tpu.memory_space<vmem>>[vector<16xi32>], vector<16xi32>,
          tpu.vector_store_idx %arg4[%shift_right_arithmetic3A_473], %broadcast_in_dim3A_6 {add = true} : memref<16384xi32, #tpu.memory_space<vmem>>[vector<16xi32>], vector<16xi32>,
          tpu.vector_store_idx %arg5[%shift_right_arithmetic3A_476], %broadcast_in_dim3A_6 {add = true} : memref<16384xi32, #tpu.memory_space<vmem>>[vector<16xi32>], vector<16xi32>,
          tpu.vector_store_idx %arg4[%shift_right_arithmetic3A_479], %broadcast_in_dim3A_6 {add = true} : memref<16384xi32, #tpu.memory_space<vmem>>[vector<16xi32>], vector<16xi32>,
          tpu.vector_store_idx %arg5[%shift_right_arithmetic3A_482], %broadcast_in_dim3A_6 {add = true} : memref<16384xi32, #tpu.memory_space<vmem>>[vector<16xi32>], vector<16xi32>,
        }
        %scan3A_291 = arith.constant 4 : i32
        %scan3A_292 = arith.constant 0 : i32
        %scan3A_293 = arith.constant 4 : i32
        %scan3A_294 = arith.addi %scan3A_292, %scan3A_293 : i32
        %scan3A_295 = arith.constant 1 : i32
        scf.for %scan3A_376 = %scan3A_292 to %scan3A_294 step %scan3A_295  : i32 {
          %mul3A_377 = arith.constant 128 : i32
          %mul3A_378 = arith.muli %scan3A_376, %mul3A_377 : i32
          %add3A_379 = arith.constant 0 : i32
          %add3A_380 = arith.addi %add3A_379, %mul3A_378 : i32
          %add3A_381 = arith.constant 0 : i32
          %add3A_382 = arith.addi %add3A_380, %add3A_381 : i32
          %get3A = arith.constant 9 : i32
          %get3A_383 = arith.constant 0 : i32
          %get3A_384 = arith.constant 0 : i32
          %get3A_385 = tpu.memref_slice %run_scoped3A[%rem3A_246, %get3A_383, %get3A_384] : memref<2x16x512xi32, #tpu.memory_space<vmem>> -> memref<1x16x512xi32, #tpu.memory_space<vmem>>
          %get3A_386 = tpu.memref_squeeze %get3A_385 : memref<1x16x512xi32, #tpu.memory_space<vmem>> -> memref<16x512xi32, #tpu.memory_space<vmem>>
          %get3A_387 = arith.index_cast %get3A : i32 to index
          %get3A_388 = arith.index_cast %add3A_382 : i32 to index
          %get3A_389 = tpu.vector_load %get3A_386[%get3A_387, %get3A_388] {strides = array<i32>} : memref<16x512xi32, #tpu.memory_space<vmem>>, vector<16xi32>,
          %add3A_390 = arith.constant 16 : i32
          %add3A_391 = arith.addi %add3A_380, %add3A_390 : i32
          %get3A_392 = arith.constant 9 : i32
          %get3A_393 = arith.constant 0 : i32
          %get3A_394 = arith.constant 0 : i32
          %get3A_395 = tpu.memref_slice %run_scoped3A[%rem3A_246, %get3A_393, %get3A_394] : memref<2x16x512xi32, #tpu.memory_space<vmem>> -> memref<1x16x512xi32, #tpu.memory_space<vmem>>
          %get3A_396 = tpu.memref_squeeze %get3A_395 : memref<1x16x512xi32, #tpu.memory_space<vmem>> -> memref<16x512xi32, #tpu.memory_space<vmem>>
          %get3A_397 = arith.index_cast %get3A_392 : i32 to index
          %get3A_398 = arith.index_cast %add3A_391 : i32 to index
          %get3A_399 = tpu.vector_load %get3A_396[%get3A_397, %get3A_398] {strides = array<i32>} : memref<16x512xi32, #tpu.memory_space<vmem>>, vector<16xi32>,
          %add3A_400 = arith.constant 32 : i32
          %add3A_401 = arith.addi %add3A_380, %add3A_400 : i32
          %get3A_402 = arith.constant 9 : i32
          %get3A_403 = arith.constant 0 : i32
          %get3A_404 = arith.constant 0 : i32
          %get3A_405 = tpu.memref_slice %run_scoped3A[%rem3A_246, %get3A_403, %get3A_404] : memref<2x16x512xi32, #tpu.memory_space<vmem>> -> memref<1x16x512xi32, #tpu.memory_space<vmem>>
          %get3A_406 = tpu.memref_squeeze %get3A_405 : memref<1x16x512xi32, #tpu.memory_space<vmem>> -> memref<16x512xi32, #tpu.memory_space<vmem>>
          %get3A_407 = arith.index_cast %get3A_402 : i32 to index
          %get3A_408 = arith.index_cast %add3A_401 : i32 to index
          %get3A_409 = tpu.vector_load %get3A_406[%get3A_407, %get3A_408] {strides = array<i32>} : memref<16x512xi32, #tpu.memory_space<vmem>>, vector<16xi32>,
          %add3A_410 = arith.constant 48 : i32
          %add3A_411 = arith.addi %add3A_380, %add3A_410 : i32
          %get3A_412 = arith.constant 9 : i32
          %get3A_413 = arith.constant 0 : i32
          %get3A_414 = arith.constant 0 : i32
          %get3A_415 = tpu.memref_slice %run_scoped3A[%rem3A_246, %get3A_413, %get3A_414] : memref<2x16x512xi32, #tpu.memory_space<vmem>> -> memref<1x16x512xi32, #tpu.memory_space<vmem>>
          %get3A_416 = tpu.memref_squeeze %get3A_415 : memref<1x16x512xi32, #tpu.memory_space<vmem>> -> memref<16x512xi32, #tpu.memory_space<vmem>>
          %get3A_417 = arith.index_cast %get3A_412 : i32 to index
          %get3A_418 = arith.index_cast %add3A_411 : i32 to index
          %get3A_419 = tpu.vector_load %get3A_416[%get3A_417, %get3A_418] {strides = array<i32>} : memref<16x512xi32, #tpu.memory_space<vmem>>, vector<16xi32>,
          %add3A_420 = arith.constant 64 : i32
          %add3A_421 = arith.addi %add3A_380, %add3A_420 : i32
          %get3A_422 = arith.constant 9 : i32
          %get3A_423 = arith.constant 0 : i32
          %get3A_424 = arith.constant 0 : i32
          %get3A_425 = tpu.memref_slice %run_scoped3A[%rem3A_246, %get3A_423, %get3A_424] : memref<2x16x512xi32, #tpu.memory_space<vmem>> -> memref<1x16x512xi32, #tpu.memory_space<vmem>>
          %get3A_426 = tpu.memref_squeeze %get3A_425 : memref<1x16x512xi32, #tpu.memory_space<vmem>> -> memref<16x512xi32, #tpu.memory_space<vmem>>
          %get3A_427 = arith.index_cast %get3A_422 : i32 to index
          %get3A_428 = arith.index_cast %add3A_421 : i32 to index
          %get3A_429 = tpu.vector_load %get3A_426[%get3A_427, %get3A_428] {strides = array<i32>} : memref<16x512xi32, #tpu.memory_space<vmem>>, vector<16xi32>,
          %add3A_430 = arith.constant 80 : i32
          %add3A_431 = arith.addi %add3A_380, %add3A_430 : i32
          %get3A_432 = arith.constant 9 : i32
          %get3A_433 = arith.constant 0 : i32
          %get3A_434 = arith.constant 0 : i32
          %get3A_435 = tpu.memref_slice %run_scoped3A[%rem3A_246, %get3A_433, %get3A_434] : memref<2x16x512xi32, #tpu.memory_space<vmem>> -> memref<1x16x512xi32, #tpu.memory_space<vmem>>
          %get3A_436 = tpu.memref_squeeze %get3A_435 : memref<1x16x512xi32, #tpu.memory_space<vmem>> -> memref<16x512xi32, #tpu.memory_space<vmem>>
          %get3A_437 = arith.index_cast %get3A_432 : i32 to index
          %get3A_438 = arith.index_cast %add3A_431 : i32 to index
          %get3A_439 = tpu.vector_load %get3A_436[%get3A_437, %get3A_438] {strides = array<i32>} : memref<16x512xi32, #tpu.memory_space<vmem>>, vector<16xi32>,
          %add3A_440 = arith.constant 96 : i32
          %add3A_441 = arith.addi %add3A_380, %add3A_440 : i32
          %get3A_442 = arith.constant 9 : i32
          %get3A_443 = arith.constant 0 : i32
          %get3A_444 = arith.constant 0 : i32
          %get3A_445 = tpu.memref_slice %run_scoped3A[%rem3A_246, %get3A_443, %get3A_444] : memref<2x16x512xi32, #tpu.memory_space<vmem>> -> memref<1x16x512xi32, #tpu.memory_space<vmem>>
          %get3A_446 = tpu.memref_squeeze %get3A_445 : memref<1x16x512xi32, #tpu.memory_space<vmem>> -> memref<16x512xi32, #tpu.memory_space<vmem>>
          %get3A_447 = arith.index_cast %get3A_442 : i32 to index
          %get3A_448 = arith.index_cast %add3A_441 : i32 to index
          %get3A_449 = tpu.vector_load %get3A_446[%get3A_447, %get3A_448] {strides = array<i32>} : memref<16x512xi32, #tpu.memory_space<vmem>>, vector<16xi32>,
          %add3A_450 = arith.constant 112 : i32
          %add3A_451 = arith.addi %add3A_380, %add3A_450 : i32
          %get3A_452 = arith.constant 9 : i32
          %get3A_453 = arith.constant 0 : i32
          %get3A_454 = arith.constant 0 : i32
          %get3A_455 = tpu.memref_slice %run_scoped3A[%rem3A_246, %get3A_453, %get3A_454] : memref<2x16x512xi32, #tpu.memory_space<vmem>> -> memref<1x16x512xi32, #tpu.memory_space<vmem>>
          %get3A_456 = tpu.memref_squeeze %get3A_455 : memref<1x16x512xi32, #tpu.memory_space<vmem>> -> memref<16x512xi32, #tpu.memory_space<vmem>>
          %get3A_457 = arith.index_cast %get3A_452 : i32 to index
          %get3A_458 = arith.index_cast %add3A_451 : i32 to index
          %get3A_459 = tpu.vector_load %get3A_456[%get3A_457, %get3A_458] {strides = array<i32>} : memref<16x512xi32, #tpu.memory_space<vmem>>, vector<16xi32>,
          %shift_right_arithmetic3A = arith.constant 17 : i32
          %shift_right_arithmetic3A_460 = vector.broadcast %shift_right_arithmetic3A : i32 to vector<16xi32>
          %shift_right_arithmetic3A_461 = arith.shrsi %get3A_389, %shift_right_arithmetic3A_460 : vector<16xi32>
          %shift_right_arithmetic3A_462 = arith.constant 17 : i32
          %shift_right_arithmetic3A_463 = vector.broadcast %shift_right_arithmetic3A_462 : i32 to vector<16xi32>
          %shift_right_arithmetic3A_464 = arith.shrsi %get3A_399, %shift_right_arithmetic3A_463 : vector<16xi32>
          %shift_right_arithmetic3A_465 = arith.constant 17 : i32
          %shift_right_arithmetic3A_466 = vector.broadcast %shift_right_arithmetic3A_465 : i32 to vector<16xi32>
          %shift_right_arithmetic3A_467 = arith.shrsi %get3A_409, %shift_right_arithmetic3A_466 : vector<16xi32>
          %shift_right_arithmetic3A_468 = arith.constant 17 : i32
          %shift_right_arithmetic3A_469 = vector.broadcast %shift_right_arithmetic3A_468 : i32 to vector<16xi32>
          %shift_right_arithmetic3A_470 = arith.shrsi %get3A_419, %shift_right_arithmetic3A_469 : vector<16xi32>
          %shift_right_arithmetic3A_471 = arith.constant 17 : i32
          %shift_right_arithmetic3A_472 = vector.broadcast %shift_right_arithmetic3A_471 : i32 to vector<16xi32>
          %shift_right_arithmetic3A_473 = arith.shrsi %get3A_429, %shift_right_arithmetic3A_472 : vector<16xi32>
          %shift_right_arithmetic3A_474 = arith.constant 17 : i32
          %shift_right_arithmetic3A_475 = vector.broadcast %shift_right_arithmetic3A_474 : i32 to vector<16xi32>
          %shift_right_arithmetic3A_476 = arith.shrsi %get3A_439, %shift_right_arithmetic3A_475 : vector<16xi32>
          %shift_right_arithmetic3A_477 = arith.constant 17 : i32
          %shift_right_arithmetic3A_478 = vector.broadcast %shift_right_arithmetic3A_477 : i32 to vector<16xi32>
          %shift_right_arithmetic3A_479 = arith.shrsi %get3A_449, %shift_right_arithmetic3A_478 : vector<16xi32>
          %shift_right_arithmetic3A_480 = arith.constant 17 : i32
          %shift_right_arithmetic3A_481 = vector.broadcast %shift_right_arithmetic3A_480 : i32 to vector<16xi32>
          %shift_right_arithmetic3A_482 = arith.shrsi %get3A_459, %shift_right_arithmetic3A_481 : vector<16xi32>
          tpu.vector_store_idx %arg4[%shift_right_arithmetic3A_461], %broadcast_in_dim3A_6 {add = true} : memref<16384xi32, #tpu.memory_space<vmem>>[vector<16xi32>], vector<16xi32>,
          tpu.vector_store_idx %arg5[%shift_right_arithmetic3A_464], %broadcast_in_dim3A_6 {add = true} : memref<16384xi32, #tpu.memory_space<vmem>>[vector<16xi32>], vector<16xi32>,
          tpu.vector_store_idx %arg4[%shift_right_arithmetic3A_467], %broadcast_in_dim3A_6 {add = true} : memref<16384xi32, #tpu.memory_space<vmem>>[vector<16xi32>], vector<16xi32>,
          tpu.vector_store_idx %arg5[%shift_right_arithmetic3A_470], %broadcast_in_dim3A_6 {add = true} : memref<16384xi32, #tpu.memory_space<vmem>>[vector<16xi32>], vector<16xi32>,
          tpu.vector_store_idx %arg4[%shift_right_arithmetic3A_473], %broadcast_in_dim3A_6 {add = true} : memref<16384xi32, #tpu.memory_space<vmem>>[vector<16xi32>], vector<16xi32>,
          tpu.vector_store_idx %arg5[%shift_right_arithmetic3A_476], %broadcast_in_dim3A_6 {add = true} : memref<16384xi32, #tpu.memory_space<vmem>>[vector<16xi32>], vector<16xi32>,
          tpu.vector_store_idx %arg4[%shift_right_arithmetic3A_479], %broadcast_in_dim3A_6 {add = true} : memref<16384xi32, #tpu.memory_space<vmem>>[vector<16xi32>], vector<16xi32>,
          tpu.vector_store_idx %arg5[%shift_right_arithmetic3A_482], %broadcast_in_dim3A_6 {add = true} : memref<16384xi32, #tpu.memory_space<vmem>>[vector<16xi32>], vector<16xi32>,
        }
        %scan3A_296 = arith.constant 4 : i32
        %scan3A_297 = arith.constant 0 : i32
        %scan3A_298 = arith.constant 4 : i32
        %scan3A_299 = arith.addi %scan3A_297, %scan3A_298 : i32
        %scan3A_300 = arith.constant 1 : i32
        scf.for %scan3A_376 = %scan3A_297 to %scan3A_299 step %scan3A_300  : i32 {
          %mul3A_377 = arith.constant 128 : i32
          %mul3A_378 = arith.muli %scan3A_376, %mul3A_377 : i32
          %add3A_379 = arith.constant 0 : i32
          %add3A_380 = arith.addi %add3A_379, %mul3A_378 : i32
          %add3A_381 = arith.constant 0 : i32
          %add3A_382 = arith.addi %add3A_380, %add3A_381 : i32
          %get3A = arith.constant 10 : i32
          %get3A_383 = arith.constant 0 : i32
          %get3A_384 = arith.constant 0 : i32
          %get3A_385 = tpu.memref_slice %run_scoped3A[%rem3A_246, %get3A_383, %get3A_384] : memref<2x16x512xi32, #tpu.memory_space<vmem>> -> memref<1x16x512xi32, #tpu.memory_space<vmem>>
          %get3A_386 = tpu.memref_squeeze %get3A_385 : memref<1x16x512xi32, #tpu.memory_space<vmem>> -> memref<16x512xi32, #tpu.memory_space<vmem>>
          %get3A_387 = arith.index_cast %get3A : i32 to index
          %get3A_388 = arith.index_cast %add3A_382 : i32 to index
          %get3A_389 = tpu.vector_load %get3A_386[%get3A_387, %get3A_388] {strides = array<i32>} : memref<16x512xi32, #tpu.memory_space<vmem>>, vector<16xi32>,
          %add3A_390 = arith.constant 16 : i32
          %add3A_391 = arith.addi %add3A_380, %add3A_390 : i32
          %get3A_392 = arith.constant 10 : i32
          %get3A_393 = arith.constant 0 : i32
          %get3A_394 = arith.constant 0 : i32
          %get3A_395 = tpu.memref_slice %run_scoped3A[%rem3A_246, %get3A_393, %get3A_394] : memref<2x16x512xi32, #tpu.memory_space<vmem>> -> memref<1x16x512xi32, #tpu.memory_space<vmem>>
          %get3A_396 = tpu.memref_squeeze %get3A_395 : memref<1x16x512xi32, #tpu.memory_space<vmem>> -> memref<16x512xi32, #tpu.memory_space<vmem>>
          %get3A_397 = arith.index_cast %get3A_392 : i32 to index
          %get3A_398 = arith.index_cast %add3A_391 : i32 to index
          %get3A_399 = tpu.vector_load %get3A_396[%get3A_397, %get3A_398] {strides = array<i32>} : memref<16x512xi32, #tpu.memory_space<vmem>>, vector<16xi32>,
          %add3A_400 = arith.constant 32 : i32
          %add3A_401 = arith.addi %add3A_380, %add3A_400 : i32
          %get3A_402 = arith.constant 10 : i32
          %get3A_403 = arith.constant 0 : i32
          %get3A_404 = arith.constant 0 : i32
          %get3A_405 = tpu.memref_slice %run_scoped3A[%rem3A_246, %get3A_403, %get3A_404] : memref<2x16x512xi32, #tpu.memory_space<vmem>> -> memref<1x16x512xi32, #tpu.memory_space<vmem>>
          %get3A_406 = tpu.memref_squeeze %get3A_405 : memref<1x16x512xi32, #tpu.memory_space<vmem>> -> memref<16x512xi32, #tpu.memory_space<vmem>>
          %get3A_407 = arith.index_cast %get3A_402 : i32 to index
          %get3A_408 = arith.index_cast %add3A_401 : i32 to index
          %get3A_409 = tpu.vector_load %get3A_406[%get3A_407, %get3A_408] {strides = array<i32>} : memref<16x512xi32, #tpu.memory_space<vmem>>, vector<16xi32>,
          %add3A_410 = arith.constant 48 : i32
          %add3A_411 = arith.addi %add3A_380, %add3A_410 : i32
          %get3A_412 = arith.constant 10 : i32
          %get3A_413 = arith.constant 0 : i32
          %get3A_414 = arith.constant 0 : i32
          %get3A_415 = tpu.memref_slice %run_scoped3A[%rem3A_246, %get3A_413, %get3A_414] : memref<2x16x512xi32, #tpu.memory_space<vmem>> -> memref<1x16x512xi32, #tpu.memory_space<vmem>>
          %get3A_416 = tpu.memref_squeeze %get3A_415 : memref<1x16x512xi32, #tpu.memory_space<vmem>> -> memref<16x512xi32, #tpu.memory_space<vmem>>
          %get3A_417 = arith.index_cast %get3A_412 : i32 to index
          %get3A_418 = arith.index_cast %add3A_411 : i32 to index
          %get3A_419 = tpu.vector_load %get3A_416[%get3A_417, %get3A_418] {strides = array<i32>} : memref<16x512xi32, #tpu.memory_space<vmem>>, vector<16xi32>,
          %add3A_420 = arith.constant 64 : i32
          %add3A_421 = arith.addi %add3A_380, %add3A_420 : i32
          %get3A_422 = arith.constant 10 : i32
          %get3A_423 = arith.constant 0 : i32
          %get3A_424 = arith.constant 0 : i32
          %get3A_425 = tpu.memref_slice %run_scoped3A[%rem3A_246, %get3A_423, %get3A_424] : memref<2x16x512xi32, #tpu.memory_space<vmem>> -> memref<1x16x512xi32, #tpu.memory_space<vmem>>
          %get3A_426 = tpu.memref_squeeze %get3A_425 : memref<1x16x512xi32, #tpu.memory_space<vmem>> -> memref<16x512xi32, #tpu.memory_space<vmem>>
          %get3A_427 = arith.index_cast %get3A_422 : i32 to index
          %get3A_428 = arith.index_cast %add3A_421 : i32 to index
          %get3A_429 = tpu.vector_load %get3A_426[%get3A_427, %get3A_428] {strides = array<i32>} : memref<16x512xi32, #tpu.memory_space<vmem>>, vector<16xi32>,
          %add3A_430 = arith.constant 80 : i32
          %add3A_431 = arith.addi %add3A_380, %add3A_430 : i32
          %get3A_432 = arith.constant 10 : i32
          %get3A_433 = arith.constant 0 : i32
          %get3A_434 = arith.constant 0 : i32
          %get3A_435 = tpu.memref_slice %run_scoped3A[%rem3A_246, %get3A_433, %get3A_434] : memref<2x16x512xi32, #tpu.memory_space<vmem>> -> memref<1x16x512xi32, #tpu.memory_space<vmem>>
          %get3A_436 = tpu.memref_squeeze %get3A_435 : memref<1x16x512xi32, #tpu.memory_space<vmem>> -> memref<16x512xi32, #tpu.memory_space<vmem>>
          %get3A_437 = arith.index_cast %get3A_432 : i32 to index
          %get3A_438 = arith.index_cast %add3A_431 : i32 to index
          %get3A_439 = tpu.vector_load %get3A_436[%get3A_437, %get3A_438] {strides = array<i32>} : memref<16x512xi32, #tpu.memory_space<vmem>>, vector<16xi32>,
          %add3A_440 = arith.constant 96 : i32
          %add3A_441 = arith.addi %add3A_380, %add3A_440 : i32
          %get3A_442 = arith.constant 10 : i32
          %get3A_443 = arith.constant 0 : i32
          %get3A_444 = arith.constant 0 : i32
          %get3A_445 = tpu.memref_slice %run_scoped3A[%rem3A_246, %get3A_443, %get3A_444] : memref<2x16x512xi32, #tpu.memory_space<vmem>> -> memref<1x16x512xi32, #tpu.memory_space<vmem>>
          %get3A_446 = tpu.memref_squeeze %get3A_445 : memref<1x16x512xi32, #tpu.memory_space<vmem>> -> memref<16x512xi32, #tpu.memory_space<vmem>>
          %get3A_447 = arith.index_cast %get3A_442 : i32 to index
          %get3A_448 = arith.index_cast %add3A_441 : i32 to index
          %get3A_449 = tpu.vector_load %get3A_446[%get3A_447, %get3A_448] {strides = array<i32>} : memref<16x512xi32, #tpu.memory_space<vmem>>, vector<16xi32>,
          %add3A_450 = arith.constant 112 : i32
          %add3A_451 = arith.addi %add3A_380, %add3A_450 : i32
          %get3A_452 = arith.constant 10 : i32
          %get3A_453 = arith.constant 0 : i32
          %get3A_454 = arith.constant 0 : i32
          %get3A_455 = tpu.memref_slice %run_scoped3A[%rem3A_246, %get3A_453, %get3A_454] : memref<2x16x512xi32, #tpu.memory_space<vmem>> -> memref<1x16x512xi32, #tpu.memory_space<vmem>>
          %get3A_456 = tpu.memref_squeeze %get3A_455 : memref<1x16x512xi32, #tpu.memory_space<vmem>> -> memref<16x512xi32, #tpu.memory_space<vmem>>
          %get3A_457 = arith.index_cast %get3A_452 : i32 to index
          %get3A_458 = arith.index_cast %add3A_451 : i32 to index
          %get3A_459 = tpu.vector_load %get3A_456[%get3A_457, %get3A_458] {strides = array<i32>} : memref<16x512xi32, #tpu.memory_space<vmem>>, vector<16xi32>,
          %shift_right_arithmetic3A = arith.constant 17 : i32
          %shift_right_arithmetic3A_460 = vector.broadcast %shift_right_arithmetic3A : i32 to vector<16xi32>
          %shift_right_arithmetic3A_461 = arith.shrsi %get3A_389, %shift_right_arithmetic3A_460 : vector<16xi32>
          %shift_right_arithmetic3A_462 = arith.constant 17 : i32
          %shift_right_arithmetic3A_463 = vector.broadcast %shift_right_arithmetic3A_462 : i32 to vector<16xi32>
          %shift_right_arithmetic3A_464 = arith.shrsi %get3A_399, %shift_right_arithmetic3A_463 : vector<16xi32>
          %shift_right_arithmetic3A_465 = arith.constant 17 : i32
          %shift_right_arithmetic3A_466 = vector.broadcast %shift_right_arithmetic3A_465 : i32 to vector<16xi32>
          %shift_right_arithmetic3A_467 = arith.shrsi %get3A_409, %shift_right_arithmetic3A_466 : vector<16xi32>
          %shift_right_arithmetic3A_468 = arith.constant 17 : i32
          %shift_right_arithmetic3A_469 = vector.broadcast %shift_right_arithmetic3A_468 : i32 to vector<16xi32>
          %shift_right_arithmetic3A_470 = arith.shrsi %get3A_419, %shift_right_arithmetic3A_469 : vector<16xi32>
          %shift_right_arithmetic3A_471 = arith.constant 17 : i32
          %shift_right_arithmetic3A_472 = vector.broadcast %shift_right_arithmetic3A_471 : i32 to vector<16xi32>
          %shift_right_arithmetic3A_473 = arith.shrsi %get3A_429, %shift_right_arithmetic3A_472 : vector<16xi32>
          %shift_right_arithmetic3A_474 = arith.constant 17 : i32
          %shift_right_arithmetic3A_475 = vector.broadcast %shift_right_arithmetic3A_474 : i32 to vector<16xi32>
          %shift_right_arithmetic3A_476 = arith.shrsi %get3A_439, %shift_right_arithmetic3A_475 : vector<16xi32>
          %shift_right_arithmetic3A_477 = arith.constant 17 : i32
          %shift_right_arithmetic3A_478 = vector.broadcast %shift_right_arithmetic3A_477 : i32 to vector<16xi32>
          %shift_right_arithmetic3A_479 = arith.shrsi %get3A_449, %shift_right_arithmetic3A_478 : vector<16xi32>
          %shift_right_arithmetic3A_480 = arith.constant 17 : i32
          %shift_right_arithmetic3A_481 = vector.broadcast %shift_right_arithmetic3A_480 : i32 to vector<16xi32>
          %shift_right_arithmetic3A_482 = arith.shrsi %get3A_459, %shift_right_arithmetic3A_481 : vector<16xi32>
          tpu.vector_store_idx %arg4[%shift_right_arithmetic3A_461], %broadcast_in_dim3A_6 {add = true} : memref<16384xi32, #tpu.memory_space<vmem>>[vector<16xi32>], vector<16xi32>,
          tpu.vector_store_idx %arg5[%shift_right_arithmetic3A_464], %broadcast_in_dim3A_6 {add = true} : memref<16384xi32, #tpu.memory_space<vmem>>[vector<16xi32>], vector<16xi32>,
          tpu.vector_store_idx %arg4[%shift_right_arithmetic3A_467], %broadcast_in_dim3A_6 {add = true} : memref<16384xi32, #tpu.memory_space<vmem>>[vector<16xi32>], vector<16xi32>,
          tpu.vector_store_idx %arg5[%shift_right_arithmetic3A_470], %broadcast_in_dim3A_6 {add = true} : memref<16384xi32, #tpu.memory_space<vmem>>[vector<16xi32>], vector<16xi32>,
          tpu.vector_store_idx %arg4[%shift_right_arithmetic3A_473], %broadcast_in_dim3A_6 {add = true} : memref<16384xi32, #tpu.memory_space<vmem>>[vector<16xi32>], vector<16xi32>,
          tpu.vector_store_idx %arg5[%shift_right_arithmetic3A_476], %broadcast_in_dim3A_6 {add = true} : memref<16384xi32, #tpu.memory_space<vmem>>[vector<16xi32>], vector<16xi32>,
          tpu.vector_store_idx %arg4[%shift_right_arithmetic3A_479], %broadcast_in_dim3A_6 {add = true} : memref<16384xi32, #tpu.memory_space<vmem>>[vector<16xi32>], vector<16xi32>,
          tpu.vector_store_idx %arg5[%shift_right_arithmetic3A_482], %broadcast_in_dim3A_6 {add = true} : memref<16384xi32, #tpu.memory_space<vmem>>[vector<16xi32>], vector<16xi32>,
        }
        %scan3A_301 = arith.constant 4 : i32
        %scan3A_302 = arith.constant 0 : i32
        %scan3A_303 = arith.constant 4 : i32
        %scan3A_304 = arith.addi %scan3A_302, %scan3A_303 : i32
        %scan3A_305 = arith.constant 1 : i32
        scf.for %scan3A_376 = %scan3A_302 to %scan3A_304 step %scan3A_305  : i32 {
          %mul3A_377 = arith.constant 128 : i32
          %mul3A_378 = arith.muli %scan3A_376, %mul3A_377 : i32
          %add3A_379 = arith.constant 0 : i32
          %add3A_380 = arith.addi %add3A_379, %mul3A_378 : i32
          %add3A_381 = arith.constant 0 : i32
          %add3A_382 = arith.addi %add3A_380, %add3A_381 : i32
          %get3A = arith.constant 11 : i32
          %get3A_383 = arith.constant 0 : i32
          %get3A_384 = arith.constant 0 : i32
          %get3A_385 = tpu.memref_slice %run_scoped3A[%rem3A_246, %get3A_383, %get3A_384] : memref<2x16x512xi32, #tpu.memory_space<vmem>> -> memref<1x16x512xi32, #tpu.memory_space<vmem>>
          %get3A_386 = tpu.memref_squeeze %get3A_385 : memref<1x16x512xi32, #tpu.memory_space<vmem>> -> memref<16x512xi32, #tpu.memory_space<vmem>>
          %get3A_387 = arith.index_cast %get3A : i32 to index
          %get3A_388 = arith.index_cast %add3A_382 : i32 to index
          %get3A_389 = tpu.vector_load %get3A_386[%get3A_387, %get3A_388] {strides = array<i32>} : memref<16x512xi32, #tpu.memory_space<vmem>>, vector<16xi32>,
          %add3A_390 = arith.constant 16 : i32
          %add3A_391 = arith.addi %add3A_380, %add3A_390 : i32
          %get3A_392 = arith.constant 11 : i32
          %get3A_393 = arith.constant 0 : i32
          %get3A_394 = arith.constant 0 : i32
          %get3A_395 = tpu.memref_slice %run_scoped3A[%rem3A_246, %get3A_393, %get3A_394] : memref<2x16x512xi32, #tpu.memory_space<vmem>> -> memref<1x16x512xi32, #tpu.memory_space<vmem>>
          %get3A_396 = tpu.memref_squeeze %get3A_395 : memref<1x16x512xi32, #tpu.memory_space<vmem>> -> memref<16x512xi32, #tpu.memory_space<vmem>>
          %get3A_397 = arith.index_cast %get3A_392 : i32 to index
          %get3A_398 = arith.index_cast %add3A_391 : i32 to index
          %get3A_399 = tpu.vector_load %get3A_396[%get3A_397, %get3A_398] {strides = array<i32>} : memref<16x512xi32, #tpu.memory_space<vmem>>, vector<16xi32>,
          %add3A_400 = arith.constant 32 : i32
          %add3A_401 = arith.addi %add3A_380, %add3A_400 : i32
          %get3A_402 = arith.constant 11 : i32
          %get3A_403 = arith.constant 0 : i32
          %get3A_404 = arith.constant 0 : i32
          %get3A_405 = tpu.memref_slice %run_scoped3A[%rem3A_246, %get3A_403, %get3A_404] : memref<2x16x512xi32, #tpu.memory_space<vmem>> -> memref<1x16x512xi32, #tpu.memory_space<vmem>>
          %get3A_406 = tpu.memref_squeeze %get3A_405 : memref<1x16x512xi32, #tpu.memory_space<vmem>> -> memref<16x512xi32, #tpu.memory_space<vmem>>
          %get3A_407 = arith.index_cast %get3A_402 : i32 to index
          %get3A_408 = arith.index_cast %add3A_401 : i32 to index
          %get3A_409 = tpu.vector_load %get3A_406[%get3A_407, %get3A_408] {strides = array<i32>} : memref<16x512xi32, #tpu.memory_space<vmem>>, vector<16xi32>,
          %add3A_410 = arith.constant 48 : i32
          %add3A_411 = arith.addi %add3A_380, %add3A_410 : i32
          %get3A_412 = arith.constant 11 : i32
          %get3A_413 = arith.constant 0 : i32
          %get3A_414 = arith.constant 0 : i32
          %get3A_415 = tpu.memref_slice %run_scoped3A[%rem3A_246, %get3A_413, %get3A_414] : memref<2x16x512xi32, #tpu.memory_space<vmem>> -> memref<1x16x512xi32, #tpu.memory_space<vmem>>
          %get3A_416 = tpu.memref_squeeze %get3A_415 : memref<1x16x512xi32, #tpu.memory_space<vmem>> -> memref<16x512xi32, #tpu.memory_space<vmem>>
          %get3A_417 = arith.index_cast %get3A_412 : i32 to index
          %get3A_418 = arith.index_cast %add3A_411 : i32 to index
          %get3A_419 = tpu.vector_load %get3A_416[%get3A_417, %get3A_418] {strides = array<i32>} : memref<16x512xi32, #tpu.memory_space<vmem>>, vector<16xi32>,
          %add3A_420 = arith.constant 64 : i32
          %add3A_421 = arith.addi %add3A_380, %add3A_420 : i32
          %get3A_422 = arith.constant 11 : i32
          %get3A_423 = arith.constant 0 : i32
          %get3A_424 = arith.constant 0 : i32
          %get3A_425 = tpu.memref_slice %run_scoped3A[%rem3A_246, %get3A_423, %get3A_424] : memref<2x16x512xi32, #tpu.memory_space<vmem>> -> memref<1x16x512xi32, #tpu.memory_space<vmem>>
          %get3A_426 = tpu.memref_squeeze %get3A_425 : memref<1x16x512xi32, #tpu.memory_space<vmem>> -> memref<16x512xi32, #tpu.memory_space<vmem>>
          %get3A_427 = arith.index_cast %get3A_422 : i32 to index
          %get3A_428 = arith.index_cast %add3A_421 : i32 to index
          %get3A_429 = tpu.vector_load %get3A_426[%get3A_427, %get3A_428] {strides = array<i32>} : memref<16x512xi32, #tpu.memory_space<vmem>>, vector<16xi32>,
          %add3A_430 = arith.constant 80 : i32
          %add3A_431 = arith.addi %add3A_380, %add3A_430 : i32
          %get3A_432 = arith.constant 11 : i32
          %get3A_433 = arith.constant 0 : i32
          %get3A_434 = arith.constant 0 : i32
          %get3A_435 = tpu.memref_slice %run_scoped3A[%rem3A_246, %get3A_433, %get3A_434] : memref<2x16x512xi32, #tpu.memory_space<vmem>> -> memref<1x16x512xi32, #tpu.memory_space<vmem>>
          %get3A_436 = tpu.memref_squeeze %get3A_435 : memref<1x16x512xi32, #tpu.memory_space<vmem>> -> memref<16x512xi32, #tpu.memory_space<vmem>>
          %get3A_437 = arith.index_cast %get3A_432 : i32 to index
          %get3A_438 = arith.index_cast %add3A_431 : i32 to index
          %get3A_439 = tpu.vector_load %get3A_436[%get3A_437, %get3A_438] {strides = array<i32>} : memref<16x512xi32, #tpu.memory_space<vmem>>, vector<16xi32>,
          %add3A_440 = arith.constant 96 : i32
          %add3A_441 = arith.addi %add3A_380, %add3A_440 : i32
          %get3A_442 = arith.constant 11 : i32
          %get3A_443 = arith.constant 0 : i32
          %get3A_444 = arith.constant 0 : i32
          %get3A_445 = tpu.memref_slice %run_scoped3A[%rem3A_246, %get3A_443, %get3A_444] : memref<2x16x512xi32, #tpu.memory_space<vmem>> -> memref<1x16x512xi32, #tpu.memory_space<vmem>>
          %get3A_446 = tpu.memref_squeeze %get3A_445 : memref<1x16x512xi32, #tpu.memory_space<vmem>> -> memref<16x512xi32, #tpu.memory_space<vmem>>
          %get3A_447 = arith.index_cast %get3A_442 : i32 to index
          %get3A_448 = arith.index_cast %add3A_441 : i32 to index
          %get3A_449 = tpu.vector_load %get3A_446[%get3A_447, %get3A_448] {strides = array<i32>} : memref<16x512xi32, #tpu.memory_space<vmem>>, vector<16xi32>,
          %add3A_450 = arith.constant 112 : i32
          %add3A_451 = arith.addi %add3A_380, %add3A_450 : i32
          %get3A_452 = arith.constant 11 : i32
          %get3A_453 = arith.constant 0 : i32
          %get3A_454 = arith.constant 0 : i32
          %get3A_455 = tpu.memref_slice %run_scoped3A[%rem3A_246, %get3A_453, %get3A_454] : memref<2x16x512xi32, #tpu.memory_space<vmem>> -> memref<1x16x512xi32, #tpu.memory_space<vmem>>
          %get3A_456 = tpu.memref_squeeze %get3A_455 : memref<1x16x512xi32, #tpu.memory_space<vmem>> -> memref<16x512xi32, #tpu.memory_space<vmem>>
          %get3A_457 = arith.index_cast %get3A_452 : i32 to index
          %get3A_458 = arith.index_cast %add3A_451 : i32 to index
          %get3A_459 = tpu.vector_load %get3A_456[%get3A_457, %get3A_458] {strides = array<i32>} : memref<16x512xi32, #tpu.memory_space<vmem>>, vector<16xi32>,
          %shift_right_arithmetic3A = arith.constant 17 : i32
          %shift_right_arithmetic3A_460 = vector.broadcast %shift_right_arithmetic3A : i32 to vector<16xi32>
          %shift_right_arithmetic3A_461 = arith.shrsi %get3A_389, %shift_right_arithmetic3A_460 : vector<16xi32>
          %shift_right_arithmetic3A_462 = arith.constant 17 : i32
          %shift_right_arithmetic3A_463 = vector.broadcast %shift_right_arithmetic3A_462 : i32 to vector<16xi32>
          %shift_right_arithmetic3A_464 = arith.shrsi %get3A_399, %shift_right_arithmetic3A_463 : vector<16xi32>
          %shift_right_arithmetic3A_465 = arith.constant 17 : i32
          %shift_right_arithmetic3A_466 = vector.broadcast %shift_right_arithmetic3A_465 : i32 to vector<16xi32>
          %shift_right_arithmetic3A_467 = arith.shrsi %get3A_409, %shift_right_arithmetic3A_466 : vector<16xi32>
          %shift_right_arithmetic3A_468 = arith.constant 17 : i32
          %shift_right_arithmetic3A_469 = vector.broadcast %shift_right_arithmetic3A_468 : i32 to vector<16xi32>
          %shift_right_arithmetic3A_470 = arith.shrsi %get3A_419, %shift_right_arithmetic3A_469 : vector<16xi32>
          %shift_right_arithmetic3A_471 = arith.constant 17 : i32
          %shift_right_arithmetic3A_472 = vector.broadcast %shift_right_arithmetic3A_471 : i32 to vector<16xi32>
          %shift_right_arithmetic3A_473 = arith.shrsi %get3A_429, %shift_right_arithmetic3A_472 : vector<16xi32>
          %shift_right_arithmetic3A_474 = arith.constant 17 : i32
          %shift_right_arithmetic3A_475 = vector.broadcast %shift_right_arithmetic3A_474 : i32 to vector<16xi32>
          %shift_right_arithmetic3A_476 = arith.shrsi %get3A_439, %shift_right_arithmetic3A_475 : vector<16xi32>
          %shift_right_arithmetic3A_477 = arith.constant 17 : i32
          %shift_right_arithmetic3A_478 = vector.broadcast %shift_right_arithmetic3A_477 : i32 to vector<16xi32>
          %shift_right_arithmetic3A_479 = arith.shrsi %get3A_449, %shift_right_arithmetic3A_478 : vector<16xi32>
          %shift_right_arithmetic3A_480 = arith.constant 17 : i32
          %shift_right_arithmetic3A_481 = vector.broadcast %shift_right_arithmetic3A_480 : i32 to vector<16xi32>
          %shift_right_arithmetic3A_482 = arith.shrsi %get3A_459, %shift_right_arithmetic3A_481 : vector<16xi32>
          tpu.vector_store_idx %arg4[%shift_right_arithmetic3A_461], %broadcast_in_dim3A_6 {add = true} : memref<16384xi32, #tpu.memory_space<vmem>>[vector<16xi32>], vector<16xi32>,
          tpu.vector_store_idx %arg5[%shift_right_arithmetic3A_464], %broadcast_in_dim3A_6 {add = true} : memref<16384xi32, #tpu.memory_space<vmem>>[vector<16xi32>], vector<16xi32>,
          tpu.vector_store_idx %arg4[%shift_right_arithmetic3A_467], %broadcast_in_dim3A_6 {add = true} : memref<16384xi32, #tpu.memory_space<vmem>>[vector<16xi32>], vector<16xi32>,
          tpu.vector_store_idx %arg5[%shift_right_arithmetic3A_470], %broadcast_in_dim3A_6 {add = true} : memref<16384xi32, #tpu.memory_space<vmem>>[vector<16xi32>], vector<16xi32>,
          tpu.vector_store_idx %arg4[%shift_right_arithmetic3A_473], %broadcast_in_dim3A_6 {add = true} : memref<16384xi32, #tpu.memory_space<vmem>>[vector<16xi32>], vector<16xi32>,
          tpu.vector_store_idx %arg5[%shift_right_arithmetic3A_476], %broadcast_in_dim3A_6 {add = true} : memref<16384xi32, #tpu.memory_space<vmem>>[vector<16xi32>], vector<16xi32>,
          tpu.vector_store_idx %arg4[%shift_right_arithmetic3A_479], %broadcast_in_dim3A_6 {add = true} : memref<16384xi32, #tpu.memory_space<vmem>>[vector<16xi32>], vector<16xi32>,
          tpu.vector_store_idx %arg5[%shift_right_arithmetic3A_482], %broadcast_in_dim3A_6 {add = true} : memref<16384xi32, #tpu.memory_space<vmem>>[vector<16xi32>], vector<16xi32>,
        }
        %scan3A_306 = arith.constant 4 : i32
        %scan3A_307 = arith.constant 0 : i32
        %scan3A_308 = arith.constant 4 : i32
        %scan3A_309 = arith.addi %scan3A_307, %scan3A_308 : i32
        %scan3A_310 = arith.constant 1 : i32
        scf.for %scan3A_376 = %scan3A_307 to %scan3A_309 step %scan3A_310  : i32 {
          %mul3A_377 = arith.constant 128 : i32
          %mul3A_378 = arith.muli %scan3A_376, %mul3A_377 : i32
          %add3A_379 = arith.constant 0 : i32
          %add3A_380 = arith.addi %add3A_379, %mul3A_378 : i32
          %add3A_381 = arith.constant 0 : i32
          %add3A_382 = arith.addi %add3A_380, %add3A_381 : i32
          %get3A = arith.constant 12 : i32
          %get3A_383 = arith.constant 0 : i32
          %get3A_384 = arith.constant 0 : i32
          %get3A_385 = tpu.memref_slice %run_scoped3A[%rem3A_246, %get3A_383, %get3A_384] : memref<2x16x512xi32, #tpu.memory_space<vmem>> -> memref<1x16x512xi32, #tpu.memory_space<vmem>>
          %get3A_386 = tpu.memref_squeeze %get3A_385 : memref<1x16x512xi32, #tpu.memory_space<vmem>> -> memref<16x512xi32, #tpu.memory_space<vmem>>
          %get3A_387 = arith.index_cast %get3A : i32 to index
          %get3A_388 = arith.index_cast %add3A_382 : i32 to index
          %get3A_389 = tpu.vector_load %get3A_386[%get3A_387, %get3A_388] {strides = array<i32>} : memref<16x512xi32, #tpu.memory_space<vmem>>, vector<16xi32>,
          %add3A_390 = arith.constant 16 : i32
          %add3A_391 = arith.addi %add3A_380, %add3A_390 : i32
          %get3A_392 = arith.constant 12 : i32
          %get3A_393 = arith.constant 0 : i32
          %get3A_394 = arith.constant 0 : i32
          %get3A_395 = tpu.memref_slice %run_scoped3A[%rem3A_246, %get3A_393, %get3A_394] : memref<2x16x512xi32, #tpu.memory_space<vmem>> -> memref<1x16x512xi32, #tpu.memory_space<vmem>>
          %get3A_396 = tpu.memref_squeeze %get3A_395 : memref<1x16x512xi32, #tpu.memory_space<vmem>> -> memref<16x512xi32, #tpu.memory_space<vmem>>
          %get3A_397 = arith.index_cast %get3A_392 : i32 to index
          %get3A_398 = arith.index_cast %add3A_391 : i32 to index
          %get3A_399 = tpu.vector_load %get3A_396[%get3A_397, %get3A_398] {strides = array<i32>} : memref<16x512xi32, #tpu.memory_space<vmem>>, vector<16xi32>,
          %add3A_400 = arith.constant 32 : i32
          %add3A_401 = arith.addi %add3A_380, %add3A_400 : i32
          %get3A_402 = arith.constant 12 : i32
          %get3A_403 = arith.constant 0 : i32
          %get3A_404 = arith.constant 0 : i32
          %get3A_405 = tpu.memref_slice %run_scoped3A[%rem3A_246, %get3A_403, %get3A_404] : memref<2x16x512xi32, #tpu.memory_space<vmem>> -> memref<1x16x512xi32, #tpu.memory_space<vmem>>
          %get3A_406 = tpu.memref_squeeze %get3A_405 : memref<1x16x512xi32, #tpu.memory_space<vmem>> -> memref<16x512xi32, #tpu.memory_space<vmem>>
          %get3A_407 = arith.index_cast %get3A_402 : i32 to index
          %get3A_408 = arith.index_cast %add3A_401 : i32 to index
          %get3A_409 = tpu.vector_load %get3A_406[%get3A_407, %get3A_408] {strides = array<i32>} : memref<16x512xi32, #tpu.memory_space<vmem>>, vector<16xi32>,
          %add3A_410 = arith.constant 48 : i32
          %add3A_411 = arith.addi %add3A_380, %add3A_410 : i32
          %get3A_412 = arith.constant 12 : i32
          %get3A_413 = arith.constant 0 : i32
          %get3A_414 = arith.constant 0 : i32
          %get3A_415 = tpu.memref_slice %run_scoped3A[%rem3A_246, %get3A_413, %get3A_414] : memref<2x16x512xi32, #tpu.memory_space<vmem>> -> memref<1x16x512xi32, #tpu.memory_space<vmem>>
          %get3A_416 = tpu.memref_squeeze %get3A_415 : memref<1x16x512xi32, #tpu.memory_space<vmem>> -> memref<16x512xi32, #tpu.memory_space<vmem>>
          %get3A_417 = arith.index_cast %get3A_412 : i32 to index
          %get3A_418 = arith.index_cast %add3A_411 : i32 to index
          %get3A_419 = tpu.vector_load %get3A_416[%get3A_417, %get3A_418] {strides = array<i32>} : memref<16x512xi32, #tpu.memory_space<vmem>>, vector<16xi32>,
          %add3A_420 = arith.constant 64 : i32
          %add3A_421 = arith.addi %add3A_380, %add3A_420 : i32
          %get3A_422 = arith.constant 12 : i32
          %get3A_423 = arith.constant 0 : i32
          %get3A_424 = arith.constant 0 : i32
          %get3A_425 = tpu.memref_slice %run_scoped3A[%rem3A_246, %get3A_423, %get3A_424] : memref<2x16x512xi32, #tpu.memory_space<vmem>> -> memref<1x16x512xi32, #tpu.memory_space<vmem>>
          %get3A_426 = tpu.memref_squeeze %get3A_425 : memref<1x16x512xi32, #tpu.memory_space<vmem>> -> memref<16x512xi32, #tpu.memory_space<vmem>>
          %get3A_427 = arith.index_cast %get3A_422 : i32 to index
          %get3A_428 = arith.index_cast %add3A_421 : i32 to index
          %get3A_429 = tpu.vector_load %get3A_426[%get3A_427, %get3A_428] {strides = array<i32>} : memref<16x512xi32, #tpu.memory_space<vmem>>, vector<16xi32>,
          %add3A_430 = arith.constant 80 : i32
          %add3A_431 = arith.addi %add3A_380, %add3A_430 : i32
          %get3A_432 = arith.constant 12 : i32
          %get3A_433 = arith.constant 0 : i32
          %get3A_434 = arith.constant 0 : i32
          %get3A_435 = tpu.memref_slice %run_scoped3A[%rem3A_246, %get3A_433, %get3A_434] : memref<2x16x512xi32, #tpu.memory_space<vmem>> -> memref<1x16x512xi32, #tpu.memory_space<vmem>>
          %get3A_436 = tpu.memref_squeeze %get3A_435 : memref<1x16x512xi32, #tpu.memory_space<vmem>> -> memref<16x512xi32, #tpu.memory_space<vmem>>
          %get3A_437 = arith.index_cast %get3A_432 : i32 to index
          %get3A_438 = arith.index_cast %add3A_431 : i32 to index
          %get3A_439 = tpu.vector_load %get3A_436[%get3A_437, %get3A_438] {strides = array<i32>} : memref<16x512xi32, #tpu.memory_space<vmem>>, vector<16xi32>,
          %add3A_440 = arith.constant 96 : i32
          %add3A_441 = arith.addi %add3A_380, %add3A_440 : i32
          %get3A_442 = arith.constant 12 : i32
          %get3A_443 = arith.constant 0 : i32
          %get3A_444 = arith.constant 0 : i32
          %get3A_445 = tpu.memref_slice %run_scoped3A[%rem3A_246, %get3A_443, %get3A_444] : memref<2x16x512xi32, #tpu.memory_space<vmem>> -> memref<1x16x512xi32, #tpu.memory_space<vmem>>
          %get3A_446 = tpu.memref_squeeze %get3A_445 : memref<1x16x512xi32, #tpu.memory_space<vmem>> -> memref<16x512xi32, #tpu.memory_space<vmem>>
          %get3A_447 = arith.index_cast %get3A_442 : i32 to index
          %get3A_448 = arith.index_cast %add3A_441 : i32 to index
          %get3A_449 = tpu.vector_load %get3A_446[%get3A_447, %get3A_448] {strides = array<i32>} : memref<16x512xi32, #tpu.memory_space<vmem>>, vector<16xi32>,
          %add3A_450 = arith.constant 112 : i32
          %add3A_451 = arith.addi %add3A_380, %add3A_450 : i32
          %get3A_452 = arith.constant 12 : i32
          %get3A_453 = arith.constant 0 : i32
          %get3A_454 = arith.constant 0 : i32
          %get3A_455 = tpu.memref_slice %run_scoped3A[%rem3A_246, %get3A_453, %get3A_454] : memref<2x16x512xi32, #tpu.memory_space<vmem>> -> memref<1x16x512xi32, #tpu.memory_space<vmem>>
          %get3A_456 = tpu.memref_squeeze %get3A_455 : memref<1x16x512xi32, #tpu.memory_space<vmem>> -> memref<16x512xi32, #tpu.memory_space<vmem>>
          %get3A_457 = arith.index_cast %get3A_452 : i32 to index
          %get3A_458 = arith.index_cast %add3A_451 : i32 to index
          %get3A_459 = tpu.vector_load %get3A_456[%get3A_457, %get3A_458] {strides = array<i32>} : memref<16x512xi32, #tpu.memory_space<vmem>>, vector<16xi32>,
          %shift_right_arithmetic3A = arith.constant 17 : i32
          %shift_right_arithmetic3A_460 = vector.broadcast %shift_right_arithmetic3A : i32 to vector<16xi32>
          %shift_right_arithmetic3A_461 = arith.shrsi %get3A_389, %shift_right_arithmetic3A_460 : vector<16xi32>
          %shift_right_arithmetic3A_462 = arith.constant 17 : i32
          %shift_right_arithmetic3A_463 = vector.broadcast %shift_right_arithmetic3A_462 : i32 to vector<16xi32>
          %shift_right_arithmetic3A_464 = arith.shrsi %get3A_399, %shift_right_arithmetic3A_463 : vector<16xi32>
          %shift_right_arithmetic3A_465 = arith.constant 17 : i32
          %shift_right_arithmetic3A_466 = vector.broadcast %shift_right_arithmetic3A_465 : i32 to vector<16xi32>
          %shift_right_arithmetic3A_467 = arith.shrsi %get3A_409, %shift_right_arithmetic3A_466 : vector<16xi32>
          %shift_right_arithmetic3A_468 = arith.constant 17 : i32
          %shift_right_arithmetic3A_469 = vector.broadcast %shift_right_arithmetic3A_468 : i32 to vector<16xi32>
          %shift_right_arithmetic3A_470 = arith.shrsi %get3A_419, %shift_right_arithmetic3A_469 : vector<16xi32>
          %shift_right_arithmetic3A_471 = arith.constant 17 : i32
          %shift_right_arithmetic3A_472 = vector.broadcast %shift_right_arithmetic3A_471 : i32 to vector<16xi32>
          %shift_right_arithmetic3A_473 = arith.shrsi %get3A_429, %shift_right_arithmetic3A_472 : vector<16xi32>
          %shift_right_arithmetic3A_474 = arith.constant 17 : i32
          %shift_right_arithmetic3A_475 = vector.broadcast %shift_right_arithmetic3A_474 : i32 to vector<16xi32>
          %shift_right_arithmetic3A_476 = arith.shrsi %get3A_439, %shift_right_arithmetic3A_475 : vector<16xi32>
          %shift_right_arithmetic3A_477 = arith.constant 17 : i32
          %shift_right_arithmetic3A_478 = vector.broadcast %shift_right_arithmetic3A_477 : i32 to vector<16xi32>
          %shift_right_arithmetic3A_479 = arith.shrsi %get3A_449, %shift_right_arithmetic3A_478 : vector<16xi32>
          %shift_right_arithmetic3A_480 = arith.constant 17 : i32
          %shift_right_arithmetic3A_481 = vector.broadcast %shift_right_arithmetic3A_480 : i32 to vector<16xi32>
          %shift_right_arithmetic3A_482 = arith.shrsi %get3A_459, %shift_right_arithmetic3A_481 : vector<16xi32>
          tpu.vector_store_idx %arg4[%shift_right_arithmetic3A_461], %broadcast_in_dim3A_6 {add = true} : memref<16384xi32, #tpu.memory_space<vmem>>[vector<16xi32>], vector<16xi32>,
          tpu.vector_store_idx %arg5[%shift_right_arithmetic3A_464], %broadcast_in_dim3A_6 {add = true} : memref<16384xi32, #tpu.memory_space<vmem>>[vector<16xi32>], vector<16xi32>,
          tpu.vector_store_idx %arg4[%shift_right_arithmetic3A_467], %broadcast_in_dim3A_6 {add = true} : memref<16384xi32, #tpu.memory_space<vmem>>[vector<16xi32>], vector<16xi32>,
          tpu.vector_store_idx %arg5[%shift_right_arithmetic3A_470], %broadcast_in_dim3A_6 {add = true} : memref<16384xi32, #tpu.memory_space<vmem>>[vector<16xi32>], vector<16xi32>,
          tpu.vector_store_idx %arg4[%shift_right_arithmetic3A_473], %broadcast_in_dim3A_6 {add = true} : memref<16384xi32, #tpu.memory_space<vmem>>[vector<16xi32>], vector<16xi32>,
          tpu.vector_store_idx %arg5[%shift_right_arithmetic3A_476], %broadcast_in_dim3A_6 {add = true} : memref<16384xi32, #tpu.memory_space<vmem>>[vector<16xi32>], vector<16xi32>,
          tpu.vector_store_idx %arg4[%shift_right_arithmetic3A_479], %broadcast_in_dim3A_6 {add = true} : memref<16384xi32, #tpu.memory_space<vmem>>[vector<16xi32>], vector<16xi32>,
          tpu.vector_store_idx %arg5[%shift_right_arithmetic3A_482], %broadcast_in_dim3A_6 {add = true} : memref<16384xi32, #tpu.memory_space<vmem>>[vector<16xi32>], vector<16xi32>,
        }
        %scan3A_311 = arith.constant 4 : i32
        %scan3A_312 = arith.constant 0 : i32
        %scan3A_313 = arith.constant 4 : i32
        %scan3A_314 = arith.addi %scan3A_312, %scan3A_313 : i32
        %scan3A_315 = arith.constant 1 : i32
        scf.for %scan3A_376 = %scan3A_312 to %scan3A_314 step %scan3A_315  : i32 {
          %mul3A_377 = arith.constant 128 : i32
          %mul3A_378 = arith.muli %scan3A_376, %mul3A_377 : i32
          %add3A_379 = arith.constant 0 : i32
          %add3A_380 = arith.addi %add3A_379, %mul3A_378 : i32
          %add3A_381 = arith.constant 0 : i32
          %add3A_382 = arith.addi %add3A_380, %add3A_381 : i32
          %get3A = arith.constant 13 : i32
          %get3A_383 = arith.constant 0 : i32
          %get3A_384 = arith.constant 0 : i32
          %get3A_385 = tpu.memref_slice %run_scoped3A[%rem3A_246, %get3A_383, %get3A_384] : memref<2x16x512xi32, #tpu.memory_space<vmem>> -> memref<1x16x512xi32, #tpu.memory_space<vmem>>
          %get3A_386 = tpu.memref_squeeze %get3A_385 : memref<1x16x512xi32, #tpu.memory_space<vmem>> -> memref<16x512xi32, #tpu.memory_space<vmem>>
          %get3A_387 = arith.index_cast %get3A : i32 to index
          %get3A_388 = arith.index_cast %add3A_382 : i32 to index
          %get3A_389 = tpu.vector_load %get3A_386[%get3A_387, %get3A_388] {strides = array<i32>} : memref<16x512xi32, #tpu.memory_space<vmem>>, vector<16xi32>,
          %add3A_390 = arith.constant 16 : i32
          %add3A_391 = arith.addi %add3A_380, %add3A_390 : i32
          %get3A_392 = arith.constant 13 : i32
          %get3A_393 = arith.constant 0 : i32
          %get3A_394 = arith.constant 0 : i32
          %get3A_395 = tpu.memref_slice %run_scoped3A[%rem3A_246, %get3A_393, %get3A_394] : memref<2x16x512xi32, #tpu.memory_space<vmem>> -> memref<1x16x512xi32, #tpu.memory_space<vmem>>
          %get3A_396 = tpu.memref_squeeze %get3A_395 : memref<1x16x512xi32, #tpu.memory_space<vmem>> -> memref<16x512xi32, #tpu.memory_space<vmem>>
          %get3A_397 = arith.index_cast %get3A_392 : i32 to index
          %get3A_398 = arith.index_cast %add3A_391 : i32 to index
          %get3A_399 = tpu.vector_load %get3A_396[%get3A_397, %get3A_398] {strides = array<i32>} : memref<16x512xi32, #tpu.memory_space<vmem>>, vector<16xi32>,
          %add3A_400 = arith.constant 32 : i32
          %add3A_401 = arith.addi %add3A_380, %add3A_400 : i32
          %get3A_402 = arith.constant 13 : i32
          %get3A_403 = arith.constant 0 : i32
          %get3A_404 = arith.constant 0 : i32
          %get3A_405 = tpu.memref_slice %run_scoped3A[%rem3A_246, %get3A_403, %get3A_404] : memref<2x16x512xi32, #tpu.memory_space<vmem>> -> memref<1x16x512xi32, #tpu.memory_space<vmem>>
          %get3A_406 = tpu.memref_squeeze %get3A_405 : memref<1x16x512xi32, #tpu.memory_space<vmem>> -> memref<16x512xi32, #tpu.memory_space<vmem>>
          %get3A_407 = arith.index_cast %get3A_402 : i32 to index
          %get3A_408 = arith.index_cast %add3A_401 : i32 to index
          %get3A_409 = tpu.vector_load %get3A_406[%get3A_407, %get3A_408] {strides = array<i32>} : memref<16x512xi32, #tpu.memory_space<vmem>>, vector<16xi32>,
          %add3A_410 = arith.constant 48 : i32
          %add3A_411 = arith.addi %add3A_380, %add3A_410 : i32
          %get3A_412 = arith.constant 13 : i32
          %get3A_413 = arith.constant 0 : i32
          %get3A_414 = arith.constant 0 : i32
          %get3A_415 = tpu.memref_slice %run_scoped3A[%rem3A_246, %get3A_413, %get3A_414] : memref<2x16x512xi32, #tpu.memory_space<vmem>> -> memref<1x16x512xi32, #tpu.memory_space<vmem>>
          %get3A_416 = tpu.memref_squeeze %get3A_415 : memref<1x16x512xi32, #tpu.memory_space<vmem>> -> memref<16x512xi32, #tpu.memory_space<vmem>>
          %get3A_417 = arith.index_cast %get3A_412 : i32 to index
          %get3A_418 = arith.index_cast %add3A_411 : i32 to index
          %get3A_419 = tpu.vector_load %get3A_416[%get3A_417, %get3A_418] {strides = array<i32>} : memref<16x512xi32, #tpu.memory_space<vmem>>, vector<16xi32>,
          %add3A_420 = arith.constant 64 : i32
          %add3A_421 = arith.addi %add3A_380, %add3A_420 : i32
          %get3A_422 = arith.constant 13 : i32
          %get3A_423 = arith.constant 0 : i32
          %get3A_424 = arith.constant 0 : i32
          %get3A_425 = tpu.memref_slice %run_scoped3A[%rem3A_246, %get3A_423, %get3A_424] : memref<2x16x512xi32, #tpu.memory_space<vmem>> -> memref<1x16x512xi32, #tpu.memory_space<vmem>>
          %get3A_426 = tpu.memref_squeeze %get3A_425 : memref<1x16x512xi32, #tpu.memory_space<vmem>> -> memref<16x512xi32, #tpu.memory_space<vmem>>
          %get3A_427 = arith.index_cast %get3A_422 : i32 to index
          %get3A_428 = arith.index_cast %add3A_421 : i32 to index
          %get3A_429 = tpu.vector_load %get3A_426[%get3A_427, %get3A_428] {strides = array<i32>} : memref<16x512xi32, #tpu.memory_space<vmem>>, vector<16xi32>,
          %add3A_430 = arith.constant 80 : i32
          %add3A_431 = arith.addi %add3A_380, %add3A_430 : i32
          %get3A_432 = arith.constant 13 : i32
          %get3A_433 = arith.constant 0 : i32
          %get3A_434 = arith.constant 0 : i32
          %get3A_435 = tpu.memref_slice %run_scoped3A[%rem3A_246, %get3A_433, %get3A_434] : memref<2x16x512xi32, #tpu.memory_space<vmem>> -> memref<1x16x512xi32, #tpu.memory_space<vmem>>
          %get3A_436 = tpu.memref_squeeze %get3A_435 : memref<1x16x512xi32, #tpu.memory_space<vmem>> -> memref<16x512xi32, #tpu.memory_space<vmem>>
          %get3A_437 = arith.index_cast %get3A_432 : i32 to index
          %get3A_438 = arith.index_cast %add3A_431 : i32 to index
          %get3A_439 = tpu.vector_load %get3A_436[%get3A_437, %get3A_438] {strides = array<i32>} : memref<16x512xi32, #tpu.memory_space<vmem>>, vector<16xi32>,
          %add3A_440 = arith.constant 96 : i32
          %add3A_441 = arith.addi %add3A_380, %add3A_440 : i32
          %get3A_442 = arith.constant 13 : i32
          %get3A_443 = arith.constant 0 : i32
          %get3A_444 = arith.constant 0 : i32
          %get3A_445 = tpu.memref_slice %run_scoped3A[%rem3A_246, %get3A_443, %get3A_444] : memref<2x16x512xi32, #tpu.memory_space<vmem>> -> memref<1x16x512xi32, #tpu.memory_space<vmem>>
          %get3A_446 = tpu.memref_squeeze %get3A_445 : memref<1x16x512xi32, #tpu.memory_space<vmem>> -> memref<16x512xi32, #tpu.memory_space<vmem>>
          %get3A_447 = arith.index_cast %get3A_442 : i32 to index
          %get3A_448 = arith.index_cast %add3A_441 : i32 to index
          %get3A_449 = tpu.vector_load %get3A_446[%get3A_447, %get3A_448] {strides = array<i32>} : memref<16x512xi32, #tpu.memory_space<vmem>>, vector<16xi32>,
          %add3A_450 = arith.constant 112 : i32
          %add3A_451 = arith.addi %add3A_380, %add3A_450 : i32
          %get3A_452 = arith.constant 13 : i32
          %get3A_453 = arith.constant 0 : i32
          %get3A_454 = arith.constant 0 : i32
          %get3A_455 = tpu.memref_slice %run_scoped3A[%rem3A_246, %get3A_453, %get3A_454] : memref<2x16x512xi32, #tpu.memory_space<vmem>> -> memref<1x16x512xi32, #tpu.memory_space<vmem>>
          %get3A_456 = tpu.memref_squeeze %get3A_455 : memref<1x16x512xi32, #tpu.memory_space<vmem>> -> memref<16x512xi32, #tpu.memory_space<vmem>>
          %get3A_457 = arith.index_cast %get3A_452 : i32 to index
          %get3A_458 = arith.index_cast %add3A_451 : i32 to index
          %get3A_459 = tpu.vector_load %get3A_456[%get3A_457, %get3A_458] {strides = array<i32>} : memref<16x512xi32, #tpu.memory_space<vmem>>, vector<16xi32>,
          %shift_right_arithmetic3A = arith.constant 17 : i32
          %shift_right_arithmetic3A_460 = vector.broadcast %shift_right_arithmetic3A : i32 to vector<16xi32>
          %shift_right_arithmetic3A_461 = arith.shrsi %get3A_389, %shift_right_arithmetic3A_460 : vector<16xi32>
          %shift_right_arithmetic3A_462 = arith.constant 17 : i32
          %shift_right_arithmetic3A_463 = vector.broadcast %shift_right_arithmetic3A_462 : i32 to vector<16xi32>
          %shift_right_arithmetic3A_464 = arith.shrsi %get3A_399, %shift_right_arithmetic3A_463 : vector<16xi32>
          %shift_right_arithmetic3A_465 = arith.constant 17 : i32
          %shift_right_arithmetic3A_466 = vector.broadcast %shift_right_arithmetic3A_465 : i32 to vector<16xi32>
          %shift_right_arithmetic3A_467 = arith.shrsi %get3A_409, %shift_right_arithmetic3A_466 : vector<16xi32>
          %shift_right_arithmetic3A_468 = arith.constant 17 : i32
          %shift_right_arithmetic3A_469 = vector.broadcast %shift_right_arithmetic3A_468 : i32 to vector<16xi32>
          %shift_right_arithmetic3A_470 = arith.shrsi %get3A_419, %shift_right_arithmetic3A_469 : vector<16xi32>
          %shift_right_arithmetic3A_471 = arith.constant 17 : i32
          %shift_right_arithmetic3A_472 = vector.broadcast %shift_right_arithmetic3A_471 : i32 to vector<16xi32>
          %shift_right_arithmetic3A_473 = arith.shrsi %get3A_429, %shift_right_arithmetic3A_472 : vector<16xi32>
          %shift_right_arithmetic3A_474 = arith.constant 17 : i32
          %shift_right_arithmetic3A_475 = vector.broadcast %shift_right_arithmetic3A_474 : i32 to vector<16xi32>
          %shift_right_arithmetic3A_476 = arith.shrsi %get3A_439, %shift_right_arithmetic3A_475 : vector<16xi32>
          %shift_right_arithmetic3A_477 = arith.constant 17 : i32
          %shift_right_arithmetic3A_478 = vector.broadcast %shift_right_arithmetic3A_477 : i32 to vector<16xi32>
          %shift_right_arithmetic3A_479 = arith.shrsi %get3A_449, %shift_right_arithmetic3A_478 : vector<16xi32>
          %shift_right_arithmetic3A_480 = arith.constant 17 : i32
          %shift_right_arithmetic3A_481 = vector.broadcast %shift_right_arithmetic3A_480 : i32 to vector<16xi32>
          %shift_right_arithmetic3A_482 = arith.shrsi %get3A_459, %shift_right_arithmetic3A_481 : vector<16xi32>
          tpu.vector_store_idx %arg4[%shift_right_arithmetic3A_461], %broadcast_in_dim3A_6 {add = true} : memref<16384xi32, #tpu.memory_space<vmem>>[vector<16xi32>], vector<16xi32>,
          tpu.vector_store_idx %arg5[%shift_right_arithmetic3A_464], %broadcast_in_dim3A_6 {add = true} : memref<16384xi32, #tpu.memory_space<vmem>>[vector<16xi32>], vector<16xi32>,
          tpu.vector_store_idx %arg4[%shift_right_arithmetic3A_467], %broadcast_in_dim3A_6 {add = true} : memref<16384xi32, #tpu.memory_space<vmem>>[vector<16xi32>], vector<16xi32>,
          tpu.vector_store_idx %arg5[%shift_right_arithmetic3A_470], %broadcast_in_dim3A_6 {add = true} : memref<16384xi32, #tpu.memory_space<vmem>>[vector<16xi32>], vector<16xi32>,
          tpu.vector_store_idx %arg4[%shift_right_arithmetic3A_473], %broadcast_in_dim3A_6 {add = true} : memref<16384xi32, #tpu.memory_space<vmem>>[vector<16xi32>], vector<16xi32>,
          tpu.vector_store_idx %arg5[%shift_right_arithmetic3A_476], %broadcast_in_dim3A_6 {add = true} : memref<16384xi32, #tpu.memory_space<vmem>>[vector<16xi32>], vector<16xi32>,
          tpu.vector_store_idx %arg4[%shift_right_arithmetic3A_479], %broadcast_in_dim3A_6 {add = true} : memref<16384xi32, #tpu.memory_space<vmem>>[vector<16xi32>], vector<16xi32>,
          tpu.vector_store_idx %arg5[%shift_right_arithmetic3A_482], %broadcast_in_dim3A_6 {add = true} : memref<16384xi32, #tpu.memory_space<vmem>>[vector<16xi32>], vector<16xi32>,
        }
        %scan3A_316 = arith.constant 4 : i32
        %scan3A_317 = arith.constant 0 : i32
        %scan3A_318 = arith.constant 4 : i32
        %scan3A_319 = arith.addi %scan3A_317, %scan3A_318 : i32
        %scan3A_320 = arith.constant 1 : i32
        scf.for %scan3A_376 = %scan3A_317 to %scan3A_319 step %scan3A_320  : i32 {
          %mul3A_377 = arith.constant 128 : i32
          %mul3A_378 = arith.muli %scan3A_376, %mul3A_377 : i32
          %add3A_379 = arith.constant 0 : i32
          %add3A_380 = arith.addi %add3A_379, %mul3A_378 : i32
          %add3A_381 = arith.constant 0 : i32
          %add3A_382 = arith.addi %add3A_380, %add3A_381 : i32
          %get3A = arith.constant 14 : i32
          %get3A_383 = arith.constant 0 : i32
          %get3A_384 = arith.constant 0 : i32
          %get3A_385 = tpu.memref_slice %run_scoped3A[%rem3A_246, %get3A_383, %get3A_384] : memref<2x16x512xi32, #tpu.memory_space<vmem>> -> memref<1x16x512xi32, #tpu.memory_space<vmem>>
          %get3A_386 = tpu.memref_squeeze %get3A_385 : memref<1x16x512xi32, #tpu.memory_space<vmem>> -> memref<16x512xi32, #tpu.memory_space<vmem>>
          %get3A_387 = arith.index_cast %get3A : i32 to index
          %get3A_388 = arith.index_cast %add3A_382 : i32 to index
          %get3A_389 = tpu.vector_load %get3A_386[%get3A_387, %get3A_388] {strides = array<i32>} : memref<16x512xi32, #tpu.memory_space<vmem>>, vector<16xi32>,
          %add3A_390 = arith.constant 16 : i32
          %add3A_391 = arith.addi %add3A_380, %add3A_390 : i32
          %get3A_392 = arith.constant 14 : i32
          %get3A_393 = arith.constant 0 : i32
          %get3A_394 = arith.constant 0 : i32
          %get3A_395 = tpu.memref_slice %run_scoped3A[%rem3A_246, %get3A_393, %get3A_394] : memref<2x16x512xi32, #tpu.memory_space<vmem>> -> memref<1x16x512xi32, #tpu.memory_space<vmem>>
          %get3A_396 = tpu.memref_squeeze %get3A_395 : memref<1x16x512xi32, #tpu.memory_space<vmem>> -> memref<16x512xi32, #tpu.memory_space<vmem>>
          %get3A_397 = arith.index_cast %get3A_392 : i32 to index
          %get3A_398 = arith.index_cast %add3A_391 : i32 to index
          %get3A_399 = tpu.vector_load %get3A_396[%get3A_397, %get3A_398] {strides = array<i32>} : memref<16x512xi32, #tpu.memory_space<vmem>>, vector<16xi32>,
          %add3A_400 = arith.constant 32 : i32
          %add3A_401 = arith.addi %add3A_380, %add3A_400 : i32
          %get3A_402 = arith.constant 14 : i32
          %get3A_403 = arith.constant 0 : i32
          %get3A_404 = arith.constant 0 : i32
          %get3A_405 = tpu.memref_slice %run_scoped3A[%rem3A_246, %get3A_403, %get3A_404] : memref<2x16x512xi32, #tpu.memory_space<vmem>> -> memref<1x16x512xi32, #tpu.memory_space<vmem>>
          %get3A_406 = tpu.memref_squeeze %get3A_405 : memref<1x16x512xi32, #tpu.memory_space<vmem>> -> memref<16x512xi32, #tpu.memory_space<vmem>>
          %get3A_407 = arith.index_cast %get3A_402 : i32 to index
          %get3A_408 = arith.index_cast %add3A_401 : i32 to index
          %get3A_409 = tpu.vector_load %get3A_406[%get3A_407, %get3A_408] {strides = array<i32>} : memref<16x512xi32, #tpu.memory_space<vmem>>, vector<16xi32>,
          %add3A_410 = arith.constant 48 : i32
          %add3A_411 = arith.addi %add3A_380, %add3A_410 : i32
          %get3A_412 = arith.constant 14 : i32
          %get3A_413 = arith.constant 0 : i32
          %get3A_414 = arith.constant 0 : i32
          %get3A_415 = tpu.memref_slice %run_scoped3A[%rem3A_246, %get3A_413, %get3A_414] : memref<2x16x512xi32, #tpu.memory_space<vmem>> -> memref<1x16x512xi32, #tpu.memory_space<vmem>>
          %get3A_416 = tpu.memref_squeeze %get3A_415 : memref<1x16x512xi32, #tpu.memory_space<vmem>> -> memref<16x512xi32, #tpu.memory_space<vmem>>
          %get3A_417 = arith.index_cast %get3A_412 : i32 to index
          %get3A_418 = arith.index_cast %add3A_411 : i32 to index
          %get3A_419 = tpu.vector_load %get3A_416[%get3A_417, %get3A_418] {strides = array<i32>} : memref<16x512xi32, #tpu.memory_space<vmem>>, vector<16xi32>,
          %add3A_420 = arith.constant 64 : i32
          %add3A_421 = arith.addi %add3A_380, %add3A_420 : i32
          %get3A_422 = arith.constant 14 : i32
          %get3A_423 = arith.constant 0 : i32
          %get3A_424 = arith.constant 0 : i32
          %get3A_425 = tpu.memref_slice %run_scoped3A[%rem3A_246, %get3A_423, %get3A_424] : memref<2x16x512xi32, #tpu.memory_space<vmem>> -> memref<1x16x512xi32, #tpu.memory_space<vmem>>
          %get3A_426 = tpu.memref_squeeze %get3A_425 : memref<1x16x512xi32, #tpu.memory_space<vmem>> -> memref<16x512xi32, #tpu.memory_space<vmem>>
          %get3A_427 = arith.index_cast %get3A_422 : i32 to index
          %get3A_428 = arith.index_cast %add3A_421 : i32 to index
          %get3A_429 = tpu.vector_load %get3A_426[%get3A_427, %get3A_428] {strides = array<i32>} : memref<16x512xi32, #tpu.memory_space<vmem>>, vector<16xi32>,
          %add3A_430 = arith.constant 80 : i32
          %add3A_431 = arith.addi %add3A_380, %add3A_430 : i32
          %get3A_432 = arith.constant 14 : i32
          %get3A_433 = arith.constant 0 : i32
          %get3A_434 = arith.constant 0 : i32
          %get3A_435 = tpu.memref_slice %run_scoped3A[%rem3A_246, %get3A_433, %get3A_434] : memref<2x16x512xi32, #tpu.memory_space<vmem>> -> memref<1x16x512xi32, #tpu.memory_space<vmem>>
          %get3A_436 = tpu.memref_squeeze %get3A_435 : memref<1x16x512xi32, #tpu.memory_space<vmem>> -> memref<16x512xi32, #tpu.memory_space<vmem>>
          %get3A_437 = arith.index_cast %get3A_432 : i32 to index
          %get3A_438 = arith.index_cast %add3A_431 : i32 to index
          %get3A_439 = tpu.vector_load %get3A_436[%get3A_437, %get3A_438] {strides = array<i32>} : memref<16x512xi32, #tpu.memory_space<vmem>>, vector<16xi32>,
          %add3A_440 = arith.constant 96 : i32
          %add3A_441 = arith.addi %add3A_380, %add3A_440 : i32
          %get3A_442 = arith.constant 14 : i32
          %get3A_443 = arith.constant 0 : i32
          %get3A_444 = arith.constant 0 : i32
          %get3A_445 = tpu.memref_slice %run_scoped3A[%rem3A_246, %get3A_443, %get3A_444] : memref<2x16x512xi32, #tpu.memory_space<vmem>> -> memref<1x16x512xi32, #tpu.memory_space<vmem>>
          %get3A_446 = tpu.memref_squeeze %get3A_445 : memref<1x16x512xi32, #tpu.memory_space<vmem>> -> memref<16x512xi32, #tpu.memory_space<vmem>>
          %get3A_447 = arith.index_cast %get3A_442 : i32 to index
          %get3A_448 = arith.index_cast %add3A_441 : i32 to index
          %get3A_449 = tpu.vector_load %get3A_446[%get3A_447, %get3A_448] {strides = array<i32>} : memref<16x512xi32, #tpu.memory_space<vmem>>, vector<16xi32>,
          %add3A_450 = arith.constant 112 : i32
          %add3A_451 = arith.addi %add3A_380, %add3A_450 : i32
          %get3A_452 = arith.constant 14 : i32
          %get3A_453 = arith.constant 0 : i32
          %get3A_454 = arith.constant 0 : i32
          %get3A_455 = tpu.memref_slice %run_scoped3A[%rem3A_246, %get3A_453, %get3A_454] : memref<2x16x512xi32, #tpu.memory_space<vmem>> -> memref<1x16x512xi32, #tpu.memory_space<vmem>>
          %get3A_456 = tpu.memref_squeeze %get3A_455 : memref<1x16x512xi32, #tpu.memory_space<vmem>> -> memref<16x512xi32, #tpu.memory_space<vmem>>
          %get3A_457 = arith.index_cast %get3A_452 : i32 to index
          %get3A_458 = arith.index_cast %add3A_451 : i32 to index
          %get3A_459 = tpu.vector_load %get3A_456[%get3A_457, %get3A_458] {strides = array<i32>} : memref<16x512xi32, #tpu.memory_space<vmem>>, vector<16xi32>,
          %shift_right_arithmetic3A = arith.constant 17 : i32
          %shift_right_arithmetic3A_460 = vector.broadcast %shift_right_arithmetic3A : i32 to vector<16xi32>
          %shift_right_arithmetic3A_461 = arith.shrsi %get3A_389, %shift_right_arithmetic3A_460 : vector<16xi32>
          %shift_right_arithmetic3A_462 = arith.constant 17 : i32
          %shift_right_arithmetic3A_463 = vector.broadcast %shift_right_arithmetic3A_462 : i32 to vector<16xi32>
          %shift_right_arithmetic3A_464 = arith.shrsi %get3A_399, %shift_right_arithmetic3A_463 : vector<16xi32>
          %shift_right_arithmetic3A_465 = arith.constant 17 : i32
          %shift_right_arithmetic3A_466 = vector.broadcast %shift_right_arithmetic3A_465 : i32 to vector<16xi32>
          %shift_right_arithmetic3A_467 = arith.shrsi %get3A_409, %shift_right_arithmetic3A_466 : vector<16xi32>
          %shift_right_arithmetic3A_468 = arith.constant 17 : i32
          %shift_right_arithmetic3A_469 = vector.broadcast %shift_right_arithmetic3A_468 : i32 to vector<16xi32>
          %shift_right_arithmetic3A_470 = arith.shrsi %get3A_419, %shift_right_arithmetic3A_469 : vector<16xi32>
          %shift_right_arithmetic3A_471 = arith.constant 17 : i32
          %shift_right_arithmetic3A_472 = vector.broadcast %shift_right_arithmetic3A_471 : i32 to vector<16xi32>
          %shift_right_arithmetic3A_473 = arith.shrsi %get3A_429, %shift_right_arithmetic3A_472 : vector<16xi32>
          %shift_right_arithmetic3A_474 = arith.constant 17 : i32
          %shift_right_arithmetic3A_475 = vector.broadcast %shift_right_arithmetic3A_474 : i32 to vector<16xi32>
          %shift_right_arithmetic3A_476 = arith.shrsi %get3A_439, %shift_right_arithmetic3A_475 : vector<16xi32>
          %shift_right_arithmetic3A_477 = arith.constant 17 : i32
          %shift_right_arithmetic3A_478 = vector.broadcast %shift_right_arithmetic3A_477 : i32 to vector<16xi32>
          %shift_right_arithmetic3A_479 = arith.shrsi %get3A_449, %shift_right_arithmetic3A_478 : vector<16xi32>
          %shift_right_arithmetic3A_480 = arith.constant 17 : i32
          %shift_right_arithmetic3A_481 = vector.broadcast %shift_right_arithmetic3A_480 : i32 to vector<16xi32>
          %shift_right_arithmetic3A_482 = arith.shrsi %get3A_459, %shift_right_arithmetic3A_481 : vector<16xi32>
          tpu.vector_store_idx %arg4[%shift_right_arithmetic3A_461], %broadcast_in_dim3A_6 {add = true} : memref<16384xi32, #tpu.memory_space<vmem>>[vector<16xi32>], vector<16xi32>,
          tpu.vector_store_idx %arg5[%shift_right_arithmetic3A_464], %broadcast_in_dim3A_6 {add = true} : memref<16384xi32, #tpu.memory_space<vmem>>[vector<16xi32>], vector<16xi32>,
          tpu.vector_store_idx %arg4[%shift_right_arithmetic3A_467], %broadcast_in_dim3A_6 {add = true} : memref<16384xi32, #tpu.memory_space<vmem>>[vector<16xi32>], vector<16xi32>,
          tpu.vector_store_idx %arg5[%shift_right_arithmetic3A_470], %broadcast_in_dim3A_6 {add = true} : memref<16384xi32, #tpu.memory_space<vmem>>[vector<16xi32>], vector<16xi32>,
          tpu.vector_store_idx %arg4[%shift_right_arithmetic3A_473], %broadcast_in_dim3A_6 {add = true} : memref<16384xi32, #tpu.memory_space<vmem>>[vector<16xi32>], vector<16xi32>,
          tpu.vector_store_idx %arg5[%shift_right_arithmetic3A_476], %broadcast_in_dim3A_6 {add = true} : memref<16384xi32, #tpu.memory_space<vmem>>[vector<16xi32>], vector<16xi32>,
          tpu.vector_store_idx %arg4[%shift_right_arithmetic3A_479], %broadcast_in_dim3A_6 {add = true} : memref<16384xi32, #tpu.memory_space<vmem>>[vector<16xi32>], vector<16xi32>,
          tpu.vector_store_idx %arg5[%shift_right_arithmetic3A_482], %broadcast_in_dim3A_6 {add = true} : memref<16384xi32, #tpu.memory_space<vmem>>[vector<16xi32>], vector<16xi32>,
        }
        %scan3A_321 = arith.constant 4 : i32
        %scan3A_322 = arith.constant 0 : i32
        %scan3A_323 = arith.constant 4 : i32
        %scan3A_324 = arith.addi %scan3A_322, %scan3A_323 : i32
        %scan3A_325 = arith.constant 1 : i32
        scf.for %scan3A_376 = %scan3A_322 to %scan3A_324 step %scan3A_325  : i32 {
          %mul3A_377 = arith.constant 128 : i32
          %mul3A_378 = arith.muli %scan3A_376, %mul3A_377 : i32
          %add3A_379 = arith.constant 0 : i32
          %add3A_380 = arith.addi %add3A_379, %mul3A_378 : i32
          %add3A_381 = arith.constant 0 : i32
          %add3A_382 = arith.addi %add3A_380, %add3A_381 : i32
          %get3A = arith.constant 15 : i32
          %get3A_383 = arith.constant 0 : i32
          %get3A_384 = arith.constant 0 : i32
          %get3A_385 = tpu.memref_slice %run_scoped3A[%rem3A_246, %get3A_383, %get3A_384] : memref<2x16x512xi32, #tpu.memory_space<vmem>> -> memref<1x16x512xi32, #tpu.memory_space<vmem>>
          %get3A_386 = tpu.memref_squeeze %get3A_385 : memref<1x16x512xi32, #tpu.memory_space<vmem>> -> memref<16x512xi32, #tpu.memory_space<vmem>>
          %get3A_387 = arith.index_cast %get3A : i32 to index
          %get3A_388 = arith.index_cast %add3A_382 : i32 to index
          %get3A_389 = tpu.vector_load %get3A_386[%get3A_387, %get3A_388] {strides = array<i32>} : memref<16x512xi32, #tpu.memory_space<vmem>>, vector<16xi32>,
          %add3A_390 = arith.constant 16 : i32
          %add3A_391 = arith.addi %add3A_380, %add3A_390 : i32
          %get3A_392 = arith.constant 15 : i32
          %get3A_393 = arith.constant 0 : i32
          %get3A_394 = arith.constant 0 : i32
          %get3A_395 = tpu.memref_slice %run_scoped3A[%rem3A_246, %get3A_393, %get3A_394] : memref<2x16x512xi32, #tpu.memory_space<vmem>> -> memref<1x16x512xi32, #tpu.memory_space<vmem>>
          %get3A_396 = tpu.memref_squeeze %get3A_395 : memref<1x16x512xi32, #tpu.memory_space<vmem>> -> memref<16x512xi32, #tpu.memory_space<vmem>>
          %get3A_397 = arith.index_cast %get3A_392 : i32 to index
          %get3A_398 = arith.index_cast %add3A_391 : i32 to index
          %get3A_399 = tpu.vector_load %get3A_396[%get3A_397, %get3A_398] {strides = array<i32>} : memref<16x512xi32, #tpu.memory_space<vmem>>, vector<16xi32>,
          %add3A_400 = arith.constant 32 : i32
          %add3A_401 = arith.addi %add3A_380, %add3A_400 : i32
          %get3A_402 = arith.constant 15 : i32
          %get3A_403 = arith.constant 0 : i32
          %get3A_404 = arith.constant 0 : i32
          %get3A_405 = tpu.memref_slice %run_scoped3A[%rem3A_246, %get3A_403, %get3A_404] : memref<2x16x512xi32, #tpu.memory_space<vmem>> -> memref<1x16x512xi32, #tpu.memory_space<vmem>>
          %get3A_406 = tpu.memref_squeeze %get3A_405 : memref<1x16x512xi32, #tpu.memory_space<vmem>> -> memref<16x512xi32, #tpu.memory_space<vmem>>
          %get3A_407 = arith.index_cast %get3A_402 : i32 to index
          %get3A_408 = arith.index_cast %add3A_401 : i32 to index
          %get3A_409 = tpu.vector_load %get3A_406[%get3A_407, %get3A_408] {strides = array<i32>} : memref<16x512xi32, #tpu.memory_space<vmem>>, vector<16xi32>,
          %add3A_410 = arith.constant 48 : i32
          %add3A_411 = arith.addi %add3A_380, %add3A_410 : i32
          %get3A_412 = arith.constant 15 : i32
          %get3A_413 = arith.constant 0 : i32
          %get3A_414 = arith.constant 0 : i32
          %get3A_415 = tpu.memref_slice %run_scoped3A[%rem3A_246, %get3A_413, %get3A_414] : memref<2x16x512xi32, #tpu.memory_space<vmem>> -> memref<1x16x512xi32, #tpu.memory_space<vmem>>
          %get3A_416 = tpu.memref_squeeze %get3A_415 : memref<1x16x512xi32, #tpu.memory_space<vmem>> -> memref<16x512xi32, #tpu.memory_space<vmem>>
          %get3A_417 = arith.index_cast %get3A_412 : i32 to index
          %get3A_418 = arith.index_cast %add3A_411 : i32 to index
          %get3A_419 = tpu.vector_load %get3A_416[%get3A_417, %get3A_418] {strides = array<i32>} : memref<16x512xi32, #tpu.memory_space<vmem>>, vector<16xi32>,
          %add3A_420 = arith.constant 64 : i32
          %add3A_421 = arith.addi %add3A_380, %add3A_420 : i32
          %get3A_422 = arith.constant 15 : i32
          %get3A_423 = arith.constant 0 : i32
          %get3A_424 = arith.constant 0 : i32
          %get3A_425 = tpu.memref_slice %run_scoped3A[%rem3A_246, %get3A_423, %get3A_424] : memref<2x16x512xi32, #tpu.memory_space<vmem>> -> memref<1x16x512xi32, #tpu.memory_space<vmem>>
          %get3A_426 = tpu.memref_squeeze %get3A_425 : memref<1x16x512xi32, #tpu.memory_space<vmem>> -> memref<16x512xi32, #tpu.memory_space<vmem>>
          %get3A_427 = arith.index_cast %get3A_422 : i32 to index
          %get3A_428 = arith.index_cast %add3A_421 : i32 to index
          %get3A_429 = tpu.vector_load %get3A_426[%get3A_427, %get3A_428] {strides = array<i32>} : memref<16x512xi32, #tpu.memory_space<vmem>>, vector<16xi32>,
          %add3A_430 = arith.constant 80 : i32
          %add3A_431 = arith.addi %add3A_380, %add3A_430 : i32
          %get3A_432 = arith.constant 15 : i32
          %get3A_433 = arith.constant 0 : i32
          %get3A_434 = arith.constant 0 : i32
          %get3A_435 = tpu.memref_slice %run_scoped3A[%rem3A_246, %get3A_433, %get3A_434] : memref<2x16x512xi32, #tpu.memory_space<vmem>> -> memref<1x16x512xi32, #tpu.memory_space<vmem>>
          %get3A_436 = tpu.memref_squeeze %get3A_435 : memref<1x16x512xi32, #tpu.memory_space<vmem>> -> memref<16x512xi32, #tpu.memory_space<vmem>>
          %get3A_437 = arith.index_cast %get3A_432 : i32 to index
          %get3A_438 = arith.index_cast %add3A_431 : i32 to index
          %get3A_439 = tpu.vector_load %get3A_436[%get3A_437, %get3A_438] {strides = array<i32>} : memref<16x512xi32, #tpu.memory_space<vmem>>, vector<16xi32>,
          %add3A_440 = arith.constant 96 : i32
          %add3A_441 = arith.addi %add3A_380, %add3A_440 : i32
          %get3A_442 = arith.constant 15 : i32
          %get3A_443 = arith.constant 0 : i32
          %get3A_444 = arith.constant 0 : i32
          %get3A_445 = tpu.memref_slice %run_scoped3A[%rem3A_246, %get3A_443, %get3A_444] : memref<2x16x512xi32, #tpu.memory_space<vmem>> -> memref<1x16x512xi32, #tpu.memory_space<vmem>>
          %get3A_446 = tpu.memref_squeeze %get3A_445 : memref<1x16x512xi32, #tpu.memory_space<vmem>> -> memref<16x512xi32, #tpu.memory_space<vmem>>
          %get3A_447 = arith.index_cast %get3A_442 : i32 to index
          %get3A_448 = arith.index_cast %add3A_441 : i32 to index
          %get3A_449 = tpu.vector_load %get3A_446[%get3A_447, %get3A_448] {strides = array<i32>} : memref<16x512xi32, #tpu.memory_space<vmem>>, vector<16xi32>,
          %add3A_450 = arith.constant 112 : i32
          %add3A_451 = arith.addi %add3A_380, %add3A_450 : i32
          %get3A_452 = arith.constant 15 : i32
          %get3A_453 = arith.constant 0 : i32
          %get3A_454 = arith.constant 0 : i32
          %get3A_455 = tpu.memref_slice %run_scoped3A[%rem3A_246, %get3A_453, %get3A_454] : memref<2x16x512xi32, #tpu.memory_space<vmem>> -> memref<1x16x512xi32, #tpu.memory_space<vmem>>
          %get3A_456 = tpu.memref_squeeze %get3A_455 : memref<1x16x512xi32, #tpu.memory_space<vmem>> -> memref<16x512xi32, #tpu.memory_space<vmem>>
          %get3A_457 = arith.index_cast %get3A_452 : i32 to index
          %get3A_458 = arith.index_cast %add3A_451 : i32 to index
          %get3A_459 = tpu.vector_load %get3A_456[%get3A_457, %get3A_458] {strides = array<i32>} : memref<16x512xi32, #tpu.memory_space<vmem>>, vector<16xi32>,
          %shift_right_arithmetic3A = arith.constant 17 : i32
          %shift_right_arithmetic3A_460 = vector.broadcast %shift_right_arithmetic3A : i32 to vector<16xi32>
          %shift_right_arithmetic3A_461 = arith.shrsi %get3A_389, %shift_right_arithmetic3A_460 : vector<16xi32>
          %shift_right_arithmetic3A_462 = arith.constant 17 : i32
          %shift_right_arithmetic3A_463 = vector.broadcast %shift_right_arithmetic3A_462 : i32 to vector<16xi32>
          %shift_right_arithmetic3A_464 = arith.shrsi %get3A_399, %shift_right_arithmetic3A_463 : vector<16xi32>
          %shift_right_arithmetic3A_465 = arith.constant 17 : i32
          %shift_right_arithmetic3A_466 = vector.broadcast %shift_right_arithmetic3A_465 : i32 to vector<16xi32>
          %shift_right_arithmetic3A_467 = arith.shrsi %get3A_409, %shift_right_arithmetic3A_466 : vector<16xi32>
          %shift_right_arithmetic3A_468 = arith.constant 17 : i32
          %shift_right_arithmetic3A_469 = vector.broadcast %shift_right_arithmetic3A_468 : i32 to vector<16xi32>
          %shift_right_arithmetic3A_470 = arith.shrsi %get3A_419, %shift_right_arithmetic3A_469 : vector<16xi32>
          %shift_right_arithmetic3A_471 = arith.constant 17 : i32
          %shift_right_arithmetic3A_472 = vector.broadcast %shift_right_arithmetic3A_471 : i32 to vector<16xi32>
          %shift_right_arithmetic3A_473 = arith.shrsi %get3A_429, %shift_right_arithmetic3A_472 : vector<16xi32>
          %shift_right_arithmetic3A_474 = arith.constant 17 : i32
          %shift_right_arithmetic3A_475 = vector.broadcast %shift_right_arithmetic3A_474 : i32 to vector<16xi32>
          %shift_right_arithmetic3A_476 = arith.shrsi %get3A_439, %shift_right_arithmetic3A_475 : vector<16xi32>
          %shift_right_arithmetic3A_477 = arith.constant 17 : i32
          %shift_right_arithmetic3A_478 = vector.broadcast %shift_right_arithmetic3A_477 : i32 to vector<16xi32>
          %shift_right_arithmetic3A_479 = arith.shrsi %get3A_449, %shift_right_arithmetic3A_478 : vector<16xi32>
          %shift_right_arithmetic3A_480 = arith.constant 17 : i32
          %shift_right_arithmetic3A_481 = vector.broadcast %shift_right_arithmetic3A_480 : i32 to vector<16xi32>
          %shift_right_arithmetic3A_482 = arith.shrsi %get3A_459, %shift_right_arithmetic3A_481 : vector<16xi32>
          tpu.vector_store_idx %arg4[%shift_right_arithmetic3A_461], %broadcast_in_dim3A_6 {add = true} : memref<16384xi32, #tpu.memory_space<vmem>>[vector<16xi32>], vector<16xi32>,
          tpu.vector_store_idx %arg5[%shift_right_arithmetic3A_464], %broadcast_in_dim3A_6 {add = true} : memref<16384xi32, #tpu.memory_space<vmem>>[vector<16xi32>], vector<16xi32>,
          tpu.vector_store_idx %arg4[%shift_right_arithmetic3A_467], %broadcast_in_dim3A_6 {add = true} : memref<16384xi32, #tpu.memory_space<vmem>>[vector<16xi32>], vector<16xi32>,
          tpu.vector_store_idx %arg5[%shift_right_arithmetic3A_470], %broadcast_in_dim3A_6 {add = true} : memref<16384xi32, #tpu.memory_space<vmem>>[vector<16xi32>], vector<16xi32>,
          tpu.vector_store_idx %arg4[%shift_right_arithmetic3A_473], %broadcast_in_dim3A_6 {add = true} : memref<16384xi32, #tpu.memory_space<vmem>>[vector<16xi32>], vector<16xi32>,
          tpu.vector_store_idx %arg5[%shift_right_arithmetic3A_476], %broadcast_in_dim3A_6 {add = true} : memref<16384xi32, #tpu.memory_space<vmem>>[vector<16xi32>], vector<16xi32>,
          tpu.vector_store_idx %arg4[%shift_right_arithmetic3A_479], %broadcast_in_dim3A_6 {add = true} : memref<16384xi32, #tpu.memory_space<vmem>>[vector<16xi32>], vector<16xi32>,
          tpu.vector_store_idx %arg5[%shift_right_arithmetic3A_482], %broadcast_in_dim3A_6 {add = true} : memref<16384xi32, #tpu.memory_space<vmem>>[vector<16xi32>], vector<16xi32>,
        }
        %scan3A_326 = arith.constant 4 : i32
        "tpu.trace_stop"() : () -> ()
        %ne3A_327 = arith.cmpi ne, %add3A_176, %add3A_208 : i32
        %or3A_328 = arith.constant false
        %or3A_329 = arith.ori %or3A_328, %ne3A_327 : i1
        %or3A_330 = arith.constant false
        %or3A_331 = arith.ori %or3A_329, %or3A_330 : i1
        %or3A_332 = arith.ori %or3A_331, %eq3A_175 : i1
        %convert_element_type3A_333 = arith.extui %or3A_332 : i1 to i32
        %cond3A_334 = arith.constant 0 : i32
        %cond3A_335 = arith.cmpi ne, %convert_element_type3A_333, %cond3A_334 : i32
        scf.if %cond3A_335 {
        } else {
        }
        %and3A_336 = arith.constant false
        %and3A_337 = arith.andi %or3A_332, %and3A_336 : i1
        %ne3A_338 = arith.cmpi ne, %add3A_176, %add3A_192 : i32
        %or3A_339 = arith.constant false
        %or3A_340 = arith.ori %or3A_339, %ne3A_338 : i1
        %or3A_341 = arith.constant false
        %or3A_342 = arith.ori %or3A_340, %or3A_341 : i1
        %not3A_343 = arith.constant true
        %not3A_344 = arith.xori %eq3A_173, %not3A_343 : i1
        %and3A_345 = arith.andi %or3A_342, %not3A_344 : i1
        %convert_element_type3A_346 = arith.extui %and3A_345 : i1 to i32
        %cond3A_347 = arith.constant 0 : i32
        %cond3A_348 = arith.cmpi ne, %convert_element_type3A_346, %cond3A_347 : i32
        scf.if %cond3A_348 {
        } else {
        }
        %and3A_349 = arith.constant false
        %and3A_350 = arith.andi %and3A_345, %and3A_349 : i1
        %ne3A_351 = arith.cmpi ne, %add3A_176, %add3A_208 : i32
        %or3A_352 = arith.constant false
        %or3A_353 = arith.ori %or3A_352, %ne3A_351 : i1
        %or3A_354 = arith.constant false
        %or3A_355 = arith.ori %or3A_353, %or3A_354 : i1
        %or3A_356 = arith.ori %or3A_355, %eq3A_175 : i1
        %add3A_357 = arith.constant 1 : i32
        %add3A_358 = arith.addi %scan3A_169, %add3A_357 : i32
        %select_n3A_359 = arith.select %or3A_356, %add3A_358, %scan3A_169 : i32
        %select_n3A_360 = arith.constant true
        %select_n3A_361 = arith.constant 0 : i32
        %select_n3A_362 = arith.constant 1 : i32
        %select_n3A_363 = arith.select %select_n3A_360, %select_n3A_362, %select_n3A_361 : i32
        %eq3A_364 = arith.constant 1 : i32
        %eq3A_365 = arith.cmpi eq, %select_n3A_363, %eq3A_364 : i32
        %select_n3A_366 = arith.constant 0 : i32
        %select_n3A_367 = arith.select %eq3A_365, %select_n3A_366, %select_n3A_363 : i32
        %add3A_368 = arith.constant 1 : i32
        %add3A_369 = arith.addi %scan3A_170, %add3A_368 : i32
        %select_n3A_370 = arith.select %eq3A_365, %add3A_369, %scan3A_170 : i32
        %eq3A_371 = arith.constant 8 : i32
        %eq3A_372 = arith.cmpi eq, %select_n3A_370, %eq3A_371 : i32
        %select_n3A_373 = arith.constant 0 : i32
        %select_n3A_374 = arith.select %eq3A_372, %select_n3A_373, %select_n3A_370 : i32
        %scan3A_375 = arith.constant 0 : i32
        scf.yield %select_n3A_235, %select_n3A_359, %select_n3A_374, %scan3A_375 : i32, i32, i32, i32
      }
      %scan3A_103 = arith.constant 8 : i32
      %sub3A = arith.constant 1 : i32
      %sub3A_104 = arith.subi %scan3A_102#3, %sub3A : i32
      %select_n3A_105 = arith.constant true
      %select_n3A_106 = arith.select %select_n3A_105, %sub3A_104, %scan3A_102#3 : i32
      %eq3A_107 = arith.constant -1 : i32
      %eq3A_108 = arith.cmpi eq, %select_n3A_106, %eq3A_107 : i32
      %select_n3A_109 = arith.constant 0 : i32
      %select_n3A_110 = arith.select %eq3A_108, %select_n3A_109, %select_n3A_106 : i32
      %sub3A_111 = arith.constant 1 : i32
      %sub3A_112 = arith.subi %scan3A_102#2, %sub3A_111 : i32
      %select_n3A_113 = arith.select %eq3A_108, %sub3A_112, %scan3A_102#2 : i32
      %eq3A_114 = arith.constant -1 : i32
      %eq3A_115 = arith.cmpi eq, %select_n3A_113, %eq3A_114 : i32
      %select_n3A_116 = arith.constant 7 : i32
      %select_n3A_117 = arith.select %eq3A_115, %select_n3A_116, %select_n3A_113 : i32
      %add3A_118 = arith.addi %select_n3A_117, %mul3A_13 : i32
      %select_n3A_119 = arith.constant true
      %select_n3A_120 = arith.constant 0 : i32
      %select_n3A_121 = arith.constant -1 : i32
      %select_n3A_122 = arith.select %select_n3A_119, %select_n3A_121, %select_n3A_120 : i32
      %eq3A_123 = arith.constant -1 : i32
      %eq3A_124 = arith.cmpi eq, %select_n3A_122, %eq3A_123 : i32
      %select_n3A_125 = arith.constant 0 : i32
      %select_n3A_126 = arith.select %eq3A_124, %select_n3A_125, %select_n3A_122 : i32
      %sub3A_127 = arith.constant 1 : i32
      %sub3A_128 = arith.subi %select_n3A_117, %sub3A_127 : i32
      %select_n3A_129 = arith.select %eq3A_124, %sub3A_128, %select_n3A_117 : i32
      %eq3A_130 = arith.constant -1 : i32
      %eq3A_131 = arith.cmpi eq, %select_n3A_129, %eq3A_130 : i32
      %select_n3A_132 = arith.constant 7 : i32
      %select_n3A_133 = arith.select %eq3A_131, %select_n3A_132, %select_n3A_129 : i32
      %add3A_134 = arith.addi %select_n3A_133, %mul3A_13 : i32
      %select_n3A_135 = arith.constant true
      %select_n3A_136 = arith.constant 0 : i32
      %select_n3A_137 = arith.constant 1 : i32
      %select_n3A_138 = arith.select %select_n3A_135, %select_n3A_137, %select_n3A_136 : i32
      %eq3A_139 = arith.constant 1 : i32
      %eq3A_140 = arith.cmpi eq, %select_n3A_138, %eq3A_139 : i32
      %select_n3A_141 = arith.constant 0 : i32
      %select_n3A_142 = arith.select %eq3A_140, %select_n3A_141, %select_n3A_138 : i32
      %add3A_143 = arith.constant 1 : i32
      %add3A_144 = arith.addi %select_n3A_117, %add3A_143 : i32
      %select_n3A_145 = arith.select %eq3A_140, %add3A_144, %select_n3A_117 : i32
      %eq3A_146 = arith.constant 8 : i32
      %eq3A_147 = arith.cmpi eq, %select_n3A_145, %eq3A_146 : i32
      %select_n3A_148 = arith.constant 0 : i32
      %select_n3A_149 = arith.select %eq3A_147, %select_n3A_148, %select_n3A_145 : i32
      %add3A_150 = arith.addi %select_n3A_149, %mul3A_13 : i32
      %select_n3A_151 = arith.constant true
      %select_n3A_152 = arith.constant 0 : i32
      %select_n3A_153 = arith.constant 1 : i32
      %select_n3A_154 = arith.select %select_n3A_151, %select_n3A_153, %select_n3A_152 : i32
      %eq3A_155 = arith.constant 1 : i32
      %eq3A_156 = arith.cmpi eq, %select_n3A_154, %eq3A_155 : i32
      %select_n3A_157 = arith.constant 0 : i32
      %select_n3A_158 = arith.select %eq3A_156, %select_n3A_157, %select_n3A_154 : i32
      %add3A_159 = arith.constant 1 : i32
      %add3A_160 = arith.addi %select_n3A_149, %add3A_159 : i32
      %select_n3A_161 = arith.select %eq3A_156, %add3A_160, %select_n3A_149 : i32
      %eq3A_162 = arith.constant 8 : i32
      %eq3A_163 = arith.cmpi eq, %select_n3A_161, %eq3A_162 : i32
      %select_n3A_164 = arith.constant 0 : i32
      %select_n3A_165 = arith.select %eq3A_163, %select_n3A_164, %select_n3A_161 : i32
      %add3A_166 = arith.addi %select_n3A_165, %mul3A_13 : i32
      tpu.yield
    }) : () -> ()
    %mul3A_14 = arith.constant 2 : i32
    %mul3A_15 = arith.muli %arg1, %mul3A_14 : i32
    %add3A_16 = arith.addi %mul3A_15, %arg0 : i32
    %mul3A_17 = arith.constant 2 : i32
    %mul3A_18 = arith.muli %mul3A_17, %add3A_16 : i32
    "tpu.region"() ({
      %run_scoped3A = tpu.sem_alloc : memref<!tpu.dma_semaphore, #tpu.memory_space<semaphore_mem>>
      %dma_start3A = arith.constant 0 : i32
      %dma_start3A_23 = tpu.memref_slice %arg3[%mul3A_18, %dma_start3A] : memref<64x16384xi32, #tpu.memory_space<hbm>> -> memref<1x16384xi32, #tpu.memory_space<hbm>>
      %dma_start3A_24 = tpu.memref_squeeze %dma_start3A_23 : memref<1x16384xi32, #tpu.memory_space<hbm>> -> memref<16384xi32, #tpu.memory_space<hbm>>
      %dma_start3A_25 = arith.constant 0 : i32
      %dma_start3A_26 = tpu.memref_slice %arg3[%mul3A_18, %dma_start3A_25] : memref<64x16384xi32, #tpu.memory_space<hbm>> -> memref<1x16384xi32, #tpu.memory_space<hbm>>
      %dma_start3A_27 = tpu.memref_squeeze %dma_start3A_26 : memref<1x16384xi32, #tpu.memory_space<hbm>> -> memref<16384xi32, #tpu.memory_space<hbm>>
      tpu.enqueue_dma source(%arg4 : memref<16384xi32, #tpu.memory_space<vmem>>) target(%dma_start3A_27 : memref<16384xi32, #tpu.memory_space<hbm>>) target_semaphore(%run_scoped3A : memref<!tpu.dma_semaphore, #tpu.memory_space<semaphore_mem>>)
      %dma_wait3A = arith.constant 0 : i32
      %dma_wait3A_28 = tpu.memref_slice %arg3[%mul3A_18, %dma_wait3A] : memref<64x16384xi32, #tpu.memory_space<hbm>> -> memref<1x16384xi32, #tpu.memory_space<hbm>>
      %dma_wait3A_29 = tpu.memref_squeeze %dma_wait3A_28 : memref<1x16384xi32, #tpu.memory_space<hbm>> -> memref<16384xi32, #tpu.memory_space<hbm>>
      %dma_wait3A_30 = arith.constant 0 : i32
      %dma_wait3A_31 = tpu.memref_slice %arg3[%mul3A_18, %dma_wait3A_30] : memref<64x16384xi32, #tpu.memory_space<hbm>> -> memref<1x16384xi32, #tpu.memory_space<hbm>>
      %dma_wait3A_32 = tpu.memref_squeeze %dma_wait3A_31 : memref<1x16384xi32, #tpu.memory_space<hbm>> -> memref<16384xi32, #tpu.memory_space<hbm>>
      tpu.wait_dma2 semaphore(%run_scoped3A : memref<!tpu.dma_semaphore, #tpu.memory_space<semaphore_mem>>) src(%arg4 : memref<16384xi32, #tpu.memory_space<vmem>>) dst(%dma_wait3A_32 : memref<16384xi32, #tpu.memory_space<hbm>>)
      tpu.yield
    }) : () -> ()
    %mul3A_19 = arith.constant 2 : i32
    %mul3A_20 = arith.muli %mul3A_19, %add3A_16 : i32
    %add3A_21 = arith.constant 1 : i32
    %add3A_22 = arith.addi %mul3A_20, %add3A_21 : i32
    "tpu.region"() ({
      %run_scoped3A = tpu.sem_alloc : memref<!tpu.dma_semaphore, #tpu.memory_space<semaphore_mem>>
      %dma_start3A = arith.constant 0 : i32
      %dma_start3A_23 = tpu.memref_slice %arg3[%add3A_22, %dma_start3A] : memref<64x16384xi32, #tpu.memory_space<hbm>> -> memref<1x16384xi32, #tpu.memory_space<hbm>>
      %dma_start3A_24 = tpu.memref_squeeze %dma_start3A_23 : memref<1x16384xi32, #tpu.memory_space<hbm>> -> memref<16384xi32, #tpu.memory_space<hbm>>
      %dma_start3A_25 = arith.constant 0 : i32
      %dma_start3A_26 = tpu.memref_slice %arg3[%add3A_22, %dma_start3A_25] : memref<64x16384xi32, #tpu.memory_space<hbm>> -> memref<1x16384xi32, #tpu.memory_space<hbm>>
      %dma_start3A_27 = tpu.memref_squeeze %dma_start3A_26 : memref<1x16384xi32, #tpu.memory_space<hbm>> -> memref<16384xi32, #tpu.memory_space<hbm>>
      tpu.enqueue_dma source(%arg5 : memref<16384xi32, #tpu.memory_space<vmem>>) target(%dma_start3A_27 : memref<16384xi32, #tpu.memory_space<hbm>>) target_semaphore(%run_scoped3A : memref<!tpu.dma_semaphore, #tpu.memory_space<semaphore_mem>>)
      %dma_wait3A = arith.constant 0 : i32
      %dma_wait3A_28 = tpu.memref_slice %arg3[%add3A_22, %dma_wait3A] : memref<64x16384xi32, #tpu.memory_space<hbm>> -> memref<1x16384xi32, #tpu.memory_space<hbm>>
      %dma_wait3A_29 = tpu.memref_squeeze %dma_wait3A_28 : memref<1x16384xi32, #tpu.memory_space<hbm>> -> memref<16384xi32, #tpu.memory_space<hbm>>
      %dma_wait3A_30 = arith.constant 0 : i32
      %dma_wait3A_31 = tpu.memref_slice %arg3[%add3A_22, %dma_wait3A_30] : memref<64x16384xi32, #tpu.memory_space<hbm>> -> memref<1x16384xi32, #tpu.memory_space<hbm>>
      %dma_wait3A_32 = tpu.memref_squeeze %dma_wait3A_31 : memref<1x16384xi32, #tpu.memory_space<hbm>> -> memref<16384xi32, #tpu.memory_space<hbm>>
      tpu.wait_dma2 semaphore(%run_scoped3A : memref<!tpu.dma_semaphore, #tpu.memory_space<semaphore_mem>>) src(%arg5 : memref<16384xi32, #tpu.memory_space<vmem>>) dst(%dma_wait3A_32 : memref<16384xi32, #tpu.memory_space<hbm>>)
      tpu.yield
    }) : () -> ()
    return
  }
}

module attributes {stable_mosaic.version = 14 : i64} {
  func.func @_loss_body(%arg0: i32, %arg1: memref<1024x512xf32, #tpu.memory_space<vmem>>, %arg2: memref<1024x512xf32, #tpu.memory_space<vmem>>, %arg3: memref<1024x512xi32, #tpu.memory_space<vmem>>) attributes {dimension_semantics = [#tpu.dimension_semantics<arbitrary>], iteration_bounds = array<i64: 4>, scalar_prefetch = 0 : i64, scratch_operands = 0 : i64, tpu.core_type = #tpu.core_type<tc>, window_params = [{transform_indices = @transform_0, window_bounds = array<i64: 1024, 512>}, {transform_indices = @transform_1, window_bounds = array<i64: 1024, 512>}, {transform_indices = @transform_2, window_bounds = array<i64: 1024, 512>}]} {
    %get3A = arith.constant 0 : index
    %get3A_0 = arith.constant 0 : index
    %get3A_1 = vector.load %arg1[%get3A, %get3A_0] : memref<1024x512xf32, #tpu.memory_space<vmem>>, vector<1024x512xf32>
    %get3A_2 = arith.constant 0 : index
    %get3A_3 = arith.constant 0 : index
    %get3A_4 = vector.load %arg2[%get3A_2, %get3A_3] : memref<1024x512xf32, #tpu.memory_space<vmem>>, vector<1024x512xf32>
    %max3A = arith.constant 0.000000e+00 : f32
    %max3A_5 = vector.broadcast %max3A : f32 to vector<1024x512xf32>
    %max3A_6 = arith.maximumf %get3A_1, %max3A_5 : vector<1024x512xf32>
    %mul3A = arith.mulf %get3A_1, %get3A_4 : vector<1024x512xf32>
    %sub3A = arith.subf %max3A_6, %mul3A : vector<1024x512xf32>
    %abs3A = math.absf %get3A_1 : vector<1024x512xf32>
    %neg3A = arith.constant 0.000000e+00 : f32
    %neg3A_7 = vector.broadcast %neg3A : f32 to vector<1024x512xf32>
    %neg3A_8 = arith.subf %neg3A_7, %abs3A : vector<1024x512xf32>
    %exp3A = math.exp %neg3A_8 : vector<1024x512xf32>
    %log1p3A = math.log1p %exp3A : vector<1024x512xf32>
    %add3A = arith.addf %sub3A, %log1p3A : vector<1024x512xf32>
    %bitcast_convert_type3A = tpu.bitcast %add3A : vector<1024x512xf32> -> vector<1024x512xi32>
    %swap3A = arith.constant 0 : index
    %swap3A_9 = arith.constant 0 : index
    %swap3A_10 = vector.load %arg3[%swap3A, %swap3A_9] : memref<1024x512xi32, #tpu.memory_space<vmem>>, vector<1024x512xi32>
    tpu.vector_store %arg3[%swap3A, %swap3A_9], %bitcast_convert_type3A {strides = array<i32>} : memref<1024x512xi32, #tpu.memory_space<vmem>>, vector<1024x512xi32>,
    return
  }
  func.func @transform_0(%arg0: i32) -> (i32, i32) {
    %c0_i32 = arith.constant 0 : i32
    %c0_i32_0 = arith.constant 0 : i32
    return %arg0, %c0_i32 : i32, i32
  }
  func.func @transform_1(%arg0: i32) -> (i32, i32) {
    %c0_i32 = arith.constant 0 : i32
    %c0_i32_0 = arith.constant 0 : i32
    return %arg0, %c0_i32 : i32, i32
  }
  func.func @transform_2(%arg0: i32) -> (i32, i32) {
    %c0_i32 = arith.constant 0 : i32
    %c0_i32_0 = arith.constant 0 : i32
    return %arg0, %c0_i32 : i32, i32
  }
}

module attributes {stable_mosaic.version = 14 : i64} {
  func.func @_final_body(%arg0: memref<64x16384xi32, #tpu.memory_space<vmem>>, %arg1: memref<4096x512xi32, #tpu.memory_space<vmem>>, %arg2: memref<1x1xf32, #tpu.memory_space<smem>>, %arg3: memref<128x128xi32, #tpu.memory_space<vmem>>) attributes {dimension_semantics = [], scalar_prefetch = 0 : i64, scratch_operands = 1 : i64, tpu.core_type = #tpu.core_type<tc>} {
    %scan3A = arith.constant 0 : i32
    %scan3A_0 = arith.constant 8 : i32
    %scan3A_1 = arith.addi %scan3A, %scan3A_0 : i32
    %scan3A_2 = arith.constant 1 : i32
    scf.for %scan3A_108 = %scan3A to %scan3A_1 step %scan3A_2  : i32 {
      %mul3A_109 = arith.constant 2048 : i32
      %mul3A_110 = arith.muli %scan3A_108, %mul3A_109 : i32
      %get3A_111 = arith.constant 0 : index
      %get3A_112 = arith.index_cast %mul3A_110 : i32 to index
      %get3A_113 = vector.load %arg0[%get3A_111, %get3A_112] : memref<64x16384xi32, #tpu.memory_space<vmem>>, vector<64x2048xi32>
      %reduce_sum3A_114 = arith.constant dense<0> : vector<2048xi32>
      %reduce_sum3A_115 = vector.multi_reduction <add>, %get3A_113, %reduce_sum3A_114 [0] : vector<64x2048xi32> to vector<2048xi32>
      %reshape3A = vector.shape_cast %reduce_sum3A_115 : vector<2048xi32> to vector<16x128xi32>
      %mul3A_116 = arith.constant 16 : i32
      %mul3A_117 = arith.muli %scan3A_108, %mul3A_116 : i32
      %swap3A_118 = arith.index_cast %mul3A_117 : i32 to index
      %swap3A_119 = arith.constant 0 : index
      %swap3A_120 = vector.load %arg3[%swap3A_118, %swap3A_119] : memref<128x128xi32, #tpu.memory_space<vmem>>, vector<16x128xi32>
      tpu.vector_store %arg3[%swap3A_118, %swap3A_119], %reshape3A {strides = array<i32>} : memref<128x128xi32, #tpu.memory_space<vmem>>, vector<16x128xi32>,
    }
    %scan3A_3 = arith.constant 8 : i32
    %get3A = arith.constant 0 : index
    %get3A_4 = arith.constant 0 : index
    %get3A_5 = vector.load %arg3[%get3A, %get3A_4] : memref<128x128xi32, #tpu.memory_space<vmem>>, vector<128x128xi32>
    %slice3A = vector.extract_strided_slice %get3A_5 {offsets = [0, 1], sizes = [128, 127], strides = [1, 1]} : vector<128x128xi32> to vector<128x127xi32>
    %broadcast_in_dim3A = arith.constant 0 : i32
    %broadcast_in_dim3A_6 = vector.broadcast %broadcast_in_dim3A : i32 to vector<128x1xi32>
    %concatenate3A = tpu.concatenate %slice3A, %broadcast_in_dim3A_6 in 1 : vector<128x127xi32>, vector<128x1xi32> -> vector<128x128xi32>
    %add3A = arith.addi %get3A_5, %concatenate3A : vector<128x128xi32>
    %slice3A_7 = vector.extract_strided_slice %add3A {offsets = [0, 2], sizes = [128, 126], strides = [1, 1]} : vector<128x128xi32> to vector<128x126xi32>
    %broadcast_in_dim3A_8 = arith.constant 0 : i32
    %broadcast_in_dim3A_9 = vector.broadcast %broadcast_in_dim3A_8 : i32 to vector<128x2xi32>
    %concatenate3A_10 = tpu.concatenate %slice3A_7, %broadcast_in_dim3A_9 in 1 : vector<128x126xi32>, vector<128x2xi32> -> vector<128x128xi32>
    %add3A_11 = arith.addi %add3A, %concatenate3A_10 : vector<128x128xi32>
    %slice3A_12 = vector.extract_strided_slice %add3A_11 {offsets = [0, 4], sizes = [128, 124], strides = [1, 1]} : vector<128x128xi32> to vector<128x124xi32>
    %broadcast_in_dim3A_13 = arith.constant 0 : i32
    %broadcast_in_dim3A_14 = vector.broadcast %broadcast_in_dim3A_13 : i32 to vector<128x4xi32>
    %concatenate3A_15 = tpu.concatenate %slice3A_12, %broadcast_in_dim3A_14 in 1 : vector<128x124xi32>, vector<128x4xi32> -> vector<128x128xi32>
    %add3A_16 = arith.addi %add3A_11, %concatenate3A_15 : vector<128x128xi32>
    %slice3A_17 = vector.extract_strided_slice %add3A_16 {offsets = [0, 8], sizes = [128, 120], strides = [1, 1]} : vector<128x128xi32> to vector<128x120xi32>
    %broadcast_in_dim3A_18 = arith.constant 0 : i32
    %broadcast_in_dim3A_19 = vector.broadcast %broadcast_in_dim3A_18 : i32 to vector<128x8xi32>
    %concatenate3A_20 = tpu.concatenate %slice3A_17, %broadcast_in_dim3A_19 in 1 : vector<128x120xi32>, vector<128x8xi32> -> vector<128x128xi32>
    %add3A_21 = arith.addi %add3A_16, %concatenate3A_20 : vector<128x128xi32>
    %slice3A_22 = vector.extract_strided_slice %add3A_21 {offsets = [0, 16], sizes = [128, 112], strides = [1, 1]} : vector<128x128xi32> to vector<128x112xi32>
    %broadcast_in_dim3A_23 = arith.constant 0 : i32
    %broadcast_in_dim3A_24 = vector.broadcast %broadcast_in_dim3A_23 : i32 to vector<128x16xi32>
    %concatenate3A_25 = tpu.concatenate %slice3A_22, %broadcast_in_dim3A_24 in 1 : vector<128x112xi32>, vector<128x16xi32> -> vector<128x128xi32>
    %add3A_26 = arith.addi %add3A_21, %concatenate3A_25 : vector<128x128xi32>
    %slice3A_27 = vector.extract_strided_slice %add3A_26 {offsets = [0, 32], sizes = [128, 96], strides = [1, 1]} : vector<128x128xi32> to vector<128x96xi32>
    %broadcast_in_dim3A_28 = arith.constant 0 : i32
    %broadcast_in_dim3A_29 = vector.broadcast %broadcast_in_dim3A_28 : i32 to vector<128x32xi32>
    %concatenate3A_30 = tpu.concatenate %slice3A_27, %broadcast_in_dim3A_29 in 1 : vector<128x96xi32>, vector<128x32xi32> -> vector<128x128xi32>
    %add3A_31 = arith.addi %add3A_26, %concatenate3A_30 : vector<128x128xi32>
    %slice3A_32 = vector.extract_strided_slice %add3A_31 {offsets = [0, 64], sizes = [128, 64], strides = [1, 1]} : vector<128x128xi32> to vector<128x64xi32>
    %broadcast_in_dim3A_33 = arith.constant 0 : i32
    %broadcast_in_dim3A_34 = vector.broadcast %broadcast_in_dim3A_33 : i32 to vector<128x64xi32>
    %concatenate3A_35 = tpu.concatenate %slice3A_32, %broadcast_in_dim3A_34 in 1 : vector<128x64xi32>, vector<128x64xi32> -> vector<128x128xi32>
    %add3A_36 = arith.addi %add3A_31, %concatenate3A_35 : vector<128x128xi32>
    %slice3A_37 = vector.extract_strided_slice %add3A_36 {offsets = [0, 0], sizes = [128, 1], strides = [1, 1]} : vector<128x128xi32> to vector<128x1xi32>
    %slice3A_38 = vector.extract_strided_slice %slice3A_37 {offsets = [1, 0], sizes = [127, 1], strides = [1, 1]} : vector<128x1xi32> to vector<127x1xi32>
    %broadcast_in_dim3A_39 = arith.constant 0 : i32
    %broadcast_in_dim3A_40 = vector.broadcast %broadcast_in_dim3A_39 : i32 to vector<1x1xi32>
    %concatenate3A_41 = tpu.concatenate %slice3A_38, %broadcast_in_dim3A_40 in 0 : vector<127x1xi32>, vector<1x1xi32> -> vector<128x1xi32>
    %slice3A_42 = vector.extract_strided_slice %concatenate3A_41 {offsets = [1, 0], sizes = [127, 1], strides = [1, 1]} : vector<128x1xi32> to vector<127x1xi32>
    %broadcast_in_dim3A_43 = arith.constant 0 : i32
    %broadcast_in_dim3A_44 = vector.broadcast %broadcast_in_dim3A_43 : i32 to vector<1x1xi32>
    %concatenate3A_45 = tpu.concatenate %slice3A_42, %broadcast_in_dim3A_44 in 0 : vector<127x1xi32>, vector<1x1xi32> -> vector<128x1xi32>
    %add3A_46 = arith.addi %concatenate3A_41, %concatenate3A_45 : vector<128x1xi32>
    %slice3A_47 = vector.extract_strided_slice %add3A_46 {offsets = [2, 0], sizes = [126, 1], strides = [1, 1]} : vector<128x1xi32> to vector<126x1xi32>
    %broadcast_in_dim3A_48 = arith.constant 0 : i32
    %broadcast_in_dim3A_49 = vector.broadcast %broadcast_in_dim3A_48 : i32 to vector<2x1xi32>
    %concatenate3A_50 = tpu.concatenate %slice3A_47, %broadcast_in_dim3A_49 in 0 : vector<126x1xi32>, vector<2x1xi32> -> vector<128x1xi32>
    %add3A_51 = arith.addi %add3A_46, %concatenate3A_50 : vector<128x1xi32>
    %slice3A_52 = vector.extract_strided_slice %add3A_51 {offsets = [4, 0], sizes = [124, 1], strides = [1, 1]} : vector<128x1xi32> to vector<124x1xi32>
    %broadcast_in_dim3A_53 = arith.constant 0 : i32
    %broadcast_in_dim3A_54 = vector.broadcast %broadcast_in_dim3A_53 : i32 to vector<4x1xi32>
    %concatenate3A_55 = tpu.concatenate %slice3A_52, %broadcast_in_dim3A_54 in 0 : vector<124x1xi32>, vector<4x1xi32> -> vector<128x1xi32>
    %add3A_56 = arith.addi %add3A_51, %concatenate3A_55 : vector<128x1xi32>
    %slice3A_57 = vector.extract_strided_slice %add3A_56 {offsets = [8, 0], sizes = [120, 1], strides = [1, 1]} : vector<128x1xi32> to vector<120x1xi32>
    %broadcast_in_dim3A_58 = arith.constant 0 : i32
    %broadcast_in_dim3A_59 = vector.broadcast %broadcast_in_dim3A_58 : i32 to vector<8x1xi32>
    %concatenate3A_60 = tpu.concatenate %slice3A_57, %broadcast_in_dim3A_59 in 0 : vector<120x1xi32>, vector<8x1xi32> -> vector<128x1xi32>
    %add3A_61 = arith.addi %add3A_56, %concatenate3A_60 : vector<128x1xi32>
    %slice3A_62 = vector.extract_strided_slice %add3A_61 {offsets = [16, 0], sizes = [112, 1], strides = [1, 1]} : vector<128x1xi32> to vector<112x1xi32>
    %broadcast_in_dim3A_63 = arith.constant 0 : i32
    %broadcast_in_dim3A_64 = vector.broadcast %broadcast_in_dim3A_63 : i32 to vector<16x1xi32>
    %concatenate3A_65 = tpu.concatenate %slice3A_62, %broadcast_in_dim3A_64 in 0 : vector<112x1xi32>, vector<16x1xi32> -> vector<128x1xi32>
    %add3A_66 = arith.addi %add3A_61, %concatenate3A_65 : vector<128x1xi32>
    %slice3A_67 = vector.extract_strided_slice %add3A_66 {offsets = [32, 0], sizes = [96, 1], strides = [1, 1]} : vector<128x1xi32> to vector<96x1xi32>
    %broadcast_in_dim3A_68 = arith.constant 0 : i32
    %broadcast_in_dim3A_69 = vector.broadcast %broadcast_in_dim3A_68 : i32 to vector<32x1xi32>
    %concatenate3A_70 = tpu.concatenate %slice3A_67, %broadcast_in_dim3A_69 in 0 : vector<96x1xi32>, vector<32x1xi32> -> vector<128x1xi32>
    %add3A_71 = arith.addi %add3A_66, %concatenate3A_70 : vector<128x1xi32>
    %slice3A_72 = vector.extract_strided_slice %add3A_71 {offsets = [64, 0], sizes = [64, 1], strides = [1, 1]} : vector<128x1xi32> to vector<64x1xi32>
    %broadcast_in_dim3A_73 = arith.constant 0 : i32
    %broadcast_in_dim3A_74 = vector.broadcast %broadcast_in_dim3A_73 : i32 to vector<64x1xi32>
    %concatenate3A_75 = tpu.concatenate %slice3A_72, %broadcast_in_dim3A_74 in 0 : vector<64x1xi32>, vector<64x1xi32> -> vector<128x1xi32>
    %add3A_76 = arith.addi %add3A_71, %concatenate3A_75 : vector<128x1xi32>
    %add3A_77 = vector.broadcast %add3A_76 : vector<128x1xi32> to vector<128x128xi32>
    %add3A_78 = arith.addi %add3A_36, %add3A_77 : vector<128x128xi32>
    %ge3A = arith.constant 1468006 : i32
    %ge3A_79 = vector.broadcast %ge3A : i32 to vector<128x128xi32>
    %ge3A_80 = arith.cmpi sge, %add3A_78, %ge3A_79 : vector<128x128xi32>
    %convert_element_type3A = arith.extui %ge3A_80 : vector<128x128xi1> to vector<128x128xi32>
    %reduce_sum3A = vector.shape_cast %convert_element_type3A : vector<128x128xi32> to vector<1x128x128xi32>
    %reduce_sum3A_81 = arith.constant dense<0> : vector<1xi32>
    %reduce_sum3A_82 = vector.multi_reduction <add>, %reduce_sum3A, %reduce_sum3A_81 [1, 2] : vector<1x128x128xi32> to vector<1xi32>
    %reduce_sum3A_83 = vector.shape_cast %reduce_sum3A_82 : vector<1xi32> to vector<1x1x1xi32>
    %reduce_sum3A_84 = vector.extract %reduce_sum3A_83[0, 0, 0] : i32 from vector<1x1x1xi32>
    %sub3A = arith.constant 1 : i32
    %sub3A_85 = arith.subi %reduce_sum3A_84, %sub3A : i32
    %shift_left3A = arith.constant 17 : i32
    %shift_left3A_86 = arith.shli %sub3A_85, %shift_left3A : i32
    %scan3A_87 = arith.constant 0.000000e+00 : f32
    %scan3A_88 = arith.constant 0 : i32
    %scan3A_89 = arith.constant 0 : i32
    %scan3A_90 = arith.constant 4 : i32
    %scan3A_91 = arith.addi %scan3A_89, %scan3A_90 : i32
    %scan3A_92 = arith.constant 1 : i32
    %scan3A_93:2 = scf.for %scan3A_108 = %scan3A_89 to %scan3A_91 step %scan3A_92 iter_args(%scan3A_109 = %scan3A_87, %scan3A_110 = %scan3A_88) -> (f32, i32)  : i32 {
      %mul3A_111 = arith.constant 1024 : i32
      %mul3A_112 = arith.muli %scan3A_108, %mul3A_111 : i32
      %get3A_113 = arith.index_cast %mul3A_112 : i32 to index
      %get3A_114 = arith.constant 0 : index
      %get3A_115 = vector.load %arg1[%get3A_113, %get3A_114] : memref<4096x512xi32, #tpu.memory_space<vmem>>, vector<1024x512xi32>
      %gt3A = vector.broadcast %shift_left3A_86 : i32 to vector<1024x512xi32>
      %gt3A_116 = arith.cmpi sgt, %get3A_115, %gt3A : vector<1024x512xi32>
      %bitcast_convert_type3A_117 = tpu.bitcast %get3A_115 : vector<1024x512xi32> -> vector<1024x512xf32>
      %jit3A = arith.constant 0.000000e+00 : f32
      %broadcast_in_dim3A_118 = vector.broadcast %jit3A : f32 to vector<1024x512xf32>
      %select_n3A = arith.select %gt3A_116, %bitcast_convert_type3A_117, %broadcast_in_dim3A_118 : vector<1024x512xi1>, vector<1024x512xf32>
      %reduce_sum3A_119 = vector.shape_cast %select_n3A : vector<1024x512xf32> to vector<1x1024x512xf32>
      %reduce_sum3A_120 = arith.constant dense<0.000000e+00> : vector<1xf32>
      %reduce_sum3A_121 = vector.multi_reduction <add>, %reduce_sum3A_119, %reduce_sum3A_120 [1, 2] : vector<1x1024x512xf32> to vector<1xf32>
      %reduce_sum3A_122 = vector.shape_cast %reduce_sum3A_121 : vector<1xf32> to vector<1x1x1xf32>
      %reduce_sum3A_123 = vector.extract %reduce_sum3A_122[0, 0, 0] : f32 from vector<1x1x1xf32>
      %add3A_124 = arith.addf %scan3A_109, %reduce_sum3A_123 : f32
      %convert_element_type3A_125 = arith.extui %gt3A_116 : vector<1024x512xi1> to vector<1024x512xi32>
      %reduce_sum3A_126 = vector.shape_cast %convert_element_type3A_125 : vector<1024x512xi32> to vector<1x1024x512xi32>
      %reduce_sum3A_127 = arith.constant dense<0> : vector<1xi32>
      %reduce_sum3A_128 = vector.multi_reduction <add>, %reduce_sum3A_126, %reduce_sum3A_127 [1, 2] : vector<1x1024x512xi32> to vector<1xi32>
      %reduce_sum3A_129 = vector.shape_cast %reduce_sum3A_128 : vector<1xi32> to vector<1x1x1xi32>
      %reduce_sum3A_130 = vector.extract %reduce_sum3A_129[0, 0, 0] : i32 from vector<1x1x1xi32>
      %add3A_131 = arith.addi %scan3A_110, %reduce_sum3A_130 : i32
      scf.yield %add3A_124, %add3A_131 : f32, i32
    }
    %scan3A_94 = arith.constant 4 : i32
    %broadcast_in_dim3A_95 = vector.broadcast %shift_left3A_86 : i32 to vector<1x1xi32>
    %bitcast_convert_type3A = tpu.bitcast %broadcast_in_dim3A_95 : vector<1x1xi32> -> vector<1x1xf32>
    %reduce_sum3A_96 = vector.shape_cast %bitcast_convert_type3A : vector<1x1xf32> to vector<1x1x1xf32>
    %reduce_sum3A_97 = arith.constant dense<0.000000e+00> : vector<1xf32>
    %reduce_sum3A_98 = vector.multi_reduction <add>, %reduce_sum3A_96, %reduce_sum3A_97 [1, 2] : vector<1x1x1xf32> to vector<1xf32>
    %reduce_sum3A_99 = vector.shape_cast %reduce_sum3A_98 : vector<1xf32> to vector<1x1x1xf32>
    %reduce_sum3A_100 = vector.extract %reduce_sum3A_99[0, 0, 0] : f32 from vector<1x1x1xf32>
    %convert_element_type3A_101 = arith.sitofp %scan3A_93#1 : i32 to f32
    %sub3A_102 = arith.constant 0x49B33330 : f32
    %sub3A_103 = arith.subf %sub3A_102, %convert_element_type3A_101 : f32
    %mul3A = arith.mulf %sub3A_103, %reduce_sum3A_100 : f32
    %add3A_104 = arith.addf %scan3A_93#0, %mul3A : f32
    %div3A = arith.constant 0x49B33330 : f32
    %div3A_105 = arith.divf %add3A_104, %div3A : f32
    %swap3A = arith.constant 0 : index
    %swap3A_106 = arith.constant 0 : index
    %swap3A_107 = memref.load %arg2[%swap3A, %swap3A_106] : memref<1x1xf32, #tpu.memory_space<smem>>
    memref.store %div3A_105, %arg2[%swap3A, %swap3A_106] : memref<1x1xf32, #tpu.memory_space<smem>>
    return
  }
}

</mosaic_0001>

<sc_bundles>
// kernel: kernel.5.cloned.1.call-start
scs
__scs_entry_jumppad:
0x0: {  	(pc) =	sbr.rel $0x88, $3  }
0x1: {  	(tag) =	ssettag $0x0;
	lr =	simm.s32 $0x1  }
0x2: {  	[smem:$0x3F9F] =	sst lr;
	_ =	strace $0xD0000000  }
0x3: {  	_ = 	snop  }
0x4: {  	_ = 	snop  }
0x5: {  	_ = 	snop  }
0x6: {  	_ = 	snop  }
0x7: {  	_ = 	snop  }
__scs_overlays_trampoline_lowered:
0x8: {  	[smem:$0x3FAE] =	sst s0  }
0x9: {  	[smem:$0x3FAF] =	sst s1  }
0xa: {  	[smem:$0x3FB0] =	sst s2  }
0xb: {  	[smem:$0x3FB1] =	sst s3  }
0xc: {  	[smem:$0x3FB2] =	sst s4  }
0xd: {  	[smem:$0x3FB3] =	sst s5  }
0xe: {  	[smem:$0x3FB4] =	sst s6  }
0xf: {  	[smem:$0x3FB5] =	sst s7  }
0x10: {  	[smem:$0x3FB6] =	sst s8  }
0x11: {  	[smem:$0x3FB7] =	sst s9;
	s0 =	simm.s32 @!p0 $0x0  }
0x12: {  	s1 =	sld [smem:$0x3F9D];
	s0 =	simm.s32 @p0 $0x1  }
0x13: {  	[smem:$0x3FB8] =	sst s0;
	s0 =	simm.s32 @!p1 $0x0  }
0x14: {  	s2 =	sld [smem:$0x3F9C];
	s0 =	simm.s32 @p1 $0x1  }
0x15: {  	[smem:$0x3FB9] =	sst s0;
	s0 =	simm.s32 @!p2 $0x0  }
0x16: {  	s3 =	sld [smem:$0x3FDB];
	s0 =	simm.s32 @p2 $0x1  }
0x17: {  	s4 =	simm.s32 $0x1BF5;
	[smem:$0x3FBB] =	sst s0  }
0x18: {  	s0 =	sld [smem:$0x3F9E];
	_ =	swait.ge [sflag:s4], $0x0  }
0x19: {  	s7 =	sld [smem:$0x3F9F]  }
0x1a: {  	s8 =	sadd.s32 $0xFFFFE003, lr  }
0x1b: {  	s9 =	sadd.s32 $0xFFFFFEF7, lr;
	s5 =	simm.s32 $0xFFFFFFFF;
	p2 =	slt.u32 s8, $0xFFFFF086  }
0x1c: {  	p1 =	slt.u32 s9, $0xF7A;
	s5 =	simm.s32 @!p2 $0x0  }
0x1d: {  	s5 =	simm.s32 @p1 $0x1;
	p0 =	seq.s32 s7, s2  }
0x1e: {  	s7 =	smul.u32 @!p0 $0xF7A, s2;
	p2 =	seq.s32 @!p0 s5, $0x0  }
0x1f: {  	s9 =	smul.u32 $0xF7A, s1;
	s8 =	simm.s32 @!p0 $0x1BF5;
	p2 =	por !p2, p0  }
0x20: {  	[sflag:s8] =	ssyncset.s32 @!p0 $0xFFFFF086;
	s6 =	sadd.s32 @!p0 s3, s7;
	s7 =	simm.s32 @!p0 $0x108  }
0x21: {  	s3 =	sadd.s32 s3, s9;
	s6 =	sadd.s32 @!p0 $0x88, s6;
	s7 =	simm.s32 @p2 $0x1082  }
0x22: {  	[simem:s7], [sflag:s8] =	dma.local @!p0 [hbm:s6], $0xF7A  }
0x23: {  	s9 =	sor.u32 $0xD0000000, s2;
	s6 =	simm.s32 $0x108;
	_ =	swait.ge @!p0 [sflag:s8], $0x0  }
0x24: {  	s3 =	sadd.s32 $0x88, s3;
	s6 =	simm.s32 @!p1 $0x1082;
	[sflag:s4] =	ssyncset.s32 $0xFFFFF086  }
0x25: {  	[simem:s6], [sflag:s4] =	dma.local [hbm:s3], $0xF7A  }
0x26: {  	[smem:$0x3F9F] =	sst s1;
	(tag) =	ssettag s2;
	_ =	strace s9  }
0x27: {  	s1 =	sld [smem:$0x3FAF]  }
0x28: {  	s2 =	sld [smem:$0x3FB0]  }
0x29: {  	s4 =	sld [smem:$0x3FB2]  }
0x2a: {  	p0 =	seq.s32 s5, $0x0;
	s5 =	sld [smem:$0x3FB3]  }
0x2b: {  	s6 =	sld [smem:$0x3FB4]  }
0x2c: {  	s7 =	sld [smem:$0x3FB5]  }
0x2d: {  	s3 =	simm.s32 $0x108;
	s8 =	sld [smem:$0x3FB6]  }
0x2e: {  	s3 =	simm.s32 @!p0 $0x1082;
	s9 =	sld [smem:$0x3FB7]  }
0x2f: {  	lr =	sadd.s32 s0, s3;
	s0 =	sld [smem:$0x3FAE]  }
0x30: {  	s3 =	sld [smem:$0x3FB1]  }
0x31: {  	[smem:$0x3FBA] =	sst s10  }
0x32: {  	s10 =	sld [smem:$0x3FB8];
	_ =	sdelay $0x3  }
0x33: {  	p0 =	seq.s32 s10, $0x1;
	s10 =	sld [smem:$0x3FBA];
	_ =	sdelay $0x3  }
0x34: {  	[smem:$0x3FBA] =	sst s10  }
0x35: {  	s10 =	sld [smem:$0x3FB9];
	_ =	sdelay $0x3  }
0x36: {  	p1 =	seq.s32 s10, $0x1;
	s10 =	sld [smem:$0x3FBA];
	_ =	sdelay $0x3  }
0x37: {  	[smem:$0x3FBA] =	sst s10  }
0x38: {  	s10 =	sld [smem:$0x3FBB]  }
0x39: {  	_ = 	snop;
	(pc) =	sbr.ind lr, $3  }
0x3a: {  	_ = 	snop  }
0x3b: {  	_ = 	snop  }
0x3c: {  	p2 =	seq.s32 s10, $0x1;
	s10 =	sld [smem:$0x3FBA]  }
0x3d: {  	_ =	shalt  }
0x3e: {  	_ =	shalt  }
0x3f: {  	_ =	shalt  }
0x40: {  	_ =	shalt  }
0x41: {  	_ =	shalt  }
0x42: {  	_ =	shalt  }
0x43: {  	_ =	shalt  }
0x44: {  	_ =	shalt  }
0x45: {  	_ =	shalt  }
0x46: {  	_ =	shalt  }
0x47: {  	_ =	shalt  }
0x48: {  	_ =	shalt  }
0x49: {  	_ =	shalt  }
0x4a: {  	_ =	shalt  }
0x4b: {  	_ =	shalt  }
0x4c: {  	_ =	shalt  }
0x4d: {  	_ =	shalt  }
0x4e: {  	_ =	shalt  }
0x4f: {  	_ =	shalt  }
0x50: {  	_ =	shalt  }
0x51: {  	_ =	shalt  }
0x52: {  	_ =	shalt  }
0x53: {  	_ =	shalt  }
0x54: {  	_ =	shalt  }
0x55: {  	_ =	shalt  }
0x56: {  	_ =	shalt  }
0x57: {  	_ =	shalt  }
0x58: {  	_ =	shalt  }
0x59: {  	_ =	shalt  }
0x5a: {  	_ =	shalt  }
0x5b: {  	_ =	shalt  }
0x5c: {  	_ =	shalt  }
0x5d: {  	_ =	shalt  }
0x5e: {  	_ =	shalt  }
0x5f: {  	_ =	shalt  }
0x60: {  	_ =	shalt  }
0x61: {  	_ =	shalt  }
0x62: {  	_ =	shalt  }
0x63: {  	_ =	shalt  }
0x64: {  	_ =	shalt  }
0x65: {  	_ =	shalt  }
0x66: {  	_ =	shalt  }
0x67: {  	_ =	shalt  }
0x68: {  	_ =	shalt  }
0x69: {  	_ =	shalt  }
0x6a: {  	_ =	shalt  }
0x6b: {  	_ =	shalt  }
0x6c: {  	_ =	shalt  }
0x6d: {  	_ =	shalt  }
0x6e: {  	_ =	shalt  }
0x6f: {  	_ =	shalt  }
0x70: {  	_ =	shalt  }
0x71: {  	_ =	shalt  }
0x72: {  	_ =	shalt  }
0x73: {  	_ =	shalt  }
0x74: {  	_ =	shalt  }
0x75: {  	_ =	shalt  }
0x76: {  	_ =	shalt  }
0x77: {  	_ =	shalt  }
0x78: {  	_ =	shalt  }
0x79: {  	_ =	shalt  }
0x7a: {  	_ =	shalt  }
0x7b: {  	_ =	shalt  }
0x7c: {  	_ =	shalt  }
0x7d: {  	_ =	shalt  }
0x7e: {  	_ =	shalt  }
0x7f: {  	_ =	shalt  }
0x80: {  	_ =	shalt  }
0x81: {  	_ =	shalt  }
0x82: {  	_ =	shalt  }
0x83: {  	_ =	shalt  }
0x84: {  	_ =	shalt  }
0x85: {  	_ =	shalt  }
0x86: {  	_ =	shalt  }
0x87: {  	_ =	shalt  }
.Lfunc_end0:
.L_simem_size_0:
called_computation_lowered:
.L_overlay_start_0:
0x88: {  	s2 =	sld [smem:$0x3FD9]  }
0x89: {  	s3 =	sld [smem:$0x3FFE];
	_ =	sdelay $0x1  }
0x8a: {  	s1 =	srdreg.scid  }
0x8b: {  	s0 =	sand.u32 $0x1, s1  }
0x8c: {  	s16 =	sshll.u32 s0, $0xA;
	s2 =	sadd.s32 s3, s2  }
0x8d: {  	s2 =	sadd.s32 s2, s16  }
0x8e: {  	[smem:$0x3FC6] =	sst s2  }
0x8f: {  	_ = 	snop  }
0x90: {  	(tm) =	ssettm $0x1  }
0x91: {  	s17 =	sld [smem:$0x3FFB];
	_ =	sdelay $0x3  }
0x92: {  	_ =	strace s17  }
0x93: {  	s2 =	sld [smem:$0x3FFC];
	_ =	sdelay $0x3  }
0x94: {  	_ =	strace s2  }
0x95: {  	s2 =	sld [smem:$0x3FFD];
	_ =	sdelay $0x3  }
0x96: {  	_ =	strace s2  }
0x97: {  	_ =	strace $0x8FFFFFFF  }
0x98: {  	s18 =	sld [smem:$0x3FDB];
	_ =	sdelay $0x1  }
0x99: {  	s19 =	simm.s32 $_scs_section_size  }
0x9a: {  	s4 =	simm.s32 $_size__tile_overlayer_lowered;
	s5 =	simm.s32 $_tile_overlayer_lowered  }
0x9b: {  	s22 =	simm.s32 $0x1BFF;
	s21 =	sshll.u32 s5, $0x1;
	s2 =	sadd.s32 s19, s18  }
0x9c: {  	s6 =	simm.s32 $0x0;
	s20 =	sshll.u32 s4, $0x1;
	s4 =	sadd.s32 s21, s2  }
0x9d: {  	[timem:s6], [sflag:s22] =	dma.local [hbm:s4], s20  }
0x9e: {  	_ =	swait.ge [sflag:s22], s20  }
0x9f: {  	s3 =	ssub.s32 $0x0, s20;
	[sflag:s22] =	ssyncset.done $0x0  }
0xa0: {  	[sflag:s22] =	ssyncadd.s32 s3;
	_ =	sdelay $0x1  }
0xa1: {  	s23 =	simm.s32 $0x1B8B  }
0xa2: {  	_ =	swait.ge [sflag:s23], $0x1  }
0xa3: {  	[sflag:s23] =	ssyncset.done $0x0  }
0xa4: {  	s25 =	simm.s32 $0x1B8E;
	s24 =	sld [smem:$0x3FFE];
	[sflag:s23] =	ssyncadd.s32 $0xFFFFFFFF  }
0xa5: {  	s26 =	simm.s32 $execute0_lowered;
	[smem:$0x3FD2] =	sst s25  }
0xa6: {  	s4 =	sshll.u32 s26, $0x1;
	_ =	strace $0x80000046;
	[dreg:$0x1] =	wrdreg $0xFFFFFFFF  }
0xa7: {  	s28 =	simm.s32 $_size_execute0_lowered;
	s2 =	sadd.s32 s2, s4;
	[dreg:$0x0] =	wrdreg $0x0  }
0xa8: {  	s4 =	sshll.u32 s28, $0x1;
	[dreg:$0x2] =	wrdreg s2  }
0xa9: {  	[dreg:$0x3] =	wrdreg s4  }
0xaa: {  	[dreg:$0x4] =	wrdreg $0xC0  }
0xab: {  	_ =	task [dreg:s6], $0x5FFFF  }
0xac: {  	[dreg:$0x1] =	wrdreg $0xFFFFFFFF  }
0xad: {  	[dreg:$0x0] =	wrdreg $0x60  }
0xae: {  	[dreg:$0x2] =	wrdreg s24  }
0xaf: {  	[dreg:$0x3] =	wrdreg $0x9  }
0xb0: {  	_ =	task.clear_ibuf [dreg:s6], $0x4FFFF;
	_ =	strace $0x90000046  }
0xb1: {  	s29 =	simm.s32 $0x9;
	_ =	strace $0x8000004C  }
0xb2: {  	_ =	swait.ge [sflag:s29], $0x1  }
0xb3: {  	[sflag:s29] =	ssyncadd.s32 $0xFFFFFFFF  }
0xb4: {  	_ =	strace $0x9000004C  }
0xb5: {  	_ =	sfence  }
0xb6: {  	s30 =	sld [smem:$0x0];
	_ =	sdelay $0x2  }
0xb7: {  	s31 =	sshll.u32 s1, $0xD;
	s1 =	sshrl.u32 s1, $0x2  }
0xb8: {  	s3 =	sand.u32 $0x4000, s31;
	s1 =	sadd.s32 s1, s30  }
0xb9: {  	s0 =	sor.u32 s3, s0;
	s1 =	sshll.u32 s1, $0x11  }
0xba: {  	s0 =	sor.u32 s1, s0  }
0xbb: {  	s0 =	sadd.s32 $0x8F2B, s0  }
0xbc: {  	[sflag:s0] =	ssyncadd.remote.s32 $0x1  }
0xbd: {  	_ =	sfence.sel $0xFFFF  }
0xbe: {  	[dreg:$0x0] =	wrdreg $0xFFFFFFFF;
	(pc) =	sbr.abs _section_cstart, $3  }
0xbf: {  	[dreg:$0x1] =	wrdreg $0xFFFFFFFF  }
0xc0: {  	_ =	task.clear_ibuf [dreg:s6], $0x2FFFF;
	_ =	strace $0x9FFFFFFF  }
0xc1: {  	(tm) =	ssettm $0x7FFFFFFF  }
tec
execute0_lowered:
.L_overlay_start_1:
0x0: {  	(tag) =	ssettag $0x1  }
0x1: {  	s5 =	rddreg [dreg:$0x0]  }
0x2: {  	s0 =	rddreg [dreg:$0x1]  }
0x3: {  	s1 =	simm.s32 $0x0;
	s4 =	srdreg.scid;
	s2 =	stileid.u32  }
0x4: {  	s10 =	simm.s32 $0x4000;
	s11 =	simm.s32 $0x1;
	s12 =	simm.s32 $0x80  }
0x5: {  	s13 =	simm.s32 $0x400;
	s14 =	simm.s32 $0x0;
	[smem:$0x7FF] =	sst s1  }
0x6: {  	s3 =	sadd.s32 $0xC00, s5;
	s4 =	sand.u32 $0x1, s4;
	s6 =	sshll.u32 s2, $0xD  }
0x7: {  	s7 =	sshll.u32 s2, $0x6;
	_ =	strace $0x80000047;
	s8 =	sshll.u32 s4, $0x5  }
0x8: {  	s9 =	sand.u32 $0x1C000, s6;
	s7 =	sand.u32 $0x40, s7;
	s30 =	ssub.s32 $0x2, s4  }
0x9: {  	s4 =	sshll.u32 s4, $0x11;
	s7 =	sor.u32 s8, s7;
	s31 =	sshrl.u32 s30, $0x1  }
0xa: {  	s4 =	sor.u32 s6, s4;
	s7 =	sor.u32 s9, s7;
	s8 =	ssub.s32 s30, s31  }
0xb: {  	s9 =	simm.s32 $0x8000;
	s7 =	sadd.s32 s7, s5;
	s5 =	sadd.s32 s3, s4  }
0xc: {  	v0 =	vimm.s32 $0x0;
	v1 =	vimm.s32 $0x1;
	s8 =	smax.u32 s8, $0x1;
	s6 =	sadd.s32 $0x40C00, s7;
	s7 =	sadd.s32 $0x40C10, s7  }
.LBB2_1:
0xd: {  	s15 =	simm.s32 $0x0;
	s16 =	simm.s32 $0x200  }
.LBB2_2:
0xe: {  	p0 =	sne.s32 s16, $0xFE00;
	[tilespmem:s15+$0x4070] =	vst v0  }
0xf: {  	[tilespmem:s15+$0x0] =	vst v0  }
0x10: {  	[tilespmem:s15+$0x4000] =	vst v0  }
0x11: {  	[tilespmem:s15+$0x10] =	vst v0  }
0x12: {  	[tilespmem:s15+$0x4010] =	vst v0  }
0x13: {  	[tilespmem:s15+$0x20] =	vst v0  }
0x14: {  	[tilespmem:s15+$0x4020] =	vst v0  }
0x15: {  	[tilespmem:s15+$0x30] =	vst v0  }
0x16: {  	[tilespmem:s15+$0x4030] =	vst v0  }
0x17: {  	[tilespmem:s15+$0x40] =	vst v0  }
0x18: {  	[tilespmem:s15+$0x4040] =	vst v0  }
.Ltmp0:
0x19: {  	[tilespmem:s15+$0x50] =	vst v0;
	(pc) =	sbr.rel @p0 .LBB2_2-.Ltmp0, $4  }
0x1a: {  	[tilespmem:s15+$0x4050] =	vst v0  }
0x1b: {  	[tilespmem:s15+$0x60] =	vst v0  }
0x1c: {  	[tilespmem:s15+$0x4060] =	vst v0  }
0x1d: {  	[tilespmem:s15+$0x70] =	vst v0;
	s15 =	sshra.s32 s16, $0x2;
	s16 =	sadd.s32 $0x200, s16  }
0x1e: {  	[tilespmem:s15+$0x4070] =	vst v0  }
0x1f: {  	[tilespmem:s15+$0x0] =	vst v0  }
0x20: {  	[tilespmem:s15+$0x4000] =	vst v0  }
0x21: {  	[tilespmem:s15+$0x10] =	vst v0  }
0x22: {  	[tilespmem:s15+$0x4010] =	vst v0  }
0x23: {  	[tilespmem:s15+$0x20] =	vst v0  }
0x24: {  	[tilespmem:s15+$0x4020] =	vst v0  }
0x25: {  	[tilespmem:s15+$0x30] =	vst v0  }
0x26: {  	[tilespmem:s15+$0x4030] =	vst v0  }
0x27: {  	[tilespmem:s15+$0x40] =	vst v0  }
0x28: {  	[tilespmem:s15+$0x4040] =	vst v0  }
0x29: {  	[tilespmem:s15+$0x50] =	vst v0  }
0x2a: {  	[tilespmem:s15+$0x4050] =	vst v0  }
0x2b: {  	[tilespmem:s15+$0x60] =	vst v0  }
0x2c: {  	[tilespmem:s15+$0x4060] =	vst v0  }
0x2d: {  	[tilespmem:s15+$0x70] =	vst v0  }
0x2e: {  	s15 =	simm.s32 $0x0;
	s16 =	simm.s32 $0x1;
	_ =	strace $0x80000048  }
0x2f: {  	[tilespmem:s9], [sflag:$0x1] =	stream.linear.gather [hbm4b:s5+s15], $0x2000, $0x200038;
	[tilespmem:$0xC000] =	vst v63  }
0x30: {  	s17 =	simm.s32 $0x8;
	s18 =	simm.s32 $0x0;
	_ =	strace $0x90000048  }
.LBB2_4:
0x31: {  	s19 =	smov.u32 s15;
	s15 =	sadd.s32 $0x1, s15  }
0x32: {  	p0 =	seq.s32 s15, $0x8  }
0x33: {  	s15 =	simm.s32 @p0 $0x0  }
0x34: {  	p6 =	sne.s32 s17, $0x1;
	p1 =	sne.s32 s19, s15  }
0x35: {  	p0 =	por !p6, !p1  }
0x36: {  	p0 =	por !p0, !p0  }
0x37: {  	s20 =	sshll.u32 @p0 s15, $0xA  }
0x38: {  	s19 =	sand.u32 @p0 $0x1, s16;
	_ =	strace @p0 $0x80000049;
	s20 =	sadd.s32 @p0 s4, s20  }
0x39: {  	s22 =	simm.s32 @p0 $0x0;
	s21 =	sshll.u32 @p0 s19, $0xD;
	s20 =	sand.u32 @p0 $0x1FFFFC00, s20  }
0x3a: {  	s19 =	sadd.s32 @p0 $0x1, s19;
	s21 =	sor.u32 @p0 $0x8000, s21;
	s20 =	sadd.s32 @p0 s3, s20  }
0x3b: {  	[tilespmem:s21], [sflag:s19] =	stream.linear.gather @p0 [hbm4b:s20+s22], $0x2000, $0x200038;
	[tilespmem:$0xC000] =	vst v63  }
0x3c: {  	s30 =	sand.u32 $0x1, s18;
	_ =	strace @p0 $0x90000049  }
0x3d: {  	s31 =	sadd.s32 $0x1, s30;
	_ =	strace $0x8000004A  }
0x3e: {  	_ =	swait.ge [sflag:s31], $0x2000  }
0x3f: {  	[sflag:s31] =	ssyncset.done $0x0  }
0x40: {  	[sflag:s31] =	ssyncadd.s32 $0xFFFFE000  }
0x41: {  	_ =	strace $0x9000004A  }
0x42: {  	s19 =	sshll.u32 s30, $0xD;
	_ =	strace $0x8000004B  }
0x43: {  	v2 =	vld [tilespmem:s19+$0x8000]  }
0x44: {  	v3 =	vld [tilespmem:s19+$0x8010]  }
0x45: {  	v4 =	vld [tilespmem:s19+$0x8020]  }
0x46: {  	v5 =	vld [tilespmem:s19+$0x8030]  }
0x47: {  	v6 =	vld [tilespmem:s19+$0x8040]  }
0x48: {  	v7 =	vld [tilespmem:s19+$0x8050];
	v2 =	vshra.s32 v2, $0x11  }
0x49: {  	v8 =	vld [tilespmem:s19+$0x8060];
	v3 =	vshra.s32 v3, $0x11  }
0x4a: {  	v9 =	vld [tilespmem:s19+$0x8070];
	v4 =	vshra.s32 v4, $0x11  }
0x4b: {  	v5 =	vshra.s32 v5, $0x11  }
0x4c: {  	v6 =	vshra.s32 v6, $0x11  }
0x4d: {  	v7 =	vshra.s32 v7, $0x11;
	[tilespmem:v2+s1+$0x0] =	vst.idx.add.s32.msk $0xffff, v1  }
0x4e: {  	v2 =	vshra.s32 v8, $0x11;
	[tilespmem:v3+s10+$0x0] =	vst.idx.add.s32.msk $0xffff, v1  }
0x4f: {  	v3 =	vshra.s32 v9, $0x11;
	[tilespmem:v4+s1+$0x0] =	vst.idx.add.s32.msk $0xffff, v1  }
0x50: {  	[tilespmem:v5+s10+$0x0] =	vst.idx.add.s32.msk $0xffff, v1  }
0x51: {  	[tilespmem:v6+s1+$0x0] =	vst.idx.add.s32.msk $0xffff, v1  }
0x52: {  	[tilespmem:v7+s10+$0x0] =	vst.idx.add.s32.msk $0xffff, v1  }
0x53: {  	[tilespmem:v2+s1+$0x0] =	vst.idx.add.s32.msk $0xffff, v1  }
0x54: {  	[tilespmem:v3+s10+$0x0] =	vst.idx.add.s32.msk $0xffff, v1  }
0x55: {  	v2 =	vld [tilespmem:s19+$0x8400]  }
0x56: {  	v3 =	vld [tilespmem:s19+$0x8410]  }
0x57: {  	v4 =	vld [tilespmem:s19+$0x8420]  }
0x58: {  	v5 =	vld [tilespmem:s19+$0x8430]  }
0x59: {  	v6 =	vld [tilespmem:s19+$0x8440]  }
0x5a: {  	v7 =	vld [tilespmem:s19+$0x8450];
	v2 =	vshra.s32 v2, $0x11  }
0x5b: {  	v40 =	vld [tilespmem:s19+$0x8460];
	v3 =	vshra.s32 v3, $0x11  }
0x5c: {  	v41 =	vld [tilespmem:s19+$0x8470];
	v4 =	vshra.s32 v4, $0x11  }
0x5d: {  	v5 =	vshra.s32 v5, $0x11  }
0x5e: {  	v6 =	vshra.s32 v6, $0x11  }
0x5f: {  	v7 =	vshra.s32 v7, $0x11;
	[tilespmem:v2+s1+$0x0] =	vst.idx.add.s32.msk $0xffff, v1  }
0x60: {  	v2 =	vshra.s32 v40, $0x11;
	[tilespmem:v3+s10+$0x0] =	vst.idx.add.s32.msk $0xffff, v1  }
0x61: {  	v3 =	vshra.s32 v41, $0x11;
	[tilespmem:v4+s1+$0x0] =	vst.idx.add.s32.msk $0xffff, v1  }
0x62: {  	[tilespmem:v5+s10+$0x0] =	vst.idx.add.s32.msk $0xffff, v1  }
0x63: {  	[tilespmem:v6+s1+$0x0] =	vst.idx.add.s32.msk $0xffff, v1  }
0x64: {  	[tilespmem:v7+s10+$0x0] =	vst.idx.add.s32.msk $0xffff, v1  }
0x65: {  	[tilespmem:v2+s1+$0x0] =	vst.idx.add.s32.msk $0xffff, v1  }
0x66: {  	[tilespmem:v3+s10+$0x0] =	vst.idx.add.s32.msk $0xffff, v1  }
0x67: {  	v2 =	vld [tilespmem:s19+$0x8800]  }
0x68: {  	v3 =	vld [tilespmem:s19+$0x8810]  }
0x69: {  	v4 =	vld [tilespmem:s19+$0x8820]  }
0x6a: {  	v5 =	vld [tilespmem:s19+$0x8830]  }
0x6b: {  	v6 =	vld [tilespmem:s19+$0x8840]  }
0x6c: {  	v7 =	vld [tilespmem:s19+$0x8850];
	v2 =	vshra.s32 v2, $0x11  }
0x6d: {  	v42 =	vld [tilespmem:s19+$0x8860];
	v3 =	vshra.s32 v3, $0x11  }
0x6e: {  	v43 =	vld [tilespmem:s19+$0x8870];
	v4 =	vshra.s32 v4, $0x11  }
0x6f: {  	v5 =	vshra.s32 v5, $0x11  }
0x70: {  	v6 =	vshra.s32 v6, $0x11  }
0x71: {  	v7 =	vshra.s32 v7, $0x11;
	[tilespmem:v2+s1+$0x0] =	vst.idx.add.s32.msk $0xffff, v1  }
0x72: {  	v2 =	vshra.s32 v42, $0x11;
	[tilespmem:v3+s10+$0x0] =	vst.idx.add.s32.msk $0xffff, v1  }
0x73: {  	v3 =	vshra.s32 v43, $0x11;
	[tilespmem:v4+s1+$0x0] =	vst.idx.add.s32.msk $0xffff, v1  }
0x74: {  	[tilespmem:v5+s10+$0x0] =	vst.idx.add.s32.msk $0xffff, v1  }
0x75: {  	[tilespmem:v6+s1+$0x0] =	vst.idx.add.s32.msk $0xffff, v1  }
0x76: {  	[tilespmem:v7+s10+$0x0] =	vst.idx.add.s32.msk $0xffff, v1  }
0x77: {  	[tilespmem:v2+s1+$0x0] =	vst.idx.add.s32.msk $0xffff, v1  }
0x78: {  	[tilespmem:v3+s10+$0x0] =	vst.idx.add.s32.msk $0xffff, v1  }
0x79: {  	v2 =	vld [tilespmem:s19+$0x8C00]  }
0x7a: {  	v3 =	vld [tilespmem:s19+$0x8C10]  }
0x7b: {  	v4 =	vld [tilespmem:s19+$0x8C20]  }
0x7c: {  	v5 =	vld [tilespmem:s19+$0x8C30]  }
0x7d: {  	v6 =	vld [tilespmem:s19+$0x8C40]  }
0x7e: {  	v7 =	vld [tilespmem:s19+$0x8C50];
	v2 =	vshra.s32 v2, $0x11  }
0x7f: {  	v44 =	vld [tilespmem:s19+$0x8C60];
	v3 =	vshra.s32 v3, $0x11  }
0x80: {  	v45 =	vld [tilespmem:s19+$0x8C70];
	v4 =	vshra.s32 v4, $0x11  }
0x81: {  	v5 =	vshra.s32 v5, $0x11  }
0x82: {  	v6 =	vshra.s32 v6, $0x11  }
0x83: {  	v7 =	vshra.s32 v7, $0x11;
	[tilespmem:v2+s1+$0x0] =	vst.idx.add.s32.msk $0xffff, v1  }
0x84: {  	v2 =	vshra.s32 v44, $0x11;
	[tilespmem:v3+s10+$0x0] =	vst.idx.add.s32.msk $0xffff, v1  }
0x85: {  	v3 =	vshra.s32 v45, $0x11;
	[tilespmem:v4+s1+$0x0] =	vst.idx.add.s32.msk $0xffff, v1  }
0x86: {  	[tilespmem:v5+s10+$0x0] =	vst.idx.add.s32.msk $0xffff, v1  }
0x87: {  	[tilespmem:v6+s1+$0x0] =	vst.idx.add.s32.msk $0xffff, v1  }
0x88: {  	[tilespmem:v7+s10+$0x0] =	vst.idx.add.s32.msk $0xffff, v1  }
0x89: {  	[tilespmem:v2+s1+$0x0] =	vst.idx.add.s32.msk $0xffff, v1  }
0x8a: {  	[tilespmem:v3+s10+$0x0] =	vst.idx.add.s32.msk $0xffff, v1  }
0x8b: {  	v2 =	vld [tilespmem:s19+$0x8080]  }
0x8c: {  	v3 =	vld [tilespmem:s19+$0x8090]  }
0x8d: {  	v4 =	vld [tilespmem:s19+$0x80A0]  }
0x8e: {  	v5 =	vld [tilespmem:s19+$0x80B0]  }
0x8f: {  	v6 =	vld [tilespmem:s19+$0x80C0]  }
0x90: {  	v7 =	vld [tilespmem:s19+$0x80D0];
	v2 =	vshra.s32 v2, $0x11  }
0x91: {  	v46 =	vld [tilespmem:s19+$0x80E0];
	v3 =	vshra.s32 v3, $0x11  }
0x92: {  	v47 =	vld [tilespmem:s19+$0x80F0];
	v4 =	vshra.s32 v4, $0x11  }
0x93: {  	v5 =	vshra.s32 v5, $0x11  }
0x94: {  	v6 =	vshra.s32 v6, $0x11  }
0x95: {  	v7 =	vshra.s32 v7, $0x11;
	[tilespmem:v2+s1+$0x0] =	vst.idx.add.s32.msk $0xffff, v1  }
0x96: {  	v2 =	vshra.s32 v46, $0x11;
	[tilespmem:v3+s10+$0x0] =	vst.idx.add.s32.msk $0xffff, v1  }
0x97: {  	v3 =	vshra.s32 v47, $0x11;
	[tilespmem:v4+s1+$0x0] =	vst.idx.add.s32.msk $0xffff, v1  }
0x98: {  	[tilespmem:v5+s10+$0x0] =	vst.idx.add.s32.msk $0xffff, v1  }
0x99: {  	[tilespmem:v6+s1+$0x0] =	vst.idx.add.s32.msk $0xffff, v1  }
0x9a: {  	[tilespmem:v7+s10+$0x0] =	vst.idx.add.s32.msk $0xffff, v1  }
0x9b: {  	[tilespmem:v2+s1+$0x0] =	vst.idx.add.s32.msk $0xffff, v1  }
0x9c: {  	[tilespmem:v3+s10+$0x0] =	vst.idx.add.s32.msk $0xffff, v1  }
0x9d: {  	v2 =	vld [tilespmem:s19+$0x8480]  }
0x9e: {  	v3 =	vld [tilespmem:s19+$0x8490]  }
0x9f: {  	v4 =	vld [tilespmem:s19+$0x84A0]  }
0xa0: {  	v5 =	vld [tilespmem:s19+$0x84B0]  }
0xa1: {  	v6 =	vld [tilespmem:s19+$0x84C0]  }
0xa2: {  	v7 =	vld [tilespmem:s19+$0x84D0];
	v2 =	vshra.s32 v2, $0x11  }
0xa3: {  	v48 =	vld [tilespmem:s19+$0x84E0];
	v3 =	vshra.s32 v3, $0x11  }
0xa4: {  	v49 =	vld [tilespmem:s19+$0x84F0];
	v4 =	vshra.s32 v4, $0x11  }
0xa5: {  	v5 =	vshra.s32 v5, $0x11  }
0xa6: {  	v6 =	vshra.s32 v6, $0x11  }
0xa7: {  	v7 =	vshra.s32 v7, $0x11;
	[tilespmem:v2+s1+$0x0] =	vst.idx.add.s32.msk $0xffff, v1  }
0xa8: {  	v2 =	vshra.s32 v48, $0x11;
	[tilespmem:v3+s10+$0x0] =	vst.idx.add.s32.msk $0xffff, v1  }
0xa9: {  	v3 =	vshra.s32 v49, $0x11;
	[tilespmem:v4+s1+$0x0] =	vst.idx.add.s32.msk $0xffff, v1  }
0xaa: {  	[tilespmem:v5+s10+$0x0] =	vst.idx.add.s32.msk $0xffff, v1  }
0xab: {  	[tilespmem:v6+s1+$0x0] =	vst.idx.add.s32.msk $0xffff, v1  }
0xac: {  	[tilespmem:v7+s10+$0x0] =	vst.idx.add.s32.msk $0xffff, v1  }
0xad: {  	[tilespmem:v2+s1+$0x0] =	vst.idx.add.s32.msk $0xffff, v1  }
0xae: {  	[tilespmem:v3+s10+$0x0] =	vst.idx.add.s32.msk $0xffff, v1  }
0xaf: {  	v2 =	vld [tilespmem:s19+$0x8880]  }
0xb0: {  	v3 =	vld [tilespmem:s19+$0x8890]  }
0xb1: {  	v4 =	vld [tilespmem:s19+$0x88A0]  }
0xb2: {  	v5 =	vld [tilespmem:s19+$0x88B0]  }
0xb3: {  	v6 =	vld [tilespmem:s19+$0x88C0]  }
0xb4: {  	v7 =	vld [tilespmem:s19+$0x88D0];
	v2 =	vshra.s32 v2, $0x11  }
0xb5: {  	v50 =	vld [tilespmem:s19+$0x88E0];
	v3 =	vshra.s32 v3, $0x11  }
0xb6: {  	v51 =	vld [tilespmem:s19+$0x88F0];
	v4 =	vshra.s32 v4, $0x11  }
0xb7: {  	v5 =	vshra.s32 v5, $0x11  }
0xb8: {  	v6 =	vshra.s32 v6, $0x11  }
0xb9: {  	v7 =	vshra.s32 v7, $0x11;
	[tilespmem:v2+s1+$0x0] =	vst.idx.add.s32.msk $0xffff, v1  }
0xba: {  	v2 =	vshra.s32 v50, $0x11;
	[tilespmem:v3+s10+$0x0] =	vst.idx.add.s32.msk $0xffff, v1  }
0xbb: {  	v3 =	vshra.s32 v51, $0x11;
	[tilespmem:v4+s1+$0x0] =	vst.idx.add.s32.msk $0xffff, v1  }
0xbc: {  	[tilespmem:v5+s10+$0x0] =	vst.idx.add.s32.msk $0xffff, v1  }
0xbd: {  	[tilespmem:v6+s1+$0x0] =	vst.idx.add.s32.msk $0xffff, v1  }
0xbe: {  	[tilespmem:v7+s10+$0x0] =	vst.idx.add.s32.msk $0xffff, v1  }
0xbf: {  	[tilespmem:v2+s1+$0x0] =	vst.idx.add.s32.msk $0xffff, v1  }
0xc0: {  	[tilespmem:v3+s10+$0x0] =	vst.idx.add.s32.msk $0xffff, v1  }
0xc1: {  	v2 =	vld [tilespmem:s19+$0x8C80]  }
0xc2: {  	v3 =	vld [tilespmem:s19+$0x8C90]  }
0xc3: {  	v4 =	vld [tilespmem:s19+$0x8CA0]  }
0xc4: {  	v5 =	vld [tilespmem:s19+$0x8CB0]  }
0xc5: {  	v6 =	vld [tilespmem:s19+$0x8CC0]  }
0xc6: {  	v7 =	vld [tilespmem:s19+$0x8CD0];
	v2 =	vshra.s32 v2, $0x11  }
0xc7: {  	v52 =	vld [tilespmem:s19+$0x8CE0];
	v3 =	vshra.s32 v3, $0x11  }
0xc8: {  	v53 =	vld [tilespmem:s19+$0x8CF0];
	v4 =	vshra.s32 v4, $0x11  }
0xc9: {  	v5 =	vshra.s32 v5, $0x11  }
0xca: {  	v6 =	vshra.s32 v6, $0x11  }
0xcb: {  	v7 =	vshra.s32 v7, $0x11;
	[tilespmem:v2+s1+$0x0] =	vst.idx.add.s32.msk $0xffff, v1  }
0xcc: {  	v2 =	vshra.s32 v52, $0x11;
	[tilespmem:v3+s10+$0x0] =	vst.idx.add.s32.msk $0xffff, v1  }
0xcd: {  	v3 =	vshra.s32 v53, $0x11;
	[tilespmem:v4+s1+$0x0] =	vst.idx.add.s32.msk $0xffff, v1  }
0xce: {  	[tilespmem:v5+s10+$0x0] =	vst.idx.add.s32.msk $0xffff, v1  }
0xcf: {  	[tilespmem:v6+s1+$0x0] =	vst.idx.add.s32.msk $0xffff, v1  }
0xd0: {  	[tilespmem:v7+s10+$0x0] =	vst.idx.add.s32.msk $0xffff, v1  }
0xd1: {  	[tilespmem:v2+s1+$0x0] =	vst.idx.add.s32.msk $0xffff, v1  }
0xd2: {  	[tilespmem:v3+s10+$0x0] =	vst.idx.add.s32.msk $0xffff, v1  }
0xd3: {  	v2 =	vld [tilespmem:s19+$0x8100]  }
0xd4: {  	v3 =	vld [tilespmem:s19+$0x8110]  }
0xd5: {  	v4 =	vld [tilespmem:s19+$0x8120]  }
0xd6: {  	v5 =	vld [tilespmem:s19+$0x8130]  }
0xd7: {  	v6 =	vld [tilespmem:s19+$0x8140]  }
0xd8: {  	v7 =	vld [tilespmem:s19+$0x8150];
	v2 =	vshra.s32 v2, $0x11  }
0xd9: {  	v54 =	vld [tilespmem:s19+$0x8160];
	v3 =	vshra.s32 v3, $0x11  }
0xda: {  	v55 =	vld [tilespmem:s19+$0x8170];
	v4 =	vshra.s32 v4, $0x11  }
0xdb: {  	v5 =	vshra.s32 v5, $0x11  }
0xdc: {  	v6 =	vshra.s32 v6, $0x11  }
0xdd: {  	v7 =	vshra.s32 v7, $0x11;
	[tilespmem:v2+s1+$0x0] =	vst.idx.add.s32.msk $0xffff, v1  }
0xde: {  	v2 =	vshra.s32 v54, $0x11;
	[tilespmem:v3+s10+$0x0] =	vst.idx.add.s32.msk $0xffff, v1  }
0xdf: {  	v3 =	vshra.s32 v55, $0x11;
	[tilespmem:v4+s1+$0x0] =	vst.idx.add.s32.msk $0xffff, v1  }
0xe0: {  	[tilespmem:v5+s10+$0x0] =	vst.idx.add.s32.msk $0xffff, v1  }
0xe1: {  	[tilespmem:v6+s1+$0x0] =	vst.idx.add.s32.msk $0xffff, v1  }
0xe2: {  	[tilespmem:v7+s10+$0x0] =	vst.idx.add.s32.msk $0xffff, v1  }
0xe3: {  	[tilespmem:v2+s1+$0x0] =	vst.idx.add.s32.msk $0xffff, v1  }
0xe4: {  	[tilespmem:v3+s10+$0x0] =	vst.idx.add.s32.msk $0xffff, v1  }
0xe5: {  	v2 =	vld [tilespmem:s19+$0x8500]  }
0xe6: {  	v3 =	vld [tilespmem:s19+$0x8510]  }
0xe7: {  	v4 =	vld [tilespmem:s19+$0x8520]  }
0xe8: {  	v5 =	vld [tilespmem:s19+$0x8530]  }
0xe9: {  	v6 =	vld [tilespmem:s19+$0x8540]  }
0xea: {  	v7 =	vld [tilespmem:s19+$0x8550];
	v2 =	vshra.s32 v2, $0x11  }
0xeb: {  	v56 =	vld [tilespmem:s19+$0x8560];
	v3 =	vshra.s32 v3, $0x11  }
0xec: {  	v57 =	vld [tilespmem:s19+$0x8570];
	v4 =	vshra.s32 v4, $0x11  }
0xed: {  	v5 =	vshra.s32 v5, $0x11  }
0xee: {  	v6 =	vshra.s32 v6, $0x11  }
0xef: {  	v7 =	vshra.s32 v7, $0x11;
	[tilespmem:v2+s1+$0x0] =	vst.idx.add.s32.msk $0xffff, v1  }
0xf0: {  	v2 =	vshra.s32 v56, $0x11;
	[tilespmem:v3+s10+$0x0] =	vst.idx.add.s32.msk $0xffff, v1  }
0xf1: {  	v3 =	vshra.s32 v57, $0x11;
	[tilespmem:v4+s1+$0x0] =	vst.idx.add.s32.msk $0xffff, v1  }
0xf2: {  	[tilespmem:v5+s10+$0x0] =	vst.idx.add.s32.msk $0xffff, v1  }
0xf3: {  	[tilespmem:v6+s1+$0x0] =	vst.idx.add.s32.msk $0xffff, v1  }
0xf4: {  	[tilespmem:v7+s10+$0x0] =	vst.idx.add.s32.msk $0xffff, v1  }
0xf5: {  	[tilespmem:v2+s1+$0x0] =	vst.idx.add.s32.msk $0xffff, v1  }
0xf6: {  	[tilespmem:v3+s10+$0x0] =	vst.idx.add.s32.msk $0xffff, v1  }
0xf7: {  	v2 =	vld [tilespmem:s19+$0x8900]  }
0xf8: {  	v3 =	vld [tilespmem:s19+$0x8910]  }
0xf9: {  	v4 =	vld [tilespmem:s19+$0x8920]  }
0xfa: {  	v5 =	vld [tilespmem:s19+$0x8930]  }
0xfb: {  	v6 =	vld [tilespmem:s19+$0x8940]  }
0xfc: {  	v7 =	vld [tilespmem:s19+$0x8950];
	v2 =	vshra.s32 v2, $0x11  }
0xfd: {  	v58 =	vld [tilespmem:s19+$0x8960];
	v3 =	vshra.s32 v3, $0x11  }
0xfe: {  	v59 =	vld [tilespmem:s19+$0x8970];
	v4 =	vshra.s32 v4, $0x11  }
0xff: {  	v5 =	vshra.s32 v5, $0x11  }
0x100: {  	v6 =	vshra.s32 v6, $0x11  }
0x101: {  	v7 =	vshra.s32 v7, $0x11;
	[tilespmem:v2+s1+$0x0] =	vst.idx.add.s32.msk $0xffff, v1  }
0x102: {  	v2 =	vshra.s32 v58, $0x11;
	[tilespmem:v3+s10+$0x0] =	vst.idx.add.s32.msk $0xffff, v1  }
0x103: {  	v3 =	vshra.s32 v59, $0x11;
	[tilespmem:v4+s1+$0x0] =	vst.idx.add.s32.msk $0xffff, v1  }
0x104: {  	[tilespmem:v5+s10+$0x0] =	vst.idx.add.s32.msk $0xffff, v1  }
0x105: {  	[tilespmem:v6+s1+$0x0] =	vst.idx.add.s32.msk $0xffff, v1  }
0x106: {  	[tilespmem:v7+s10+$0x0] =	vst.idx.add.s32.msk $0xffff, v1  }
0x107: {  	[tilespmem:v2+s1+$0x0] =	vst.idx.add.s32.msk $0xffff, v1  }
0x108: {  	[tilespmem:v3+s10+$0x0] =	vst.idx.add.s32.msk $0xffff, v1  }
0x109: {  	v2 =	vld [tilespmem:s19+$0x8D00]  }
0x10a: {  	v3 =	vld [tilespmem:s19+$0x8D10]  }
0x10b: {  	v4 =	vld [tilespmem:s19+$0x8D20]  }
0x10c: {  	v5 =	vld [tilespmem:s19+$0x8D30]  }
0x10d: {  	v6 =	vld [tilespmem:s19+$0x8D40]  }
0x10e: {  	v7 =	vld [tilespmem:s19+$0x8D50];
	v2 =	vshra.s32 v2, $0x11  }
0x10f: {  	v60 =	vld [tilespmem:s19+$0x8D60];
	v3 =	vshra.s32 v3, $0x11  }
0x110: {  	v61 =	vld [tilespmem:s19+$0x8D70];
	v4 =	vshra.s32 v4, $0x11  }
0x111: {  	v5 =	vshra.s32 v5, $0x11  }
0x112: {  	v6 =	vshra.s32 v6, $0x11  }
0x113: {  	v7 =	vshra.s32 v7, $0x11;
	[tilespmem:v2+s1+$0x0] =	vst.idx.add.s32.msk $0xffff, v1  }
0x114: {  	v2 =	vshra.s32 v60, $0x11;
	[tilespmem:v3+s10+$0x0] =	vst.idx.add.s32.msk $0xffff, v1  }
0x115: {  	v3 =	vshra.s32 v61, $0x11;
	[tilespmem:v4+s1+$0x0] =	vst.idx.add.s32.msk $0xffff, v1  }
0x116: {  	[tilespmem:v5+s10+$0x0] =	vst.idx.add.s32.msk $0xffff, v1  }
0x117: {  	[tilespmem:v6+s1+$0x0] =	vst.idx.add.s32.msk $0xffff, v1  }
0x118: {  	[tilespmem:v7+s10+$0x0] =	vst.idx.add.s32.msk $0xffff, v1  }
0x119: {  	[tilespmem:v2+s1+$0x0] =	vst.idx.add.s32.msk $0xffff, v1  }
0x11a: {  	[tilespmem:v3+s10+$0x0] =	vst.idx.add.s32.msk $0xffff, v1  }
0x11b: {  	v2 =	vld [tilespmem:s19+$0x8180]  }
0x11c: {  	v3 =	vld [tilespmem:s19+$0x8190]  }
0x11d: {  	v4 =	vld [tilespmem:s19+$0x81A0]  }
0x11e: {  	v5 =	vld [tilespmem:s19+$0x81B0]  }
0x11f: {  	v6 =	vld [tilespmem:s19+$0x81C0]  }
0x120: {  	v7 =	vld [tilespmem:s19+$0x81D0];
	v2 =	vshra.s32 v2, $0x11  }
0x121: {  	v62 =	vld [tilespmem:s19+$0x81E0];
	v3 =	vshra.s32 v3, $0x11  }
0x122: {  	v63 =	vld [tilespmem:s19+$0x81F0];
	v4 =	vshra.s32 v4, $0x11  }
0x123: {  	v5 =	vshra.s32 v5, $0x11  }
0x124: {  	v6 =	vshra.s32 v6, $0x11  }
0x125: {  	v7 =	vshra.s32 v7, $0x11;
	[tilespmem:v2+s1+$0x0] =	vst.idx.add.s32.msk $0xffff, v1  }
0x126: {  	v2 =	vshra.s32 v62, $0x11;
	[tilespmem:v3+s10+$0x0] =	vst.idx.add.s32.msk $0xffff, v1  }
0x127: {  	v3 =	vshra.s32 v63, $0x11;
	[tilespmem:v4+s1+$0x0] =	vst.idx.add.s32.msk $0xffff, v1  }
0x128: {  	[tilespmem:v5+s10+$0x0] =	vst.idx.add.s32.msk $0xffff, v1  }
0x129: {  	[tilespmem:v6+s1+$0x0] =	vst.idx.add.s32.msk $0xffff, v1  }
0x12a: {  	[tilespmem:v7+s10+$0x0] =	vst.idx.add.s32.msk $0xffff, v1  }
0x12b: {  	[tilespmem:v2+s1+$0x0] =	vst.idx.add.s32.msk $0xffff, v1  }
0x12c: {  	[tilespmem:v3+s10+$0x0] =	vst.idx.add.s32.msk $0xffff, v1  }
0x12d: {  	v2 =	vld [tilespmem:s19+$0x8580]  }
0x12e: {  	v3 =	vld [tilespmem:s19+$0x8590]  }
0x12f: {  	v4 =	vld [tilespmem:s19+$0x85A0]  }
0x130: {  	v5 =	vld [tilespmem:s19+$0x85B0]  }
0x131: {  	v6 =	vld [tilespmem:s19+$0x85C0]  }
0x132: {  	v7 =	vld [tilespmem:s19+$0x85D0];
	v2 =	vshra.s32 v2, $0x11  }
0x133: {  	v12 =	vld [tilespmem:s19+$0x85E0];
	v3 =	vshra.s32 v3, $0x11  }
0x134: {  	v13 =	vld [tilespmem:s19+$0x85F0];
	v4 =	vshra.s32 v4, $0x11  }
0x135: {  	v5 =	vshra.s32 v5, $0x11  }
0x136: {  	v6 =	vshra.s32 v6, $0x11  }
0x137: {  	v7 =	vshra.s32 v7, $0x11;
	[tilespmem:v2+s1+$0x0] =	vst.idx.add.s32.msk $0xffff, v1  }
0x138: {  	v2 =	vshra.s32 v12, $0x11;
	[tilespmem:v3+s10+$0x0] =	vst.idx.add.s32.msk $0xffff, v1  }
0x139: {  	v3 =	vshra.s32 v13, $0x11;
	[tilespmem:v4+s1+$0x0] =	vst.idx.add.s32.msk $0xffff, v1  }
0x13a: {  	[tilespmem:v5+s10+$0x0] =	vst.idx.add.s32.msk $0xffff, v1  }
0x13b: {  	[tilespmem:v6+s1+$0x0] =	vst.idx.add.s32.msk $0xffff, v1  }
0x13c: {  	[tilespmem:v7+s10+$0x0] =	vst.idx.add.s32.msk $0xffff, v1  }
0x13d: {  	[tilespmem:v2+s1+$0x0] =	vst.idx.add.s32.msk $0xffff, v1  }
0x13e: {  	[tilespmem:v3+s10+$0x0] =	vst.idx.add.s32.msk $0xffff, v1  }
0x13f: {  	v2 =	vld [tilespmem:s19+$0x8980]  }
0x140: {  	v3 =	vld [tilespmem:s19+$0x8990]  }
0x141: {  	v4 =	vld [tilespmem:s19+$0x89A0]  }
0x142: {  	v5 =	vld [tilespmem:s19+$0x89B0]  }
0x143: {  	v6 =	vld [tilespmem:s19+$0x89C0]  }
0x144: {  	v7 =	vld [tilespmem:s19+$0x89D0];
	v2 =	vshra.s32 v2, $0x11  }
0x145: {  	v14 =	vld [tilespmem:s19+$0x89E0];
	v3 =	vshra.s32 v3, $0x11  }
0x146: {  	v15 =	vld [tilespmem:s19+$0x89F0];
	v4 =	vshra.s32 v4, $0x11  }
0x147: {  	v5 =	vshra.s32 v5, $0x11  }
0x148: {  	v6 =	vshra.s32 v6, $0x11  }
0x149: {  	v7 =	vshra.s32 v7, $0x11;
	[tilespmem:v2+s1+$0x0] =	vst.idx.add.s32.msk $0xffff, v1  }
0x14a: {  	v2 =	vshra.s32 v14, $0x11;
	[tilespmem:v3+s10+$0x0] =	vst.idx.add.s32.msk $0xffff, v1  }
0x14b: {  	v3 =	vshra.s32 v15, $0x11;
	[tilespmem:v4+s1+$0x0] =	vst.idx.add.s32.msk $0xffff, v1  }
0x14c: {  	[tilespmem:v5+s10+$0x0] =	vst.idx.add.s32.msk $0xffff, v1  }
0x14d: {  	[tilespmem:v6+s1+$0x0] =	vst.idx.add.s32.msk $0xffff, v1  }
0x14e: {  	[tilespmem:v7+s10+$0x0] =	vst.idx.add.s32.msk $0xffff, v1  }
0x14f: {  	[tilespmem:v2+s1+$0x0] =	vst.idx.add.s32.msk $0xffff, v1  }
0x150: {  	[tilespmem:v3+s10+$0x0] =	vst.idx.add.s32.msk $0xffff, v1  }
0x151: {  	v2 =	vld [tilespmem:s19+$0x8D80]  }
0x152: {  	v3 =	vld [tilespmem:s19+$0x8D90]  }
0x153: {  	v4 =	vld [tilespmem:s19+$0x8DA0]  }
0x154: {  	v5 =	vld [tilespmem:s19+$0x8DB0]  }
0x155: {  	v6 =	vld [tilespmem:s19+$0x8DC0]  }
0x156: {  	v7 =	vld [tilespmem:s19+$0x8DD0];
	v2 =	vshra.s32 v2, $0x11  }
0x157: {  	v16 =	vld [tilespmem:s19+$0x8DE0];
	v3 =	vshra.s32 v3, $0x11  }
0x158: {  	v17 =	vld [tilespmem:s19+$0x8DF0];
	v4 =	vshra.s32 v4, $0x11  }
0x159: {  	v5 =	vshra.s32 v5, $0x11  }
0x15a: {  	v6 =	vshra.s32 v6, $0x11  }
0x15b: {  	v7 =	vshra.s32 v7, $0x11;
	[tilespmem:v2+s1+$0x0] =	vst.idx.add.s32.msk $0xffff, v1  }
0x15c: {  	v2 =	vshra.s32 v16, $0x11;
	[tilespmem:v3+s10+$0x0] =	vst.idx.add.s32.msk $0xffff, v1  }
0x15d: {  	v3 =	vshra.s32 v17, $0x11;
	[tilespmem:v4+s1+$0x0] =	vst.idx.add.s32.msk $0xffff, v1  }
0x15e: {  	[tilespmem:v5+s10+$0x0] =	vst.idx.add.s32.msk $0xffff, v1  }
0x15f: {  	[tilespmem:v6+s1+$0x0] =	vst.idx.add.s32.msk $0xffff, v1  }
0x160: {  	[tilespmem:v7+s10+$0x0] =	vst.idx.add.s32.msk $0xffff, v1  }
0x161: {  	[tilespmem:v2+s1+$0x0] =	vst.idx.add.s32.msk $0xffff, v1  }
0x162: {  	[tilespmem:v3+s10+$0x0] =	vst.idx.add.s32.msk $0xffff, v1  }
0x163: {  	v2 =	vld [tilespmem:s19+$0x8200]  }
0x164: {  	v3 =	vld [tilespmem:s19+$0x8210]  }
0x165: {  	v4 =	vld [tilespmem:s19+$0x8220]  }
0x166: {  	v5 =	vld [tilespmem:s19+$0x8230]  }
0x167: {  	v6 =	vld [tilespmem:s19+$0x8240]  }
0x168: {  	v7 =	vld [tilespmem:s19+$0x8250];
	v2 =	vshra.s32 v2, $0x11  }
0x169: {  	v18 =	vld [tilespmem:s19+$0x8260];
	v3 =	vshra.s32 v3, $0x11  }
0x16a: {  	v19 =	vld [tilespmem:s19+$0x8270];
	v4 =	vshra.s32 v4, $0x11  }
0x16b: {  	v5 =	vshra.s32 v5, $0x11  }
0x16c: {  	v6 =	vshra.s32 v6, $0x11  }
0x16d: {  	v7 =	vshra.s32 v7, $0x11;
	[tilespmem:v2+s1+$0x0] =	vst.idx.add.s32.msk $0xffff, v1  }
0x16e: {  	v2 =	vshra.s32 v18, $0x11;
	[tilespmem:v3+s10+$0x0] =	vst.idx.add.s32.msk $0xffff, v1  }
0x16f: {  	v3 =	vshra.s32 v19, $0x11;
	[tilespmem:v4+s1+$0x0] =	vst.idx.add.s32.msk $0xffff, v1  }
0x170: {  	[tilespmem:v5+s10+$0x0] =	vst.idx.add.s32.msk $0xffff, v1  }
0x171: {  	[tilespmem:v6+s1+$0x0] =	vst.idx.add.s32.msk $0xffff, v1  }
0x172: {  	[tilespmem:v7+s10+$0x0] =	vst.idx.add.s32.msk $0xffff, v1  }
0x173: {  	[tilespmem:v2+s1+$0x0] =	vst.idx.add.s32.msk $0xffff, v1  }
0x174: {  	[tilespmem:v3+s10+$0x0] =	vst.idx.add.s32.msk $0xffff, v1  }
0x175: {  	v2 =	vld [tilespmem:s19+$0x8600]  }
0x176: {  	v3 =	vld [tilespmem:s19+$0x8610]  }
0x177: {  	v4 =	vld [tilespmem:s19+$0x8620]  }
0x178: {  	v5 =	vld [tilespmem:s19+$0x8630]  }
0x179: {  	v6 =	vld [tilespmem:s19+$0x8640]  }
0x17a: {  	v7 =	vld [tilespmem:s19+$0x8650];
	v2 =	vshra.s32 v2, $0x11  }
0x17b: {  	v20 =	vld [tilespmem:s19+$0x8660];
	v3 =	vshra.s32 v3, $0x11  }
0x17c: {  	v21 =	vld [tilespmem:s19+$0x8670];
	v4 =	vshra.s32 v4, $0x11  }
0x17d: {  	v5 =	vshra.s32 v5, $0x11  }
0x17e: {  	v6 =	vshra.s32 v6, $0x11  }
0x17f: {  	v7 =	vshra.s32 v7, $0x11;
	[tilespmem:v2+s1+$0x0] =	vst.idx.add.s32.msk $0xffff, v1  }
0x180: {  	v2 =	vshra.s32 v20, $0x11;
	[tilespmem:v3+s10+$0x0] =	vst.idx.add.s32.msk $0xffff, v1  }
0x181: {  	v3 =	vshra.s32 v21, $0x11;
	[tilespmem:v4+s1+$0x0] =	vst.idx.add.s32.msk $0xffff, v1  }
0x182: {  	[tilespmem:v5+s10+$0x0] =	vst.idx.add.s32.msk $0xffff, v1  }
0x183: {  	[tilespmem:v6+s1+$0x0] =	vst.idx.add.s32.msk $0xffff, v1  }
0x184: {  	[tilespmem:v7+s10+$0x0] =	vst.idx.add.s32.msk $0xffff, v1  }
0x185: {  	[tilespmem:v2+s1+$0x0] =	vst.idx.add.s32.msk $0xffff, v1  }
0x186: {  	[tilespmem:v3+s10+$0x0] =	vst.idx.add.s32.msk $0xffff, v1  }
0x187: {  	v2 =	vld [tilespmem:s19+$0x8A00]  }
0x188: {  	v3 =	vld [tilespmem:s19+$0x8A10]  }
0x189: {  	v4 =	vld [tilespmem:s19+$0x8A20]  }
0x18a: {  	v5 =	vld [tilespmem:s19+$0x8A30]  }
0x18b: {  	v6 =	vld [tilespmem:s19+$0x8A40]  }
0x18c: {  	v7 =	vld [tilespmem:s19+$0x8A50];
	v2 =	vshra.s32 v2, $0x11  }
0x18d: {  	v22 =	vld [tilespmem:s19+$0x8A60];
	v3 =	vshra.s32 v3, $0x11  }
0x18e: {  	v23 =	vld [tilespmem:s19+$0x8A70];
	v4 =	vshra.s32 v4, $0x11  }
0x18f: {  	v5 =	vshra.s32 v5, $0x11  }
0x190: {  	v6 =	vshra.s32 v6, $0x11  }
0x191: {  	v7 =	vshra.s32 v7, $0x11;
	[tilespmem:v2+s1+$0x0] =	vst.idx.add.s32.msk $0xffff, v1  }
0x192: {  	v2 =	vshra.s32 v22, $0x11;
	[tilespmem:v3+s10+$0x0] =	vst.idx.add.s32.msk $0xffff, v1  }
0x193: {  	v3 =	vshra.s32 v23, $0x11;
	[tilespmem:v4+s1+$0x0] =	vst.idx.add.s32.msk $0xffff, v1  }
0x194: {  	[tilespmem:v5+s10+$0x0] =	vst.idx.add.s32.msk $0xffff, v1  }
0x195: {  	[tilespmem:v6+s1+$0x0] =	vst.idx.add.s32.msk $0xffff, v1  }
0x196: {  	[tilespmem:v7+s10+$0x0] =	vst.idx.add.s32.msk $0xffff, v1  }
0x197: {  	[tilespmem:v2+s1+$0x0] =	vst.idx.add.s32.msk $0xffff, v1  }
0x198: {  	[tilespmem:v3+s10+$0x0] =	vst.idx.add.s32.msk $0xffff, v1  }
0x199: {  	v2 =	vld [tilespmem:s19+$0x8E00]  }
0x19a: {  	v3 =	vld [tilespmem:s19+$0x8E10]  }
0x19b: {  	v4 =	vld [tilespmem:s19+$0x8E20]  }
0x19c: {  	v5 =	vld [tilespmem:s19+$0x8E30]  }
0x19d: {  	v6 =	vld [tilespmem:s19+$0x8E40]  }
0x19e: {  	v7 =	vld [tilespmem:s19+$0x8E50];
	v2 =	vshra.s32 v2, $0x11  }
0x19f: {  	v24 =	vld [tilespmem:s19+$0x8E60];
	v3 =	vshra.s32 v3, $0x11  }
0x1a0: {  	v25 =	vld [tilespmem:s19+$0x8E70];
	v4 =	vshra.s32 v4, $0x11  }
0x1a1: {  	v5 =	vshra.s32 v5, $0x11  }
0x1a2: {  	v6 =	vshra.s32 v6, $0x11  }
0x1a3: {  	v7 =	vshra.s32 v7, $0x11;
	[tilespmem:v2+s1+$0x0] =	vst.idx.add.s32.msk $0xffff, v1  }
0x1a4: {  	v2 =	vshra.s32 v24, $0x11;
	[tilespmem:v3+s10+$0x0] =	vst.idx.add.s32.msk $0xffff, v1  }
0x1a5: {  	v3 =	vshra.s32 v25, $0x11;
	[tilespmem:v4+s1+$0x0] =	vst.idx.add.s32.msk $0xffff, v1  }
0x1a6: {  	[tilespmem:v5+s10+$0x0] =	vst.idx.add.s32.msk $0xffff, v1  }
0x1a7: {  	[tilespmem:v6+s1+$0x0] =	vst.idx.add.s32.msk $0xffff, v1  }
0x1a8: {  	[tilespmem:v7+s10+$0x0] =	vst.idx.add.s32.msk $0xffff, v1  }
0x1a9: {  	[tilespmem:v2+s1+$0x0] =	vst.idx.add.s32.msk $0xffff, v1  }
0x1aa: {  	[tilespmem:v3+s10+$0x0] =	vst.idx.add.s32.msk $0xffff, v1  }
0x1ab: {  	v2 =	vld [tilespmem:s19+$0x8280]  }
0x1ac: {  	v3 =	vld [tilespmem:s19+$0x8290]  }
0x1ad: {  	v4 =	vld [tilespmem:s19+$0x82A0]  }
0x1ae: {  	v5 =	vld [tilespmem:s19+$0x82B0]  }
0x1af: {  	v6 =	vld [tilespmem:s19+$0x82C0]  }
0x1b0: {  	v7 =	vld [tilespmem:s19+$0x82D0];
	v2 =	vshra.s32 v2, $0x11  }
0x1b1: {  	v26 =	vld [tilespmem:s19+$0x82E0];
	v3 =	vshra.s32 v3, $0x11  }
0x1b2: {  	v27 =	vld [tilespmem:s19+$0x82F0];
	v4 =	vshra.s32 v4, $0x11  }
0x1b3: {  	v5 =	vshra.s32 v5, $0x11  }
0x1b4: {  	v6 =	vshra.s32 v6, $0x11  }
0x1b5: {  	v7 =	vshra.s32 v7, $0x11;
	[tilespmem:v2+s1+$0x0] =	vst.idx.add.s32.msk $0xffff, v1  }
0x1b6: {  	v2 =	vshra.s32 v26, $0x11;
	[tilespmem:v3+s10+$0x0] =	vst.idx.add.s32.msk $0xffff, v1  }
0x1b7: {  	v3 =	vshra.s32 v27, $0x11;
	[tilespmem:v4+s1+$0x0] =	vst.idx.add.s32.msk $0xffff, v1  }
0x1b8: {  	[tilespmem:v5+s10+$0x0] =	vst.idx.add.s32.msk $0xffff, v1  }
0x1b9: {  	[tilespmem:v6+s1+$0x0] =	vst.idx.add.s32.msk $0xffff, v1  }
0x1ba: {  	[tilespmem:v7+s10+$0x0] =	vst.idx.add.s32.msk $0xffff, v1  }
0x1bb: {  	[tilespmem:v2+s1+$0x0] =	vst.idx.add.s32.msk $0xffff, v1  }
0x1bc: {  	[tilespmem:v3+s10+$0x0] =	vst.idx.add.s32.msk $0xffff, v1  }
0x1bd: {  	v2 =	vld [tilespmem:s19+$0x8680]  }
0x1be: {  	v3 =	vld [tilespmem:s19+$0x8690]  }
0x1bf: {  	v4 =	vld [tilespmem:s19+$0x86A0]  }
0x1c0: {  	v5 =	vld [tilespmem:s19+$0x86B0]  }
0x1c1: {  	v6 =	vld [tilespmem:s19+$0x86C0]  }
0x1c2: {  	v7 =	vld [tilespmem:s19+$0x86D0];
	v2 =	vshra.s32 v2, $0x11  }
0x1c3: {  	v28 =	vld [tilespmem:s19+$0x86E0];
	v3 =	vshra.s32 v3, $0x11  }
0x1c4: {  	v29 =	vld [tilespmem:s19+$0x86F0];
	v4 =	vshra.s32 v4, $0x11  }
0x1c5: {  	v5 =	vshra.s32 v5, $0x11  }
0x1c6: {  	v6 =	vshra.s32 v6, $0x11  }
0x1c7: {  	v7 =	vshra.s32 v7, $0x11;
	[tilespmem:v2+s1+$0x0] =	vst.idx.add.s32.msk $0xffff, v1  }
0x1c8: {  	v2 =	vshra.s32 v28, $0x11;
	[tilespmem:v3+s10+$0x0] =	vst.idx.add.s32.msk $0xffff, v1  }
0x1c9: {  	v3 =	vshra.s32 v29, $0x11;
	[tilespmem:v4+s1+$0x0] =	vst.idx.add.s32.msk $0xffff, v1  }
0x1ca: {  	[tilespmem:v5+s10+$0x0] =	vst.idx.add.s32.msk $0xffff, v1  }
0x1cb: {  	[tilespmem:v6+s1+$0x0] =	vst.idx.add.s32.msk $0xffff, v1  }
0x1cc: {  	[tilespmem:v7+s10+$0x0] =	vst.idx.add.s32.msk $0xffff, v1  }
0x1cd: {  	[tilespmem:v2+s1+$0x0] =	vst.idx.add.s32.msk $0xffff, v1  }
0x1ce: {  	[tilespmem:v3+s10+$0x0] =	vst.idx.add.s32.msk $0xffff, v1  }
0x1cf: {  	v2 =	vld [tilespmem:s19+$0x8A80]  }
0x1d0: {  	v3 =	vld [tilespmem:s19+$0x8A90]  }
0x1d1: {  	v4 =	vld [tilespmem:s19+$0x8AA0]  }
0x1d2: {  	v5 =	vld [tilespmem:s19+$0x8AB0]  }
0x1d3: {  	v6 =	vld [tilespmem:s19+$0x8AC0]  }
0x1d4: {  	v7 =	vld [tilespmem:s19+$0x8AD0];
	v2 =	vshra.s32 v2, $0x11  }
0x1d5: {  	v30 =	vld [tilespmem:s19+$0x8AE0];
	v3 =	vshra.s32 v3, $0x11  }
0x1d6: {  	v31 =	vld [tilespmem:s19+$0x8AF0];
	v4 =	vshra.s32 v4, $0x11  }
0x1d7: {  	v5 =	vshra.s32 v5, $0x11  }
0x1d8: {  	v6 =	vshra.s32 v6, $0x11  }
0x1d9: {  	v7 =	vshra.s32 v7, $0x11;
	[tilespmem:v2+s1+$0x0] =	vst.idx.add.s32.msk $0xffff, v1  }
0x1da: {  	v2 =	vshra.s32 v30, $0x11;
	[tilespmem:v3+s10+$0x0] =	vst.idx.add.s32.msk $0xffff, v1  }
0x1db: {  	v3 =	vshra.s32 v31, $0x11;
	[tilespmem:v4+s1+$0x0] =	vst.idx.add.s32.msk $0xffff, v1  }
0x1dc: {  	[tilespmem:v5+s10+$0x0] =	vst.idx.add.s32.msk $0xffff, v1  }
0x1dd: {  	[tilespmem:v6+s1+$0x0] =	vst.idx.add.s32.msk $0xffff, v1  }
0x1de: {  	[tilespmem:v7+s10+$0x0] =	vst.idx.add.s32.msk $0xffff, v1  }
0x1df: {  	[tilespmem:v2+s1+$0x0] =	vst.idx.add.s32.msk $0xffff, v1  }
0x1e0: {  	[tilespmem:v3+s10+$0x0] =	vst.idx.add.s32.msk $0xffff, v1  }
0x1e1: {  	v2 =	vld [tilespmem:s19+$0x8E80]  }
0x1e2: {  	v3 =	vld [tilespmem:s19+$0x8E90]  }
0x1e3: {  	v4 =	vld [tilespmem:s19+$0x8EA0]  }
0x1e4: {  	v5 =	vld [tilespmem:s19+$0x8EB0]  }
0x1e5: {  	v6 =	vld [tilespmem:s19+$0x8EC0]  }
0x1e6: {  	v7 =	vld [tilespmem:s19+$0x8ED0];
	v2 =	vshra.s32 v2, $0x11  }
0x1e7: {  	v32 =	vld [tilespmem:s19+$0x8EE0];
	v3 =	vshra.s32 v3, $0x11  }
0x1e8: {  	v33 =	vld [tilespmem:s19+$0x8EF0];
	v4 =	vshra.s32 v4, $0x11  }
0x1e9: {  	v5 =	vshra.s32 v5, $0x11  }
0x1ea: {  	v6 =	vshra.s32 v6, $0x11  }
0x1eb: {  	v7 =	vshra.s32 v7, $0x11;
	[tilespmem:v2+s1+$0x0] =	vst.idx.add.s32.msk $0xffff, v1  }
0x1ec: {  	v2 =	vshra.s32 v32, $0x11;
	[tilespmem:v3+s10+$0x0] =	vst.idx.add.s32.msk $0xffff, v1  }
0x1ed: {  	v3 =	vshra.s32 v33, $0x11;
	[tilespmem:v4+s1+$0x0] =	vst.idx.add.s32.msk $0xffff, v1  }
0x1ee: {  	[tilespmem:v5+s10+$0x0] =	vst.idx.add.s32.msk $0xffff, v1  }
0x1ef: {  	[tilespmem:v6+s1+$0x0] =	vst.idx.add.s32.msk $0xffff, v1  }
0x1f0: {  	[tilespmem:v7+s10+$0x0] =	vst.idx.add.s32.msk $0xffff, v1  }
0x1f1: {  	[tilespmem:v2+s1+$0x0] =	vst.idx.add.s32.msk $0xffff, v1  }
0x1f2: {  	[tilespmem:v3+s10+$0x0] =	vst.idx.add.s32.msk $0xffff, v1  }
0x1f3: {  	v2 =	vld [tilespmem:s19+$0x8300]  }
0x1f4: {  	v3 =	vld [tilespmem:s19+$0x8310]  }
0x1f5: {  	v4 =	vld [tilespmem:s19+$0x8320]  }
0x1f6: {  	v5 =	vld [tilespmem:s19+$0x8330]  }
0x1f7: {  	v6 =	vld [tilespmem:s19+$0x8340]  }
0x1f8: {  	v7 =	vld [tilespmem:s19+$0x8350];
	v2 =	vshra.s32 v2, $0x11  }
0x1f9: {  	v34 =	vld [tilespmem:s19+$0x8360];
	v3 =	vshra.s32 v3, $0x11  }
0x1fa: {  	v35 =	vld [tilespmem:s19+$0x8370];
	v4 =	vshra.s32 v4, $0x11  }
0x1fb: {  	v5 =	vshra.s32 v5, $0x11  }
0x1fc: {  	v6 =	vshra.s32 v6, $0x11  }
0x1fd: {  	v7 =	vshra.s32 v7, $0x11;
	[tilespmem:v2+s1+$0x0] =	vst.idx.add.s32.msk $0xffff, v1  }
0x1fe: {  	v2 =	vshra.s32 v34, $0x11;
	[tilespmem:v3+s10+$0x0] =	vst.idx.add.s32.msk $0xffff, v1  }
0x1ff: {  	v3 =	vshra.s32 v35, $0x11;
	[tilespmem:v4+s1+$0x0] =	vst.idx.add.s32.msk $0xffff, v1  }
0x200: {  	[tilespmem:v5+s10+$0x0] =	vst.idx.add.s32.msk $0xffff, v1  }
0x201: {  	[tilespmem:v6+s1+$0x0] =	vst.idx.add.s32.msk $0xffff, v1  }
0x202: {  	[tilespmem:v7+s10+$0x0] =	vst.idx.add.s32.msk $0xffff, v1  }
0x203: {  	[tilespmem:v2+s1+$0x0] =	vst.idx.add.s32.msk $0xffff, v1  }
0x204: {  	[tilespmem:v3+s10+$0x0] =	vst.idx.add.s32.msk $0xffff, v1  }
0x205: {  	v2 =	vld [tilespmem:s19+$0x8700]  }
0x206: {  	v3 =	vld [tilespmem:s19+$0x8710]  }
0x207: {  	v4 =	vld [tilespmem:s19+$0x8720]  }
0x208: {  	v5 =	vld [tilespmem:s19+$0x8730]  }
0x209: {  	v6 =	vld [tilespmem:s19+$0x8740]  }
0x20a: {  	v7 =	vld [tilespmem:s19+$0x8750];
	v2 =	vshra.s32 v2, $0x11  }
0x20b: {  	v36 =	vld [tilespmem:s19+$0x8760];
	v3 =	vshra.s32 v3, $0x11  }
0x20c: {  	v37 =	vld [tilespmem:s19+$0x8770];
	v4 =	vshra.s32 v4, $0x11  }
0x20d: {  	v5 =	vshra.s32 v5, $0x11  }
0x20e: {  	v6 =	vshra.s32 v6, $0x11  }
0x20f: {  	v7 =	vshra.s32 v7, $0x11;
	[tilespmem:v2+s1+$0x0] =	vst.idx.add.s32.msk $0xffff, v1  }
0x210: {  	v2 =	vshra.s32 v36, $0x11;
	[tilespmem:v3+s10+$0x0] =	vst.idx.add.s32.msk $0xffff, v1  }
0x211: {  	v3 =	vshra.s32 v37, $0x11;
	[tilespmem:v4+s1+$0x0] =	vst.idx.add.s32.msk $0xffff, v1  }
0x212: {  	[tilespmem:v5+s10+$0x0] =	vst.idx.add.s32.msk $0xffff, v1  }
0x213: {  	[tilespmem:v6+s1+$0x0] =	vst.idx.add.s32.msk $0xffff, v1  }
0x214: {  	[tilespmem:v7+s10+$0x0] =	vst.idx.add.s32.msk $0xffff, v1  }
0x215: {  	[tilespmem:v2+s1+$0x0] =	vst.idx.add.s32.msk $0xffff, v1  }
0x216: {  	[tilespmem:v3+s10+$0x0] =	vst.idx.add.s32.msk $0xffff, v1  }
0x217: {  	v2 =	vld [tilespmem:s19+$0x8B00]  }
0x218: {  	v3 =	vld [tilespmem:s19+$0x8B10]  }
0x219: {  	v4 =	vld [tilespmem:s19+$0x8B20]  }
0x21a: {  	v5 =	vld [tilespmem:s19+$0x8B30]  }
0x21b: {  	v6 =	vld [tilespmem:s19+$0x8B40]  }
0x21c: {  	v7 =	vld [tilespmem:s19+$0x8B50];
	v2 =	vshra.s32 v2, $0x11  }
0x21d: {  	v38 =	vld [tilespmem:s19+$0x8B60];
	v3 =	vshra.s32 v3, $0x11  }
0x21e: {  	v39 =	vld [tilespmem:s19+$0x8B70];
	v4 =	vshra.s32 v4, $0x11  }
0x21f: {  	v5 =	vshra.s32 v5, $0x11  }
0x220: {  	v6 =	vshra.s32 v6, $0x11  }
0x221: {  	v7 =	vshra.s32 v7, $0x11;
	[tilespmem:v2+s1+$0x0] =	vst.idx.add.s32.msk $0xffff, v1  }
0x222: {  	v2 =	vshra.s32 v38, $0x11;
	[tilespmem:v3+s10+$0x0] =	vst.idx.add.s32.msk $0xffff, v1  }
0x223: {  	v3 =	vshra.s32 v39, $0x11;
	[tilespmem:v4+s1+$0x0] =	vst.idx.add.s32.msk $0xffff, v1  }
0x224: {  	[tilespmem:v5+s10+$0x0] =	vst.idx.add.s32.msk $0xffff, v1  }
0x225: {  	[tilespmem:v6+s1+$0x0] =	vst.idx.add.s32.msk $0xffff, v1  }
0x226: {  	[tilespmem:v7+s10+$0x0] =	vst.idx.add.s32.msk $0xffff, v1  }
0x227: {  	[tilespmem:v2+s1+$0x0] =	vst.idx.add.s32.msk $0xffff, v1  }
0x228: {  	[tilespmem:v3+s10+$0x0] =	vst.idx.add.s32.msk $0xffff, v1  }
0x229: {  	v2 =	vld [tilespmem:s19+$0x8F00]  }
0x22a: {  	v3 =	vld [tilespmem:s19+$0x8F10]  }
0x22b: {  	v4 =	vld [tilespmem:s19+$0x8F20]  }
0x22c: {  	v5 =	vld [tilespmem:s19+$0x8F30]  }
0x22d: {  	v6 =	vld [tilespmem:s19+$0x8F40]  }
0x22e: {  	v7 =	vld [tilespmem:s19+$0x8F50];
	v2 =	vshra.s32 v2, $0x11  }
0x22f: {  	v40 =	vld [tilespmem:s19+$0x8F60];
	v3 =	vshra.s32 v3, $0x11  }
0x230: {  	v41 =	vld [tilespmem:s19+$0x8F70];
	v4 =	vshra.s32 v4, $0x11  }
0x231: {  	v5 =	vshra.s32 v5, $0x11  }
0x232: {  	v6 =	vshra.s32 v6, $0x11  }
0x233: {  	v7 =	vshra.s32 v7, $0x11;
	[tilespmem:v2+s1+$0x0] =	vst.idx.add.s32.msk $0xffff, v1  }
0x234: {  	v2 =	vshra.s32 v40, $0x11;
	[tilespmem:v3+s10+$0x0] =	vst.idx.add.s32.msk $0xffff, v1  }
0x235: {  	v3 =	vshra.s32 v41, $0x11;
	[tilespmem:v4+s1+$0x0] =	vst.idx.add.s32.msk $0xffff, v1  }
0x236: {  	[tilespmem:v5+s10+$0x0] =	vst.idx.add.s32.msk $0xffff, v1  }
0x237: {  	[tilespmem:v6+s1+$0x0] =	vst.idx.add.s32.msk $0xffff, v1  }
0x238: {  	[tilespmem:v7+s10+$0x0] =	vst.idx.add.s32.msk $0xffff, v1  }
0x239: {  	[tilespmem:v2+s1+$0x0] =	vst.idx.add.s32.msk $0xffff, v1  }
0x23a: {  	[tilespmem:v3+s10+$0x0] =	vst.idx.add.s32.msk $0xffff, v1  }
0x23b: {  	v2 =	vld [tilespmem:s19+$0x8380]  }
0x23c: {  	v3 =	vld [tilespmem:s19+$0x8390]  }
0x23d: {  	v4 =	vld [tilespmem:s19+$0x83A0]  }
0x23e: {  	v5 =	vld [tilespmem:s19+$0x83B0]  }
0x23f: {  	v6 =	vld [tilespmem:s19+$0x83C0]  }
0x240: {  	v7 =	vld [tilespmem:s19+$0x83D0];
	v2 =	vshra.s32 v2, $0x11  }
0x241: {  	v42 =	vld [tilespmem:s19+$0x83E0];
	v3 =	vshra.s32 v3, $0x11  }
0x242: {  	v43 =	vld [tilespmem:s19+$0x83F0];
	v4 =	vshra.s32 v4, $0x11  }
0x243: {  	v5 =	vshra.s32 v5, $0x11  }
0x244: {  	v6 =	vshra.s32 v6, $0x11  }
0x245: {  	v7 =	vshra.s32 v7, $0x11;
	[tilespmem:v2+s1+$0x0] =	vst.idx.add.s32.msk $0xffff, v1  }
0x246: {  	v2 =	vshra.s32 v42, $0x11;
	[tilespmem:v3+s10+$0x0] =	vst.idx.add.s32.msk $0xffff, v1  }
0x247: {  	v3 =	vshra.s32 v43, $0x11;
	[tilespmem:v4+s1+$0x0] =	vst.idx.add.s32.msk $0xffff, v1  }
0x248: {  	[tilespmem:v5+s10+$0x0] =	vst.idx.add.s32.msk $0xffff, v1  }
0x249: {  	[tilespmem:v6+s1+$0x0] =	vst.idx.add.s32.msk $0xffff, v1  }
0x24a: {  	[tilespmem:v7+s10+$0x0] =	vst.idx.add.s32.msk $0xffff, v1  }
0x24b: {  	[tilespmem:v2+s1+$0x0] =	vst.idx.add.s32.msk $0xffff, v1  }
0x24c: {  	[tilespmem:v3+s10+$0x0] =	vst.idx.add.s32.msk $0xffff, v1  }
0x24d: {  	v2 =	vld [tilespmem:s19+$0x8780]  }
0x24e: {  	v3 =	vld [tilespmem:s19+$0x8790]  }
0x24f: {  	v4 =	vld [tilespmem:s19+$0x87A0]  }
0x250: {  	v5 =	vld [tilespmem:s19+$0x87B0]  }
0x251: {  	v6 =	vld [tilespmem:s19+$0x87C0]  }
0x252: {  	v7 =	vld [tilespmem:s19+$0x87D0];
	v2 =	vshra.s32 v2, $0x11  }
0x253: {  	v44 =	vld [tilespmem:s19+$0x87E0];
	v3 =	vshra.s32 v3, $0x11  }
0x254: {  	v45 =	vld [tilespmem:s19+$0x87F0];
	v4 =	vshra.s32 v4, $0x11  }
0x255: {  	v5 =	vshra.s32 v5, $0x11  }
0x256: {  	v6 =	vshra.s32 v6, $0x11  }
0x257: {  	v7 =	vshra.s32 v7, $0x11;
	[tilespmem:v2+s1+$0x0] =	vst.idx.add.s32.msk $0xffff, v1  }
0x258: {  	v2 =	vshra.s32 v44, $0x11;
	[tilespmem:v3+s10+$0x0] =	vst.idx.add.s32.msk $0xffff, v1  }
0x259: {  	v3 =	vshra.s32 v45, $0x11;
	[tilespmem:v4+s1+$0x0] =	vst.idx.add.s32.msk $0xffff, v1  }
0x25a: {  	[tilespmem:v5+s10+$0x0] =	vst.idx.add.s32.msk $0xffff, v1  }
0x25b: {  	[tilespmem:v6+s1+$0x0] =	vst.idx.add.s32.msk $0xffff, v1  }
0x25c: {  	[tilespmem:v7+s10+$0x0] =	vst.idx.add.s32.msk $0xffff, v1  }
0x25d: {  	[tilespmem:v2+s1+$0x0] =	vst.idx.add.s32.msk $0xffff, v1  }
0x25e: {  	[tilespmem:v3+s10+$0x0] =	vst.idx.add.s32.msk $0xffff, v1  }
0x25f: {  	v2 =	vld [tilespmem:s19+$0x8B80]  }
0x260: {  	v3 =	vld [tilespmem:s19+$0x8B90]  }
0x261: {  	v4 =	vld [tilespmem:s19+$0x8BA0]  }
0x262: {  	v5 =	vld [tilespmem:s19+$0x8BB0]  }
0x263: {  	v6 =	vld [tilespmem:s19+$0x8BC0]  }
0x264: {  	v7 =	vld [tilespmem:s19+$0x8BD0];
	v2 =	vshra.s32 v2, $0x11  }
0x265: {  	v46 =	vld [tilespmem:s19+$0x8BE0];
	v3 =	vshra.s32 v3, $0x11  }
0x266: {  	v47 =	vld [tilespmem:s19+$0x8BF0];
	v4 =	vshra.s32 v4, $0x11  }
0x267: {  	v5 =	vshra.s32 v5, $0x11  }
0x268: {  	v6 =	vshra.s32 v6, $0x11  }
0x269: {  	v7 =	vshra.s32 v7, $0x11;
	[tilespmem:v2+s1+$0x0] =	vst.idx.add.s32.msk $0xffff, v1  }
0x26a: {  	v2 =	vshra.s32 v46, $0x11;
	[tilespmem:v3+s10+$0x0] =	vst.idx.add.s32.msk $0xffff, v1  }
0x26b: {  	v3 =	vshra.s32 v47, $0x11;
	[tilespmem:v4+s1+$0x0] =	vst.idx.add.s32.msk $0xffff, v1  }
0x26c: {  	[tilespmem:v5+s10+$0x0] =	vst.idx.add.s32.msk $0xffff, v1  }
0x26d: {  	[tilespmem:v6+s1+$0x0] =	vst.idx.add.s32.msk $0xffff, v1  }
0x26e: {  	[tilespmem:v7+s10+$0x0] =	vst.idx.add.s32.msk $0xffff, v1  }
0x26f: {  	[tilespmem:v2+s1+$0x0] =	vst.idx.add.s32.msk $0xffff, v1  }
0x270: {  	[tilespmem:v3+s10+$0x0] =	vst.idx.add.s32.msk $0xffff, v1  }
0x271: {  	v2 =	vld [tilespmem:s19+$0x8F80]  }
0x272: {  	v3 =	vld [tilespmem:s19+$0x8F90]  }
0x273: {  	v4 =	vld [tilespmem:s19+$0x8FA0]  }
0x274: {  	v5 =	vld [tilespmem:s19+$0x8FB0]  }
0x275: {  	v6 =	vld [tilespmem:s19+$0x8FC0]  }
0x276: {  	v7 =	vld [tilespmem:s19+$0x8FD0];
	v2 =	vshra.s32 v2, $0x11  }
0x277: {  	v48 =	vld [tilespmem:s19+$0x8FE0];
	v3 =	vshra.s32 v3, $0x11  }
0x278: {  	v49 =	vld [tilespmem:s19+$0x8FF0];
	v4 =	vshra.s32 v4, $0x11  }
0x279: {  	v5 =	vshra.s32 v5, $0x11  }
0x27a: {  	v6 =	vshra.s32 v6, $0x11  }
0x27b: {  	v7 =	vshra.s32 v7, $0x11;
	[tilespmem:v2+s1+$0x0] =	vst.idx.add.s32.msk $0xffff, v1  }
0x27c: {  	v2 =	vshra.s32 v48, $0x11;
	[tilespmem:v3+s10+$0x0] =	vst.idx.add.s32.msk $0xffff, v1  }
0x27d: {  	v3 =	vshra.s32 v49, $0x11;
	[tilespmem:v4+s1+$0x0] =	vst.idx.add.s32.msk $0xffff, v1  }
0x27e: {  	[tilespmem:v5+s10+$0x0] =	vst.idx.add.s32.msk $0xffff, v1  }
0x27f: {  	[tilespmem:v6+s1+$0x0] =	vst.idx.add.s32.msk $0xffff, v1  }
0x280: {  	[tilespmem:v7+s10+$0x0] =	vst.idx.add.s32.msk $0xffff, v1  }
0x281: {  	[tilespmem:v2+s1+$0x0] =	vst.idx.add.s32.msk $0xffff, v1  }
0x282: {  	[tilespmem:v3+s10+$0x0] =	vst.idx.add.s32.msk $0xffff, v1  }
0x283: {  	v2 =	vld [tilespmem:s19+$0x9000]  }
0x284: {  	v3 =	vld [tilespmem:s19+$0x9010]  }
0x285: {  	v4 =	vld [tilespmem:s19+$0x9020]  }
0x286: {  	v5 =	vld [tilespmem:s19+$0x9030]  }
0x287: {  	v6 =	vld [tilespmem:s19+$0x9040]  }
0x288: {  	v7 =	vld [tilespmem:s19+$0x9050];
	v2 =	vshra.s32 v2, $0x11  }
0x289: {  	v50 =	vld [tilespmem:s19+$0x9060];
	v3 =	vshra.s32 v3, $0x11  }
0x28a: {  	v51 =	vld [tilespmem:s19+$0x9070];
	v4 =	vshra.s32 v4, $0x11  }
0x28b: {  	v5 =	vshra.s32 v5, $0x11  }
0x28c: {  	v6 =	vshra.s32 v6, $0x11  }
0x28d: {  	v7 =	vshra.s32 v7, $0x11;
	[tilespmem:v2+s1+$0x0] =	vst.idx.add.s32.msk $0xffff, v1  }
0x28e: {  	v2 =	vshra.s32 v50, $0x11;
	[tilespmem:v3+s10+$0x0] =	vst.idx.add.s32.msk $0xffff, v1  }
0x28f: {  	v3 =	vshra.s32 v51, $0x11;
	[tilespmem:v4+s1+$0x0] =	vst.idx.add.s32.msk $0xffff, v1  }
0x290: {  	[tilespmem:v5+s10+$0x0] =	vst.idx.add.s32.msk $0xffff, v1  }
0x291: {  	[tilespmem:v6+s1+$0x0] =	vst.idx.add.s32.msk $0xffff, v1  }
0x292: {  	[tilespmem:v7+s10+$0x0] =	vst.idx.add.s32.msk $0xffff, v1  }
0x293: {  	[tilespmem:v2+s1+$0x0] =	vst.idx.add.s32.msk $0xffff, v1  }
0x294: {  	[tilespmem:v3+s10+$0x0] =	vst.idx.add.s32.msk $0xffff, v1  }
0x295: {  	v2 =	vld [tilespmem:s19+$0x9400]  }
0x296: {  	v3 =	vld [tilespmem:s19+$0x9410]  }
0x297: {  	v52 =	vld [tilespmem:s19+$0x9420]  }
0x298: {  	v53 =	vld [tilespmem:s19+$0x9430]  }
0x299: {  	v6 =	vld [tilespmem:s19+$0x9440]  }
0x29a: {  	v7 =	vld [tilespmem:s19+$0x9450];
	v2 =	vshra.s32 v2, $0x11  }
0x29b: {  	v54 =	vld [tilespmem:s19+$0x9460];
	v3 =	vshra.s32 v3, $0x11  }
0x29c: {  	v55 =	vld [tilespmem:s19+$0x9470];
	v4 =	vshra.s32 v52, $0x11  }
0x29d: {  	v5 =	vshra.s32 v53, $0x11  }
0x29e: {  	v6 =	vshra.s32 v6, $0x11  }
0x29f: {  	v7 =	vshra.s32 v7, $0x11;
	[tilespmem:v2+s1+$0x0] =	vst.idx.add.s32.msk $0xffff, v1  }
0x2a0: {  	v2 =	vshra.s32 v54, $0x11;
	[tilespmem:v3+s10+$0x0] =	vst.idx.add.s32.msk $0xffff, v1  }
0x2a1: {  	v3 =	vshra.s32 v55, $0x11;
	[tilespmem:v4+s1+$0x0] =	vst.idx.add.s32.msk $0xffff, v1  }
0x2a2: {  	[tilespmem:v5+s10+$0x0] =	vst.idx.add.s32.msk $0xffff, v1  }
0x2a3: {  	[tilespmem:v6+s1+$0x0] =	vst.idx.add.s32.msk $0xffff, v1  }
0x2a4: {  	[tilespmem:v7+s10+$0x0] =	vst.idx.add.s32.msk $0xffff, v1  }
0x2a5: {  	[tilespmem:v2+s1+$0x0] =	vst.idx.add.s32.msk $0xffff, v1  }
0x2a6: {  	[tilespmem:v3+s10+$0x0] =	vst.idx.add.s32.msk $0xffff, v1  }
0x2a7: {  	v2 =	vld [tilespmem:s19+$0x9800]  }
0x2a8: {  	v3 =	vld [tilespmem:s19+$0x9810]  }
0x2a9: {  	v4 =	vld [tilespmem:s19+$0x9820]  }
0x2aa: {  	v5 =	vld [tilespmem:s19+$0x9830]  }
0x2ab: {  	v6 =	vld [tilespmem:s19+$0x9840]  }
0x2ac: {  	v7 =	vld [tilespmem:s19+$0x9850];
	v2 =	vshra.s32 v2, $0x11  }
0x2ad: {  	v56 =	vld [tilespmem:s19+$0x9860];
	v3 =	vshra.s32 v3, $0x11  }
0x2ae: {  	v57 =	vld [tilespmem:s19+$0x9870];
	v4 =	vshra.s32 v4, $0x11  }
0x2af: {  	v5 =	vshra.s32 v5, $0x11  }
0x2b0: {  	v6 =	vshra.s32 v6, $0x11  }
0x2b1: {  	v7 =	vshra.s32 v7, $0x11;
	[tilespmem:v2+s1+$0x0] =	vst.idx.add.s32.msk $0xffff, v1  }
0x2b2: {  	v2 =	vshra.s32 v56, $0x11;
	[tilespmem:v3+s10+$0x0] =	vst.idx.add.s32.msk $0xffff, v1  }
0x2b3: {  	v3 =	vshra.s32 v57, $0x11;
	[tilespmem:v4+s1+$0x0] =	vst.idx.add.s32.msk $0xffff, v1  }
0x2b4: {  	[tilespmem:v5+s10+$0x0] =	vst.idx.add.s32.msk $0xffff, v1  }
0x2b5: {  	[tilespmem:v6+s1+$0x0] =	vst.idx.add.s32.msk $0xffff, v1  }
0x2b6: {  	[tilespmem:v7+s10+$0x0] =	vst.idx.add.s32.msk $0xffff, v1  }
0x2b7: {  	[tilespmem:v2+s1+$0x0] =	vst.idx.add.s32.msk $0xffff, v1  }
0x2b8: {  	[tilespmem:v3+s10+$0x0] =	vst.idx.add.s32.msk $0xffff, v1  }
0x2b9: {  	v2 =	vld [tilespmem:s19+$0x9C00]  }
0x2ba: {  	v3 =	vld [tilespmem:s19+$0x9C10]  }
0x2bb: {  	v4 =	vld [tilespmem:s19+$0x9C20]  }
0x2bc: {  	v5 =	vld [tilespmem:s19+$0x9C30]  }
0x2bd: {  	v6 =	vld [tilespmem:s19+$0x9C40]  }
0x2be: {  	v7 =	vld [tilespmem:s19+$0x9C50];
	v2 =	vshra.s32 v2, $0x11  }
0x2bf: {  	v58 =	vld [tilespmem:s19+$0x9C60];
	v3 =	vshra.s32 v3, $0x11  }
0x2c0: {  	v59 =	vld [tilespmem:s19+$0x9C70];
	v4 =	vshra.s32 v4, $0x11  }
0x2c1: {  	v5 =	vshra.s32 v5, $0x11  }
0x2c2: {  	v6 =	vshra.s32 v6, $0x11  }
0x2c3: {  	v7 =	vshra.s32 v7, $0x11;
	[tilespmem:v2+s1+$0x0] =	vst.idx.add.s32.msk $0xffff, v1  }
0x2c4: {  	v2 =	vshra.s32 v58, $0x11;
	[tilespmem:v3+s10+$0x0] =	vst.idx.add.s32.msk $0xffff, v1  }
0x2c5: {  	v3 =	vshra.s32 v59, $0x11;
	[tilespmem:v4+s1+$0x0] =	vst.idx.add.s32.msk $0xffff, v1  }
0x2c6: {  	[tilespmem:v5+s10+$0x0] =	vst.idx.add.s32.msk $0xffff, v1  }
0x2c7: {  	[tilespmem:v6+s1+$0x0] =	vst.idx.add.s32.msk $0xffff, v1  }
0x2c8: {  	[tilespmem:v7+s10+$0x0] =	vst.idx.add.s32.msk $0xffff, v1  }
0x2c9: {  	[tilespmem:v2+s1+$0x0] =	vst.idx.add.s32.msk $0xffff, v1  }
0x2ca: {  	[tilespmem:v3+s10+$0x0] =	vst.idx.add.s32.msk $0xffff, v1  }
0x2cb: {  	v2 =	vld [tilespmem:s19+$0x9080]  }
0x2cc: {  	v3 =	vld [tilespmem:s19+$0x9090]  }
0x2cd: {  	v4 =	vld [tilespmem:s19+$0x90A0]  }
0x2ce: {  	v5 =	vld [tilespmem:s19+$0x90B0]  }
0x2cf: {  	v6 =	vld [tilespmem:s19+$0x90C0]  }
0x2d0: {  	v7 =	vld [tilespmem:s19+$0x90D0];
	v2 =	vshra.s32 v2, $0x11  }
0x2d1: {  	v60 =	vld [tilespmem:s19+$0x90E0];
	v3 =	vshra.s32 v3, $0x11  }
0x2d2: {  	v61 =	vld [tilespmem:s19+$0x90F0];
	v4 =	vshra.s32 v4, $0x11  }
0x2d3: {  	v5 =	vshra.s32 v5, $0x11  }
0x2d4: {  	v6 =	vshra.s32 v6, $0x11  }
0x2d5: {  	v7 =	vshra.s32 v7, $0x11;
	[tilespmem:v2+s1+$0x0] =	vst.idx.add.s32.msk $0xffff, v1  }
0x2d6: {  	v2 =	vshra.s32 v60, $0x11;
	[tilespmem:v3+s10+$0x0] =	vst.idx.add.s32.msk $0xffff, v1  }
0x2d7: {  	v3 =	vshra.s32 v61, $0x11;
	[tilespmem:v4+s1+$0x0] =	vst.idx.add.s32.msk $0xffff, v1  }
0x2d8: {  	[tilespmem:v5+s10+$0x0] =	vst.idx.add.s32.msk $0xffff, v1  }
0x2d9: {  	[tilespmem:v6+s1+$0x0] =	vst.idx.add.s32.msk $0xffff, v1  }
0x2da: {  	[tilespmem:v7+s10+$0x0] =	vst.idx.add.s32.msk $0xffff, v1  }
0x2db: {  	[tilespmem:v2+s1+$0x0] =	vst.idx.add.s32.msk $0xffff, v1  }
0x2dc: {  	[tilespmem:v3+s10+$0x0] =	vst.idx.add.s32.msk $0xffff, v1  }
0x2dd: {  	v2 =	vld [tilespmem:s19+$0x9480]  }
0x2de: {  	v3 =	vld [tilespmem:s19+$0x9490]  }
0x2df: {  	v4 =	vld [tilespmem:s19+$0x94A0]  }
0x2e0: {  	v5 =	vld [tilespmem:s19+$0x94B0]  }
0x2e1: {  	v6 =	vld [tilespmem:s19+$0x94C0]  }
0x2e2: {  	v7 =	vld [tilespmem:s19+$0x94D0];
	v2 =	vshra.s32 v2, $0x11  }
0x2e3: {  	v62 =	vld [tilespmem:s19+$0x94E0];
	v3 =	vshra.s32 v3, $0x11  }
0x2e4: {  	v63 =	vld [tilespmem:s19+$0x94F0];
	v4 =	vshra.s32 v4, $0x11  }
0x2e5: {  	v5 =	vshra.s32 v5, $0x11  }
0x2e6: {  	v6 =	vshra.s32 v6, $0x11  }
0x2e7: {  	v7 =	vshra.s32 v7, $0x11;
	[tilespmem:v2+s1+$0x0] =	vst.idx.add.s32.msk $0xffff, v1  }
0x2e8: {  	v2 =	vshra.s32 v62, $0x11;
	[tilespmem:v3+s10+$0x0] =	vst.idx.add.s32.msk $0xffff, v1  }
0x2e9: {  	v3 =	vshra.s32 v63, $0x11;
	[tilespmem:v4+s1+$0x0] =	vst.idx.add.s32.msk $0xffff, v1  }
0x2ea: {  	[tilespmem:v5+s10+$0x0] =	vst.idx.add.s32.msk $0xffff, v1  }
0x2eb: {  	[tilespmem:v6+s1+$0x0] =	vst.idx.add.s32.msk $0xffff, v1  }
0x2ec: {  	[tilespmem:v7+s10+$0x0] =	vst.idx.add.s32.msk $0xffff, v1  }
0x2ed: {  	[tilespmem:v2+s1+$0x0] =	vst.idx.add.s32.msk $0xffff, v1  }
0x2ee: {  	[tilespmem:v3+s10+$0x0] =	vst.idx.add.s32.msk $0xffff, v1  }
0x2ef: {  	v2 =	vld [tilespmem:s19+$0x9880]  }
0x2f0: {  	v3 =	vld [tilespmem:s19+$0x9890]  }
0x2f1: {  	v4 =	vld [tilespmem:s19+$0x98A0]  }
0x2f2: {  	v5 =	vld [tilespmem:s19+$0x98B0]  }
0x2f3: {  	v6 =	vld [tilespmem:s19+$0x98C0]  }
0x2f4: {  	v7 =	vld [tilespmem:s19+$0x98D0];
	v2 =	vshra.s32 v2, $0x11  }
0x2f5: {  	v12 =	vld [tilespmem:s19+$0x98E0];
	v3 =	vshra.s32 v3, $0x11  }
0x2f6: {  	v13 =	vld [tilespmem:s19+$0x98F0];
	v4 =	vshra.s32 v4, $0x11  }
0x2f7: {  	v5 =	vshra.s32 v5, $0x11  }
0x2f8: {  	v6 =	vshra.s32 v6, $0x11  }
0x2f9: {  	v7 =	vshra.s32 v7, $0x11;
	[tilespmem:v2+s1+$0x0] =	vst.idx.add.s32.msk $0xffff, v1  }
0x2fa: {  	v2 =	vshra.s32 v12, $0x11;
	[tilespmem:v3+s10+$0x0] =	vst.idx.add.s32.msk $0xffff, v1  }
0x2fb: {  	v3 =	vshra.s32 v13, $0x11;
	[tilespmem:v4+s1+$0x0] =	vst.idx.add.s32.msk $0xffff, v1  }
0x2fc: {  	[tilespmem:v5+s10+$0x0] =	vst.idx.add.s32.msk $0xffff, v1  }
0x2fd: {  	[tilespmem:v6+s1+$0x0] =	vst.idx.add.s32.msk $0xffff, v1  }
0x2fe: {  	[tilespmem:v7+s10+$0x0] =	vst.idx.add.s32.msk $0xffff, v1  }
0x2ff: {  	[tilespmem:v2+s1+$0x0] =	vst.idx.add.s32.msk $0xffff, v1  }
0x300: {  	[tilespmem:v3+s10+$0x0] =	vst.idx.add.s32.msk $0xffff, v1  }
0x301: {  	v2 =	vld [tilespmem:s19+$0x9C80]  }
0x302: {  	v3 =	vld [tilespmem:s19+$0x9C90]  }
0x303: {  	v4 =	vld [tilespmem:s19+$0x9CA0]  }
0x304: {  	v5 =	vld [tilespmem:s19+$0x9CB0]  }
0x305: {  	v6 =	vld [tilespmem:s19+$0x9CC0]  }
0x306: {  	v7 =	vld [tilespmem:s19+$0x9CD0];
	v2 =	vshra.s32 v2, $0x11  }
0x307: {  	v14 =	vld [tilespmem:s19+$0x9CE0];
	v3 =	vshra.s32 v3, $0x11  }
0x308: {  	v15 =	vld [tilespmem:s19+$0x9CF0];
	v4 =	vshra.s32 v4, $0x11  }
0x309: {  	v5 =	vshra.s32 v5, $0x11  }
0x30a: {  	v6 =	vshra.s32 v6, $0x11  }
0x30b: {  	v7 =	vshra.s32 v7, $0x11;
	[tilespmem:v2+s1+$0x0] =	vst.idx.add.s32.msk $0xffff, v1  }
0x30c: {  	v2 =	vshra.s32 v14, $0x11;
	[tilespmem:v3+s10+$0x0] =	vst.idx.add.s32.msk $0xffff, v1  }
0x30d: {  	v3 =	vshra.s32 v15, $0x11;
	[tilespmem:v4+s1+$0x0] =	vst.idx.add.s32.msk $0xffff, v1  }
0x30e: {  	[tilespmem:v5+s10+$0x0] =	vst.idx.add.s32.msk $0xffff, v1  }
0x30f: {  	[tilespmem:v6+s1+$0x0] =	vst.idx.add.s32.msk $0xffff, v1  }
0x310: {  	[tilespmem:v7+s10+$0x0] =	vst.idx.add.s32.msk $0xffff, v1  }
0x311: {  	[tilespmem:v2+s1+$0x0] =	vst.idx.add.s32.msk $0xffff, v1  }
0x312: {  	[tilespmem:v3+s10+$0x0] =	vst.idx.add.s32.msk $0xffff, v1  }
0x313: {  	v2 =	vld [tilespmem:s19+$0x9100]  }
0x314: {  	v3 =	vld [tilespmem:s19+$0x9110]  }
0x315: {  	v4 =	vld [tilespmem:s19+$0x9120]  }
0x316: {  	v5 =	vld [tilespmem:s19+$0x9130]  }
0x317: {  	v6 =	vld [tilespmem:s19+$0x9140]  }
0x318: {  	v7 =	vld [tilespmem:s19+$0x9150];
	v2 =	vshra.s32 v2, $0x11  }
0x319: {  	v16 =	vld [tilespmem:s19+$0x9160];
	v3 =	vshra.s32 v3, $0x11  }
0x31a: {  	v17 =	vld [tilespmem:s19+$0x9170];
	v4 =	vshra.s32 v4, $0x11  }
0x31b: {  	v5 =	vshra.s32 v5, $0x11  }
0x31c: {  	v6 =	vshra.s32 v6, $0x11  }
0x31d: {  	v7 =	vshra.s32 v7, $0x11;
	[tilespmem:v2+s1+$0x0] =	vst.idx.add.s32.msk $0xffff, v1  }
0x31e: {  	v2 =	vshra.s32 v16, $0x11;
	[tilespmem:v3+s10+$0x0] =	vst.idx.add.s32.msk $0xffff, v1  }
0x31f: {  	v3 =	vshra.s32 v17, $0x11;
	[tilespmem:v4+s1+$0x0] =	vst.idx.add.s32.msk $0xffff, v1  }
0x320: {  	[tilespmem:v5+s10+$0x0] =	vst.idx.add.s32.msk $0xffff, v1  }
0x321: {  	[tilespmem:v6+s1+$0x0] =	vst.idx.add.s32.msk $0xffff, v1  }
0x322: {  	[tilespmem:v7+s10+$0x0] =	vst.idx.add.s32.msk $0xffff, v1  }
0x323: {  	[tilespmem:v2+s1+$0x0] =	vst.idx.add.s32.msk $0xffff, v1  }
0x324: {  	[tilespmem:v3+s10+$0x0] =	vst.idx.add.s32.msk $0xffff, v1  }
0x325: {  	v2 =	vld [tilespmem:s19+$0x9500]  }
0x326: {  	v3 =	vld [tilespmem:s19+$0x9510]  }
0x327: {  	v4 =	vld [tilespmem:s19+$0x9520]  }
0x328: {  	v5 =	vld [tilespmem:s19+$0x9530]  }
0x329: {  	v6 =	vld [tilespmem:s19+$0x9540]  }
0x32a: {  	v7 =	vld [tilespmem:s19+$0x9550];
	v2 =	vshra.s32 v2, $0x11  }
0x32b: {  	v18 =	vld [tilespmem:s19+$0x9560];
	v3 =	vshra.s32 v3, $0x11  }
0x32c: {  	v19 =	vld [tilespmem:s19+$0x9570];
	v4 =	vshra.s32 v4, $0x11  }
0x32d: {  	v5 =	vshra.s32 v5, $0x11  }
0x32e: {  	v6 =	vshra.s32 v6, $0x11  }
0x32f: {  	v7 =	vshra.s32 v7, $0x11;
	[tilespmem:v2+s1+$0x0] =	vst.idx.add.s32.msk $0xffff, v1  }
0x330: {  	v2 =	vshra.s32 v18, $0x11;
	[tilespmem:v3+s10+$0x0] =	vst.idx.add.s32.msk $0xffff, v1  }
0x331: {  	v3 =	vshra.s32 v19, $0x11;
	[tilespmem:v4+s1+$0x0] =	vst.idx.add.s32.msk $0xffff, v1  }
0x332: {  	[tilespmem:v5+s10+$0x0] =	vst.idx.add.s32.msk $0xffff, v1  }
0x333: {  	[tilespmem:v6+s1+$0x0] =	vst.idx.add.s32.msk $0xffff, v1  }
0x334: {  	[tilespmem:v7+s10+$0x0] =	vst.idx.add.s32.msk $0xffff, v1  }
0x335: {  	[tilespmem:v2+s1+$0x0] =	vst.idx.add.s32.msk $0xffff, v1  }
0x336: {  	[tilespmem:v3+s10+$0x0] =	vst.idx.add.s32.msk $0xffff, v1  }
0x337: {  	v2 =	vld [tilespmem:s19+$0x9900]  }
0x338: {  	v3 =	vld [tilespmem:s19+$0x9910]  }
0x339: {  	v4 =	vld [tilespmem:s19+$0x9920]  }
0x33a: {  	v5 =	vld [tilespmem:s19+$0x9930]  }
0x33b: {  	v6 =	vld [tilespmem:s19+$0x9940]  }
0x33c: {  	v7 =	vld [tilespmem:s19+$0x9950];
	v2 =	vshra.s32 v2, $0x11  }
0x33d: {  	v20 =	vld [tilespmem:s19+$0x9960];
	v3 =	vshra.s32 v3, $0x11  }
0x33e: {  	v21 =	vld [tilespmem:s19+$0x9970];
	v4 =	vshra.s32 v4, $0x11  }
0x33f: {  	v5 =	vshra.s32 v5, $0x11  }
0x340: {  	v6 =	vshra.s32 v6, $0x11  }
0x341: {  	v7 =	vshra.s32 v7, $0x11;
	[tilespmem:v2+s1+$0x0] =	vst.idx.add.s32.msk $0xffff, v1  }
0x342: {  	v2 =	vshra.s32 v20, $0x11;
	[tilespmem:v3+s10+$0x0] =	vst.idx.add.s32.msk $0xffff, v1  }
0x343: {  	v3 =	vshra.s32 v21, $0x11;
	[tilespmem:v4+s1+$0x0] =	vst.idx.add.s32.msk $0xffff, v1  }
0x344: {  	[tilespmem:v5+s10+$0x0] =	vst.idx.add.s32.msk $0xffff, v1  }
0x345: {  	[tilespmem:v6+s1+$0x0] =	vst.idx.add.s32.msk $0xffff, v1  }
0x346: {  	[tilespmem:v7+s10+$0x0] =	vst.idx.add.s32.msk $0xffff, v1  }
0x347: {  	[tilespmem:v2+s1+$0x0] =	vst.idx.add.s32.msk $0xffff, v1  }
0x348: {  	[tilespmem:v3+s10+$0x0] =	vst.idx.add.s32.msk $0xffff, v1  }
0x349: {  	v2 =	vld [tilespmem:s19+$0x9D00]  }
0x34a: {  	v3 =	vld [tilespmem:s19+$0x9D10]  }
0x34b: {  	v4 =	vld [tilespmem:s19+$0x9D20]  }
0x34c: {  	v5 =	vld [tilespmem:s19+$0x9D30]  }
0x34d: {  	v6 =	vld [tilespmem:s19+$0x9D40]  }
0x34e: {  	v7 =	vld [tilespmem:s19+$0x9D50];
	v2 =	vshra.s32 v2, $0x11  }
0x34f: {  	v22 =	vld [tilespmem:s19+$0x9D60];
	v3 =	vshra.s32 v3, $0x11  }
0x350: {  	v23 =	vld [tilespmem:s19+$0x9D70];
	v4 =	vshra.s32 v4, $0x11  }
0x351: {  	v5 =	vshra.s32 v5, $0x11  }
0x352: {  	v6 =	vshra.s32 v6, $0x11  }
0x353: {  	v7 =	vshra.s32 v7, $0x11;
	[tilespmem:v2+s1+$0x0] =	vst.idx.add.s32.msk $0xffff, v1  }
0x354: {  	v2 =	vshra.s32 v22, $0x11;
	[tilespmem:v3+s10+$0x0] =	vst.idx.add.s32.msk $0xffff, v1  }
0x355: {  	v3 =	vshra.s32 v23, $0x11;
	[tilespmem:v4+s1+$0x0] =	vst.idx.add.s32.msk $0xffff, v1  }
0x356: {  	[tilespmem:v5+s10+$0x0] =	vst.idx.add.s32.msk $0xffff, v1  }
0x357: {  	[tilespmem:v6+s1+$0x0] =	vst.idx.add.s32.msk $0xffff, v1  }
0x358: {  	[tilespmem:v7+s10+$0x0] =	vst.idx.add.s32.msk $0xffff, v1  }
0x359: {  	[tilespmem:v2+s1+$0x0] =	vst.idx.add.s32.msk $0xffff, v1  }
0x35a: {  	[tilespmem:v3+s10+$0x0] =	vst.idx.add.s32.msk $0xffff, v1  }
0x35b: {  	v2 =	vld [tilespmem:s19+$0x9180]  }
0x35c: {  	v3 =	vld [tilespmem:s19+$0x9190]  }
0x35d: {  	v4 =	vld [tilespmem:s19+$0x91A0]  }
0x35e: {  	v5 =	vld [tilespmem:s19+$0x91B0]  }
0x35f: {  	v6 =	vld [tilespmem:s19+$0x91C0]  }
0x360: {  	v7 =	vld [tilespmem:s19+$0x91D0];
	v2 =	vshra.s32 v2, $0x11  }
0x361: {  	v24 =	vld [tilespmem:s19+$0x91E0];
	v3 =	vshra.s32 v3, $0x11  }
0x362: {  	v25 =	vld [tilespmem:s19+$0x91F0];
	v4 =	vshra.s32 v4, $0x11  }
0x363: {  	v5 =	vshra.s32 v5, $0x11  }
0x364: {  	v6 =	vshra.s32 v6, $0x11  }
0x365: {  	v7 =	vshra.s32 v7, $0x11;
	[tilespmem:v2+s1+$0x0] =	vst.idx.add.s32.msk $0xffff, v1  }
0x366: {  	v2 =	vshra.s32 v24, $0x11;
	[tilespmem:v3+s10+$0x0] =	vst.idx.add.s32.msk $0xffff, v1  }
0x367: {  	v3 =	vshra.s32 v25, $0x11;
	[tilespmem:v4+s1+$0x0] =	vst.idx.add.s32.msk $0xffff, v1  }
0x368: {  	[tilespmem:v5+s10+$0x0] =	vst.idx.add.s32.msk $0xffff, v1  }
0x369: {  	[tilespmem:v6+s1+$0x0] =	vst.idx.add.s32.msk $0xffff, v1  }
0x36a: {  	[tilespmem:v7+s10+$0x0] =	vst.idx.add.s32.msk $0xffff, v1  }
0x36b: {  	[tilespmem:v2+s1+$0x0] =	vst.idx.add.s32.msk $0xffff, v1  }
0x36c: {  	[tilespmem:v3+s10+$0x0] =	vst.idx.add.s32.msk $0xffff, v1  }
0x36d: {  	v2 =	vld [tilespmem:s19+$0x9580]  }
0x36e: {  	v3 =	vld [tilespmem:s19+$0x9590]  }
0x36f: {  	v4 =	vld [tilespmem:s19+$0x95A0]  }
0x370: {  	v5 =	vld [tilespmem:s19+$0x95B0]  }
0x371: {  	v6 =	vld [tilespmem:s19+$0x95C0]  }
0x372: {  	v7 =	vld [tilespmem:s19+$0x95D0];
	v2 =	vshra.s32 v2, $0x11  }
0x373: {  	v26 =	vld [tilespmem:s19+$0x95E0];
	v3 =	vshra.s32 v3, $0x11  }
0x374: {  	v27 =	vld [tilespmem:s19+$0x95F0];
	v4 =	vshra.s32 v4, $0x11  }
0x375: {  	v5 =	vshra.s32 v5, $0x11  }
0x376: {  	v6 =	vshra.s32 v6, $0x11  }
0x377: {  	v7 =	vshra.s32 v7, $0x11;
	[tilespmem:v2+s1+$0x0] =	vst.idx.add.s32.msk $0xffff, v1  }
0x378: {  	v2 =	vshra.s32 v26, $0x11;
	[tilespmem:v3+s10+$0x0] =	vst.idx.add.s32.msk $0xffff, v1  }
0x379: {  	v3 =	vshra.s32 v27, $0x11;
	[tilespmem:v4+s1+$0x0] =	vst.idx.add.s32.msk $0xffff, v1  }
0x37a: {  	[tilespmem:v5+s10+$0x0] =	vst.idx.add.s32.msk $0xffff, v1  }
0x37b: {  	[tilespmem:v6+s1+$0x0] =	vst.idx.add.s32.msk $0xffff, v1  }
0x37c: {  	[tilespmem:v7+s10+$0x0] =	vst.idx.add.s32.msk $0xffff, v1  }
0x37d: {  	[tilespmem:v2+s1+$0x0] =	vst.idx.add.s32.msk $0xffff, v1  }
0x37e: {  	[tilespmem:v3+s10+$0x0] =	vst.idx.add.s32.msk $0xffff, v1  }
0x37f: {  	v2 =	vld [tilespmem:s19+$0x9980]  }
0x380: {  	v3 =	vld [tilespmem:s19+$0x9990]  }
0x381: {  	v4 =	vld [tilespmem:s19+$0x99A0]  }
0x382: {  	v5 =	vld [tilespmem:s19+$0x99B0]  }
0x383: {  	v6 =	vld [tilespmem:s19+$0x99C0]  }
0x384: {  	v7 =	vld [tilespmem:s19+$0x99D0];
	v2 =	vshra.s32 v2, $0x11  }
0x385: {  	v28 =	vld [tilespmem:s19+$0x99E0];
	v3 =	vshra.s32 v3, $0x11  }
0x386: {  	v29 =	vld [tilespmem:s19+$0x99F0];
	v4 =	vshra.s32 v4, $0x11  }
0x387: {  	v5 =	vshra.s32 v5, $0x11  }
0x388: {  	v6 =	vshra.s32 v6, $0x11  }
0x389: {  	v7 =	vshra.s32 v7, $0x11;
	[tilespmem:v2+s1+$0x0] =	vst.idx.add.s32.msk $0xffff, v1  }
0x38a: {  	v2 =	vshra.s32 v28, $0x11;
	[tilespmem:v3+s10+$0x0] =	vst.idx.add.s32.msk $0xffff, v1  }
0x38b: {  	v3 =	vshra.s32 v29, $0x11;
	[tilespmem:v4+s1+$0x0] =	vst.idx.add.s32.msk $0xffff, v1  }
0x38c: {  	[tilespmem:v5+s10+$0x0] =	vst.idx.add.s32.msk $0xffff, v1  }
0x38d: {  	[tilespmem:v6+s1+$0x0] =	vst.idx.add.s32.msk $0xffff, v1  }
0x38e: {  	[tilespmem:v7+s10+$0x0] =	vst.idx.add.s32.msk $0xffff, v1  }
0x38f: {  	[tilespmem:v2+s1+$0x0] =	vst.idx.add.s32.msk $0xffff, v1  }
0x390: {  	[tilespmem:v3+s10+$0x0] =	vst.idx.add.s32.msk $0xffff, v1  }
0x391: {  	v2 =	vld [tilespmem:s19+$0x9D80]  }
0x392: {  	v3 =	vld [tilespmem:s19+$0x9D90]  }
0x393: {  	v4 =	vld [tilespmem:s19+$0x9DA0]  }
0x394: {  	v5 =	vld [tilespmem:s19+$0x9DB0]  }
0x395: {  	v6 =	vld [tilespmem:s19+$0x9DC0]  }
0x396: {  	v7 =	vld [tilespmem:s19+$0x9DD0];
	v2 =	vshra.s32 v2, $0x11  }
0x397: {  	v30 =	vld [tilespmem:s19+$0x9DE0];
	v3 =	vshra.s32 v3, $0x11  }
0x398: {  	v31 =	vld [tilespmem:s19+$0x9DF0];
	v4 =	vshra.s32 v4, $0x11  }
0x399: {  	v5 =	vshra.s32 v5, $0x11  }
0x39a: {  	v6 =	vshra.s32 v6, $0x11  }
0x39b: {  	v7 =	vshra.s32 v7, $0x11;
	[tilespmem:v2+s1+$0x0] =	vst.idx.add.s32.msk $0xffff, v1  }
0x39c: {  	v2 =	vshra.s32 v30, $0x11;
	[tilespmem:v3+s10+$0x0] =	vst.idx.add.s32.msk $0xffff, v1  }
0x39d: {  	v3 =	vshra.s32 v31, $0x11;
	[tilespmem:v4+s1+$0x0] =	vst.idx.add.s32.msk $0xffff, v1  }
0x39e: {  	[tilespmem:v5+s10+$0x0] =	vst.idx.add.s32.msk $0xffff, v1  }
0x39f: {  	[tilespmem:v6+s1+$0x0] =	vst.idx.add.s32.msk $0xffff, v1  }
0x3a0: {  	[tilespmem:v7+s10+$0x0] =	vst.idx.add.s32.msk $0xffff, v1  }
0x3a1: {  	[tilespmem:v2+s1+$0x0] =	vst.idx.add.s32.msk $0xffff, v1  }
0x3a2: {  	[tilespmem:v3+s10+$0x0] =	vst.idx.add.s32.msk $0xffff, v1  }
0x3a3: {  	v2 =	vld [tilespmem:s19+$0x9200]  }
0x3a4: {  	v3 =	vld [tilespmem:s19+$0x9210]  }
0x3a5: {  	v4 =	vld [tilespmem:s19+$0x9220]  }
0x3a6: {  	v5 =	vld [tilespmem:s19+$0x9230]  }
0x3a7: {  	v6 =	vld [tilespmem:s19+$0x9240]  }
0x3a8: {  	v7 =	vld [tilespmem:s19+$0x9250];
	v2 =	vshra.s32 v2, $0x11  }
0x3a9: {  	v32 =	vld [tilespmem:s19+$0x9260];
	v3 =	vshra.s32 v3, $0x11  }
0x3aa: {  	v33 =	vld [tilespmem:s19+$0x9270];
	v4 =	vshra.s32 v4, $0x11  }
0x3ab: {  	v5 =	vshra.s32 v5, $0x11  }
0x3ac: {  	v6 =	vshra.s32 v6, $0x11  }
0x3ad: {  	v7 =	vshra.s32 v7, $0x11;
	[tilespmem:v2+s1+$0x0] =	vst.idx.add.s32.msk $0xffff, v1  }
0x3ae: {  	v2 =	vshra.s32 v32, $0x11;
	[tilespmem:v3+s10+$0x0] =	vst.idx.add.s32.msk $0xffff, v1  }
0x3af: {  	v3 =	vshra.s32 v33, $0x11;
	[tilespmem:v4+s1+$0x0] =	vst.idx.add.s32.msk $0xffff, v1  }
0x3b0: {  	[tilespmem:v5+s10+$0x0] =	vst.idx.add.s32.msk $0xffff, v1  }
0x3b1: {  	[tilespmem:v6+s1+$0x0] =	vst.idx.add.s32.msk $0xffff, v1  }
0x3b2: {  	[tilespmem:v7+s10+$0x0] =	vst.idx.add.s32.msk $0xffff, v1  }
0x3b3: {  	[tilespmem:v2+s1+$0x0] =	vst.idx.add.s32.msk $0xffff, v1  }
0x3b4: {  	[tilespmem:v3+s10+$0x0] =	vst.idx.add.s32.msk $0xffff, v1  }
0x3b5: {  	v2 =	vld [tilespmem:s19+$0x9600]  }
0x3b6: {  	v3 =	vld [tilespmem:s19+$0x9610]  }
0x3b7: {  	v4 =	vld [tilespmem:s19+$0x9620]  }
0x3b8: {  	v5 =	vld [tilespmem:s19+$0x9630]  }
0x3b9: {  	v6 =	vld [tilespmem:s19+$0x9640]  }
0x3ba: {  	v7 =	vld [tilespmem:s19+$0x9650];
	v2 =	vshra.s32 v2, $0x11  }
0x3bb: {  	v34 =	vld [tilespmem:s19+$0x9660];
	v3 =	vshra.s32 v3, $0x11  }
0x3bc: {  	v35 =	vld [tilespmem:s19+$0x9670];
	v4 =	vshra.s32 v4, $0x11  }
0x3bd: {  	v5 =	vshra.s32 v5, $0x11  }
0x3be: {  	v6 =	vshra.s32 v6, $0x11  }
0x3bf: {  	v7 =	vshra.s32 v7, $0x11;
	[tilespmem:v2+s1+$0x0] =	vst.idx.add.s32.msk $0xffff, v1  }
0x3c0: {  	v2 =	vshra.s32 v34, $0x11;
	[tilespmem:v3+s10+$0x0] =	vst.idx.add.s32.msk $0xffff, v1  }
0x3c1: {  	v3 =	vshra.s32 v35, $0x11;
	[tilespmem:v4+s1+$0x0] =	vst.idx.add.s32.msk $0xffff, v1  }
0x3c2: {  	[tilespmem:v5+s10+$0x0] =	vst.idx.add.s32.msk $0xffff, v1  }
0x3c3: {  	[tilespmem:v6+s1+$0x0] =	vst.idx.add.s32.msk $0xffff, v1  }
0x3c4: {  	[tilespmem:v7+s10+$0x0] =	vst.idx.add.s32.msk $0xffff, v1  }
0x3c5: {  	[tilespmem:v2+s1+$0x0] =	vst.idx.add.s32.msk $0xffff, v1  }
0x3c6: {  	[tilespmem:v3+s10+$0x0] =	vst.idx.add.s32.msk $0xffff, v1  }
0x3c7: {  	v2 =	vld [tilespmem:s19+$0x9A00]  }
0x3c8: {  	v3 =	vld [tilespmem:s19+$0x9A10]  }
0x3c9: {  	v4 =	vld [tilespmem:s19+$0x9A20]  }
0x3ca: {  	v5 =	vld [tilespmem:s19+$0x9A30]  }
0x3cb: {  	v6 =	vld [tilespmem:s19+$0x9A40]  }
0x3cc: {  	v7 =	vld [tilespmem:s19+$0x9A50];
	v2 =	vshra.s32 v2, $0x11  }
0x3cd: {  	v36 =	vld [tilespmem:s19+$0x9A60];
	v3 =	vshra.s32 v3, $0x11  }
0x3ce: {  	v37 =	vld [tilespmem:s19+$0x9A70];
	v4 =	vshra.s32 v4, $0x11  }
0x3cf: {  	v5 =	vshra.s32 v5, $0x11  }
0x3d0: {  	v6 =	vshra.s32 v6, $0x11  }
0x3d1: {  	v7 =	vshra.s32 v7, $0x11;
	[tilespmem:v2+s1+$0x0] =	vst.idx.add.s32.msk $0xffff, v1  }
0x3d2: {  	v2 =	vshra.s32 v36, $0x11;
	[tilespmem:v3+s10+$0x0] =	vst.idx.add.s32.msk $0xffff, v1  }
0x3d3: {  	v3 =	vshra.s32 v37, $0x11;
	[tilespmem:v4+s1+$0x0] =	vst.idx.add.s32.msk $0xffff, v1  }
0x3d4: {  	[tilespmem:v5+s10+$0x0] =	vst.idx.add.s32.msk $0xffff, v1  }
0x3d5: {  	[tilespmem:v6+s1+$0x0] =	vst.idx.add.s32.msk $0xffff, v1  }
0x3d6: {  	[tilespmem:v7+s10+$0x0] =	vst.idx.add.s32.msk $0xffff, v1  }
0x3d7: {  	[tilespmem:v2+s1+$0x0] =	vst.idx.add.s32.msk $0xffff, v1  }
0x3d8: {  	[tilespmem:v3+s10+$0x0] =	vst.idx.add.s32.msk $0xffff, v1  }
0x3d9: {  	v2 =	vld [tilespmem:s19+$0x9E00]  }
0x3da: {  	v3 =	vld [tilespmem:s19+$0x9E10]  }
0x3db: {  	v4 =	vld [tilespmem:s19+$0x9E20]  }
0x3dc: {  	v5 =	vld [tilespmem:s19+$0x9E30]  }
0x3dd: {  	v6 =	vld [tilespmem:s19+$0x9E40]  }
0x3de: {  	v7 =	vld [tilespmem:s19+$0x9E50];
	v2 =	vshra.s32 v2, $0x11  }
0x3df: {  	v38 =	vld [tilespmem:s19+$0x9E60];
	v3 =	vshra.s32 v3, $0x11  }
0x3e0: {  	v39 =	vld [tilespmem:s19+$0x9E70];
	v4 =	vshra.s32 v4, $0x11  }
0x3e1: {  	v5 =	vshra.s32 v5, $0x11  }
0x3e2: {  	v6 =	vshra.s32 v6, $0x11  }
0x3e3: {  	v7 =	vshra.s32 v7, $0x11;
	[tilespmem:v2+s1+$0x0] =	vst.idx.add.s32.msk $0xffff, v1  }
0x3e4: {  	v2 =	vshra.s32 v38, $0x11;
	[tilespmem:v3+s10+$0x0] =	vst.idx.add.s32.msk $0xffff, v1  }
0x3e5: {  	v3 =	vshra.s32 v39, $0x11;
	[tilespmem:v4+s1+$0x0] =	vst.idx.add.s32.msk $0xffff, v1  }
0x3e6: {  	[tilespmem:v5+s10+$0x0] =	vst.idx.add.s32.msk $0xffff, v1  }
0x3e7: {  	[tilespmem:v6+s1+$0x0] =	vst.idx.add.s32.msk $0xffff, v1  }
0x3e8: {  	[tilespmem:v7+s10+$0x0] =	vst.idx.add.s32.msk $0xffff, v1  }
0x3e9: {  	[tilespmem:v2+s1+$0x0] =	vst.idx.add.s32.msk $0xffff, v1  }
0x3ea: {  	[tilespmem:v3+s10+$0x0] =	vst.idx.add.s32.msk $0xffff, v1  }
0x3eb: {  	v2 =	vld [tilespmem:s19+$0x9280]  }
0x3ec: {  	v3 =	vld [tilespmem:s19+$0x9290]  }
0x3ed: {  	v4 =	vld [tilespmem:s19+$0x92A0]  }
0x3ee: {  	v5 =	vld [tilespmem:s19+$0x92B0]  }
0x3ef: {  	v6 =	vld [tilespmem:s19+$0x92C0]  }
0x3f0: {  	v7 =	vld [tilespmem:s19+$0x92D0];
	v2 =	vshra.s32 v2, $0x11  }
0x3f1: {  	v40 =	vld [tilespmem:s19+$0x92E0];
	v3 =	vshra.s32 v3, $0x11  }
0x3f2: {  	v41 =	vld [tilespmem:s19+$0x92F0];
	v4 =	vshra.s32 v4, $0x11  }
0x3f3: {  	v5 =	vshra.s32 v5, $0x11  }
0x3f4: {  	v6 =	vshra.s32 v6, $0x11  }
0x3f5: {  	v7 =	vshra.s32 v7, $0x11;
	[tilespmem:v2+s1+$0x0] =	vst.idx.add.s32.msk $0xffff, v1  }
0x3f6: {  	v2 =	vshra.s32 v40, $0x11;
	[tilespmem:v3+s10+$0x0] =	vst.idx.add.s32.msk $0xffff, v1  }
0x3f7: {  	v3 =	vshra.s32 v41, $0x11;
	[tilespmem:v4+s1+$0x0] =	vst.idx.add.s32.msk $0xffff, v1  }
0x3f8: {  	[tilespmem:v5+s10+$0x0] =	vst.idx.add.s32.msk $0xffff, v1  }
0x3f9: {  	[tilespmem:v6+s1+$0x0] =	vst.idx.add.s32.msk $0xffff, v1  }
0x3fa: {  	[tilespmem:v7+s10+$0x0] =	vst.idx.add.s32.msk $0xffff, v1  }
0x3fb: {  	[tilespmem:v2+s1+$0x0] =	vst.idx.add.s32.msk $0xffff, v1  }
0x3fc: {  	[tilespmem:v3+s10+$0x0] =	vst.idx.add.s32.msk $0xffff, v1  }
0x3fd: {  	v2 =	vld [tilespmem:s19+$0x9680]  }
0x3fe: {  	v3 =	vld [tilespmem:s19+$0x9690]  }
0x3ff: {  	v4 =	vld [tilespmem:s19+$0x96A0]  }
0x400: {  	v5 =	vld [tilespmem:s19+$0x96B0]  }
0x401: {  	v6 =	vld [tilespmem:s19+$0x96C0]  }
0x402: {  	v7 =	vld [tilespmem:s19+$0x96D0];
	v2 =	vshra.s32 v2, $0x11  }
0x403: {  	v42 =	vld [tilespmem:s19+$0x96E0];
	v3 =	vshra.s32 v3, $0x11  }
0x404: {  	v43 =	vld [tilespmem:s19+$0x96F0];
	v4 =	vshra.s32 v4, $0x11  }
0x405: {  	v5 =	vshra.s32 v5, $0x11  }
0x406: {  	v6 =	vshra.s32 v6, $0x11  }
0x407: {  	v7 =	vshra.s32 v7, $0x11;
	[tilespmem:v2+s1+$0x0] =	vst.idx.add.s32.msk $0xffff, v1  }
0x408: {  	v2 =	vshra.s32 v42, $0x11;
	[tilespmem:v3+s10+$0x0] =	vst.idx.add.s32.msk $0xffff, v1  }
0x409: {  	v3 =	vshra.s32 v43, $0x11;
	[tilespmem:v4+s1+$0x0] =	vst.idx.add.s32.msk $0xffff, v1  }
0x40a: {  	[tilespmem:v5+s10+$0x0] =	vst.idx.add.s32.msk $0xffff, v1  }
0x40b: {  	[tilespmem:v6+s1+$0x0] =	vst.idx.add.s32.msk $0xffff, v1  }
0x40c: {  	[tilespmem:v7+s10+$0x0] =	vst.idx.add.s32.msk $0xffff, v1  }
0x40d: {  	[tilespmem:v2+s1+$0x0] =	vst.idx.add.s32.msk $0xffff, v1  }
0x40e: {  	[tilespmem:v3+s10+$0x0] =	vst.idx.add.s32.msk $0xffff, v1  }
0x40f: {  	v2 =	vld [tilespmem:s19+$0x9A80]  }
0x410: {  	v3 =	vld [tilespmem:s19+$0x9A90]  }
0x411: {  	v4 =	vld [tilespmem:s19+$0x9AA0]  }
0x412: {  	v5 =	vld [tilespmem:s19+$0x9AB0]  }
0x413: {  	v6 =	vld [tilespmem:s19+$0x9AC0]  }
0x414: {  	v7 =	vld [tilespmem:s19+$0x9AD0];
	v2 =	vshra.s32 v2, $0x11  }
0x415: {  	v44 =	vld [tilespmem:s19+$0x9AE0];
	v3 =	vshra.s32 v3, $0x11  }
0x416: {  	v45 =	vld [tilespmem:s19+$0x9AF0];
	v4 =	vshra.s32 v4, $0x11  }
0x417: {  	v5 =	vshra.s32 v5, $0x11  }
0x418: {  	v6 =	vshra.s32 v6, $0x11  }
0x419: {  	v7 =	vshra.s32 v7, $0x11;
	[tilespmem:v2+s1+$0x0] =	vst.idx.add.s32.msk $0xffff, v1  }
0x41a: {  	v2 =	vshra.s32 v44, $0x11;
	[tilespmem:v3+s10+$0x0] =	vst.idx.add.s32.msk $0xffff, v1  }
0x41b: {  	v3 =	vshra.s32 v45, $0x11;
	[tilespmem:v4+s1+$0x0] =	vst.idx.add.s32.msk $0xffff, v1  }
0x41c: {  	[tilespmem:v5+s10+$0x0] =	vst.idx.add.s32.msk $0xffff, v1  }
0x41d: {  	[tilespmem:v6+s1+$0x0] =	vst.idx.add.s32.msk $0xffff, v1  }
0x41e: {  	[tilespmem:v7+s10+$0x0] =	vst.idx.add.s32.msk $0xffff, v1  }
0x41f: {  	[tilespmem:v2+s1+$0x0] =	vst.idx.add.s32.msk $0xffff, v1  }
0x420: {  	[tilespmem:v3+s10+$0x0] =	vst.idx.add.s32.msk $0xffff, v1  }
0x421: {  	v2 =	vld [tilespmem:s19+$0x9E80]  }
0x422: {  	v3 =	vld [tilespmem:s19+$0x9E90]  }
0x423: {  	v4 =	vld [tilespmem:s19+$0x9EA0]  }
0x424: {  	v5 =	vld [tilespmem:s19+$0x9EB0]  }
0x425: {  	v6 =	vld [tilespmem:s19+$0x9EC0]  }
0x426: {  	v7 =	vld [tilespmem:s19+$0x9ED0];
	v2 =	vshra.s32 v2, $0x11  }
0x427: {  	v46 =	vld [tilespmem:s19+$0x9EE0];
	v3 =	vshra.s32 v3, $0x11  }
0x428: {  	v47 =	vld [tilespmem:s19+$0x9EF0];
	v4 =	vshra.s32 v4, $0x11  }
0x429: {  	v5 =	vshra.s32 v5, $0x11  }
0x42a: {  	v6 =	vshra.s32 v6, $0x11  }
0x42b: {  	v7 =	vshra.s32 v7, $0x11;
	[tilespmem:v2+s1+$0x0] =	vst.idx.add.s32.msk $0xffff, v1  }
0x42c: {  	v2 =	vshra.s32 v46, $0x11;
	[tilespmem:v3+s10+$0x0] =	vst.idx.add.s32.msk $0xffff, v1  }
0x42d: {  	v3 =	vshra.s32 v47, $0x11;
	[tilespmem:v4+s1+$0x0] =	vst.idx.add.s32.msk $0xffff, v1  }
0x42e: {  	[tilespmem:v5+s10+$0x0] =	vst.idx.add.s32.msk $0xffff, v1  }
0x42f: {  	[tilespmem:v6+s1+$0x0] =	vst.idx.add.s32.msk $0xffff, v1  }
0x430: {  	[tilespmem:v7+s10+$0x0] =	vst.idx.add.s32.msk $0xffff, v1  }
0x431: {  	[tilespmem:v2+s1+$0x0] =	vst.idx.add.s32.msk $0xffff, v1  }
0x432: {  	[tilespmem:v3+s10+$0x0] =	vst.idx.add.s32.msk $0xffff, v1  }
0x433: {  	v2 =	vld [tilespmem:s19+$0x9300]  }
0x434: {  	v3 =	vld [tilespmem:s19+$0x9310]  }
0x435: {  	v4 =	vld [tilespmem:s19+$0x9320]  }
0x436: {  	v5 =	vld [tilespmem:s19+$0x9330]  }
0x437: {  	v6 =	vld [tilespmem:s19+$0x9340]  }
0x438: {  	v7 =	vld [tilespmem:s19+$0x9350];
	v2 =	vshra.s32 v2, $0x11  }
0x439: {  	v48 =	vld [tilespmem:s19+$0x9360];
	v3 =	vshra.s32 v3, $0x11  }
0x43a: {  	v49 =	vld [tilespmem:s19+$0x9370];
	v4 =	vshra.s32 v4, $0x11  }
0x43b: {  	v5 =	vshra.s32 v5, $0x11  }
0x43c: {  	v6 =	vshra.s32 v6, $0x11  }
0x43d: {  	v7 =	vshra.s32 v7, $0x11;
	[tilespmem:v2+s1+$0x0] =	vst.idx.add.s32.msk $0xffff, v1  }
0x43e: {  	v2 =	vshra.s32 v48, $0x11;
	[tilespmem:v3+s10+$0x0] =	vst.idx.add.s32.msk $0xffff, v1  }
0x43f: {  	v3 =	vshra.s32 v49, $0x11;
	[tilespmem:v4+s1+$0x0] =	vst.idx.add.s32.msk $0xffff, v1  }
0x440: {  	[tilespmem:v5+s10+$0x0] =	vst.idx.add.s32.msk $0xffff, v1  }
0x441: {  	[tilespmem:v6+s1+$0x0] =	vst.idx.add.s32.msk $0xffff, v1  }
0x442: {  	[tilespmem:v7+s10+$0x0] =	vst.idx.add.s32.msk $0xffff, v1  }
0x443: {  	[tilespmem:v2+s1+$0x0] =	vst.idx.add.s32.msk $0xffff, v1  }
0x444: {  	[tilespmem:v3+s10+$0x0] =	vst.idx.add.s32.msk $0xffff, v1  }
0x445: {  	v2 =	vld [tilespmem:s19+$0x9700]  }
0x446: {  	v3 =	vld [tilespmem:s19+$0x9710]  }
0x447: {  	v4 =	vld [tilespmem:s19+$0x9720]  }
0x448: {  	v5 =	vld [tilespmem:s19+$0x9730]  }
0x449: {  	v6 =	vld [tilespmem:s19+$0x9740]  }
0x44a: {  	v7 =	vld [tilespmem:s19+$0x9750];
	v2 =	vshra.s32 v2, $0x11  }
0x44b: {  	v50 =	vld [tilespmem:s19+$0x9760];
	v3 =	vshra.s32 v3, $0x11  }
0x44c: {  	v51 =	vld [tilespmem:s19+$0x9770];
	v4 =	vshra.s32 v4, $0x11  }
0x44d: {  	v5 =	vshra.s32 v5, $0x11  }
0x44e: {  	v6 =	vshra.s32 v6, $0x11  }
0x44f: {  	v7 =	vshra.s32 v7, $0x11;
	[tilespmem:v2+s1+$0x0] =	vst.idx.add.s32.msk $0xffff, v1  }
0x450: {  	v2 =	vshra.s32 v50, $0x11;
	[tilespmem:v3+s10+$0x0] =	vst.idx.add.s32.msk $0xffff, v1  }
0x451: {  	v3 =	vshra.s32 v51, $0x11;
	[tilespmem:v4+s1+$0x0] =	vst.idx.add.s32.msk $0xffff, v1  }
0x452: {  	[tilespmem:v5+s10+$0x0] =	vst.idx.add.s32.msk $0xffff, v1  }
0x453: {  	[tilespmem:v6+s1+$0x0] =	vst.idx.add.s32.msk $0xffff, v1  }
0x454: {  	[tilespmem:v7+s10+$0x0] =	vst.idx.add.s32.msk $0xffff, v1  }
0x455: {  	[tilespmem:v2+s1+$0x0] =	vst.idx.add.s32.msk $0xffff, v1  }
0x456: {  	[tilespmem:v3+s10+$0x0] =	vst.idx.add.s32.msk $0xffff, v1  }
0x457: {  	v2 =	vld [tilespmem:s19+$0x9B00]  }
0x458: {  	v3 =	vld [tilespmem:s19+$0x9B10]  }
0x459: {  	v4 =	vld [tilespmem:s19+$0x9B20]  }
0x45a: {  	v5 =	vld [tilespmem:s19+$0x9B30]  }
0x45b: {  	v6 =	vld [tilespmem:s19+$0x9B40]  }
0x45c: {  	v7 =	vld [tilespmem:s19+$0x9B50];
	v2 =	vshra.s32 v2, $0x11  }
0x45d: {  	v52 =	vld [tilespmem:s19+$0x9B60];
	v3 =	vshra.s32 v3, $0x11  }
0x45e: {  	v53 =	vld [tilespmem:s19+$0x9B70];
	v4 =	vshra.s32 v4, $0x11  }
0x45f: {  	v5 =	vshra.s32 v5, $0x11  }
0x460: {  	v6 =	vshra.s32 v6, $0x11  }
0x461: {  	v7 =	vshra.s32 v7, $0x11;
	[tilespmem:v2+s1+$0x0] =	vst.idx.add.s32.msk $0xffff, v1  }
0x462: {  	v2 =	vshra.s32 v52, $0x11;
	[tilespmem:v3+s10+$0x0] =	vst.idx.add.s32.msk $0xffff, v1  }
0x463: {  	v3 =	vshra.s32 v53, $0x11;
	[tilespmem:v4+s1+$0x0] =	vst.idx.add.s32.msk $0xffff, v1  }
0x464: {  	[tilespmem:v5+s10+$0x0] =	vst.idx.add.s32.msk $0xffff, v1  }
0x465: {  	[tilespmem:v6+s1+$0x0] =	vst.idx.add.s32.msk $0xffff, v1  }
0x466: {  	[tilespmem:v7+s10+$0x0] =	vst.idx.add.s32.msk $0xffff, v1  }
0x467: {  	[tilespmem:v2+s1+$0x0] =	vst.idx.add.s32.msk $0xffff, v1  }
0x468: {  	[tilespmem:v3+s10+$0x0] =	vst.idx.add.s32.msk $0xffff, v1  }
0x469: {  	v2 =	vld [tilespmem:s19+$0x9F00]  }
0x46a: {  	v3 =	vld [tilespmem:s19+$0x9F10]  }
0x46b: {  	v4 =	vld [tilespmem:s19+$0x9F20]  }
0x46c: {  	v5 =	vld [tilespmem:s19+$0x9F30]  }
0x46d: {  	v6 =	vld [tilespmem:s19+$0x9F40]  }
0x46e: {  	v7 =	vld [tilespmem:s19+$0x9F50];
	v2 =	vshra.s32 v2, $0x11  }
0x46f: {  	v54 =	vld [tilespmem:s19+$0x9F60];
	v3 =	vshra.s32 v3, $0x11  }
0x470: {  	v55 =	vld [tilespmem:s19+$0x9F70];
	v4 =	vshra.s32 v4, $0x11  }
0x471: {  	v5 =	vshra.s32 v5, $0x11  }
0x472: {  	v6 =	vshra.s32 v6, $0x11  }
0x473: {  	v7 =	vshra.s32 v7, $0x11;
	[tilespmem:v2+s1+$0x0] =	vst.idx.add.s32.msk $0xffff, v1  }
0x474: {  	v2 =	vshra.s32 v54, $0x11;
	[tilespmem:v3+s10+$0x0] =	vst.idx.add.s32.msk $0xffff, v1  }
0x475: {  	v3 =	vshra.s32 v55, $0x11;
	[tilespmem:v4+s1+$0x0] =	vst.idx.add.s32.msk $0xffff, v1  }
0x476: {  	[tilespmem:v5+s10+$0x0] =	vst.idx.add.s32.msk $0xffff, v1  }
0x477: {  	[tilespmem:v6+s1+$0x0] =	vst.idx.add.s32.msk $0xffff, v1  }
0x478: {  	[tilespmem:v7+s10+$0x0] =	vst.idx.add.s32.msk $0xffff, v1  }
0x479: {  	[tilespmem:v2+s1+$0x0] =	vst.idx.add.s32.msk $0xffff, v1  }
0x47a: {  	[tilespmem:v3+s10+$0x0] =	vst.idx.add.s32.msk $0xffff, v1  }
0x47b: {  	v2 =	vld [tilespmem:s19+$0x9380]  }
0x47c: {  	v3 =	vld [tilespmem:s19+$0x9390]  }
0x47d: {  	v4 =	vld [tilespmem:s19+$0x93A0]  }
0x47e: {  	v5 =	vld [tilespmem:s19+$0x93B0]  }
0x47f: {  	v6 =	vld [tilespmem:s19+$0x93C0]  }
0x480: {  	v7 =	vld [tilespmem:s19+$0x93D0];
	v2 =	vshra.s32 v2, $0x11  }
0x481: {  	v56 =	vld [tilespmem:s19+$0x93E0];
	v3 =	vshra.s32 v3, $0x11  }
0x482: {  	v57 =	vld [tilespmem:s19+$0x93F0];
	v4 =	vshra.s32 v4, $0x11  }
0x483: {  	v5 =	vshra.s32 v5, $0x11  }
0x484: {  	v6 =	vshra.s32 v6, $0x11  }
0x485: {  	v7 =	vshra.s32 v7, $0x11;
	[tilespmem:v2+s1+$0x0] =	vst.idx.add.s32.msk $0xffff, v1  }
0x486: {  	v2 =	vshra.s32 v56, $0x11;
	[tilespmem:v3+s10+$0x0] =	vst.idx.add.s32.msk $0xffff, v1  }
0x487: {  	v3 =	vshra.s32 v57, $0x11;
	[tilespmem:v4+s1+$0x0] =	vst.idx.add.s32.msk $0xffff, v1  }
0x488: {  	[tilespmem:v5+s10+$0x0] =	vst.idx.add.s32.msk $0xffff, v1  }
0x489: {  	[tilespmem:v6+s1+$0x0] =	vst.idx.add.s32.msk $0xffff, v1  }
0x48a: {  	[tilespmem:v7+s10+$0x0] =	vst.idx.add.s32.msk $0xffff, v1  }
0x48b: {  	[tilespmem:v2+s1+$0x0] =	vst.idx.add.s32.msk $0xffff, v1  }
0x48c: {  	[tilespmem:v3+s10+$0x0] =	vst.idx.add.s32.msk $0xffff, v1  }
0x48d: {  	v2 =	vld [tilespmem:s19+$0x9780]  }
0x48e: {  	v3 =	vld [tilespmem:s19+$0x9790]  }
0x48f: {  	v4 =	vld [tilespmem:s19+$0x97A0]  }
0x490: {  	v5 =	vld [tilespmem:s19+$0x97B0]  }
0x491: {  	v6 =	vld [tilespmem:s19+$0x97C0]  }
0x492: {  	v7 =	vld [tilespmem:s19+$0x97D0];
	v2 =	vshra.s32 v2, $0x11  }
0x493: {  	v58 =	vld [tilespmem:s19+$0x97E0];
	v3 =	vshra.s32 v3, $0x11  }
0x494: {  	v59 =	vld [tilespmem:s19+$0x97F0];
	v4 =	vshra.s32 v4, $0x11  }
0x495: {  	v5 =	vshra.s32 v5, $0x11  }
0x496: {  	v6 =	vshra.s32 v6, $0x11  }
0x497: {  	v7 =	vshra.s32 v7, $0x11;
	[tilespmem:v2+s1+$0x0] =	vst.idx.add.s32.msk $0xffff, v1  }
0x498: {  	v2 =	vshra.s32 v58, $0x11;
	[tilespmem:v3+s10+$0x0] =	vst.idx.add.s32.msk $0xffff, v1  }
0x499: {  	v3 =	vshra.s32 v59, $0x11;
	[tilespmem:v4+s1+$0x0] =	vst.idx.add.s32.msk $0xffff, v1  }
0x49a: {  	[tilespmem:v5+s10+$0x0] =	vst.idx.add.s32.msk $0xffff, v1  }
0x49b: {  	[tilespmem:v6+s1+$0x0] =	vst.idx.add.s32.msk $0xffff, v1  }
0x49c: {  	[tilespmem:v7+s10+$0x0] =	vst.idx.add.s32.msk $0xffff, v1  }
0x49d: {  	[tilespmem:v2+s1+$0x0] =	vst.idx.add.s32.msk $0xffff, v1  }
0x49e: {  	[tilespmem:v3+s10+$0x0] =	vst.idx.add.s32.msk $0xffff, v1  }
0x49f: {  	v2 =	vld [tilespmem:s19+$0x9B80]  }
0x4a0: {  	v3 =	vld [tilespmem:s19+$0x9B90]  }
0x4a1: {  	v4 =	vld [tilespmem:s19+$0x9BA0]  }
0x4a2: {  	v5 =	vld [tilespmem:s19+$0x9BB0]  }
0x4a3: {  	v6 =	vld [tilespmem:s19+$0x9BC0]  }
0x4a4: {  	v7 =	vld [tilespmem:s19+$0x9BD0];
	v2 =	vshra.s32 v2, $0x11  }
0x4a5: {  	v60 =	vld [tilespmem:s19+$0x9BE0];
	v3 =	vshra.s32 v3, $0x11  }
0x4a6: {  	v61 =	vld [tilespmem:s19+$0x9BF0];
	v4 =	vshra.s32 v4, $0x11  }
0x4a7: {  	v5 =	vshra.s32 v5, $0x11  }
0x4a8: {  	v6 =	vshra.s32 v6, $0x11  }
0x4a9: {  	v7 =	vshra.s32 v7, $0x11;
	[tilespmem:v2+s1+$0x0] =	vst.idx.add.s32.msk $0xffff, v1  }
0x4aa: {  	v2 =	vshra.s32 v60, $0x11;
	[tilespmem:v3+s10+$0x0] =	vst.idx.add.s32.msk $0xffff, v1  }
0x4ab: {  	v3 =	vshra.s32 v61, $0x11;
	[tilespmem:v4+s1+$0x0] =	vst.idx.add.s32.msk $0xffff, v1  }
0x4ac: {  	[tilespmem:v5+s10+$0x0] =	vst.idx.add.s32.msk $0xffff, v1  }
0x4ad: {  	[tilespmem:v6+s1+$0x0] =	vst.idx.add.s32.msk $0xffff, v1  }
0x4ae: {  	[tilespmem:v7+s10+$0x0] =	vst.idx.add.s32.msk $0xffff, v1  }
0x4af: {  	[tilespmem:v2+s1+$0x0] =	vst.idx.add.s32.msk $0xffff, v1  }
0x4b0: {  	[tilespmem:v3+s10+$0x0] =	vst.idx.add.s32.msk $0xffff, v1  }
0x4b1: {  	v2 =	vld [tilespmem:s19+$0x9F80]  }
0x4b2: {  	v3 =	vld [tilespmem:s19+$0x9F90]  }
0x4b3: {  	v4 =	vld [tilespmem:s19+$0x9FA0]  }
0x4b4: {  	v5 =	vld [tilespmem:s19+$0x9FB0]  }
0x4b5: {  	v6 =	vld [tilespmem:s19+$0x9FC0]  }
0x4b6: {  	v7 =	vld [tilespmem:s19+$0x9FD0];
	v2 =	vshra.s32 v2, $0x11  }
0x4b7: {  	v62 =	vld [tilespmem:s19+$0x9FE0];
	v3 =	vshra.s32 v3, $0x11  }
0x4b8: {  	v63 =	vld [tilespmem:s19+$0x9FF0];
	v4 =	vshra.s32 v4, $0x11  }
0x4b9: {  	v5 =	vshra.s32 v5, $0x11  }
0x4ba: {  	v6 =	vshra.s32 v6, $0x11  }
0x4bb: {  	v7 =	vshra.s32 v7, $0x11;
	[tilespmem:v2+s1+$0x0] =	vst.idx.add.s32.msk $0xffff, v1  }
0x4bc: {  	v2 =	vshra.s32 v62, $0x11;
	[tilespmem:v3+s10+$0x0] =	vst.idx.add.s32.msk $0xffff, v1  }
0x4bd: {  	p2 =	seq.s32 s17, $0x1;
	s17 =	sadd.s32 $0xFFFFFFFF, s17;
	s19 =	simm.s32 $0x1;
	v3 =	vshra.s32 v63, $0x11;
	[tilespmem:v4+s1+$0x0] =	vst.idx.add.s32.msk $0xffff, v1  }
0x4be: {  	s19 =	simm.s32 @!p0 $0x0;
	p0 =	sne.s32 s17, $0x0;
	[tilespmem:v5+s10+$0x0] =	vst.idx.add.s32.msk $0xffff, v1  }
.Ltmp1:
0x4bf: {  	[tilespmem:v6+s1+$0x0] =	vst.idx.add.s32.msk $0xffff, v1;
	(pc) =	sbr.rel @p0 .LBB2_4-.Ltmp1, $4  }
0x4c0: {  	[tilespmem:v7+s10+$0x0] =	vst.idx.add.s32.msk $0xffff, v1  }
0x4c1: {  	p1 =	por p2, p1;
	s20 =	simm.s32 $0x1;
	[tilespmem:v2+s1+$0x0] =	vst.idx.add.s32.msk $0xffff, v1  }
0x4c2: {  	s20 =	simm.s32 @!p1 $0x0;
	[tilespmem:v3+s10+$0x0] =	vst.idx.add.s32.msk $0xffff, v1  }
0x4c3: {  	s18 =	sadd.s32 s20, s18;
	s16 =	sadd.s32 s19, s16;
	_ =	strace $0x9000004B  }
0x4c4: {  	[hbm4b:s6+s12] =	stream.strided.scatter [tilespmem:s1], [sflag:$0x1], $0x4000, s13, s12, $0x38;
	[tilespmem:$0xC000] =	vst v63  }
0x4c5: {  	s14 =	sadd.s32 $0x1, s14;
	_ =	swait.ge [sflag:s11], $0x4000  }
0x4c6: {  	p0 =	sne.s32 s14, s8;
	[sflag:s11] =	ssyncset.done $0x0  }
.Ltmp2:
0x4c7: {  	[sflag:s11] =	ssyncadd.s32 $0xFFFFC000;
	(pc) =	sbr.rel @p0 .LBB2_1-.Ltmp2, $4  }
0x4c8: {  	[hbm4b:s7+s12] =	stream.strided.scatter [tilespmem:s10], [sflag:$0x1], $0x4000, s13, s12, $0x38;
	[tilespmem:$0xC000] =	vst v63  }
0x4c9: {  	_ =	swait.ge [sflag:s11], $0x4000  }
0x4ca: {  	[sflag:s11] =	ssyncset.done $0x0  }
0x4cb: {  	[sflag:s11] =	ssyncadd.s32 $0xFFFFC000  }
0x4cc: {  	_ =	sfence.sel $0x180000  }
0x4cd: {  	[bflag:$0x0] =	sbarrier.arrive $0xFFFF  }
0x4ce: {  	p0 =	sne.s32 s2, $0x0;
	_ =	strace $0x90000047  }
0x4cf: {  	s0 =	sadd.s32 @!p0 $0x100000, s0;
	[bflag:$0x2] =	sbarrier.arrive $0xFFFF  }
0x4d0: {  	[sflag:s0] =	ssyncadd.tile.s32 @!p0 $0x1;
	_ =	shalt  }
.Lfunc_end2:
_tile_overlayer_lowered:
.L_overlay_start_2:
0x4d1: {  	(tag) =	ssettag $0x2  }
0x4d2: {  	s0 =	rddreg [dreg:$0x0];
	s2 =	stileid.u32  }
0x4d3: {  	s1 =	rddreg [dreg:$0x1];
	p0 =	sne.s32 s2, $0x0  }
0x4d4: {  	s3 =	rddreg [dreg:$0x2];
	[bflag:$0x3] =	sbarrier.arrive $0xFFFF;
	s2 =	simm.s32 @!p0 $0x1C01  }
0x4d5: {  	[timem:s3], [sflag:s2] =	dma.local @!p0 [hbm:s0], s1  }
0x4d6: {  	s0 =	simm.s32 @!p0 $0x1  }
0x4d7: {  	_ =	swait.ge @!p0 [sflag:s0], s1  }
0x4d8: {  	s1 =	ssub.s32 @!p0 $0x0, s1;
	[sflag:s0] =	ssyncset.done @!p0 $0x0  }
0x4d9: {  	[sflag:s0] =	ssyncadd.s32 @!p0 s1  }
0x4da: {  	[bflag:$0x3] =	sbarrier.arrive $0xFFFF  }
0x4db: {  	_ =	shalt  }

</sc_bundles>
